<compile_context>
chip_gen: v7x
topology: tpu7x:2x2x1
jax: 0.10.2.dev20260603
libtpu: 0.0.44.dev20260713+nightly
codegen_flags: <defaults>
</compile_context>

<pallas_src>
import functools

import jax
import jax.numpy as jnp
from jax import lax
from jax.experimental import pallas as pl
from jax.experimental.pallas import tpu as pltpu
from jax.experimental.pallas import tpu_sc as plsc

NC = 2
NS = 16
CHUNK = 128
D = 64


def _round_up(v, m):
    return (v + m - 1) // m * m



K = 4

NCH0 = 144
NCH1 = 16


def _make_segsum(n_nodes, n_edges_pad):
    assert n_edges_pad == NS * (NCH0 + NCH1) * CHUNK
    rows_pad = _round_up(n_nodes + 1, NS * 64)
    zrows = rows_pad // NS
    mesh = plsc.VectorSubcoreMesh(core_axis_name="c", subcore_axis_name="s")

    @functools.partial(
        pl.kernel,
        mesh=mesh,
        out_type=jax.ShapeDtypeStruct((NC * rows_pad, D), jnp.float32),
        scratch_types=[
            pltpu.VMEM((K, CHUNK, D), jnp.float32),
            pltpu.VMEM((64, D), jnp.float32),
            pltpu.VMEM_SHARED((rows_pad, D), jnp.float32),
            pltpu.SemaphoreType.DMA,
            pltpu.SemaphoreType.DMA,
            pltpu.SemaphoreType.DMA,
        ] + [pltpu.VMEM((CHUNK,), jnp.int32)] * (4 * K),
        compiler_params=pltpu.CompilerParams(use_tc_tiling_on_sc=False),
    )
    def segsum(table_hbm, src_hbm, dst_hbm, out_hbm, rows, zbuf,
               acc, gsem, ssem, isem, *idxrefs):
        didx = idxrefs[:2 * K]
        sidx = idxrefs[2 * K:]
        cid = lax.axis_index("c")
        sid = lax.axis_index("s")
        is0 = cid == 0
        crow0 = jnp.where(is0, sid * NCH0, NS * NCH0 + sid * NCH1)
        npairs = jnp.where(is0, NCH0 // (2 * K), NCH1 // (2 * K))
        last = jnp.where(is0, NCH0 // K, NCH1 // K) - 1

        nrows_total = NS * (NCH0 + NCH1)

        def idx_start(g, bank):
            return [pltpu.async_copy(
                        h.at[pl.ds(jnp.minimum(crow0 + g * K + b,
                                               nrows_total - 1) * CHUNK,
                                   CHUNK)],
                        r[bank * K + b], isem)
                    for b in range(K) for h, r in ((src_hbm, sidx),
                                                   (dst_hbm, didx))]

        di0 = idx_start(0, 0)

        zero16 = jnp.zeros((16,), jnp.float32)

        def zrow(i, _):
            for k4 in range(D // 16):
                zbuf[i, pl.ds(k4 * 16, 16)] = zero16
            return 0

        lax.fori_loop(0, 64, zrow, 0)
        dz = [pltpu.async_copy(zbuf,
                               acc.at[pl.ds(sid * zrows + j * 64, 64)], ssem)
              for j in range(zrows // 64)]
        for d in dz:
            d.wait()
        for d in di0:
            d.wait()
        plsc.subcore_barrier()

        def run_group(g, bank, gnext, nbank):
            di = idx_start(gnext, nbank)
            dg = [pltpu.async_copy(table_hbm.at[sidx[bank * K + b]],
                                   rows.at[b], gsem) for b in range(K)]
            for d in dg:
                d.wait()
            ds = [pltpu.async_copy(rows.at[b], acc.at[didx[bank * K + b]],
                                   ssem, add=True) for b in range(K)]
            for d in ds:
                d.wait()
            for d in di:
                d.wait()

        def pair(pp, _):
            g0 = 2 * pp
            g1 = g0 + 1
            run_group(g0, 0, jnp.minimum(g1, last), 1)
            run_group(g1, 1, jnp.minimum(g1 + 1, last), 0)
            return 0

        lax.fori_loop(0, npairs, pair, 0)
        plsc.subcore_barrier()

        r0 = sid * zrows
        pltpu.sync_copy(acc.at[pl.ds(r0, zrows)],
                        out_hbm.at[pl.ds(cid * rows_pad + r0, zrows)])

    return segsum, rows_pad



_BLK = 1000


def _proj(x, w):
    n, d_in = x.shape

    def body(x_ref, w_ref, o_ref):
        o_ref[...] = jnp.dot(x_ref[...], w_ref[...],
                             preferred_element_type=jnp.float32)

    return pl.pallas_call(
        body,
        grid=(n // _BLK,),
        in_specs=[pl.BlockSpec((_BLK, d_in), lambda i: (i, 0)),
                  pl.BlockSpec((d_in, D), lambda i: (0, 0))],
        out_specs=pl.BlockSpec((_BLK, D), lambda i: (i, 0)),
        out_shape=jax.ShapeDtypeStruct((n, D), jnp.float32),
    )(x, w)


def _mlp_stage(p, a0, a1, ba, wb, bb, wn):
    n = p.shape[0]
    nb = n // _BLK
    last = wn is None

    def body(p_ref, a0_ref, a1_ref, ba_ref, wb_ref, bb_ref, *rest):
        o_ref = rest[-1]
        s = p_ref[...] + a0_ref[...] + a1_ref[...] + ba_ref[...]
        h = jnp.dot(jnp.maximum(s, 0.0), wb_ref[...],
                    preferred_element_type=jnp.float32) + bb_ref[...]
        h = jnp.where(h > 0, h, 0.01 * h)
        if not last:
            h = jnp.dot(h, rest[0][...], preferred_element_type=jnp.float32)
        o_ref[...] = h

    in_specs = [
        pl.BlockSpec((_BLK, D), lambda i: (i, 0)),
        pl.BlockSpec((_BLK, D), lambda i: (i, 0)),
        pl.BlockSpec((_BLK, D), lambda i: (i, 0)),
        pl.BlockSpec((1, D), lambda i: (0, 0)),
        pl.BlockSpec((D, D), lambda i: (0, 0)),
        pl.BlockSpec((1, D), lambda i: (0, 0)),
    ]
    args = [p, a0, a1, ba, wb, bb]
    if not last:
        in_specs.append(pl.BlockSpec((D, D), lambda i: (0, 0)))
        args.append(wn)

    return pl.pallas_call(
        body,
        grid=(nb,),
        in_specs=in_specs,
        out_specs=pl.BlockSpec((_BLK, D), lambda i: (i, 0)),
        out_shape=jax.ShapeDtypeStruct((n, D), jnp.float32),
    )(*args)



def kernel(x, edge_index, w1a, b1a, w1b, b1b, w2a, b2a, w2b, b2b):
    n_nodes = x.shape[0]
    n_edges = edge_index.shape[1]
    e_pad = NS * (NCH0 + NCH1) * CHUNK
    assert n_edges <= e_pad

    src = edge_index[0]
    dst = edge_index[1]
    npad = e_pad - n_edges
    if npad:
        src = jnp.concatenate([src, jnp.zeros((npad,), jnp.int32)])
        dst = jnp.concatenate([dst, jnp.full((npad,), n_nodes, jnp.int32)])

    segsum, rows_pad = _make_segsum(n_nodes, e_pad)

    def split(parts):
        return (parts[:n_nodes], parts[rows_pad:rows_pad + n_nodes])

    b1a2, b1b2, b2a2, b2b2 = (b.reshape(1, D) for b in (b1a, b1b, b2a, b2b))

    p = _proj(x, w1a)
    a0, a1 = split(segsum(p, src, dst))
    q = _mlp_stage(p, a0, a1, b1a2, w1b, b1b2, w2a)
    qa0, qa1 = split(segsum(q, src, dst))
    return _mlp_stage(q, qa0, qa1, b2a2, w2b, b2b2, None)

# --- scband reference (transcript-rebuilt; emitter-appended) ---
"""Pipeline reference for scband-gin-20005957664840 (READ-ONLY COPY).

The authoritative reference and input builder live on the scoring server;
editing this copy changes nothing except your own understanding.
"""

import jax, jax.numpy as jnp
import numpy as np

N_NODES = 10000
N_EDGES = 320000
D_IN = 128
D_HID = 64


def setup_inputs(seed: int = 0) -> dict:
    key = jax.random.key(seed)
    ks = jax.random.split(key, 12)
    x = jax.random.normal(ks[0], (N_NODES, D_IN), dtype=jnp.float32)
    edge_index = jax.random.randint(ks[1], (2, N_EDGES), 0, N_NODES, dtype=jnp.int32)
    # Layer 0 MLP: Linear(D_IN, D_HID) -> ReLU -> Linear(D_HID, D_HID)
    w1a = jax.random.normal(ks[2], (D_IN, D_HID), dtype=jnp.float32) * 0.05
    b1a = jnp.zeros((D_HID,), dtype=jnp.float32)
    w1b = jax.random.normal(ks[3], (D_HID, D_HID), dtype=jnp.float32) * 0.05
    b1b = jnp.zeros((D_HID,), dtype=jnp.float32)
    # Layer 1 MLP: Linear(D_HID, D_HID) -> ReLU -> Linear(D_HID, D_HID)
    w2a = jax.random.normal(ks[4], (D_HID, D_HID), dtype=jnp.float32) * 0.05
    b2a = jnp.zeros((D_HID,), dtype=jnp.float32)
    w2b = jax.random.normal(ks[5], (D_HID, D_HID), dtype=jnp.float32) * 0.05
    b2b = jnp.zeros((D_HID,), dtype=jnp.float32)
    return {"x": x, "edge_index": edge_index, "w1a": w1a, "b1a": b1a, "w1b": w1b, "b1b": b1b, "w2a": w2a, "b2a": b2a, "w2b": w2b, "b2b": b2b}


def reference(x, edge_index, w1a, b1a, w1b, b1b, w2a, b2a, w2b, b2b):
    # GIN layer 0: h = MLP((1+eps)*h + sum_{j in N(i)} h_j), eps=0 (learn_eps=False)
    src = edge_index[0]
    dst = edge_index[1]
    n = x.shape[0]
    agg = jax.ops.segment_sum(x[src], dst, num_segments=n)
    h = x + agg
    h = jnp.maximum(h @ w1a + b1a, 0.0)
    h = h @ w1b + b1b
    h = jax.nn.leaky_relu(h, negative_slope=0.01)
    # GIN layer 1
    agg2 = jax.ops.segment_sum(h[src], dst, num_segments=n)
    h2 = h + agg2
    h2 = jnp.maximum(h2 @ w2a + b2a, 0.0)
    h2 = h2 @ w2b + b2b
    h2 = jax.nn.leaky_relu(h2, negative_slope=0.01)
    return h2

if __name__ == "__main__":
    import jax
    _d = setup_inputs()
    print(jax.jit(kernel)(*tuple(_d.values())))

</pallas_src>

<mosaic_0001>
#map = affine_map<(d0, d1) -> (0, 0)>
#map1 = affine_map<(d0, d1) -> (0)>
module attributes {stable_mosaic.version = 14 : i64} {
  func.func @segsum(%arg0: i32, %arg1: i32, %arg2: memref<10000x64xf32, #tpu.memory_space<hbm>>, %arg3: memref<327680xi32, #tpu.memory_space<hbm>>, %arg4: memref<327680xi32, #tpu.memory_space<hbm>>, %arg5: memref<20480x64xf32, #tpu.memory_space<hbm>>, %arg6: memref<4x128x64xf32, #tpu.memory_space<vmem>>, %arg7: memref<64x64xf32, #tpu.memory_space<vmem>>, %arg8: memref<10240x64xf32, #tpu.memory_space<vmem_shared>>, %arg9: memref<!tpu.dma_semaphore, #tpu.memory_space<semaphore_mem>>, %arg10: memref<!tpu.dma_semaphore, #tpu.memory_space<semaphore_mem>>, %arg11: memref<!tpu.dma_semaphore, #tpu.memory_space<semaphore_mem>>, %arg12: memref<128xi32, #tpu.memory_space<vmem>>, %arg13: memref<128xi32, #tpu.memory_space<vmem>>, %arg14: memref<128xi32, #tpu.memory_space<vmem>>, %arg15: memref<128xi32, #tpu.memory_space<vmem>>, %arg16: memref<128xi32, #tpu.memory_space<vmem>>, %arg17: memref<128xi32, #tpu.memory_space<vmem>>, %arg18: memref<128xi32, #tpu.memory_space<vmem>>, %arg19: memref<128xi32, #tpu.memory_space<vmem>>, %arg20: memref<128xi32, #tpu.memory_space<vmem>>, %arg21: memref<128xi32, #tpu.memory_space<vmem>>, %arg22: memref<128xi32, #tpu.memory_space<vmem>>, %arg23: memref<128xi32, #tpu.memory_space<vmem>>, %arg24: memref<128xi32, #tpu.memory_space<vmem>>, %arg25: memref<128xi32, #tpu.memory_space<vmem>>, %arg26: memref<128xi32, #tpu.memory_space<vmem>>, %arg27: memref<128xi32, #tpu.memory_space<vmem>>) attributes {dimension_semantics = [#tpu.dimension_semantics<core_parallel>, #tpu.dimension_semantics<subcore_parallel>], iteration_bounds = array<i64: 2, 16>, scalar_prefetch = 0 : i64, scratch_operands = 22 : i64, tpu.core_type = #tpu.core_type<sc_vector_subcore>, window_params = [{transform_indices = #map}, {transform_indices = #map1}, {transform_indices = #map1}, {transform_indices = #map}]} {
    %eq3A = arith.constant 0 : i32
    %eq3A_0 = arith.cmpi eq, %arg0, %eq3A : i32
    %mul3A = arith.constant 144 : i32
    %mul3A_1 = arith.muli %arg1, %mul3A : i32
    %mul3A_2 = arith.constant 16 : i32
    %mul3A_3 = arith.muli %arg1, %mul3A_2 : i32
    %add3A = arith.constant 2304 : i32
    %add3A_4 = arith.addi %add3A, %mul3A_3 : i32
    %select_n3A = arith.select %eq3A_0, %mul3A_1, %add3A_4 : i32
    %jit3A = arith.constant 18 : i32
    %jit3A_5 = arith.constant 2 : i32
    %select_n3A_6 = arith.select %eq3A_0, %jit3A, %jit3A_5 : i32
    %jit3A_7 = arith.constant 36 : i32
    %jit3A_8 = arith.constant 4 : i32
    %select_n3A_9 = arith.select %eq3A_0, %jit3A_7, %jit3A_8 : i32
    %sub3A = arith.constant 1 : i32
    %sub3A_10 = arith.subi %select_n3A_9, %sub3A : i32
    %add3A_11 = arith.constant 0 : i32
    %add3A_12 = arith.addi %select_n3A, %add3A_11 : i32
    %add3A_13 = arith.constant 0 : i32
    %add3A_14 = arith.addi %add3A_12, %add3A_13 : i32
    %min3A = arith.constant 2559 : i32
    %min3A_15 = arith.minsi %add3A_14, %min3A : i32
    %mul3A_16 = arith.constant 128 : i32
    %mul3A_17 = arith.muli %min3A_15, %mul3A_16 : i32
    %dma_start3A = tpu.memref_slice %arg3[%mul3A_17] : memref<327680xi32, #tpu.memory_space<hbm>> -> memref<128xi32, #tpu.memory_space<hbm>>
    %dma_start3A_18 = tpu.memref_slice %arg3[%mul3A_17] : memref<327680xi32, #tpu.memory_space<hbm>> -> memref<128xi32, #tpu.memory_space<hbm>>
    tpu.enqueue_dma source(%dma_start3A_18 : memref<128xi32, #tpu.memory_space<hbm>>) target(%arg20 : memref<128xi32, #tpu.memory_space<vmem>>) target_semaphore(%arg11 : memref<!tpu.dma_semaphore, #tpu.memory_space<semaphore_mem>>)
    %add3A_19 = arith.constant 0 : i32
    %add3A_20 = arith.addi %select_n3A, %add3A_19 : i32
    %add3A_21 = arith.constant 0 : i32
    %add3A_22 = arith.addi %add3A_20, %add3A_21 : i32
    %min3A_23 = arith.constant 2559 : i32
    %min3A_24 = arith.minsi %add3A_22, %min3A_23 : i32
    %mul3A_25 = arith.constant 128 : i32
    %mul3A_26 = arith.muli %min3A_24, %mul3A_25 : i32
    %dma_start3A_27 = tpu.memref_slice %arg4[%mul3A_26] : memref<327680xi32, #tpu.memory_space<hbm>> -> memref<128xi32, #tpu.memory_space<hbm>>
    %dma_start3A_28 = tpu.memref_slice %arg4[%mul3A_26] : memref<327680xi32, #tpu.memory_space<hbm>> -> memref<128xi32, #tpu.memory_space<hbm>>
    tpu.enqueue_dma source(%dma_start3A_28 : memref<128xi32, #tpu.memory_space<hbm>>) target(%arg12 : memref<128xi32, #tpu.memory_space<vmem>>) target_semaphore(%arg11 : memref<!tpu.dma_semaphore, #tpu.memory_space<semaphore_mem>>)
    %add3A_29 = arith.constant 0 : i32
    %add3A_30 = arith.addi %select_n3A, %add3A_29 : i32
    %add3A_31 = arith.constant 1 : i32
    %add3A_32 = arith.addi %add3A_30, %add3A_31 : i32
    %min3A_33 = arith.constant 2559 : i32
    %min3A_34 = arith.minsi %add3A_32, %min3A_33 : i32
    %mul3A_35 = arith.constant 128 : i32
    %mul3A_36 = arith.muli %min3A_34, %mul3A_35 : i32
    %dma_start3A_37 = tpu.memref_slice %arg3[%mul3A_36] : memref<327680xi32, #tpu.memory_space<hbm>> -> memref<128xi32, #tpu.memory_space<hbm>>
    %dma_start3A_38 = tpu.memref_slice %arg3[%mul3A_36] : memref<327680xi32, #tpu.memory_space<hbm>> -> memref<128xi32, #tpu.memory_space<hbm>>
    tpu.enqueue_dma source(%dma_start3A_38 : memref<128xi32, #tpu.memory_space<hbm>>) target(%arg21 : memref<128xi32, #tpu.memory_space<vmem>>) target_semaphore(%arg11 : memref<!tpu.dma_semaphore, #tpu.memory_space<semaphore_mem>>)
    %add3A_39 = arith.constant 0 : i32
    %add3A_40 = arith.addi %select_n3A, %add3A_39 : i32
    %add3A_41 = arith.constant 1 : i32
    %add3A_42 = arith.addi %add3A_40, %add3A_41 : i32
    %min3A_43 = arith.constant 2559 : i32
    %min3A_44 = arith.minsi %add3A_42, %min3A_43 : i32
    %mul3A_45 = arith.constant 128 : i32
    %mul3A_46 = arith.muli %min3A_44, %mul3A_45 : i32
    %dma_start3A_47 = tpu.memref_slice %arg4[%mul3A_46] : memref<327680xi32, #tpu.memory_space<hbm>> -> memref<128xi32, #tpu.memory_space<hbm>>
    %dma_start3A_48 = tpu.memref_slice %arg4[%mul3A_46] : memref<327680xi32, #tpu.memory_space<hbm>> -> memref<128xi32, #tpu.memory_space<hbm>>
    tpu.enqueue_dma source(%dma_start3A_48 : memref<128xi32, #tpu.memory_space<hbm>>) target(%arg13 : memref<128xi32, #tpu.memory_space<vmem>>) target_semaphore(%arg11 : memref<!tpu.dma_semaphore, #tpu.memory_space<semaphore_mem>>)
    %add3A_49 = arith.constant 0 : i32
    %add3A_50 = arith.addi %select_n3A, %add3A_49 : i32
    %add3A_51 = arith.constant 2 : i32
    %add3A_52 = arith.addi %add3A_50, %add3A_51 : i32
    %min3A_53 = arith.constant 2559 : i32
    %min3A_54 = arith.minsi %add3A_52, %min3A_53 : i32
    %mul3A_55 = arith.constant 128 : i32
    %mul3A_56 = arith.muli %min3A_54, %mul3A_55 : i32
    %dma_start3A_57 = tpu.memref_slice %arg3[%mul3A_56] : memref<327680xi32, #tpu.memory_space<hbm>> -> memref<128xi32, #tpu.memory_space<hbm>>
    %dma_start3A_58 = tpu.memref_slice %arg3[%mul3A_56] : memref<327680xi32, #tpu.memory_space<hbm>> -> memref<128xi32, #tpu.memory_space<hbm>>
    tpu.enqueue_dma source(%dma_start3A_58 : memref<128xi32, #tpu.memory_space<hbm>>) target(%arg22 : memref<128xi32, #tpu.memory_space<vmem>>) target_semaphore(%arg11 : memref<!tpu.dma_semaphore, #tpu.memory_space<semaphore_mem>>)
    %add3A_59 = arith.constant 0 : i32
    %add3A_60 = arith.addi %select_n3A, %add3A_59 : i32
    %add3A_61 = arith.constant 2 : i32
    %add3A_62 = arith.addi %add3A_60, %add3A_61 : i32
    %min3A_63 = arith.constant 2559 : i32
    %min3A_64 = arith.minsi %add3A_62, %min3A_63 : i32
    %mul3A_65 = arith.constant 128 : i32
    %mul3A_66 = arith.muli %min3A_64, %mul3A_65 : i32
    %dma_start3A_67 = tpu.memref_slice %arg4[%mul3A_66] : memref<327680xi32, #tpu.memory_space<hbm>> -> memref<128xi32, #tpu.memory_space<hbm>>
    %dma_start3A_68 = tpu.memref_slice %arg4[%mul3A_66] : memref<327680xi32, #tpu.memory_space<hbm>> -> memref<128xi32, #tpu.memory_space<hbm>>
    tpu.enqueue_dma source(%dma_start3A_68 : memref<128xi32, #tpu.memory_space<hbm>>) target(%arg14 : memref<128xi32, #tpu.memory_space<vmem>>) target_semaphore(%arg11 : memref<!tpu.dma_semaphore, #tpu.memory_space<semaphore_mem>>)
    %add3A_69 = arith.constant 0 : i32
    %add3A_70 = arith.addi %select_n3A, %add3A_69 : i32
    %add3A_71 = arith.constant 3 : i32
    %add3A_72 = arith.addi %add3A_70, %add3A_71 : i32
    %min3A_73 = arith.constant 2559 : i32
    %min3A_74 = arith.minsi %add3A_72, %min3A_73 : i32
    %mul3A_75 = arith.constant 128 : i32
    %mul3A_76 = arith.muli %min3A_74, %mul3A_75 : i32
    %dma_start3A_77 = tpu.memref_slice %arg3[%mul3A_76] : memref<327680xi32, #tpu.memory_space<hbm>> -> memref<128xi32, #tpu.memory_space<hbm>>
    %dma_start3A_78 = tpu.memref_slice %arg3[%mul3A_76] : memref<327680xi32, #tpu.memory_space<hbm>> -> memref<128xi32, #tpu.memory_space<hbm>>
    tpu.enqueue_dma source(%dma_start3A_78 : memref<128xi32, #tpu.memory_space<hbm>>) target(%arg23 : memref<128xi32, #tpu.memory_space<vmem>>) target_semaphore(%arg11 : memref<!tpu.dma_semaphore, #tpu.memory_space<semaphore_mem>>)
    %add3A_79 = arith.constant 0 : i32
    %add3A_80 = arith.addi %select_n3A, %add3A_79 : i32
    %add3A_81 = arith.constant 3 : i32
    %add3A_82 = arith.addi %add3A_80, %add3A_81 : i32
    %min3A_83 = arith.constant 2559 : i32
    %min3A_84 = arith.minsi %add3A_82, %min3A_83 : i32
    %mul3A_85 = arith.constant 128 : i32
    %mul3A_86 = arith.muli %min3A_84, %mul3A_85 : i32
    %dma_start3A_87 = tpu.memref_slice %arg4[%mul3A_86] : memref<327680xi32, #tpu.memory_space<hbm>> -> memref<128xi32, #tpu.memory_space<hbm>>
    %dma_start3A_88 = tpu.memref_slice %arg4[%mul3A_86] : memref<327680xi32, #tpu.memory_space<hbm>> -> memref<128xi32, #tpu.memory_space<hbm>>
    tpu.enqueue_dma source(%dma_start3A_88 : memref<128xi32, #tpu.memory_space<hbm>>) target(%arg15 : memref<128xi32, #tpu.memory_space<vmem>>) target_semaphore(%arg11 : memref<!tpu.dma_semaphore, #tpu.memory_space<semaphore_mem>>)
    %broadcast_in_dim3A = arith.constant 0.000000e+00 : f32
    %broadcast_in_dim3A_89 = vector.broadcast %broadcast_in_dim3A : f32 to vector<16xf32>
    %scan3A = arith.constant 0 : i32
    %scan3A_90 = arith.constant 0 : i32
    %scan3A_91 = arith.constant 64 : i32
    %scan3A_92 = arith.addi %scan3A_90, %scan3A_91 : i32
    %scan3A_93 = arith.constant 1 : i32
    %scan3A_94 = scf.for %scan3A_248 = %scan3A_90 to %scan3A_92 step %scan3A_93 iter_args(%scan3A_249 = %scan3A) -> (i32)  : i32 {
      %swap3A = arith.index_cast %scan3A_248 : i32 to index
      %swap3A_250 = arith.constant 0 : index
      %swap3A_251 = tpu.vector_load %arg7[%swap3A, %swap3A_250] {strides = array<i32>} : memref<64x64xf32, #tpu.memory_space<vmem>>, vector<1x16xf32>,
      %swap3A_252 = vector.shape_cast %swap3A_251 : vector<1x16xf32> to vector<16xf32>
      %swap3A_253 = vector.shape_cast %broadcast_in_dim3A_89 : vector<16xf32> to vector<1x16xf32>
      tpu.vector_store %arg7[%swap3A, %swap3A_250], %swap3A_253 {strides = array<i32>} : memref<64x64xf32, #tpu.memory_space<vmem>>, vector<1x16xf32>,
      %swap3A_254 = arith.index_cast %scan3A_248 : i32 to index
      %swap3A_255 = arith.constant 16 : index
      %swap3A_256 = tpu.vector_load %arg7[%swap3A_254, %swap3A_255] {strides = array<i32>} : memref<64x64xf32, #tpu.memory_space<vmem>>, vector<1x16xf32>,
      %swap3A_257 = vector.shape_cast %swap3A_256 : vector<1x16xf32> to vector<16xf32>
      %swap3A_258 = vector.shape_cast %broadcast_in_dim3A_89 : vector<16xf32> to vector<1x16xf32>
      tpu.vector_store %arg7[%swap3A_254, %swap3A_255], %swap3A_258 {strides = array<i32>} : memref<64x64xf32, #tpu.memory_space<vmem>>, vector<1x16xf32>,
      %swap3A_259 = arith.index_cast %scan3A_248 : i32 to index
      %swap3A_260 = arith.constant 32 : index
      %swap3A_261 = tpu.vector_load %arg7[%swap3A_259, %swap3A_260] {strides = array<i32>} : memref<64x64xf32, #tpu.memory_space<vmem>>, vector<1x16xf32>,
      %swap3A_262 = vector.shape_cast %swap3A_261 : vector<1x16xf32> to vector<16xf32>
      %swap3A_263 = vector.shape_cast %broadcast_in_dim3A_89 : vector<16xf32> to vector<1x16xf32>
      tpu.vector_store %arg7[%swap3A_259, %swap3A_260], %swap3A_263 {strides = array<i32>} : memref<64x64xf32, #tpu.memory_space<vmem>>, vector<1x16xf32>,
      %swap3A_264 = arith.index_cast %scan3A_248 : i32 to index
      %swap3A_265 = arith.constant 48 : index
      %swap3A_266 = tpu.vector_load %arg7[%swap3A_264, %swap3A_265] {strides = array<i32>} : memref<64x64xf32, #tpu.memory_space<vmem>>, vector<1x16xf32>,
      %swap3A_267 = vector.shape_cast %swap3A_266 : vector<1x16xf32> to vector<16xf32>
      %swap3A_268 = vector.shape_cast %broadcast_in_dim3A_89 : vector<16xf32> to vector<1x16xf32>
      tpu.vector_store %arg7[%swap3A_264, %swap3A_265], %swap3A_268 {strides = array<i32>} : memref<64x64xf32, #tpu.memory_space<vmem>>, vector<1x16xf32>,
      %scan3A_269 = arith.constant 0 : i32
      scf.yield %scan3A_269 : i32
    }
    %scan3A_95 = arith.constant 64 : i32
    %mul3A_96 = arith.constant 640 : i32
    %mul3A_97 = arith.muli %arg1, %mul3A_96 : i32
    %add3A_98 = arith.constant 0 : i32
    %add3A_99 = arith.addi %mul3A_97, %add3A_98 : i32
    %dma_start3A_100 = arith.constant 0 : i32
    %dma_start3A_101 = tpu.memref_slice %arg8[%add3A_99, %dma_start3A_100] : memref<10240x64xf32, #tpu.memory_space<vmem_shared>> -> memref<64x64xf32, #tpu.memory_space<vmem_shared>>
    %dma_start3A_102 = arith.constant 0 : i32
    %dma_start3A_103 = tpu.memref_slice %arg8[%add3A_99, %dma_start3A_102] : memref<10240x64xf32, #tpu.memory_space<vmem_shared>> -> memref<64x64xf32, #tpu.memory_space<vmem_shared>>
    tpu.enqueue_dma source(%arg7 : memref<64x64xf32, #tpu.memory_space<vmem>>) target(%dma_start3A_103 : memref<64x64xf32, #tpu.memory_space<vmem_shared>>) target_semaphore(%arg10 : memref<!tpu.dma_semaphore, #tpu.memory_space<semaphore_mem>>)
    %mul3A_104 = arith.constant 640 : i32
    %mul3A_105 = arith.muli %arg1, %mul3A_104 : i32
    %add3A_106 = arith.constant 64 : i32
    %add3A_107 = arith.addi %mul3A_105, %add3A_106 : i32
    %dma_start3A_108 = arith.constant 0 : i32
    %dma_start3A_109 = tpu.memref_slice %arg8[%add3A_107, %dma_start3A_108] : memref<10240x64xf32, #tpu.memory_space<vmem_shared>> -> memref<64x64xf32, #tpu.memory_space<vmem_shared>>
    %dma_start3A_110 = arith.constant 0 : i32
    %dma_start3A_111 = tpu.memref_slice %arg8[%add3A_107, %dma_start3A_110] : memref<10240x64xf32, #tpu.memory_space<vmem_shared>> -> memref<64x64xf32, #tpu.memory_space<vmem_shared>>
    tpu.enqueue_dma source(%arg7 : memref<64x64xf32, #tpu.memory_space<vmem>>) target(%dma_start3A_111 : memref<64x64xf32, #tpu.memory_space<vmem_shared>>) target_semaphore(%arg10 : memref<!tpu.dma_semaphore, #tpu.memory_space<semaphore_mem>>)
    %mul3A_112 = arith.constant 640 : i32
    %mul3A_113 = arith.muli %arg1, %mul3A_112 : i32
    %add3A_114 = arith.constant 128 : i32
    %add3A_115 = arith.addi %mul3A_113, %add3A_114 : i32
    %dma_start3A_116 = arith.constant 0 : i32
    %dma_start3A_117 = tpu.memref_slice %arg8[%add3A_115, %dma_start3A_116] : memref<10240x64xf32, #tpu.memory_space<vmem_shared>> -> memref<64x64xf32, #tpu.memory_space<vmem_shared>>
    %dma_start3A_118 = arith.constant 0 : i32
    %dma_start3A_119 = tpu.memref_slice %arg8[%add3A_115, %dma_start3A_118] : memref<10240x64xf32, #tpu.memory_space<vmem_shared>> -> memref<64x64xf32, #tpu.memory_space<vmem_shared>>
    tpu.enqueue_dma source(%arg7 : memref<64x64xf32, #tpu.memory_space<vmem>>) target(%dma_start3A_119 : memref<64x64xf32, #tpu.memory_space<vmem_shared>>) target_semaphore(%arg10 : memref<!tpu.dma_semaphore, #tpu.memory_space<semaphore_mem>>)
    %mul3A_120 = arith.constant 640 : i32
    %mul3A_121 = arith.muli %arg1, %mul3A_120 : i32
    %add3A_122 = arith.constant 192 : i32
    %add3A_123 = arith.addi %mul3A_121, %add3A_122 : i32
    %dma_start3A_124 = arith.constant 0 : i32
    %dma_start3A_125 = tpu.memref_slice %arg8[%add3A_123, %dma_start3A_124] : memref<10240x64xf32, #tpu.memory_space<vmem_shared>> -> memref<64x64xf32, #tpu.memory_space<vmem_shared>>
    %dma_start3A_126 = arith.constant 0 : i32
    %dma_start3A_127 = tpu.memref_slice %arg8[%add3A_123, %dma_start3A_126] : memref<10240x64xf32, #tpu.memory_space<vmem_shared>> -> memref<64x64xf32, #tpu.memory_space<vmem_shared>>
    tpu.enqueue_dma source(%arg7 : memref<64x64xf32, #tpu.memory_space<vmem>>) target(%dma_start3A_127 : memref<64x64xf32, #tpu.memory_space<vmem_shared>>) target_semaphore(%arg10 : memref<!tpu.dma_semaphore, #tpu.memory_space<semaphore_mem>>)
    %mul3A_128 = arith.constant 640 : i32
    %mul3A_129 = arith.muli %arg1, %mul3A_128 : i32
    %add3A_130 = arith.constant 256 : i32
    %add3A_131 = arith.addi %mul3A_129, %add3A_130 : i32
    %dma_start3A_132 = arith.constant 0 : i32
    %dma_start3A_133 = tpu.memref_slice %arg8[%add3A_131, %dma_start3A_132] : memref<10240x64xf32, #tpu.memory_space<vmem_shared>> -> memref<64x64xf32, #tpu.memory_space<vmem_shared>>
    %dma_start3A_134 = arith.constant 0 : i32
    %dma_start3A_135 = tpu.memref_slice %arg8[%add3A_131, %dma_start3A_134] : memref<10240x64xf32, #tpu.memory_space<vmem_shared>> -> memref<64x64xf32, #tpu.memory_space<vmem_shared>>
    tpu.enqueue_dma source(%arg7 : memref<64x64xf32, #tpu.memory_space<vmem>>) target(%dma_start3A_135 : memref<64x64xf32, #tpu.memory_space<vmem_shared>>) target_semaphore(%arg10 : memref<!tpu.dma_semaphore, #tpu.memory_space<semaphore_mem>>)
    %mul3A_136 = arith.constant 640 : i32
    %mul3A_137 = arith.muli %arg1, %mul3A_136 : i32
    %add3A_138 = arith.constant 320 : i32
    %add3A_139 = arith.addi %mul3A_137, %add3A_138 : i32
    %dma_start3A_140 = arith.constant 0 : i32
    %dma_start3A_141 = tpu.memref_slice %arg8[%add3A_139, %dma_start3A_140] : memref<10240x64xf32, #tpu.memory_space<vmem_shared>> -> memref<64x64xf32, #tpu.memory_space<vmem_shared>>
    %dma_start3A_142 = arith.constant 0 : i32
    %dma_start3A_143 = tpu.memref_slice %arg8[%add3A_139, %dma_start3A_142] : memref<10240x64xf32, #tpu.memory_space<vmem_shared>> -> memref<64x64xf32, #tpu.memory_space<vmem_shared>>
    tpu.enqueue_dma source(%arg7 : memref<64x64xf32, #tpu.memory_space<vmem>>) target(%dma_start3A_143 : memref<64x64xf32, #tpu.memory_space<vmem_shared>>) target_semaphore(%arg10 : memref<!tpu.dma_semaphore, #tpu.memory_space<semaphore_mem>>)
    %mul3A_144 = arith.constant 640 : i32
    %mul3A_145 = arith.muli %arg1, %mul3A_144 : i32
    %add3A_146 = arith.constant 384 : i32
    %add3A_147 = arith.addi %mul3A_145, %add3A_146 : i32
    %dma_start3A_148 = arith.constant 0 : i32
    %dma_start3A_149 = tpu.memref_slice %arg8[%add3A_147, %dma_start3A_148] : memref<10240x64xf32, #tpu.memory_space<vmem_shared>> -> memref<64x64xf32, #tpu.memory_space<vmem_shared>>
    %dma_start3A_150 = arith.constant 0 : i32
    %dma_start3A_151 = tpu.memref_slice %arg8[%add3A_147, %dma_start3A_150] : memref<10240x64xf32, #tpu.memory_space<vmem_shared>> -> memref<64x64xf32, #tpu.memory_space<vmem_shared>>
    tpu.enqueue_dma source(%arg7 : memref<64x64xf32, #tpu.memory_space<vmem>>) target(%dma_start3A_151 : memref<64x64xf32, #tpu.memory_space<vmem_shared>>) target_semaphore(%arg10 : memref<!tpu.dma_semaphore, #tpu.memory_space<semaphore_mem>>)
    %mul3A_152 = arith.constant 640 : i32
    %mul3A_153 = arith.muli %arg1, %mul3A_152 : i32
    %add3A_154 = arith.constant 448 : i32
    %add3A_155 = arith.addi %mul3A_153, %add3A_154 : i32
    %dma_start3A_156 = arith.constant 0 : i32
    %dma_start3A_157 = tpu.memref_slice %arg8[%add3A_155, %dma_start3A_156] : memref<10240x64xf32, #tpu.memory_space<vmem_shared>> -> memref<64x64xf32, #tpu.memory_space<vmem_shared>>
    %dma_start3A_158 = arith.constant 0 : i32
    %dma_start3A_159 = tpu.memref_slice %arg8[%add3A_155, %dma_start3A_158] : memref<10240x64xf32, #tpu.memory_space<vmem_shared>> -> memref<64x64xf32, #tpu.memory_space<vmem_shared>>
    tpu.enqueue_dma source(%arg7 : memref<64x64xf32, #tpu.memory_space<vmem>>) target(%dma_start3A_159 : memref<64x64xf32, #tpu.memory_space<vmem_shared>>) target_semaphore(%arg10 : memref<!tpu.dma_semaphore, #tpu.memory_space<semaphore_mem>>)
    %mul3A_160 = arith.constant 640 : i32
    %mul3A_161 = arith.muli %arg1, %mul3A_160 : i32
    %add3A_162 = arith.constant 512 : i32
    %add3A_163 = arith.addi %mul3A_161, %add3A_162 : i32
    %dma_start3A_164 = arith.constant 0 : i32
    %dma_start3A_165 = tpu.memref_slice %arg8[%add3A_163, %dma_start3A_164] : memref<10240x64xf32, #tpu.memory_space<vmem_shared>> -> memref<64x64xf32, #tpu.memory_space<vmem_shared>>
    %dma_start3A_166 = arith.constant 0 : i32
    %dma_start3A_167 = tpu.memref_slice %arg8[%add3A_163, %dma_start3A_166] : memref<10240x64xf32, #tpu.memory_space<vmem_shared>> -> memref<64x64xf32, #tpu.memory_space<vmem_shared>>
    tpu.enqueue_dma source(%arg7 : memref<64x64xf32, #tpu.memory_space<vmem>>) target(%dma_start3A_167 : memref<64x64xf32, #tpu.memory_space<vmem_shared>>) target_semaphore(%arg10 : memref<!tpu.dma_semaphore, #tpu.memory_space<semaphore_mem>>)
    %mul3A_168 = arith.constant 640 : i32
    %mul3A_169 = arith.muli %arg1, %mul3A_168 : i32
    %add3A_170 = arith.constant 576 : i32
    %add3A_171 = arith.addi %mul3A_169, %add3A_170 : i32
    %dma_start3A_172 = arith.constant 0 : i32
    %dma_start3A_173 = tpu.memref_slice %arg8[%add3A_171, %dma_start3A_172] : memref<10240x64xf32, #tpu.memory_space<vmem_shared>> -> memref<64x64xf32, #tpu.memory_space<vmem_shared>>
    %dma_start3A_174 = arith.constant 0 : i32
    %dma_start3A_175 = tpu.memref_slice %arg8[%add3A_171, %dma_start3A_174] : memref<10240x64xf32, #tpu.memory_space<vmem_shared>> -> memref<64x64xf32, #tpu.memory_space<vmem_shared>>
    tpu.enqueue_dma source(%arg7 : memref<64x64xf32, #tpu.memory_space<vmem>>) target(%dma_start3A_175 : memref<64x64xf32, #tpu.memory_space<vmem_shared>>) target_semaphore(%arg10 : memref<!tpu.dma_semaphore, #tpu.memory_space<semaphore_mem>>)
    %dma_wait3A = arith.constant 0 : i32
    %dma_wait3A_176 = tpu.memref_slice %arg8[%add3A_99, %dma_wait3A] : memref<10240x64xf32, #tpu.memory_space<vmem_shared>> -> memref<64x64xf32, #tpu.memory_space<vmem_shared>>
    %dma_wait3A_177 = arith.constant 0 : i32
    %dma_wait3A_178 = tpu.memref_slice %arg8[%add3A_99, %dma_wait3A_177] : memref<10240x64xf32, #tpu.memory_space<vmem_shared>> -> memref<64x64xf32, #tpu.memory_space<vmem_shared>>
    tpu.wait_dma2 semaphore(%arg10 : memref<!tpu.dma_semaphore, #tpu.memory_space<semaphore_mem>>) src(%arg7 : memref<64x64xf32, #tpu.memory_space<vmem>>) dst(%dma_wait3A_178 : memref<64x64xf32, #tpu.memory_space<vmem_shared>>)
    %dma_wait3A_179 = arith.constant 0 : i32
    %dma_wait3A_180 = tpu.memref_slice %arg8[%add3A_107, %dma_wait3A_179] : memref<10240x64xf32, #tpu.memory_space<vmem_shared>> -> memref<64x64xf32, #tpu.memory_space<vmem_shared>>
    %dma_wait3A_181 = arith.constant 0 : i32
    %dma_wait3A_182 = tpu.memref_slice %arg8[%add3A_107, %dma_wait3A_181] : memref<10240x64xf32, #tpu.memory_space<vmem_shared>> -> memref<64x64xf32, #tpu.memory_space<vmem_shared>>
    tpu.wait_dma2 semaphore(%arg10 : memref<!tpu.dma_semaphore, #tpu.memory_space<semaphore_mem>>) src(%arg7 : memref<64x64xf32, #tpu.memory_space<vmem>>) dst(%dma_wait3A_182 : memref<64x64xf32, #tpu.memory_space<vmem_shared>>)
    %dma_wait3A_183 = arith.constant 0 : i32
    %dma_wait3A_184 = tpu.memref_slice %arg8[%add3A_115, %dma_wait3A_183] : memref<10240x64xf32, #tpu.memory_space<vmem_shared>> -> memref<64x64xf32, #tpu.memory_space<vmem_shared>>
    %dma_wait3A_185 = arith.constant 0 : i32
    %dma_wait3A_186 = tpu.memref_slice %arg8[%add3A_115, %dma_wait3A_185] : memref<10240x64xf32, #tpu.memory_space<vmem_shared>> -> memref<64x64xf32, #tpu.memory_space<vmem_shared>>
    tpu.wait_dma2 semaphore(%arg10 : memref<!tpu.dma_semaphore, #tpu.memory_space<semaphore_mem>>) src(%arg7 : memref<64x64xf32, #tpu.memory_space<vmem>>) dst(%dma_wait3A_186 : memref<64x64xf32, #tpu.memory_space<vmem_shared>>)
    %dma_wait3A_187 = arith.constant 0 : i32
    %dma_wait3A_188 = tpu.memref_slice %arg8[%add3A_123, %dma_wait3A_187] : memref<10240x64xf32, #tpu.memory_space<vmem_shared>> -> memref<64x64xf32, #tpu.memory_space<vmem_shared>>
    %dma_wait3A_189 = arith.constant 0 : i32
    %dma_wait3A_190 = tpu.memref_slice %arg8[%add3A_123, %dma_wait3A_189] : memref<10240x64xf32, #tpu.memory_space<vmem_shared>> -> memref<64x64xf32, #tpu.memory_space<vmem_shared>>
    tpu.wait_dma2 semaphore(%arg10 : memref<!tpu.dma_semaphore, #tpu.memory_space<semaphore_mem>>) src(%arg7 : memref<64x64xf32, #tpu.memory_space<vmem>>) dst(%dma_wait3A_190 : memref<64x64xf32, #tpu.memory_space<vmem_shared>>)
    %dma_wait3A_191 = arith.constant 0 : i32
    %dma_wait3A_192 = tpu.memref_slice %arg8[%add3A_131, %dma_wait3A_191] : memref<10240x64xf32, #tpu.memory_space<vmem_shared>> -> memref<64x64xf32, #tpu.memory_space<vmem_shared>>
    %dma_wait3A_193 = arith.constant 0 : i32
    %dma_wait3A_194 = tpu.memref_slice %arg8[%add3A_131, %dma_wait3A_193] : memref<10240x64xf32, #tpu.memory_space<vmem_shared>> -> memref<64x64xf32, #tpu.memory_space<vmem_shared>>
    tpu.wait_dma2 semaphore(%arg10 : memref<!tpu.dma_semaphore, #tpu.memory_space<semaphore_mem>>) src(%arg7 : memref<64x64xf32, #tpu.memory_space<vmem>>) dst(%dma_wait3A_194 : memref<64x64xf32, #tpu.memory_space<vmem_shared>>)
    %dma_wait3A_195 = arith.constant 0 : i32
    %dma_wait3A_196 = tpu.memref_slice %arg8[%add3A_139, %dma_wait3A_195] : memref<10240x64xf32, #tpu.memory_space<vmem_shared>> -> memref<64x64xf32, #tpu.memory_space<vmem_shared>>
    %dma_wait3A_197 = arith.constant 0 : i32
    %dma_wait3A_198 = tpu.memref_slice %arg8[%add3A_139, %dma_wait3A_197] : memref<10240x64xf32, #tpu.memory_space<vmem_shared>> -> memref<64x64xf32, #tpu.memory_space<vmem_shared>>
    tpu.wait_dma2 semaphore(%arg10 : memref<!tpu.dma_semaphore, #tpu.memory_space<semaphore_mem>>) src(%arg7 : memref<64x64xf32, #tpu.memory_space<vmem>>) dst(%dma_wait3A_198 : memref<64x64xf32, #tpu.memory_space<vmem_shared>>)
    %dma_wait3A_199 = arith.constant 0 : i32
    %dma_wait3A_200 = tpu.memref_slice %arg8[%add3A_147, %dma_wait3A_199] : memref<10240x64xf32, #tpu.memory_space<vmem_shared>> -> memref<64x64xf32, #tpu.memory_space<vmem_shared>>
    %dma_wait3A_201 = arith.constant 0 : i32
    %dma_wait3A_202 = tpu.memref_slice %arg8[%add3A_147, %dma_wait3A_201] : memref<10240x64xf32, #tpu.memory_space<vmem_shared>> -> memref<64x64xf32, #tpu.memory_space<vmem_shared>>
    tpu.wait_dma2 semaphore(%arg10 : memref<!tpu.dma_semaphore, #tpu.memory_space<semaphore_mem>>) src(%arg7 : memref<64x64xf32, #tpu.memory_space<vmem>>) dst(%dma_wait3A_202 : memref<64x64xf32, #tpu.memory_space<vmem_shared>>)
    %dma_wait3A_203 = arith.constant 0 : i32
    %dma_wait3A_204 = tpu.memref_slice %arg8[%add3A_155, %dma_wait3A_203] : memref<10240x64xf32, #tpu.memory_space<vmem_shared>> -> memref<64x64xf32, #tpu.memory_space<vmem_shared>>
    %dma_wait3A_205 = arith.constant 0 : i32
    %dma_wait3A_206 = tpu.memref_slice %arg8[%add3A_155, %dma_wait3A_205] : memref<10240x64xf32, #tpu.memory_space<vmem_shared>> -> memref<64x64xf32, #tpu.memory_space<vmem_shared>>
    tpu.wait_dma2 semaphore(%arg10 : memref<!tpu.dma_semaphore, #tpu.memory_space<semaphore_mem>>) src(%arg7 : memref<64x64xf32, #tpu.memory_space<vmem>>) dst(%dma_wait3A_206 : memref<64x64xf32, #tpu.memory_space<vmem_shared>>)
    %dma_wait3A_207 = arith.constant 0 : i32
    %dma_wait3A_208 = tpu.memref_slice %arg8[%add3A_163, %dma_wait3A_207] : memref<10240x64xf32, #tpu.memory_space<vmem_shared>> -> memref<64x64xf32, #tpu.memory_space<vmem_shared>>
    %dma_wait3A_209 = arith.constant 0 : i32
    %dma_wait3A_210 = tpu.memref_slice %arg8[%add3A_163, %dma_wait3A_209] : memref<10240x64xf32, #tpu.memory_space<vmem_shared>> -> memref<64x64xf32, #tpu.memory_space<vmem_shared>>
    tpu.wait_dma2 semaphore(%arg10 : memref<!tpu.dma_semaphore, #tpu.memory_space<semaphore_mem>>) src(%arg7 : memref<64x64xf32, #tpu.memory_space<vmem>>) dst(%dma_wait3A_210 : memref<64x64xf32, #tpu.memory_space<vmem_shared>>)
    %dma_wait3A_211 = arith.constant 0 : i32
    %dma_wait3A_212 = tpu.memref_slice %arg8[%add3A_171, %dma_wait3A_211] : memref<10240x64xf32, #tpu.memory_space<vmem_shared>> -> memref<64x64xf32, #tpu.memory_space<vmem_shared>>
    %dma_wait3A_213 = arith.constant 0 : i32
    %dma_wait3A_214 = tpu.memref_slice %arg8[%add3A_171, %dma_wait3A_213] : memref<10240x64xf32, #tpu.memory_space<vmem_shared>> -> memref<64x64xf32, #tpu.memory_space<vmem_shared>>
    tpu.wait_dma2 semaphore(%arg10 : memref<!tpu.dma_semaphore, #tpu.memory_space<semaphore_mem>>) src(%arg7 : memref<64x64xf32, #tpu.memory_space<vmem>>) dst(%dma_wait3A_214 : memref<64x64xf32, #tpu.memory_space<vmem_shared>>)
    %dma_wait3A_215 = tpu.memref_slice %arg3[%mul3A_17] : memref<327680xi32, #tpu.memory_space<hbm>> -> memref<128xi32, #tpu.memory_space<hbm>>
    %dma_wait3A_216 = tpu.memref_slice %arg3[%mul3A_17] : memref<327680xi32, #tpu.memory_space<hbm>> -> memref<128xi32, #tpu.memory_space<hbm>>
    tpu.wait_dma2 semaphore(%arg11 : memref<!tpu.dma_semaphore, #tpu.memory_space<semaphore_mem>>) src(%dma_wait3A_216 : memref<128xi32, #tpu.memory_space<hbm>>) dst(%arg20 : memref<128xi32, #tpu.memory_space<vmem>>)
    %dma_wait3A_217 = tpu.memref_slice %arg4[%mul3A_26] : memref<327680xi32, #tpu.memory_space<hbm>> -> memref<128xi32, #tpu.memory_space<hbm>>
    %dma_wait3A_218 = tpu.memref_slice %arg4[%mul3A_26] : memref<327680xi32, #tpu.memory_space<hbm>> -> memref<128xi32, #tpu.memory_space<hbm>>
    tpu.wait_dma2 semaphore(%arg11 : memref<!tpu.dma_semaphore, #tpu.memory_space<semaphore_mem>>) src(%dma_wait3A_218 : memref<128xi32, #tpu.memory_space<hbm>>) dst(%arg12 : memref<128xi32, #tpu.memory_space<vmem>>)
    %dma_wait3A_219 = tpu.memref_slice %arg3[%mul3A_36] : memref<327680xi32, #tpu.memory_space<hbm>> -> memref<128xi32, #tpu.memory_space<hbm>>
    %dma_wait3A_220 = tpu.memref_slice %arg3[%mul3A_36] : memref<327680xi32, #tpu.memory_space<hbm>> -> memref<128xi32, #tpu.memory_space<hbm>>
    tpu.wait_dma2 semaphore(%arg11 : memref<!tpu.dma_semaphore, #tpu.memory_space<semaphore_mem>>) src(%dma_wait3A_220 : memref<128xi32, #tpu.memory_space<hbm>>) dst(%arg21 : memref<128xi32, #tpu.memory_space<vmem>>)
    %dma_wait3A_221 = tpu.memref_slice %arg4[%mul3A_46] : memref<327680xi32, #tpu.memory_space<hbm>> -> memref<128xi32, #tpu.memory_space<hbm>>
    %dma_wait3A_222 = tpu.memref_slice %arg4[%mul3A_46] : memref<327680xi32, #tpu.memory_space<hbm>> -> memref<128xi32, #tpu.memory_space<hbm>>
    tpu.wait_dma2 semaphore(%arg11 : memref<!tpu.dma_semaphore, #tpu.memory_space<semaphore_mem>>) src(%dma_wait3A_222 : memref<128xi32, #tpu.memory_space<hbm>>) dst(%arg13 : memref<128xi32, #tpu.memory_space<vmem>>)
    %dma_wait3A_223 = tpu.memref_slice %arg3[%mul3A_56] : memref<327680xi32, #tpu.memory_space<hbm>> -> memref<128xi32, #tpu.memory_space<hbm>>
    %dma_wait3A_224 = tpu.memref_slice %arg3[%mul3A_56] : memref<327680xi32, #tpu.memory_space<hbm>> -> memref<128xi32, #tpu.memory_space<hbm>>
    tpu.wait_dma2 semaphore(%arg11 : memref<!tpu.dma_semaphore, #tpu.memory_space<semaphore_mem>>) src(%dma_wait3A_224 : memref<128xi32, #tpu.memory_space<hbm>>) dst(%arg22 : memref<128xi32, #tpu.memory_space<vmem>>)
    %dma_wait3A_225 = tpu.memref_slice %arg4[%mul3A_66] : memref<327680xi32, #tpu.memory_space<hbm>> -> memref<128xi32, #tpu.memory_space<hbm>>
    %dma_wait3A_226 = tpu.memref_slice %arg4[%mul3A_66] : memref<327680xi32, #tpu.memory_space<hbm>> -> memref<128xi32, #tpu.memory_space<hbm>>
    tpu.wait_dma2 semaphore(%arg11 : memref<!tpu.dma_semaphore, #tpu.memory_space<semaphore_mem>>) src(%dma_wait3A_226 : memref<128xi32, #tpu.memory_space<hbm>>) dst(%arg14 : memref<128xi32, #tpu.memory_space<vmem>>)
    %dma_wait3A_227 = tpu.memref_slice %arg3[%mul3A_76] : memref<327680xi32, #tpu.memory_space<hbm>> -> memref<128xi32, #tpu.memory_space<hbm>>
    %dma_wait3A_228 = tpu.memref_slice %arg3[%mul3A_76] : memref<327680xi32, #tpu.memory_space<hbm>> -> memref<128xi32, #tpu.memory_space<hbm>>
    tpu.wait_dma2 semaphore(%arg11 : memref<!tpu.dma_semaphore, #tpu.memory_space<semaphore_mem>>) src(%dma_wait3A_228 : memref<128xi32, #tpu.memory_space<hbm>>) dst(%arg23 : memref<128xi32, #tpu.memory_space<vmem>>)
    %dma_wait3A_229 = tpu.memref_slice %arg4[%mul3A_86] : memref<327680xi32, #tpu.memory_space<hbm>> -> memref<128xi32, #tpu.memory_space<hbm>>
    %dma_wait3A_230 = tpu.memref_slice %arg4[%mul3A_86] : memref<327680xi32, #tpu.memory_space<hbm>> -> memref<128xi32, #tpu.memory_space<hbm>>
    tpu.wait_dma2 semaphore(%arg11 : memref<!tpu.dma_semaphore, #tpu.memory_space<semaphore_mem>>) src(%dma_wait3A_230 : memref<128xi32, #tpu.memory_space<hbm>>) dst(%arg15 : memref<128xi32, #tpu.memory_space<vmem>>)
    %barrier3A = arith.constant 0 : index
    tpu.barrier barrier_id(%barrier3A)
    %while3A = arith.constant 0 : i32
    %while3A_231 = arith.constant 0 : i32
    %while3A_232 = arith.subi %select_n3A_6, %while3A : i32
    %while3A_233 = arith.addi %while3A, %while3A_232 : i32
    %while3A_234 = arith.constant 1 : i32
    %while3A_235 = arith.divsi %while3A_232, %while3A_234 : i32
    %while3A_236 = arith.muli %while3A_235, %while3A_234 : i32
    %while3A_237 = arith.addi %while3A, %while3A_236 : i32
    %while3A_238 = arith.constant 1 : i32
    %while3A_239 = scf.for %while3A_248 = %while3A to %while3A_237 step %while3A_238 iter_args(%while3A_249 = %while3A_231) -> (i32)  : i32 {
      %mul3A_250 = arith.constant 2 : i32
      %mul3A_251 = arith.muli %mul3A_250, %while3A_248 : i32
      %add3A_252 = arith.constant 1 : i32
      %add3A_253 = arith.addi %mul3A_251, %add3A_252 : i32
      %min3A_254 = arith.minsi %add3A_253, %sub3A_10 : i32
      %mul3A_255 = arith.constant 4 : i32
      %mul3A_256 = arith.muli %min3A_254, %mul3A_255 : i32
      %add3A_257 = arith.addi %select_n3A, %mul3A_256 : i32
      %add3A_258 = arith.constant 0 : i32
      %add3A_259 = arith.addi %add3A_257, %add3A_258 : i32
      %min3A_260 = arith.constant 2559 : i32
      %min3A_261 = arith.minsi %add3A_259, %min3A_260 : i32
      %mul3A_262 = arith.constant 128 : i32
      %mul3A_263 = arith.muli %min3A_261, %mul3A_262 : i32
      %dma_start3A_264 = tpu.memref_slice %arg3[%mul3A_263] : memref<327680xi32, #tpu.memory_space<hbm>> -> memref<128xi32, #tpu.memory_space<hbm>>
      %dma_start3A_265 = tpu.memref_slice %arg3[%mul3A_263] : memref<327680xi32, #tpu.memory_space<hbm>> -> memref<128xi32, #tpu.memory_space<hbm>>
      tpu.enqueue_dma source(%dma_start3A_265 : memref<128xi32, #tpu.memory_space<hbm>>) target(%arg24 : memref<128xi32, #tpu.memory_space<vmem>>) target_semaphore(%arg11 : memref<!tpu.dma_semaphore, #tpu.memory_space<semaphore_mem>>)
      %mul3A_266 = arith.constant 4 : i32
      %mul3A_267 = arith.muli %min3A_254, %mul3A_266 : i32
      %add3A_268 = arith.addi %select_n3A, %mul3A_267 : i32
      %add3A_269 = arith.constant 0 : i32
      %add3A_270 = arith.addi %add3A_268, %add3A_269 : i32
      %min3A_271 = arith.constant 2559 : i32
      %min3A_272 = arith.minsi %add3A_270, %min3A_271 : i32
      %mul3A_273 = arith.constant 128 : i32
      %mul3A_274 = arith.muli %min3A_272, %mul3A_273 : i32
      %dma_start3A_275 = tpu.memref_slice %arg4[%mul3A_274] : memref<327680xi32, #tpu.memory_space<hbm>> -> memref<128xi32, #tpu.memory_space<hbm>>
      %dma_start3A_276 = tpu.memref_slice %arg4[%mul3A_274] : memref<327680xi32, #tpu.memory_space<hbm>> -> memref<128xi32, #tpu.memory_space<hbm>>
      tpu.enqueue_dma source(%dma_start3A_276 : memref<128xi32, #tpu.memory_space<hbm>>) target(%arg16 : memref<128xi32, #tpu.memory_space<vmem>>) target_semaphore(%arg11 : memref<!tpu.dma_semaphore, #tpu.memory_space<semaphore_mem>>)
      %mul3A_277 = arith.constant 4 : i32
      %mul3A_278 = arith.muli %min3A_254, %mul3A_277 : i32
      %add3A_279 = arith.addi %select_n3A, %mul3A_278 : i32
      %add3A_280 = arith.constant 1 : i32
      %add3A_281 = arith.addi %add3A_279, %add3A_280 : i32
      %min3A_282 = arith.constant 2559 : i32
      %min3A_283 = arith.minsi %add3A_281, %min3A_282 : i32
      %mul3A_284 = arith.constant 128 : i32
      %mul3A_285 = arith.muli %min3A_283, %mul3A_284 : i32
      %dma_start3A_286 = tpu.memref_slice %arg3[%mul3A_285] : memref<327680xi32, #tpu.memory_space<hbm>> -> memref<128xi32, #tpu.memory_space<hbm>>
      %dma_start3A_287 = tpu.memref_slice %arg3[%mul3A_285] : memref<327680xi32, #tpu.memory_space<hbm>> -> memref<128xi32, #tpu.memory_space<hbm>>
      tpu.enqueue_dma source(%dma_start3A_287 : memref<128xi32, #tpu.memory_space<hbm>>) target(%arg25 : memref<128xi32, #tpu.memory_space<vmem>>) target_semaphore(%arg11 : memref<!tpu.dma_semaphore, #tpu.memory_space<semaphore_mem>>)
      %mul3A_288 = arith.constant 4 : i32
      %mul3A_289 = arith.muli %min3A_254, %mul3A_288 : i32
      %add3A_290 = arith.addi %select_n3A, %mul3A_289 : i32
      %add3A_291 = arith.constant 1 : i32
      %add3A_292 = arith.addi %add3A_290, %add3A_291 : i32
      %min3A_293 = arith.constant 2559 : i32
      %min3A_294 = arith.minsi %add3A_292, %min3A_293 : i32
      %mul3A_295 = arith.constant 128 : i32
      %mul3A_296 = arith.muli %min3A_294, %mul3A_295 : i32
      %dma_start3A_297 = tpu.memref_slice %arg4[%mul3A_296] : memref<327680xi32, #tpu.memory_space<hbm>> -> memref<128xi32, #tpu.memory_space<hbm>>
      %dma_start3A_298 = tpu.memref_slice %arg4[%mul3A_296] : memref<327680xi32, #tpu.memory_space<hbm>> -> memref<128xi32, #tpu.memory_space<hbm>>
      tpu.enqueue_dma source(%dma_start3A_298 : memref<128xi32, #tpu.memory_space<hbm>>) target(%arg17 : memref<128xi32, #tpu.memory_space<vmem>>) target_semaphore(%arg11 : memref<!tpu.dma_semaphore, #tpu.memory_space<semaphore_mem>>)
      %mul3A_299 = arith.constant 4 : i32
      %mul3A_300 = arith.muli %min3A_254, %mul3A_299 : i32
      %add3A_301 = arith.addi %select_n3A, %mul3A_300 : i32
      %add3A_302 = arith.constant 2 : i32
      %add3A_303 = arith.addi %add3A_301, %add3A_302 : i32
      %min3A_304 = arith.constant 2559 : i32
      %min3A_305 = arith.minsi %add3A_303, %min3A_304 : i32
      %mul3A_306 = arith.constant 128 : i32
      %mul3A_307 = arith.muli %min3A_305, %mul3A_306 : i32
      %dma_start3A_308 = tpu.memref_slice %arg3[%mul3A_307] : memref<327680xi32, #tpu.memory_space<hbm>> -> memref<128xi32, #tpu.memory_space<hbm>>
      %dma_start3A_309 = tpu.memref_slice %arg3[%mul3A_307] : memref<327680xi32, #tpu.memory_space<hbm>> -> memref<128xi32, #tpu.memory_space<hbm>>
      tpu.enqueue_dma source(%dma_start3A_309 : memref<128xi32, #tpu.memory_space<hbm>>) target(%arg26 : memref<128xi32, #tpu.memory_space<vmem>>) target_semaphore(%arg11 : memref<!tpu.dma_semaphore, #tpu.memory_space<semaphore_mem>>)
      %mul3A_310 = arith.constant 4 : i32
      %mul3A_311 = arith.muli %min3A_254, %mul3A_310 : i32
      %add3A_312 = arith.addi %select_n3A, %mul3A_311 : i32
      %add3A_313 = arith.constant 2 : i32
      %add3A_314 = arith.addi %add3A_312, %add3A_313 : i32
      %min3A_315 = arith.constant 2559 : i32
      %min3A_316 = arith.minsi %add3A_314, %min3A_315 : i32
      %mul3A_317 = arith.constant 128 : i32
      %mul3A_318 = arith.muli %min3A_316, %mul3A_317 : i32
      %dma_start3A_319 = tpu.memref_slice %arg4[%mul3A_318] : memref<327680xi32, #tpu.memory_space<hbm>> -> memref<128xi32, #tpu.memory_space<hbm>>
      %dma_start3A_320 = tpu.memref_slice %arg4[%mul3A_318] : memref<327680xi32, #tpu.memory_space<hbm>> -> memref<128xi32, #tpu.memory_space<hbm>>
      tpu.enqueue_dma source(%dma_start3A_320 : memref<128xi32, #tpu.memory_space<hbm>>) target(%arg18 : memref<128xi32, #tpu.memory_space<vmem>>) target_semaphore(%arg11 : memref<!tpu.dma_semaphore, #tpu.memory_space<semaphore_mem>>)
      %mul3A_321 = arith.constant 4 : i32
      %mul3A_322 = arith.muli %min3A_254, %mul3A_321 : i32
      %add3A_323 = arith.addi %select_n3A, %mul3A_322 : i32
      %add3A_324 = arith.constant 3 : i32
      %add3A_325 = arith.addi %add3A_323, %add3A_324 : i32
      %min3A_326 = arith.constant 2559 : i32
      %min3A_327 = arith.minsi %add3A_325, %min3A_326 : i32
      %mul3A_328 = arith.constant 128 : i32
      %mul3A_329 = arith.muli %min3A_327, %mul3A_328 : i32
      %dma_start3A_330 = tpu.memref_slice %arg3[%mul3A_329] : memref<327680xi32, #tpu.memory_space<hbm>> -> memref<128xi32, #tpu.memory_space<hbm>>
      %dma_start3A_331 = tpu.memref_slice %arg3[%mul3A_329] : memref<327680xi32, #tpu.memory_space<hbm>> -> memref<128xi32, #tpu.memory_space<hbm>>
      tpu.enqueue_dma source(%dma_start3A_331 : memref<128xi32, #tpu.memory_space<hbm>>) target(%arg27 : memref<128xi32, #tpu.memory_space<vmem>>) target_semaphore(%arg11 : memref<!tpu.dma_semaphore, #tpu.memory_space<semaphore_mem>>)
      %mul3A_332 = arith.constant 4 : i32
      %mul3A_333 = arith.muli %min3A_254, %mul3A_332 : i32
      %add3A_334 = arith.addi %select_n3A, %mul3A_333 : i32
      %add3A_335 = arith.constant 3 : i32
      %add3A_336 = arith.addi %add3A_334, %add3A_335 : i32
      %min3A_337 = arith.constant 2559 : i32
      %min3A_338 = arith.minsi %add3A_336, %min3A_337 : i32
      %mul3A_339 = arith.constant 128 : i32
      %mul3A_340 = arith.muli %min3A_338, %mul3A_339 : i32
      %dma_start3A_341 = tpu.memref_slice %arg4[%mul3A_340] : memref<327680xi32, #tpu.memory_space<hbm>> -> memref<128xi32, #tpu.memory_space<hbm>>
      %dma_start3A_342 = tpu.memref_slice %arg4[%mul3A_340] : memref<327680xi32, #tpu.memory_space<hbm>> -> memref<128xi32, #tpu.memory_space<hbm>>
      tpu.enqueue_dma source(%dma_start3A_342 : memref<128xi32, #tpu.memory_space<hbm>>) target(%arg19 : memref<128xi32, #tpu.memory_space<vmem>>) target_semaphore(%arg11 : memref<!tpu.dma_semaphore, #tpu.memory_space<semaphore_mem>>)
      %dma_start3A_343 = arith.constant 0 : i32
      %dma_start3A_344 = arith.constant 0 : i32
      %dma_start3A_345 = arith.constant 0 : i32
      %dma_start3A_346 = tpu.memref_slice %arg6[%dma_start3A_343, %dma_start3A_344, %dma_start3A_345] : memref<4x128x64xf32, #tpu.memory_space<vmem>> -> memref<1x128x64xf32, #tpu.memory_space<vmem>>
      %dma_start3A_347 = tpu.memref_squeeze %dma_start3A_346 : memref<1x128x64xf32, #tpu.memory_space<vmem>> -> memref<128x64xf32, #tpu.memory_space<vmem>>
      %dma_start3A_348 = arith.constant 0 : i32
      %dma_start3A_349 = arith.constant 0 : i32
      %dma_start3A_350 = tpu.memref_slice %arg2[%dma_start3A_348, %dma_start3A_349] : memref<10000x64xf32, #tpu.memory_space<hbm>> -> memref<10000x64xf32, #tpu.memory_space<hbm>>
      tpu.enqueue_indirect_dma source(%dma_start3A_350 : memref<10000x64xf32, #tpu.memory_space<hbm>>) target(%dma_start3A_347 : memref<128x64xf32, #tpu.memory_space<vmem>>) offsets(%arg20 : memref<128xi32, #tpu.memory_space<vmem>>) semaphore(%arg9 : memref<!tpu.dma_semaphore, #tpu.memory_space<semaphore_mem>>)
      %dma_start3A_351 = arith.constant 1 : i32
      %dma_start3A_352 = arith.constant 0 : i32
      %dma_start3A_353 = arith.constant 0 : i32
      %dma_start3A_354 = tpu.memref_slice %arg6[%dma_start3A_351, %dma_start3A_352, %dma_start3A_353] : memref<4x128x64xf32, #tpu.memory_space<vmem>> -> memref<1x128x64xf32, #tpu.memory_space<vmem>>
      %dma_start3A_355 = tpu.memref_squeeze %dma_start3A_354 : memref<1x128x64xf32, #tpu.memory_space<vmem>> -> memref<128x64xf32, #tpu.memory_space<vmem>>
      %dma_start3A_356 = arith.constant 0 : i32
      %dma_start3A_357 = arith.constant 0 : i32
      %dma_start3A_358 = tpu.memref_slice %arg2[%dma_start3A_356, %dma_start3A_357] : memref<10000x64xf32, #tpu.memory_space<hbm>> -> memref<10000x64xf32, #tpu.memory_space<hbm>>
      tpu.enqueue_indirect_dma source(%dma_start3A_358 : memref<10000x64xf32, #tpu.memory_space<hbm>>) target(%dma_start3A_355 : memref<128x64xf32, #tpu.memory_space<vmem>>) offsets(%arg21 : memref<128xi32, #tpu.memory_space<vmem>>) semaphore(%arg9 : memref<!tpu.dma_semaphore, #tpu.memory_space<semaphore_mem>>)
      %dma_start3A_359 = arith.constant 2 : i32
      %dma_start3A_360 = arith.constant 0 : i32
      %dma_start3A_361 = arith.constant 0 : i32
      %dma_start3A_362 = tpu.memref_slice %arg6[%dma_start3A_359, %dma_start3A_360, %dma_start3A_361] : memref<4x128x64xf32, #tpu.memory_space<vmem>> -> memref<1x128x64xf32, #tpu.memory_space<vmem>>
      %dma_start3A_363 = tpu.memref_squeeze %dma_start3A_362 : memref<1x128x64xf32, #tpu.memory_space<vmem>> -> memref<128x64xf32, #tpu.memory_space<vmem>>
      %dma_start3A_364 = arith.constant 0 : i32
      %dma_start3A_365 = arith.constant 0 : i32
      %dma_start3A_366 = tpu.memref_slice %arg2[%dma_start3A_364, %dma_start3A_365] : memref<10000x64xf32, #tpu.memory_space<hbm>> -> memref<10000x64xf32, #tpu.memory_space<hbm>>
      tpu.enqueue_indirect_dma source(%dma_start3A_366 : memref<10000x64xf32, #tpu.memory_space<hbm>>) target(%dma_start3A_363 : memref<128x64xf32, #tpu.memory_space<vmem>>) offsets(%arg22 : memref<128xi32, #tpu.memory_space<vmem>>) semaphore(%arg9 : memref<!tpu.dma_semaphore, #tpu.memory_space<semaphore_mem>>)
      %dma_start3A_367 = arith.constant 3 : i32
      %dma_start3A_368 = arith.constant 0 : i32
      %dma_start3A_369 = arith.constant 0 : i32
      %dma_start3A_370 = tpu.memref_slice %arg6[%dma_start3A_367, %dma_start3A_368, %dma_start3A_369] : memref<4x128x64xf32, #tpu.memory_space<vmem>> -> memref<1x128x64xf32, #tpu.memory_space<vmem>>
      %dma_start3A_371 = tpu.memref_squeeze %dma_start3A_370 : memref<1x128x64xf32, #tpu.memory_space<vmem>> -> memref<128x64xf32, #tpu.memory_space<vmem>>
      %dma_start3A_372 = arith.constant 0 : i32
      %dma_start3A_373 = arith.constant 0 : i32
      %dma_start3A_374 = tpu.memref_slice %arg2[%dma_start3A_372, %dma_start3A_373] : memref<10000x64xf32, #tpu.memory_space<hbm>> -> memref<10000x64xf32, #tpu.memory_space<hbm>>
      tpu.enqueue_indirect_dma source(%dma_start3A_374 : memref<10000x64xf32, #tpu.memory_space<hbm>>) target(%dma_start3A_371 : memref<128x64xf32, #tpu.memory_space<vmem>>) offsets(%arg23 : memref<128xi32, #tpu.memory_space<vmem>>) semaphore(%arg9 : memref<!tpu.dma_semaphore, #tpu.memory_space<semaphore_mem>>)
      %dma_wait3A_375 = arith.constant 0 : i32
      %dma_wait3A_376 = arith.constant 0 : i32
      %dma_wait3A_377 = arith.constant 0 : i32
      %dma_wait3A_378 = tpu.memref_slice %arg6[%dma_wait3A_375, %dma_wait3A_376, %dma_wait3A_377] : memref<4x128x64xf32, #tpu.memory_space<vmem>> -> memref<1x128x64xf32, #tpu.memory_space<vmem>>
      %dma_wait3A_379 = tpu.memref_squeeze %dma_wait3A_378 : memref<1x128x64xf32, #tpu.memory_space<vmem>> -> memref<128x64xf32, #tpu.memory_space<vmem>>
      %dma_wait3A_380 = arith.constant 0 : i32
      %dma_wait3A_381 = arith.constant 0 : i32
      %dma_wait3A_382 = tpu.memref_slice %arg2[%dma_wait3A_380, %dma_wait3A_381] : memref<10000x64xf32, #tpu.memory_space<hbm>> -> memref<10000x64xf32, #tpu.memory_space<hbm>>
      tpu.wait_indirect_dma semaphore(%arg9 : memref<!tpu.dma_semaphore, #tpu.memory_space<semaphore_mem>>) src(%dma_wait3A_382 : memref<10000x64xf32, #tpu.memory_space<hbm>>) dst(%dma_wait3A_379 : memref<128x64xf32, #tpu.memory_space<vmem>>)
      %dma_wait3A_383 = arith.constant 1 : i32
      %dma_wait3A_384 = arith.constant 0 : i32
      %dma_wait3A_385 = arith.constant 0 : i32
      %dma_wait3A_386 = tpu.memref_slice %arg6[%dma_wait3A_383, %dma_wait3A_384, %dma_wait3A_385] : memref<4x128x64xf32, #tpu.memory_space<vmem>> -> memref<1x128x64xf32, #tpu.memory_space<vmem>>
      %dma_wait3A_387 = tpu.memref_squeeze %dma_wait3A_386 : memref<1x128x64xf32, #tpu.memory_space<vmem>> -> memref<128x64xf32, #tpu.memory_space<vmem>>
      %dma_wait3A_388 = arith.constant 0 : i32
      %dma_wait3A_389 = arith.constant 0 : i32
      %dma_wait3A_390 = tpu.memref_slice %arg2[%dma_wait3A_388, %dma_wait3A_389] : memref<10000x64xf32, #tpu.memory_space<hbm>> -> memref<10000x64xf32, #tpu.memory_space<hbm>>
      tpu.wait_indirect_dma semaphore(%arg9 : memref<!tpu.dma_semaphore, #tpu.memory_space<semaphore_mem>>) src(%dma_wait3A_390 : memref<10000x64xf32, #tpu.memory_space<hbm>>) dst(%dma_wait3A_387 : memref<128x64xf32, #tpu.memory_space<vmem>>)
      %dma_wait3A_391 = arith.constant 2 : i32
      %dma_wait3A_392 = arith.constant 0 : i32
      %dma_wait3A_393 = arith.constant 0 : i32
      %dma_wait3A_394 = tpu.memref_slice %arg6[%dma_wait3A_391, %dma_wait3A_392, %dma_wait3A_393] : memref<4x128x64xf32, #tpu.memory_space<vmem>> -> memref<1x128x64xf32, #tpu.memory_space<vmem>>
      %dma_wait3A_395 = tpu.memref_squeeze %dma_wait3A_394 : memref<1x128x64xf32, #tpu.memory_space<vmem>> -> memref<128x64xf32, #tpu.memory_space<vmem>>
      %dma_wait3A_396 = arith.constant 0 : i32
      %dma_wait3A_397 = arith.constant 0 : i32
      %dma_wait3A_398 = tpu.memref_slice %arg2[%dma_wait3A_396, %dma_wait3A_397] : memref<10000x64xf32, #tpu.memory_space<hbm>> -> memref<10000x64xf32, #tpu.memory_space<hbm>>
      tpu.wait_indirect_dma semaphore(%arg9 : memref<!tpu.dma_semaphore, #tpu.memory_space<semaphore_mem>>) src(%dma_wait3A_398 : memref<10000x64xf32, #tpu.memory_space<hbm>>) dst(%dma_wait3A_395 : memref<128x64xf32, #tpu.memory_space<vmem>>)
      %dma_wait3A_399 = arith.constant 3 : i32
      %dma_wait3A_400 = arith.constant 0 : i32
      %dma_wait3A_401 = arith.constant 0 : i32
      %dma_wait3A_402 = tpu.memref_slice %arg6[%dma_wait3A_399, %dma_wait3A_400, %dma_wait3A_401] : memref<4x128x64xf32, #tpu.memory_space<vmem>> -> memref<1x128x64xf32, #tpu.memory_space<vmem>>
      %dma_wait3A_403 = tpu.memref_squeeze %dma_wait3A_402 : memref<1x128x64xf32, #tpu.memory_space<vmem>> -> memref<128x64xf32, #tpu.memory_space<vmem>>
      %dma_wait3A_404 = arith.constant 0 : i32
      %dma_wait3A_405 = arith.constant 0 : i32
      %dma_wait3A_406 = tpu.memref_slice %arg2[%dma_wait3A_404, %dma_wait3A_405] : memref<10000x64xf32, #tpu.memory_space<hbm>> -> memref<10000x64xf32, #tpu.memory_space<hbm>>
      tpu.wait_indirect_dma semaphore(%arg9 : memref<!tpu.dma_semaphore, #tpu.memory_space<semaphore_mem>>) src(%dma_wait3A_406 : memref<10000x64xf32, #tpu.memory_space<hbm>>) dst(%dma_wait3A_403 : memref<128x64xf32, #tpu.memory_space<vmem>>)
      %dma_start3A_407 = arith.constant 0 : i32
      %dma_start3A_408 = arith.constant 0 : i32
      %dma_start3A_409 = arith.constant 0 : i32
      %dma_start3A_410 = tpu.memref_slice %arg6[%dma_start3A_407, %dma_start3A_408, %dma_start3A_409] : memref<4x128x64xf32, #tpu.memory_space<vmem>> -> memref<1x128x64xf32, #tpu.memory_space<vmem>>
      %dma_start3A_411 = tpu.memref_squeeze %dma_start3A_410 : memref<1x128x64xf32, #tpu.memory_space<vmem>> -> memref<128x64xf32, #tpu.memory_space<vmem>>
      %dma_start3A_412 = arith.constant 0 : i32
      %dma_start3A_413 = arith.constant 0 : i32
      %dma_start3A_414 = tpu.memref_slice %arg8[%dma_start3A_412, %dma_start3A_413] : memref<10240x64xf32, #tpu.memory_space<vmem_shared>> -> memref<10240x64xf32, #tpu.memory_space<vmem_shared>>
      tpu.enqueue_indirect_dma source(%dma_start3A_411 : memref<128x64xf32, #tpu.memory_space<vmem>>) target(%dma_start3A_414 : memref<10240x64xf32, #tpu.memory_space<vmem_shared>>) offsets(%arg12 : memref<128xi32, #tpu.memory_space<vmem>>) semaphore(%arg10 : memref<!tpu.dma_semaphore, #tpu.memory_space<semaphore_mem>>) {add = true}
      %dma_start3A_415 = arith.constant 1 : i32
      %dma_start3A_416 = arith.constant 0 : i32
      %dma_start3A_417 = arith.constant 0 : i32
      %dma_start3A_418 = tpu.memref_slice %arg6[%dma_start3A_415, %dma_start3A_416, %dma_start3A_417] : memref<4x128x64xf32, #tpu.memory_space<vmem>> -> memref<1x128x64xf32, #tpu.memory_space<vmem>>
      %dma_start3A_419 = tpu.memref_squeeze %dma_start3A_418 : memref<1x128x64xf32, #tpu.memory_space<vmem>> -> memref<128x64xf32, #tpu.memory_space<vmem>>
      %dma_start3A_420 = arith.constant 0 : i32
      %dma_start3A_421 = arith.constant 0 : i32
      %dma_start3A_422 = tpu.memref_slice %arg8[%dma_start3A_420, %dma_start3A_421] : memref<10240x64xf32, #tpu.memory_space<vmem_shared>> -> memref<10240x64xf32, #tpu.memory_space<vmem_shared>>
      tpu.enqueue_indirect_dma source(%dma_start3A_419 : memref<128x64xf32, #tpu.memory_space<vmem>>) target(%dma_start3A_422 : memref<10240x64xf32, #tpu.memory_space<vmem_shared>>) offsets(%arg13 : memref<128xi32, #tpu.memory_space<vmem>>) semaphore(%arg10 : memref<!tpu.dma_semaphore, #tpu.memory_space<semaphore_mem>>) {add = true}
      %dma_start3A_423 = arith.constant 2 : i32
      %dma_start3A_424 = arith.constant 0 : i32
      %dma_start3A_425 = arith.constant 0 : i32
      %dma_start3A_426 = tpu.memref_slice %arg6[%dma_start3A_423, %dma_start3A_424, %dma_start3A_425] : memref<4x128x64xf32, #tpu.memory_space<vmem>> -> memref<1x128x64xf32, #tpu.memory_space<vmem>>
      %dma_start3A_427 = tpu.memref_squeeze %dma_start3A_426 : memref<1x128x64xf32, #tpu.memory_space<vmem>> -> memref<128x64xf32, #tpu.memory_space<vmem>>
      %dma_start3A_428 = arith.constant 0 : i32
      %dma_start3A_429 = arith.constant 0 : i32
      %dma_start3A_430 = tpu.memref_slice %arg8[%dma_start3A_428, %dma_start3A_429] : memref<10240x64xf32, #tpu.memory_space<vmem_shared>> -> memref<10240x64xf32, #tpu.memory_space<vmem_shared>>
      tpu.enqueue_indirect_dma source(%dma_start3A_427 : memref<128x64xf32, #tpu.memory_space<vmem>>) target(%dma_start3A_430 : memref<10240x64xf32, #tpu.memory_space<vmem_shared>>) offsets(%arg14 : memref<128xi32, #tpu.memory_space<vmem>>) semaphore(%arg10 : memref<!tpu.dma_semaphore, #tpu.memory_space<semaphore_mem>>) {add = true}
      %dma_start3A_431 = arith.constant 3 : i32
      %dma_start3A_432 = arith.constant 0 : i32
      %dma_start3A_433 = arith.constant 0 : i32
      %dma_start3A_434 = tpu.memref_slice %arg6[%dma_start3A_431, %dma_start3A_432, %dma_start3A_433] : memref<4x128x64xf32, #tpu.memory_space<vmem>> -> memref<1x128x64xf32, #tpu.memory_space<vmem>>
      %dma_start3A_435 = tpu.memref_squeeze %dma_start3A_434 : memref<1x128x64xf32, #tpu.memory_space<vmem>> -> memref<128x64xf32, #tpu.memory_space<vmem>>
      %dma_start3A_436 = arith.constant 0 : i32
      %dma_start3A_437 = arith.constant 0 : i32
      %dma_start3A_438 = tpu.memref_slice %arg8[%dma_start3A_436, %dma_start3A_437] : memref<10240x64xf32, #tpu.memory_space<vmem_shared>> -> memref<10240x64xf32, #tpu.memory_space<vmem_shared>>
      tpu.enqueue_indirect_dma source(%dma_start3A_435 : memref<128x64xf32, #tpu.memory_space<vmem>>) target(%dma_start3A_438 : memref<10240x64xf32, #tpu.memory_space<vmem_shared>>) offsets(%arg15 : memref<128xi32, #tpu.memory_space<vmem>>) semaphore(%arg10 : memref<!tpu.dma_semaphore, #tpu.memory_space<semaphore_mem>>) {add = true}
      %dma_wait3A_439 = arith.constant 0 : i32
      %dma_wait3A_440 = arith.constant 0 : i32
      %dma_wait3A_441 = arith.constant 0 : i32
      %dma_wait3A_442 = tpu.memref_slice %arg6[%dma_wait3A_439, %dma_wait3A_440, %dma_wait3A_441] : memref<4x128x64xf32, #tpu.memory_space<vmem>> -> memref<1x128x64xf32, #tpu.memory_space<vmem>>
      %dma_wait3A_443 = tpu.memref_squeeze %dma_wait3A_442 : memref<1x128x64xf32, #tpu.memory_space<vmem>> -> memref<128x64xf32, #tpu.memory_space<vmem>>
      %dma_wait3A_444 = arith.constant 0 : i32
      %dma_wait3A_445 = arith.constant 0 : i32
      %dma_wait3A_446 = tpu.memref_slice %arg8[%dma_wait3A_444, %dma_wait3A_445] : memref<10240x64xf32, #tpu.memory_space<vmem_shared>> -> memref<10240x64xf32, #tpu.memory_space<vmem_shared>>
      tpu.wait_indirect_dma semaphore(%arg10 : memref<!tpu.dma_semaphore, #tpu.memory_space<semaphore_mem>>) src(%dma_wait3A_443 : memref<128x64xf32, #tpu.memory_space<vmem>>) dst(%dma_wait3A_446 : memref<10240x64xf32, #tpu.memory_space<vmem_shared>>)
      %dma_wait3A_447 = arith.constant 1 : i32
      %dma_wait3A_448 = arith.constant 0 : i32
      %dma_wait3A_449 = arith.constant 0 : i32
      %dma_wait3A_450 = tpu.memref_slice %arg6[%dma_wait3A_447, %dma_wait3A_448, %dma_wait3A_449] : memref<4x128x64xf32, #tpu.memory_space<vmem>> -> memref<1x128x64xf32, #tpu.memory_space<vmem>>
      %dma_wait3A_451 = tpu.memref_squeeze %dma_wait3A_450 : memref<1x128x64xf32, #tpu.memory_space<vmem>> -> memref<128x64xf32, #tpu.memory_space<vmem>>
      %dma_wait3A_452 = arith.constant 0 : i32
      %dma_wait3A_453 = arith.constant 0 : i32
      %dma_wait3A_454 = tpu.memref_slice %arg8[%dma_wait3A_452, %dma_wait3A_453] : memref<10240x64xf32, #tpu.memory_space<vmem_shared>> -> memref<10240x64xf32, #tpu.memory_space<vmem_shared>>
      tpu.wait_indirect_dma semaphore(%arg10 : memref<!tpu.dma_semaphore, #tpu.memory_space<semaphore_mem>>) src(%dma_wait3A_451 : memref<128x64xf32, #tpu.memory_space<vmem>>) dst(%dma_wait3A_454 : memref<10240x64xf32, #tpu.memory_space<vmem_shared>>)
      %dma_wait3A_455 = arith.constant 2 : i32
      %dma_wait3A_456 = arith.constant 0 : i32
      %dma_wait3A_457 = arith.constant 0 : i32
      %dma_wait3A_458 = tpu.memref_slice %arg6[%dma_wait3A_455, %dma_wait3A_456, %dma_wait3A_457] : memref<4x128x64xf32, #tpu.memory_space<vmem>> -> memref<1x128x64xf32, #tpu.memory_space<vmem>>
      %dma_wait3A_459 = tpu.memref_squeeze %dma_wait3A_458 : memref<1x128x64xf32, #tpu.memory_space<vmem>> -> memref<128x64xf32, #tpu.memory_space<vmem>>
      %dma_wait3A_460 = arith.constant 0 : i32
      %dma_wait3A_461 = arith.constant 0 : i32
      %dma_wait3A_462 = tpu.memref_slice %arg8[%dma_wait3A_460, %dma_wait3A_461] : memref<10240x64xf32, #tpu.memory_space<vmem_shared>> -> memref<10240x64xf32, #tpu.memory_space<vmem_shared>>
      tpu.wait_indirect_dma semaphore(%arg10 : memref<!tpu.dma_semaphore, #tpu.memory_space<semaphore_mem>>) src(%dma_wait3A_459 : memref<128x64xf32, #tpu.memory_space<vmem>>) dst(%dma_wait3A_462 : memref<10240x64xf32, #tpu.memory_space<vmem_shared>>)
      %dma_wait3A_463 = arith.constant 3 : i32
      %dma_wait3A_464 = arith.constant 0 : i32
      %dma_wait3A_465 = arith.constant 0 : i32
      %dma_wait3A_466 = tpu.memref_slice %arg6[%dma_wait3A_463, %dma_wait3A_464, %dma_wait3A_465] : memref<4x128x64xf32, #tpu.memory_space<vmem>> -> memref<1x128x64xf32, #tpu.memory_space<vmem>>
      %dma_wait3A_467 = tpu.memref_squeeze %dma_wait3A_466 : memref<1x128x64xf32, #tpu.memory_space<vmem>> -> memref<128x64xf32, #tpu.memory_space<vmem>>
      %dma_wait3A_468 = arith.constant 0 : i32
      %dma_wait3A_469 = arith.constant 0 : i32
      %dma_wait3A_470 = tpu.memref_slice %arg8[%dma_wait3A_468, %dma_wait3A_469] : memref<10240x64xf32, #tpu.memory_space<vmem_shared>> -> memref<10240x64xf32, #tpu.memory_space<vmem_shared>>
      tpu.wait_indirect_dma semaphore(%arg10 : memref<!tpu.dma_semaphore, #tpu.memory_space<semaphore_mem>>) src(%dma_wait3A_467 : memref<128x64xf32, #tpu.memory_space<vmem>>) dst(%dma_wait3A_470 : memref<10240x64xf32, #tpu.memory_space<vmem_shared>>)
      %dma_wait3A_471 = tpu.memref_slice %arg3[%mul3A_263] : memref<327680xi32, #tpu.memory_space<hbm>> -> memref<128xi32, #tpu.memory_space<hbm>>
      %dma_wait3A_472 = tpu.memref_slice %arg3[%mul3A_263] : memref<327680xi32, #tpu.memory_space<hbm>> -> memref<128xi32, #tpu.memory_space<hbm>>
      tpu.wait_dma2 semaphore(%arg11 : memref<!tpu.dma_semaphore, #tpu.memory_space<semaphore_mem>>) src(%dma_wait3A_472 : memref<128xi32, #tpu.memory_space<hbm>>) dst(%arg24 : memref<128xi32, #tpu.memory_space<vmem>>)
      %dma_wait3A_473 = tpu.memref_slice %arg4[%mul3A_274] : memref<327680xi32, #tpu.memory_space<hbm>> -> memref<128xi32, #tpu.memory_space<hbm>>
      %dma_wait3A_474 = tpu.memref_slice %arg4[%mul3A_274] : memref<327680xi32, #tpu.memory_space<hbm>> -> memref<128xi32, #tpu.memory_space<hbm>>
      tpu.wait_dma2 semaphore(%arg11 : memref<!tpu.dma_semaphore, #tpu.memory_space<semaphore_mem>>) src(%dma_wait3A_474 : memref<128xi32, #tpu.memory_space<hbm>>) dst(%arg16 : memref<128xi32, #tpu.memory_space<vmem>>)
      %dma_wait3A_475 = tpu.memref_slice %arg3[%mul3A_285] : memref<327680xi32, #tpu.memory_space<hbm>> -> memref<128xi32, #tpu.memory_space<hbm>>
      %dma_wait3A_476 = tpu.memref_slice %arg3[%mul3A_285] : memref<327680xi32, #tpu.memory_space<hbm>> -> memref<128xi32, #tpu.memory_space<hbm>>
      tpu.wait_dma2 semaphore(%arg11 : memref<!tpu.dma_semaphore, #tpu.memory_space<semaphore_mem>>) src(%dma_wait3A_476 : memref<128xi32, #tpu.memory_space<hbm>>) dst(%arg25 : memref<128xi32, #tpu.memory_space<vmem>>)
      %dma_wait3A_477 = tpu.memref_slice %arg4[%mul3A_296] : memref<327680xi32, #tpu.memory_space<hbm>> -> memref<128xi32, #tpu.memory_space<hbm>>
      %dma_wait3A_478 = tpu.memref_slice %arg4[%mul3A_296] : memref<327680xi32, #tpu.memory_space<hbm>> -> memref<128xi32, #tpu.memory_space<hbm>>
      tpu.wait_dma2 semaphore(%arg11 : memref<!tpu.dma_semaphore, #tpu.memory_space<semaphore_mem>>) src(%dma_wait3A_478 : memref<128xi32, #tpu.memory_space<hbm>>) dst(%arg17 : memref<128xi32, #tpu.memory_space<vmem>>)
      %dma_wait3A_479 = tpu.memref_slice %arg3[%mul3A_307] : memref<327680xi32, #tpu.memory_space<hbm>> -> memref<128xi32, #tpu.memory_space<hbm>>
      %dma_wait3A_480 = tpu.memref_slice %arg3[%mul3A_307] : memref<327680xi32, #tpu.memory_space<hbm>> -> memref<128xi32, #tpu.memory_space<hbm>>
      tpu.wait_dma2 semaphore(%arg11 : memref<!tpu.dma_semaphore, #tpu.memory_space<semaphore_mem>>) src(%dma_wait3A_480 : memref<128xi32, #tpu.memory_space<hbm>>) dst(%arg26 : memref<128xi32, #tpu.memory_space<vmem>>)
      %dma_wait3A_481 = tpu.memref_slice %arg4[%mul3A_318] : memref<327680xi32, #tpu.memory_space<hbm>> -> memref<128xi32, #tpu.memory_space<hbm>>
      %dma_wait3A_482 = tpu.memref_slice %arg4[%mul3A_318] : memref<327680xi32, #tpu.memory_space<hbm>> -> memref<128xi32, #tpu.memory_space<hbm>>
      tpu.wait_dma2 semaphore(%arg11 : memref<!tpu.dma_semaphore, #tpu.memory_space<semaphore_mem>>) src(%dma_wait3A_482 : memref<128xi32, #tpu.memory_space<hbm>>) dst(%arg18 : memref<128xi32, #tpu.memory_space<vmem>>)
      %dma_wait3A_483 = tpu.memref_slice %arg3[%mul3A_329] : memref<327680xi32, #tpu.memory_space<hbm>> -> memref<128xi32, #tpu.memory_space<hbm>>
      %dma_wait3A_484 = tpu.memref_slice %arg3[%mul3A_329] : memref<327680xi32, #tpu.memory_space<hbm>> -> memref<128xi32, #tpu.memory_space<hbm>>
      tpu.wait_dma2 semaphore(%arg11 : memref<!tpu.dma_semaphore, #tpu.memory_space<semaphore_mem>>) src(%dma_wait3A_484 : memref<128xi32, #tpu.memory_space<hbm>>) dst(%arg27 : memref<128xi32, #tpu.memory_space<vmem>>)
      %dma_wait3A_485 = tpu.memref_slice %arg4[%mul3A_340] : memref<327680xi32, #tpu.memory_space<hbm>> -> memref<128xi32, #tpu.memory_space<hbm>>
      %dma_wait3A_486 = tpu.memref_slice %arg4[%mul3A_340] : memref<327680xi32, #tpu.memory_space<hbm>> -> memref<128xi32, #tpu.memory_space<hbm>>
      tpu.wait_dma2 semaphore(%arg11 : memref<!tpu.dma_semaphore, #tpu.memory_space<semaphore_mem>>) src(%dma_wait3A_486 : memref<128xi32, #tpu.memory_space<hbm>>) dst(%arg19 : memref<128xi32, #tpu.memory_space<vmem>>)
      %add3A_487 = arith.constant 1 : i32
      %add3A_488 = arith.addi %add3A_253, %add3A_487 : i32
      %min3A_489 = arith.minsi %add3A_488, %sub3A_10 : i32
      %mul3A_490 = arith.constant 4 : i32
      %mul3A_491 = arith.muli %min3A_489, %mul3A_490 : i32
      %add3A_492 = arith.addi %select_n3A, %mul3A_491 : i32
      %add3A_493 = arith.constant 0 : i32
      %add3A_494 = arith.addi %add3A_492, %add3A_493 : i32
      %min3A_495 = arith.constant 2559 : i32
      %min3A_496 = arith.minsi %add3A_494, %min3A_495 : i32
      %mul3A_497 = arith.constant 128 : i32
      %mul3A_498 = arith.muli %min3A_496, %mul3A_497 : i32
      %dma_start3A_499 = tpu.memref_slice %arg3[%mul3A_498] : memref<327680xi32, #tpu.memory_space<hbm>> -> memref<128xi32, #tpu.memory_space<hbm>>
      %dma_start3A_500 = tpu.memref_slice %arg3[%mul3A_498] : memref<327680xi32, #tpu.memory_space<hbm>> -> memref<128xi32, #tpu.memory_space<hbm>>
      tpu.enqueue_dma source(%dma_start3A_500 : memref<128xi32, #tpu.memory_space<hbm>>) target(%arg20 : memref<128xi32, #tpu.memory_space<vmem>>) target_semaphore(%arg11 : memref<!tpu.dma_semaphore, #tpu.memory_space<semaphore_mem>>)
      %mul3A_501 = arith.constant 4 : i32
      %mul3A_502 = arith.muli %min3A_489, %mul3A_501 : i32
      %add3A_503 = arith.addi %select_n3A, %mul3A_502 : i32
      %add3A_504 = arith.constant 0 : i32
      %add3A_505 = arith.addi %add3A_503, %add3A_504 : i32
      %min3A_506 = arith.constant 2559 : i32
      %min3A_507 = arith.minsi %add3A_505, %min3A_506 : i32
      %mul3A_508 = arith.constant 128 : i32
      %mul3A_509 = arith.muli %min3A_507, %mul3A_508 : i32
      %dma_start3A_510 = tpu.memref_slice %arg4[%mul3A_509] : memref<327680xi32, #tpu.memory_space<hbm>> -> memref<128xi32, #tpu.memory_space<hbm>>
      %dma_start3A_511 = tpu.memref_slice %arg4[%mul3A_509] : memref<327680xi32, #tpu.memory_space<hbm>> -> memref<128xi32, #tpu.memory_space<hbm>>
      tpu.enqueue_dma source(%dma_start3A_511 : memref<128xi32, #tpu.memory_space<hbm>>) target(%arg12 : memref<128xi32, #tpu.memory_space<vmem>>) target_semaphore(%arg11 : memref<!tpu.dma_semaphore, #tpu.memory_space<semaphore_mem>>)
      %mul3A_512 = arith.constant 4 : i32
      %mul3A_513 = arith.muli %min3A_489, %mul3A_512 : i32
      %add3A_514 = arith.addi %select_n3A, %mul3A_513 : i32
      %add3A_515 = arith.constant 1 : i32
      %add3A_516 = arith.addi %add3A_514, %add3A_515 : i32
      %min3A_517 = arith.constant 2559 : i32
      %min3A_518 = arith.minsi %add3A_516, %min3A_517 : i32
      %mul3A_519 = arith.constant 128 : i32
      %mul3A_520 = arith.muli %min3A_518, %mul3A_519 : i32
      %dma_start3A_521 = tpu.memref_slice %arg3[%mul3A_520] : memref<327680xi32, #tpu.memory_space<hbm>> -> memref<128xi32, #tpu.memory_space<hbm>>
      %dma_start3A_522 = tpu.memref_slice %arg3[%mul3A_520] : memref<327680xi32, #tpu.memory_space<hbm>> -> memref<128xi32, #tpu.memory_space<hbm>>
      tpu.enqueue_dma source(%dma_start3A_522 : memref<128xi32, #tpu.memory_space<hbm>>) target(%arg21 : memref<128xi32, #tpu.memory_space<vmem>>) target_semaphore(%arg11 : memref<!tpu.dma_semaphore, #tpu.memory_space<semaphore_mem>>)
      %mul3A_523 = arith.constant 4 : i32
      %mul3A_524 = arith.muli %min3A_489, %mul3A_523 : i32
      %add3A_525 = arith.addi %select_n3A, %mul3A_524 : i32
      %add3A_526 = arith.constant 1 : i32
      %add3A_527 = arith.addi %add3A_525, %add3A_526 : i32
      %min3A_528 = arith.constant 2559 : i32
      %min3A_529 = arith.minsi %add3A_527, %min3A_528 : i32
      %mul3A_530 = arith.constant 128 : i32
      %mul3A_531 = arith.muli %min3A_529, %mul3A_530 : i32
      %dma_start3A_532 = tpu.memref_slice %arg4[%mul3A_531] : memref<327680xi32, #tpu.memory_space<hbm>> -> memref<128xi32, #tpu.memory_space<hbm>>
      %dma_start3A_533 = tpu.memref_slice %arg4[%mul3A_531] : memref<327680xi32, #tpu.memory_space<hbm>> -> memref<128xi32, #tpu.memory_space<hbm>>
      tpu.enqueue_dma source(%dma_start3A_533 : memref<128xi32, #tpu.memory_space<hbm>>) target(%arg13 : memref<128xi32, #tpu.memory_space<vmem>>) target_semaphore(%arg11 : memref<!tpu.dma_semaphore, #tpu.memory_space<semaphore_mem>>)
      %mul3A_534 = arith.constant 4 : i32
      %mul3A_535 = arith.muli %min3A_489, %mul3A_534 : i32
      %add3A_536 = arith.addi %select_n3A, %mul3A_535 : i32
      %add3A_537 = arith.constant 2 : i32
      %add3A_538 = arith.addi %add3A_536, %add3A_537 : i32
      %min3A_539 = arith.constant 2559 : i32
      %min3A_540 = arith.minsi %add3A_538, %min3A_539 : i32
      %mul3A_541 = arith.constant 128 : i32
      %mul3A_542 = arith.muli %min3A_540, %mul3A_541 : i32
      %dma_start3A_543 = tpu.memref_slice %arg3[%mul3A_542] : memref<327680xi32, #tpu.memory_space<hbm>> -> memref<128xi32, #tpu.memory_space<hbm>>
      %dma_start3A_544 = tpu.memref_slice %arg3[%mul3A_542] : memref<327680xi32, #tpu.memory_space<hbm>> -> memref<128xi32, #tpu.memory_space<hbm>>
      tpu.enqueue_dma source(%dma_start3A_544 : memref<128xi32, #tpu.memory_space<hbm>>) target(%arg22 : memref<128xi32, #tpu.memory_space<vmem>>) target_semaphore(%arg11 : memref<!tpu.dma_semaphore, #tpu.memory_space<semaphore_mem>>)
      %mul3A_545 = arith.constant 4 : i32
      %mul3A_546 = arith.muli %min3A_489, %mul3A_545 : i32
      %add3A_547 = arith.addi %select_n3A, %mul3A_546 : i32
      %add3A_548 = arith.constant 2 : i32
      %add3A_549 = arith.addi %add3A_547, %add3A_548 : i32
      %min3A_550 = arith.constant 2559 : i32
      %min3A_551 = arith.minsi %add3A_549, %min3A_550 : i32
      %mul3A_552 = arith.constant 128 : i32
      %mul3A_553 = arith.muli %min3A_551, %mul3A_552 : i32
      %dma_start3A_554 = tpu.memref_slice %arg4[%mul3A_553] : memref<327680xi32, #tpu.memory_space<hbm>> -> memref<128xi32, #tpu.memory_space<hbm>>
      %dma_start3A_555 = tpu.memref_slice %arg4[%mul3A_553] : memref<327680xi32, #tpu.memory_space<hbm>> -> memref<128xi32, #tpu.memory_space<hbm>>
      tpu.enqueue_dma source(%dma_start3A_555 : memref<128xi32, #tpu.memory_space<hbm>>) target(%arg14 : memref<128xi32, #tpu.memory_space<vmem>>) target_semaphore(%arg11 : memref<!tpu.dma_semaphore, #tpu.memory_space<semaphore_mem>>)
      %mul3A_556 = arith.constant 4 : i32
      %mul3A_557 = arith.muli %min3A_489, %mul3A_556 : i32
      %add3A_558 = arith.addi %select_n3A, %mul3A_557 : i32
      %add3A_559 = arith.constant 3 : i32
      %add3A_560 = arith.addi %add3A_558, %add3A_559 : i32
      %min3A_561 = arith.constant 2559 : i32
      %min3A_562 = arith.minsi %add3A_560, %min3A_561 : i32
      %mul3A_563 = arith.constant 128 : i32
      %mul3A_564 = arith.muli %min3A_562, %mul3A_563 : i32
      %dma_start3A_565 = tpu.memref_slice %arg3[%mul3A_564] : memref<327680xi32, #tpu.memory_space<hbm>> -> memref<128xi32, #tpu.memory_space<hbm>>
      %dma_start3A_566 = tpu.memref_slice %arg3[%mul3A_564] : memref<327680xi32, #tpu.memory_space<hbm>> -> memref<128xi32, #tpu.memory_space<hbm>>
      tpu.enqueue_dma source(%dma_start3A_566 : memref<128xi32, #tpu.memory_space<hbm>>) target(%arg23 : memref<128xi32, #tpu.memory_space<vmem>>) target_semaphore(%arg11 : memref<!tpu.dma_semaphore, #tpu.memory_space<semaphore_mem>>)
      %mul3A_567 = arith.constant 4 : i32
      %mul3A_568 = arith.muli %min3A_489, %mul3A_567 : i32
      %add3A_569 = arith.addi %select_n3A, %mul3A_568 : i32
      %add3A_570 = arith.constant 3 : i32
      %add3A_571 = arith.addi %add3A_569, %add3A_570 : i32
      %min3A_572 = arith.constant 2559 : i32
      %min3A_573 = arith.minsi %add3A_571, %min3A_572 : i32
      %mul3A_574 = arith.constant 128 : i32
      %mul3A_575 = arith.muli %min3A_573, %mul3A_574 : i32
      %dma_start3A_576 = tpu.memref_slice %arg4[%mul3A_575] : memref<327680xi32, #tpu.memory_space<hbm>> -> memref<128xi32, #tpu.memory_space<hbm>>
      %dma_start3A_577 = tpu.memref_slice %arg4[%mul3A_575] : memref<327680xi32, #tpu.memory_space<hbm>> -> memref<128xi32, #tpu.memory_space<hbm>>
      tpu.enqueue_dma source(%dma_start3A_577 : memref<128xi32, #tpu.memory_space<hbm>>) target(%arg15 : memref<128xi32, #tpu.memory_space<vmem>>) target_semaphore(%arg11 : memref<!tpu.dma_semaphore, #tpu.memory_space<semaphore_mem>>)
      %dma_start3A_578 = arith.constant 0 : i32
      %dma_start3A_579 = arith.constant 0 : i32
      %dma_start3A_580 = arith.constant 0 : i32
      %dma_start3A_581 = tpu.memref_slice %arg6[%dma_start3A_578, %dma_start3A_579, %dma_start3A_580] : memref<4x128x64xf32, #tpu.memory_space<vmem>> -> memref<1x128x64xf32, #tpu.memory_space<vmem>>
      %dma_start3A_582 = tpu.memref_squeeze %dma_start3A_581 : memref<1x128x64xf32, #tpu.memory_space<vmem>> -> memref<128x64xf32, #tpu.memory_space<vmem>>
      %dma_start3A_583 = arith.constant 0 : i32
      %dma_start3A_584 = arith.constant 0 : i32
      %dma_start3A_585 = tpu.memref_slice %arg2[%dma_start3A_583, %dma_start3A_584] : memref<10000x64xf32, #tpu.memory_space<hbm>> -> memref<10000x64xf32, #tpu.memory_space<hbm>>
      tpu.enqueue_indirect_dma source(%dma_start3A_585 : memref<10000x64xf32, #tpu.memory_space<hbm>>) target(%dma_start3A_582 : memref<128x64xf32, #tpu.memory_space<vmem>>) offsets(%arg24 : memref<128xi32, #tpu.memory_space<vmem>>) semaphore(%arg9 : memref<!tpu.dma_semaphore, #tpu.memory_space<semaphore_mem>>)
      %dma_start3A_586 = arith.constant 1 : i32
      %dma_start3A_587 = arith.constant 0 : i32
      %dma_start3A_588 = arith.constant 0 : i32
      %dma_start3A_589 = tpu.memref_slice %arg6[%dma_start3A_586, %dma_start3A_587, %dma_start3A_588] : memref<4x128x64xf32, #tpu.memory_space<vmem>> -> memref<1x128x64xf32, #tpu.memory_space<vmem>>
      %dma_start3A_590 = tpu.memref_squeeze %dma_start3A_589 : memref<1x128x64xf32, #tpu.memory_space<vmem>> -> memref<128x64xf32, #tpu.memory_space<vmem>>
      %dma_start3A_591 = arith.constant 0 : i32
      %dma_start3A_592 = arith.constant 0 : i32
      %dma_start3A_593 = tpu.memref_slice %arg2[%dma_start3A_591, %dma_start3A_592] : memref<10000x64xf32, #tpu.memory_space<hbm>> -> memref<10000x64xf32, #tpu.memory_space<hbm>>
      tpu.enqueue_indirect_dma source(%dma_start3A_593 : memref<10000x64xf32, #tpu.memory_space<hbm>>) target(%dma_start3A_590 : memref<128x64xf32, #tpu.memory_space<vmem>>) offsets(%arg25 : memref<128xi32, #tpu.memory_space<vmem>>) semaphore(%arg9 : memref<!tpu.dma_semaphore, #tpu.memory_space<semaphore_mem>>)
      %dma_start3A_594 = arith.constant 2 : i32
      %dma_start3A_595 = arith.constant 0 : i32
      %dma_start3A_596 = arith.constant 0 : i32
      %dma_start3A_597 = tpu.memref_slice %arg6[%dma_start3A_594, %dma_start3A_595, %dma_start3A_596] : memref<4x128x64xf32, #tpu.memory_space<vmem>> -> memref<1x128x64xf32, #tpu.memory_space<vmem>>
      %dma_start3A_598 = tpu.memref_squeeze %dma_start3A_597 : memref<1x128x64xf32, #tpu.memory_space<vmem>> -> memref<128x64xf32, #tpu.memory_space<vmem>>
      %dma_start3A_599 = arith.constant 0 : i32
      %dma_start3A_600 = arith.constant 0 : i32
      %dma_start3A_601 = tpu.memref_slice %arg2[%dma_start3A_599, %dma_start3A_600] : memref<10000x64xf32, #tpu.memory_space<hbm>> -> memref<10000x64xf32, #tpu.memory_space<hbm>>
      tpu.enqueue_indirect_dma source(%dma_start3A_601 : memref<10000x64xf32, #tpu.memory_space<hbm>>) target(%dma_start3A_598 : memref<128x64xf32, #tpu.memory_space<vmem>>) offsets(%arg26 : memref<128xi32, #tpu.memory_space<vmem>>) semaphore(%arg9 : memref<!tpu.dma_semaphore, #tpu.memory_space<semaphore_mem>>)
      %dma_start3A_602 = arith.constant 3 : i32
      %dma_start3A_603 = arith.constant 0 : i32
      %dma_start3A_604 = arith.constant 0 : i32
      %dma_start3A_605 = tpu.memref_slice %arg6[%dma_start3A_602, %dma_start3A_603, %dma_start3A_604] : memref<4x128x64xf32, #tpu.memory_space<vmem>> -> memref<1x128x64xf32, #tpu.memory_space<vmem>>
      %dma_start3A_606 = tpu.memref_squeeze %dma_start3A_605 : memref<1x128x64xf32, #tpu.memory_space<vmem>> -> memref<128x64xf32, #tpu.memory_space<vmem>>
      %dma_start3A_607 = arith.constant 0 : i32
      %dma_start3A_608 = arith.constant 0 : i32
      %dma_start3A_609 = tpu.memref_slice %arg2[%dma_start3A_607, %dma_start3A_608] : memref<10000x64xf32, #tpu.memory_space<hbm>> -> memref<10000x64xf32, #tpu.memory_space<hbm>>
      tpu.enqueue_indirect_dma source(%dma_start3A_609 : memref<10000x64xf32, #tpu.memory_space<hbm>>) target(%dma_start3A_606 : memref<128x64xf32, #tpu.memory_space<vmem>>) offsets(%arg27 : memref<128xi32, #tpu.memory_space<vmem>>) semaphore(%arg9 : memref<!tpu.dma_semaphore, #tpu.memory_space<semaphore_mem>>)
      %dma_wait3A_610 = arith.constant 0 : i32
      %dma_wait3A_611 = arith.constant 0 : i32
      %dma_wait3A_612 = arith.constant 0 : i32
      %dma_wait3A_613 = tpu.memref_slice %arg6[%dma_wait3A_610, %dma_wait3A_611, %dma_wait3A_612] : memref<4x128x64xf32, #tpu.memory_space<vmem>> -> memref<1x128x64xf32, #tpu.memory_space<vmem>>
      %dma_wait3A_614 = tpu.memref_squeeze %dma_wait3A_613 : memref<1x128x64xf32, #tpu.memory_space<vmem>> -> memref<128x64xf32, #tpu.memory_space<vmem>>
      %dma_wait3A_615 = arith.constant 0 : i32
      %dma_wait3A_616 = arith.constant 0 : i32
      %dma_wait3A_617 = tpu.memref_slice %arg2[%dma_wait3A_615, %dma_wait3A_616] : memref<10000x64xf32, #tpu.memory_space<hbm>> -> memref<10000x64xf32, #tpu.memory_space<hbm>>
      tpu.wait_indirect_dma semaphore(%arg9 : memref<!tpu.dma_semaphore, #tpu.memory_space<semaphore_mem>>) src(%dma_wait3A_617 : memref<10000x64xf32, #tpu.memory_space<hbm>>) dst(%dma_wait3A_614 : memref<128x64xf32, #tpu.memory_space<vmem>>)
      %dma_wait3A_618 = arith.constant 1 : i32
      %dma_wait3A_619 = arith.constant 0 : i32
      %dma_wait3A_620 = arith.constant 0 : i32
      %dma_wait3A_621 = tpu.memref_slice %arg6[%dma_wait3A_618, %dma_wait3A_619, %dma_wait3A_620] : memref<4x128x64xf32, #tpu.memory_space<vmem>> -> memref<1x128x64xf32, #tpu.memory_space<vmem>>
      %dma_wait3A_622 = tpu.memref_squeeze %dma_wait3A_621 : memref<1x128x64xf32, #tpu.memory_space<vmem>> -> memref<128x64xf32, #tpu.memory_space<vmem>>
      %dma_wait3A_623 = arith.constant 0 : i32
      %dma_wait3A_624 = arith.constant 0 : i32
      %dma_wait3A_625 = tpu.memref_slice %arg2[%dma_wait3A_623, %dma_wait3A_624] : memref<10000x64xf32, #tpu.memory_space<hbm>> -> memref<10000x64xf32, #tpu.memory_space<hbm>>
      tpu.wait_indirect_dma semaphore(%arg9 : memref<!tpu.dma_semaphore, #tpu.memory_space<semaphore_mem>>) src(%dma_wait3A_625 : memref<10000x64xf32, #tpu.memory_space<hbm>>) dst(%dma_wait3A_622 : memref<128x64xf32, #tpu.memory_space<vmem>>)
      %dma_wait3A_626 = arith.constant 2 : i32
      %dma_wait3A_627 = arith.constant 0 : i32
      %dma_wait3A_628 = arith.constant 0 : i32
      %dma_wait3A_629 = tpu.memref_slice %arg6[%dma_wait3A_626, %dma_wait3A_627, %dma_wait3A_628] : memref<4x128x64xf32, #tpu.memory_space<vmem>> -> memref<1x128x64xf32, #tpu.memory_space<vmem>>
      %dma_wait3A_630 = tpu.memref_squeeze %dma_wait3A_629 : memref<1x128x64xf32, #tpu.memory_space<vmem>> -> memref<128x64xf32, #tpu.memory_space<vmem>>
      %dma_wait3A_631 = arith.constant 0 : i32
      %dma_wait3A_632 = arith.constant 0 : i32
      %dma_wait3A_633 = tpu.memref_slice %arg2[%dma_wait3A_631, %dma_wait3A_632] : memref<10000x64xf32, #tpu.memory_space<hbm>> -> memref<10000x64xf32, #tpu.memory_space<hbm>>
      tpu.wait_indirect_dma semaphore(%arg9 : memref<!tpu.dma_semaphore, #tpu.memory_space<semaphore_mem>>) src(%dma_wait3A_633 : memref<10000x64xf32, #tpu.memory_space<hbm>>) dst(%dma_wait3A_630 : memref<128x64xf32, #tpu.memory_space<vmem>>)
      %dma_wait3A_634 = arith.constant 3 : i32
      %dma_wait3A_635 = arith.constant 0 : i32
      %dma_wait3A_636 = arith.constant 0 : i32
      %dma_wait3A_637 = tpu.memref_slice %arg6[%dma_wait3A_634, %dma_wait3A_635, %dma_wait3A_636] : memref<4x128x64xf32, #tpu.memory_space<vmem>> -> memref<1x128x64xf32, #tpu.memory_space<vmem>>
      %dma_wait3A_638 = tpu.memref_squeeze %dma_wait3A_637 : memref<1x128x64xf32, #tpu.memory_space<vmem>> -> memref<128x64xf32, #tpu.memory_space<vmem>>
      %dma_wait3A_639 = arith.constant 0 : i32
      %dma_wait3A_640 = arith.constant 0 : i32
      %dma_wait3A_641 = tpu.memref_slice %arg2[%dma_wait3A_639, %dma_wait3A_640] : memref<10000x64xf32, #tpu.memory_space<hbm>> -> memref<10000x64xf32, #tpu.memory_space<hbm>>
      tpu.wait_indirect_dma semaphore(%arg9 : memref<!tpu.dma_semaphore, #tpu.memory_space<semaphore_mem>>) src(%dma_wait3A_641 : memref<10000x64xf32, #tpu.memory_space<hbm>>) dst(%dma_wait3A_638 : memref<128x64xf32, #tpu.memory_space<vmem>>)
      %dma_start3A_642 = arith.constant 0 : i32
      %dma_start3A_643 = arith.constant 0 : i32
      %dma_start3A_644 = arith.constant 0 : i32
      %dma_start3A_645 = tpu.memref_slice %arg6[%dma_start3A_642, %dma_start3A_643, %dma_start3A_644] : memref<4x128x64xf32, #tpu.memory_space<vmem>> -> memref<1x128x64xf32, #tpu.memory_space<vmem>>
      %dma_start3A_646 = tpu.memref_squeeze %dma_start3A_645 : memref<1x128x64xf32, #tpu.memory_space<vmem>> -> memref<128x64xf32, #tpu.memory_space<vmem>>
      %dma_start3A_647 = arith.constant 0 : i32
      %dma_start3A_648 = arith.constant 0 : i32
      %dma_start3A_649 = tpu.memref_slice %arg8[%dma_start3A_647, %dma_start3A_648] : memref<10240x64xf32, #tpu.memory_space<vmem_shared>> -> memref<10240x64xf32, #tpu.memory_space<vmem_shared>>
      tpu.enqueue_indirect_dma source(%dma_start3A_646 : memref<128x64xf32, #tpu.memory_space<vmem>>) target(%dma_start3A_649 : memref<10240x64xf32, #tpu.memory_space<vmem_shared>>) offsets(%arg16 : memref<128xi32, #tpu.memory_space<vmem>>) semaphore(%arg10 : memref<!tpu.dma_semaphore, #tpu.memory_space<semaphore_mem>>) {add = true}
      %dma_start3A_650 = arith.constant 1 : i32
      %dma_start3A_651 = arith.constant 0 : i32
      %dma_start3A_652 = arith.constant 0 : i32
      %dma_start3A_653 = tpu.memref_slice %arg6[%dma_start3A_650, %dma_start3A_651, %dma_start3A_652] : memref<4x128x64xf32, #tpu.memory_space<vmem>> -> memref<1x128x64xf32, #tpu.memory_space<vmem>>
      %dma_start3A_654 = tpu.memref_squeeze %dma_start3A_653 : memref<1x128x64xf32, #tpu.memory_space<vmem>> -> memref<128x64xf32, #tpu.memory_space<vmem>>
      %dma_start3A_655 = arith.constant 0 : i32
      %dma_start3A_656 = arith.constant 0 : i32
      %dma_start3A_657 = tpu.memref_slice %arg8[%dma_start3A_655, %dma_start3A_656] : memref<10240x64xf32, #tpu.memory_space<vmem_shared>> -> memref<10240x64xf32, #tpu.memory_space<vmem_shared>>
      tpu.enqueue_indirect_dma source(%dma_start3A_654 : memref<128x64xf32, #tpu.memory_space<vmem>>) target(%dma_start3A_657 : memref<10240x64xf32, #tpu.memory_space<vmem_shared>>) offsets(%arg17 : memref<128xi32, #tpu.memory_space<vmem>>) semaphore(%arg10 : memref<!tpu.dma_semaphore, #tpu.memory_space<semaphore_mem>>) {add = true}
      %dma_start3A_658 = arith.constant 2 : i32
      %dma_start3A_659 = arith.constant 0 : i32
      %dma_start3A_660 = arith.constant 0 : i32
      %dma_start3A_661 = tpu.memref_slice %arg6[%dma_start3A_658, %dma_start3A_659, %dma_start3A_660] : memref<4x128x64xf32, #tpu.memory_space<vmem>> -> memref<1x128x64xf32, #tpu.memory_space<vmem>>
      %dma_start3A_662 = tpu.memref_squeeze %dma_start3A_661 : memref<1x128x64xf32, #tpu.memory_space<vmem>> -> memref<128x64xf32, #tpu.memory_space<vmem>>
      %dma_start3A_663 = arith.constant 0 : i32
      %dma_start3A_664 = arith.constant 0 : i32
      %dma_start3A_665 = tpu.memref_slice %arg8[%dma_start3A_663, %dma_start3A_664] : memref<10240x64xf32, #tpu.memory_space<vmem_shared>> -> memref<10240x64xf32, #tpu.memory_space<vmem_shared>>
      tpu.enqueue_indirect_dma source(%dma_start3A_662 : memref<128x64xf32, #tpu.memory_space<vmem>>) target(%dma_start3A_665 : memref<10240x64xf32, #tpu.memory_space<vmem_shared>>) offsets(%arg18 : memref<128xi32, #tpu.memory_space<vmem>>) semaphore(%arg10 : memref<!tpu.dma_semaphore, #tpu.memory_space<semaphore_mem>>) {add = true}
      %dma_start3A_666 = arith.constant 3 : i32
      %dma_start3A_667 = arith.constant 0 : i32
      %dma_start3A_668 = arith.constant 0 : i32
      %dma_start3A_669 = tpu.memref_slice %arg6[%dma_start3A_666, %dma_start3A_667, %dma_start3A_668] : memref<4x128x64xf32, #tpu.memory_space<vmem>> -> memref<1x128x64xf32, #tpu.memory_space<vmem>>
      %dma_start3A_670 = tpu.memref_squeeze %dma_start3A_669 : memref<1x128x64xf32, #tpu.memory_space<vmem>> -> memref<128x64xf32, #tpu.memory_space<vmem>>
      %dma_start3A_671 = arith.constant 0 : i32
      %dma_start3A_672 = arith.constant 0 : i32
      %dma_start3A_673 = tpu.memref_slice %arg8[%dma_start3A_671, %dma_start3A_672] : memref<10240x64xf32, #tpu.memory_space<vmem_shared>> -> memref<10240x64xf32, #tpu.memory_space<vmem_shared>>
      tpu.enqueue_indirect_dma source(%dma_start3A_670 : memref<128x64xf32, #tpu.memory_space<vmem>>) target(%dma_start3A_673 : memref<10240x64xf32, #tpu.memory_space<vmem_shared>>) offsets(%arg19 : memref<128xi32, #tpu.memory_space<vmem>>) semaphore(%arg10 : memref<!tpu.dma_semaphore, #tpu.memory_space<semaphore_mem>>) {add = true}
      %dma_wait3A_674 = arith.constant 0 : i32
      %dma_wait3A_675 = arith.constant 0 : i32
      %dma_wait3A_676 = arith.constant 0 : i32
      %dma_wait3A_677 = tpu.memref_slice %arg6[%dma_wait3A_674, %dma_wait3A_675, %dma_wait3A_676] : memref<4x128x64xf32, #tpu.memory_space<vmem>> -> memref<1x128x64xf32, #tpu.memory_space<vmem>>
      %dma_wait3A_678 = tpu.memref_squeeze %dma_wait3A_677 : memref<1x128x64xf32, #tpu.memory_space<vmem>> -> memref<128x64xf32, #tpu.memory_space<vmem>>
      %dma_wait3A_679 = arith.constant 0 : i32
      %dma_wait3A_680 = arith.constant 0 : i32
      %dma_wait3A_681 = tpu.memref_slice %arg8[%dma_wait3A_679, %dma_wait3A_680] : memref<10240x64xf32, #tpu.memory_space<vmem_shared>> -> memref<10240x64xf32, #tpu.memory_space<vmem_shared>>
      tpu.wait_indirect_dma semaphore(%arg10 : memref<!tpu.dma_semaphore, #tpu.memory_space<semaphore_mem>>) src(%dma_wait3A_678 : memref<128x64xf32, #tpu.memory_space<vmem>>) dst(%dma_wait3A_681 : memref<10240x64xf32, #tpu.memory_space<vmem_shared>>)
      %dma_wait3A_682 = arith.constant 1 : i32
      %dma_wait3A_683 = arith.constant 0 : i32
      %dma_wait3A_684 = arith.constant 0 : i32
      %dma_wait3A_685 = tpu.memref_slice %arg6[%dma_wait3A_682, %dma_wait3A_683, %dma_wait3A_684] : memref<4x128x64xf32, #tpu.memory_space<vmem>> -> memref<1x128x64xf32, #tpu.memory_space<vmem>>
      %dma_wait3A_686 = tpu.memref_squeeze %dma_wait3A_685 : memref<1x128x64xf32, #tpu.memory_space<vmem>> -> memref<128x64xf32, #tpu.memory_space<vmem>>
      %dma_wait3A_687 = arith.constant 0 : i32
      %dma_wait3A_688 = arith.constant 0 : i32
      %dma_wait3A_689 = tpu.memref_slice %arg8[%dma_wait3A_687, %dma_wait3A_688] : memref<10240x64xf32, #tpu.memory_space<vmem_shared>> -> memref<10240x64xf32, #tpu.memory_space<vmem_shared>>
      tpu.wait_indirect_dma semaphore(%arg10 : memref<!tpu.dma_semaphore, #tpu.memory_space<semaphore_mem>>) src(%dma_wait3A_686 : memref<128x64xf32, #tpu.memory_space<vmem>>) dst(%dma_wait3A_689 : memref<10240x64xf32, #tpu.memory_space<vmem_shared>>)
      %dma_wait3A_690 = arith.constant 2 : i32
      %dma_wait3A_691 = arith.constant 0 : i32
      %dma_wait3A_692 = arith.constant 0 : i32
      %dma_wait3A_693 = tpu.memref_slice %arg6[%dma_wait3A_690, %dma_wait3A_691, %dma_wait3A_692] : memref<4x128x64xf32, #tpu.memory_space<vmem>> -> memref<1x128x64xf32, #tpu.memory_space<vmem>>
      %dma_wait3A_694 = tpu.memref_squeeze %dma_wait3A_693 : memref<1x128x64xf32, #tpu.memory_space<vmem>> -> memref<128x64xf32, #tpu.memory_space<vmem>>
      %dma_wait3A_695 = arith.constant 0 : i32
      %dma_wait3A_696 = arith.constant 0 : i32
      %dma_wait3A_697 = tpu.memref_slice %arg8[%dma_wait3A_695, %dma_wait3A_696] : memref<10240x64xf32, #tpu.memory_space<vmem_shared>> -> memref<10240x64xf32, #tpu.memory_space<vmem_shared>>
      tpu.wait_indirect_dma semaphore(%arg10 : memref<!tpu.dma_semaphore, #tpu.memory_space<semaphore_mem>>) src(%dma_wait3A_694 : memref<128x64xf32, #tpu.memory_space<vmem>>) dst(%dma_wait3A_697 : memref<10240x64xf32, #tpu.memory_space<vmem_shared>>)
      %dma_wait3A_698 = arith.constant 3 : i32
      %dma_wait3A_699 = arith.constant 0 : i32
      %dma_wait3A_700 = arith.constant 0 : i32
      %dma_wait3A_701 = tpu.memref_slice %arg6[%dma_wait3A_698, %dma_wait3A_699, %dma_wait3A_700] : memref<4x128x64xf32, #tpu.memory_space<vmem>> -> memref<1x128x64xf32, #tpu.memory_space<vmem>>
      %dma_wait3A_702 = tpu.memref_squeeze %dma_wait3A_701 : memref<1x128x64xf32, #tpu.memory_space<vmem>> -> memref<128x64xf32, #tpu.memory_space<vmem>>
      %dma_wait3A_703 = arith.constant 0 : i32
      %dma_wait3A_704 = arith.constant 0 : i32
      %dma_wait3A_705 = tpu.memref_slice %arg8[%dma_wait3A_703, %dma_wait3A_704] : memref<10240x64xf32, #tpu.memory_space<vmem_shared>> -> memref<10240x64xf32, #tpu.memory_space<vmem_shared>>
      tpu.wait_indirect_dma semaphore(%arg10 : memref<!tpu.dma_semaphore, #tpu.memory_space<semaphore_mem>>) src(%dma_wait3A_702 : memref<128x64xf32, #tpu.memory_space<vmem>>) dst(%dma_wait3A_705 : memref<10240x64xf32, #tpu.memory_space<vmem_shared>>)
      %dma_wait3A_706 = tpu.memref_slice %arg3[%mul3A_498] : memref<327680xi32, #tpu.memory_space<hbm>> -> memref<128xi32, #tpu.memory_space<hbm>>
      %dma_wait3A_707 = tpu.memref_slice %arg3[%mul3A_498] : memref<327680xi32, #tpu.memory_space<hbm>> -> memref<128xi32, #tpu.memory_space<hbm>>
      tpu.wait_dma2 semaphore(%arg11 : memref<!tpu.dma_semaphore, #tpu.memory_space<semaphore_mem>>) src(%dma_wait3A_707 : memref<128xi32, #tpu.memory_space<hbm>>) dst(%arg20 : memref<128xi32, #tpu.memory_space<vmem>>)
      %dma_wait3A_708 = tpu.memref_slice %arg4[%mul3A_509] : memref<327680xi32, #tpu.memory_space<hbm>> -> memref<128xi32, #tpu.memory_space<hbm>>
      %dma_wait3A_709 = tpu.memref_slice %arg4[%mul3A_509] : memref<327680xi32, #tpu.memory_space<hbm>> -> memref<128xi32, #tpu.memory_space<hbm>>
      tpu.wait_dma2 semaphore(%arg11 : memref<!tpu.dma_semaphore, #tpu.memory_space<semaphore_mem>>) src(%dma_wait3A_709 : memref<128xi32, #tpu.memory_space<hbm>>) dst(%arg12 : memref<128xi32, #tpu.memory_space<vmem>>)
      %dma_wait3A_710 = tpu.memref_slice %arg3[%mul3A_520] : memref<327680xi32, #tpu.memory_space<hbm>> -> memref<128xi32, #tpu.memory_space<hbm>>
      %dma_wait3A_711 = tpu.memref_slice %arg3[%mul3A_520] : memref<327680xi32, #tpu.memory_space<hbm>> -> memref<128xi32, #tpu.memory_space<hbm>>
      tpu.wait_dma2 semaphore(%arg11 : memref<!tpu.dma_semaphore, #tpu.memory_space<semaphore_mem>>) src(%dma_wait3A_711 : memref<128xi32, #tpu.memory_space<hbm>>) dst(%arg21 : memref<128xi32, #tpu.memory_space<vmem>>)
      %dma_wait3A_712 = tpu.memref_slice %arg4[%mul3A_531] : memref<327680xi32, #tpu.memory_space<hbm>> -> memref<128xi32, #tpu.memory_space<hbm>>
      %dma_wait3A_713 = tpu.memref_slice %arg4[%mul3A_531] : memref<327680xi32, #tpu.memory_space<hbm>> -> memref<128xi32, #tpu.memory_space<hbm>>
      tpu.wait_dma2 semaphore(%arg11 : memref<!tpu.dma_semaphore, #tpu.memory_space<semaphore_mem>>) src(%dma_wait3A_713 : memref<128xi32, #tpu.memory_space<hbm>>) dst(%arg13 : memref<128xi32, #tpu.memory_space<vmem>>)
      %dma_wait3A_714 = tpu.memref_slice %arg3[%mul3A_542] : memref<327680xi32, #tpu.memory_space<hbm>> -> memref<128xi32, #tpu.memory_space<hbm>>
      %dma_wait3A_715 = tpu.memref_slice %arg3[%mul3A_542] : memref<327680xi32, #tpu.memory_space<hbm>> -> memref<128xi32, #tpu.memory_space<hbm>>
      tpu.wait_dma2 semaphore(%arg11 : memref<!tpu.dma_semaphore, #tpu.memory_space<semaphore_mem>>) src(%dma_wait3A_715 : memref<128xi32, #tpu.memory_space<hbm>>) dst(%arg22 : memref<128xi32, #tpu.memory_space<vmem>>)
      %dma_wait3A_716 = tpu.memref_slice %arg4[%mul3A_553] : memref<327680xi32, #tpu.memory_space<hbm>> -> memref<128xi32, #tpu.memory_space<hbm>>
      %dma_wait3A_717 = tpu.memref_slice %arg4[%mul3A_553] : memref<327680xi32, #tpu.memory_space<hbm>> -> memref<128xi32, #tpu.memory_space<hbm>>
      tpu.wait_dma2 semaphore(%arg11 : memref<!tpu.dma_semaphore, #tpu.memory_space<semaphore_mem>>) src(%dma_wait3A_717 : memref<128xi32, #tpu.memory_space<hbm>>) dst(%arg14 : memref<128xi32, #tpu.memory_space<vmem>>)
      %dma_wait3A_718 = tpu.memref_slice %arg3[%mul3A_564] : memref<327680xi32, #tpu.memory_space<hbm>> -> memref<128xi32, #tpu.memory_space<hbm>>
      %dma_wait3A_719 = tpu.memref_slice %arg3[%mul3A_564] : memref<327680xi32, #tpu.memory_space<hbm>> -> memref<128xi32, #tpu.memory_space<hbm>>
      tpu.wait_dma2 semaphore(%arg11 : memref<!tpu.dma_semaphore, #tpu.memory_space<semaphore_mem>>) src(%dma_wait3A_719 : memref<128xi32, #tpu.memory_space<hbm>>) dst(%arg23 : memref<128xi32, #tpu.memory_space<vmem>>)
      %dma_wait3A_720 = tpu.memref_slice %arg4[%mul3A_575] : memref<327680xi32, #tpu.memory_space<hbm>> -> memref<128xi32, #tpu.memory_space<hbm>>
      %dma_wait3A_721 = tpu.memref_slice %arg4[%mul3A_575] : memref<327680xi32, #tpu.memory_space<hbm>> -> memref<128xi32, #tpu.memory_space<hbm>>
      tpu.wait_dma2 semaphore(%arg11 : memref<!tpu.dma_semaphore, #tpu.memory_space<semaphore_mem>>) src(%dma_wait3A_721 : memref<128xi32, #tpu.memory_space<hbm>>) dst(%arg15 : memref<128xi32, #tpu.memory_space<vmem>>)
      %while3A_722 = arith.constant 0 : i32
      scf.yield %while3A_722 : i32
    }
    %while3A_240 = arith.constant 1 : i32
    %while3A_241 = scf.for %while3A_248 = %while3A_237 to %while3A_233 step %while3A_240 iter_args(%while3A_249 = %while3A_239) -> (i32)  : i32 {
      %mul3A_250 = arith.constant 2 : i32
      %mul3A_251 = arith.muli %mul3A_250, %while3A_248 : i32
      %add3A_252 = arith.constant 1 : i32
      %add3A_253 = arith.addi %mul3A_251, %add3A_252 : i32
      %min3A_254 = arith.minsi %add3A_253, %sub3A_10 : i32
      %mul3A_255 = arith.constant 4 : i32
      %mul3A_256 = arith.muli %min3A_254, %mul3A_255 : i32
      %add3A_257 = arith.addi %select_n3A, %mul3A_256 : i32
      %add3A_258 = arith.constant 0 : i32
      %add3A_259 = arith.addi %add3A_257, %add3A_258 : i32
      %min3A_260 = arith.constant 2559 : i32
      %min3A_261 = arith.minsi %add3A_259, %min3A_260 : i32
      %mul3A_262 = arith.constant 128 : i32
      %mul3A_263 = arith.muli %min3A_261, %mul3A_262 : i32
      %dma_start3A_264 = tpu.memref_slice %arg3[%mul3A_263] : memref<327680xi32, #tpu.memory_space<hbm>> -> memref<128xi32, #tpu.memory_space<hbm>>
      %dma_start3A_265 = tpu.memref_slice %arg3[%mul3A_263] : memref<327680xi32, #tpu.memory_space<hbm>> -> memref<128xi32, #tpu.memory_space<hbm>>
      tpu.enqueue_dma source(%dma_start3A_265 : memref<128xi32, #tpu.memory_space<hbm>>) target(%arg24 : memref<128xi32, #tpu.memory_space<vmem>>) target_semaphore(%arg11 : memref<!tpu.dma_semaphore, #tpu.memory_space<semaphore_mem>>)
      %mul3A_266 = arith.constant 4 : i32
      %mul3A_267 = arith.muli %min3A_254, %mul3A_266 : i32
      %add3A_268 = arith.addi %select_n3A, %mul3A_267 : i32
      %add3A_269 = arith.constant 0 : i32
      %add3A_270 = arith.addi %add3A_268, %add3A_269 : i32
      %min3A_271 = arith.constant 2559 : i32
      %min3A_272 = arith.minsi %add3A_270, %min3A_271 : i32
      %mul3A_273 = arith.constant 128 : i32
      %mul3A_274 = arith.muli %min3A_272, %mul3A_273 : i32
      %dma_start3A_275 = tpu.memref_slice %arg4[%mul3A_274] : memref<327680xi32, #tpu.memory_space<hbm>> -> memref<128xi32, #tpu.memory_space<hbm>>
      %dma_start3A_276 = tpu.memref_slice %arg4[%mul3A_274] : memref<327680xi32, #tpu.memory_space<hbm>> -> memref<128xi32, #tpu.memory_space<hbm>>
      tpu.enqueue_dma source(%dma_start3A_276 : memref<128xi32, #tpu.memory_space<hbm>>) target(%arg16 : memref<128xi32, #tpu.memory_space<vmem>>) target_semaphore(%arg11 : memref<!tpu.dma_semaphore, #tpu.memory_space<semaphore_mem>>)
      %mul3A_277 = arith.constant 4 : i32
      %mul3A_278 = arith.muli %min3A_254, %mul3A_277 : i32
      %add3A_279 = arith.addi %select_n3A, %mul3A_278 : i32
      %add3A_280 = arith.constant 1 : i32
      %add3A_281 = arith.addi %add3A_279, %add3A_280 : i32
      %min3A_282 = arith.constant 2559 : i32
      %min3A_283 = arith.minsi %add3A_281, %min3A_282 : i32
      %mul3A_284 = arith.constant 128 : i32
      %mul3A_285 = arith.muli %min3A_283, %mul3A_284 : i32
      %dma_start3A_286 = tpu.memref_slice %arg3[%mul3A_285] : memref<327680xi32, #tpu.memory_space<hbm>> -> memref<128xi32, #tpu.memory_space<hbm>>
      %dma_start3A_287 = tpu.memref_slice %arg3[%mul3A_285] : memref<327680xi32, #tpu.memory_space<hbm>> -> memref<128xi32, #tpu.memory_space<hbm>>
      tpu.enqueue_dma source(%dma_start3A_287 : memref<128xi32, #tpu.memory_space<hbm>>) target(%arg25 : memref<128xi32, #tpu.memory_space<vmem>>) target_semaphore(%arg11 : memref<!tpu.dma_semaphore, #tpu.memory_space<semaphore_mem>>)
      %mul3A_288 = arith.constant 4 : i32
      %mul3A_289 = arith.muli %min3A_254, %mul3A_288 : i32
      %add3A_290 = arith.addi %select_n3A, %mul3A_289 : i32
      %add3A_291 = arith.constant 1 : i32
      %add3A_292 = arith.addi %add3A_290, %add3A_291 : i32
      %min3A_293 = arith.constant 2559 : i32
      %min3A_294 = arith.minsi %add3A_292, %min3A_293 : i32
      %mul3A_295 = arith.constant 128 : i32
      %mul3A_296 = arith.muli %min3A_294, %mul3A_295 : i32
      %dma_start3A_297 = tpu.memref_slice %arg4[%mul3A_296] : memref<327680xi32, #tpu.memory_space<hbm>> -> memref<128xi32, #tpu.memory_space<hbm>>
      %dma_start3A_298 = tpu.memref_slice %arg4[%mul3A_296] : memref<327680xi32, #tpu.memory_space<hbm>> -> memref<128xi32, #tpu.memory_space<hbm>>
      tpu.enqueue_dma source(%dma_start3A_298 : memref<128xi32, #tpu.memory_space<hbm>>) target(%arg17 : memref<128xi32, #tpu.memory_space<vmem>>) target_semaphore(%arg11 : memref<!tpu.dma_semaphore, #tpu.memory_space<semaphore_mem>>)
      %mul3A_299 = arith.constant 4 : i32
      %mul3A_300 = arith.muli %min3A_254, %mul3A_299 : i32
      %add3A_301 = arith.addi %select_n3A, %mul3A_300 : i32
      %add3A_302 = arith.constant 2 : i32
      %add3A_303 = arith.addi %add3A_301, %add3A_302 : i32
      %min3A_304 = arith.constant 2559 : i32
      %min3A_305 = arith.minsi %add3A_303, %min3A_304 : i32
      %mul3A_306 = arith.constant 128 : i32
      %mul3A_307 = arith.muli %min3A_305, %mul3A_306 : i32
      %dma_start3A_308 = tpu.memref_slice %arg3[%mul3A_307] : memref<327680xi32, #tpu.memory_space<hbm>> -> memref<128xi32, #tpu.memory_space<hbm>>
      %dma_start3A_309 = tpu.memref_slice %arg3[%mul3A_307] : memref<327680xi32, #tpu.memory_space<hbm>> -> memref<128xi32, #tpu.memory_space<hbm>>
      tpu.enqueue_dma source(%dma_start3A_309 : memref<128xi32, #tpu.memory_space<hbm>>) target(%arg26 : memref<128xi32, #tpu.memory_space<vmem>>) target_semaphore(%arg11 : memref<!tpu.dma_semaphore, #tpu.memory_space<semaphore_mem>>)
      %mul3A_310 = arith.constant 4 : i32
      %mul3A_311 = arith.muli %min3A_254, %mul3A_310 : i32
      %add3A_312 = arith.addi %select_n3A, %mul3A_311 : i32
      %add3A_313 = arith.constant 2 : i32
      %add3A_314 = arith.addi %add3A_312, %add3A_313 : i32
      %min3A_315 = arith.constant 2559 : i32
      %min3A_316 = arith.minsi %add3A_314, %min3A_315 : i32
      %mul3A_317 = arith.constant 128 : i32
      %mul3A_318 = arith.muli %min3A_316, %mul3A_317 : i32
      %dma_start3A_319 = tpu.memref_slice %arg4[%mul3A_318] : memref<327680xi32, #tpu.memory_space<hbm>> -> memref<128xi32, #tpu.memory_space<hbm>>
      %dma_start3A_320 = tpu.memref_slice %arg4[%mul3A_318] : memref<327680xi32, #tpu.memory_space<hbm>> -> memref<128xi32, #tpu.memory_space<hbm>>
      tpu.enqueue_dma source(%dma_start3A_320 : memref<128xi32, #tpu.memory_space<hbm>>) target(%arg18 : memref<128xi32, #tpu.memory_space<vmem>>) target_semaphore(%arg11 : memref<!tpu.dma_semaphore, #tpu.memory_space<semaphore_mem>>)
      %mul3A_321 = arith.constant 4 : i32
      %mul3A_322 = arith.muli %min3A_254, %mul3A_321 : i32
      %add3A_323 = arith.addi %select_n3A, %mul3A_322 : i32
      %add3A_324 = arith.constant 3 : i32
      %add3A_325 = arith.addi %add3A_323, %add3A_324 : i32
      %min3A_326 = arith.constant 2559 : i32
      %min3A_327 = arith.minsi %add3A_325, %min3A_326 : i32
      %mul3A_328 = arith.constant 128 : i32
      %mul3A_329 = arith.muli %min3A_327, %mul3A_328 : i32
      %dma_start3A_330 = tpu.memref_slice %arg3[%mul3A_329] : memref<327680xi32, #tpu.memory_space<hbm>> -> memref<128xi32, #tpu.memory_space<hbm>>
      %dma_start3A_331 = tpu.memref_slice %arg3[%mul3A_329] : memref<327680xi32, #tpu.memory_space<hbm>> -> memref<128xi32, #tpu.memory_space<hbm>>
      tpu.enqueue_dma source(%dma_start3A_331 : memref<128xi32, #tpu.memory_space<hbm>>) target(%arg27 : memref<128xi32, #tpu.memory_space<vmem>>) target_semaphore(%arg11 : memref<!tpu.dma_semaphore, #tpu.memory_space<semaphore_mem>>)
      %mul3A_332 = arith.constant 4 : i32
      %mul3A_333 = arith.muli %min3A_254, %mul3A_332 : i32
      %add3A_334 = arith.addi %select_n3A, %mul3A_333 : i32
      %add3A_335 = arith.constant 3 : i32
      %add3A_336 = arith.addi %add3A_334, %add3A_335 : i32
      %min3A_337 = arith.constant 2559 : i32
      %min3A_338 = arith.minsi %add3A_336, %min3A_337 : i32
      %mul3A_339 = arith.constant 128 : i32
      %mul3A_340 = arith.muli %min3A_338, %mul3A_339 : i32
      %dma_start3A_341 = tpu.memref_slice %arg4[%mul3A_340] : memref<327680xi32, #tpu.memory_space<hbm>> -> memref<128xi32, #tpu.memory_space<hbm>>
      %dma_start3A_342 = tpu.memref_slice %arg4[%mul3A_340] : memref<327680xi32, #tpu.memory_space<hbm>> -> memref<128xi32, #tpu.memory_space<hbm>>
      tpu.enqueue_dma source(%dma_start3A_342 : memref<128xi32, #tpu.memory_space<hbm>>) target(%arg19 : memref<128xi32, #tpu.memory_space<vmem>>) target_semaphore(%arg11 : memref<!tpu.dma_semaphore, #tpu.memory_space<semaphore_mem>>)
      %dma_start3A_343 = arith.constant 0 : i32
      %dma_start3A_344 = arith.constant 0 : i32
      %dma_start3A_345 = arith.constant 0 : i32
      %dma_start3A_346 = tpu.memref_slice %arg6[%dma_start3A_343, %dma_start3A_344, %dma_start3A_345] : memref<4x128x64xf32, #tpu.memory_space<vmem>> -> memref<1x128x64xf32, #tpu.memory_space<vmem>>
      %dma_start3A_347 = tpu.memref_squeeze %dma_start3A_346 : memref<1x128x64xf32, #tpu.memory_space<vmem>> -> memref<128x64xf32, #tpu.memory_space<vmem>>
      %dma_start3A_348 = arith.constant 0 : i32
      %dma_start3A_349 = arith.constant 0 : i32
      %dma_start3A_350 = tpu.memref_slice %arg2[%dma_start3A_348, %dma_start3A_349] : memref<10000x64xf32, #tpu.memory_space<hbm>> -> memref<10000x64xf32, #tpu.memory_space<hbm>>
      tpu.enqueue_indirect_dma source(%dma_start3A_350 : memref<10000x64xf32, #tpu.memory_space<hbm>>) target(%dma_start3A_347 : memref<128x64xf32, #tpu.memory_space<vmem>>) offsets(%arg20 : memref<128xi32, #tpu.memory_space<vmem>>) semaphore(%arg9 : memref<!tpu.dma_semaphore, #tpu.memory_space<semaphore_mem>>)
      %dma_start3A_351 = arith.constant 1 : i32
      %dma_start3A_352 = arith.constant 0 : i32
      %dma_start3A_353 = arith.constant 0 : i32
      %dma_start3A_354 = tpu.memref_slice %arg6[%dma_start3A_351, %dma_start3A_352, %dma_start3A_353] : memref<4x128x64xf32, #tpu.memory_space<vmem>> -> memref<1x128x64xf32, #tpu.memory_space<vmem>>
      %dma_start3A_355 = tpu.memref_squeeze %dma_start3A_354 : memref<1x128x64xf32, #tpu.memory_space<vmem>> -> memref<128x64xf32, #tpu.memory_space<vmem>>
      %dma_start3A_356 = arith.constant 0 : i32
      %dma_start3A_357 = arith.constant 0 : i32
      %dma_start3A_358 = tpu.memref_slice %arg2[%dma_start3A_356, %dma_start3A_357] : memref<10000x64xf32, #tpu.memory_space<hbm>> -> memref<10000x64xf32, #tpu.memory_space<hbm>>
      tpu.enqueue_indirect_dma source(%dma_start3A_358 : memref<10000x64xf32, #tpu.memory_space<hbm>>) target(%dma_start3A_355 : memref<128x64xf32, #tpu.memory_space<vmem>>) offsets(%arg21 : memref<128xi32, #tpu.memory_space<vmem>>) semaphore(%arg9 : memref<!tpu.dma_semaphore, #tpu.memory_space<semaphore_mem>>)
      %dma_start3A_359 = arith.constant 2 : i32
      %dma_start3A_360 = arith.constant 0 : i32
      %dma_start3A_361 = arith.constant 0 : i32
      %dma_start3A_362 = tpu.memref_slice %arg6[%dma_start3A_359, %dma_start3A_360, %dma_start3A_361] : memref<4x128x64xf32, #tpu.memory_space<vmem>> -> memref<1x128x64xf32, #tpu.memory_space<vmem>>
      %dma_start3A_363 = tpu.memref_squeeze %dma_start3A_362 : memref<1x128x64xf32, #tpu.memory_space<vmem>> -> memref<128x64xf32, #tpu.memory_space<vmem>>
      %dma_start3A_364 = arith.constant 0 : i32
      %dma_start3A_365 = arith.constant 0 : i32
      %dma_start3A_366 = tpu.memref_slice %arg2[%dma_start3A_364, %dma_start3A_365] : memref<10000x64xf32, #tpu.memory_space<hbm>> -> memref<10000x64xf32, #tpu.memory_space<hbm>>
      tpu.enqueue_indirect_dma source(%dma_start3A_366 : memref<10000x64xf32, #tpu.memory_space<hbm>>) target(%dma_start3A_363 : memref<128x64xf32, #tpu.memory_space<vmem>>) offsets(%arg22 : memref<128xi32, #tpu.memory_space<vmem>>) semaphore(%arg9 : memref<!tpu.dma_semaphore, #tpu.memory_space<semaphore_mem>>)
      %dma_start3A_367 = arith.constant 3 : i32
      %dma_start3A_368 = arith.constant 0 : i32
      %dma_start3A_369 = arith.constant 0 : i32
      %dma_start3A_370 = tpu.memref_slice %arg6[%dma_start3A_367, %dma_start3A_368, %dma_start3A_369] : memref<4x128x64xf32, #tpu.memory_space<vmem>> -> memref<1x128x64xf32, #tpu.memory_space<vmem>>
      %dma_start3A_371 = tpu.memref_squeeze %dma_start3A_370 : memref<1x128x64xf32, #tpu.memory_space<vmem>> -> memref<128x64xf32, #tpu.memory_space<vmem>>
      %dma_start3A_372 = arith.constant 0 : i32
      %dma_start3A_373 = arith.constant 0 : i32
      %dma_start3A_374 = tpu.memref_slice %arg2[%dma_start3A_372, %dma_start3A_373] : memref<10000x64xf32, #tpu.memory_space<hbm>> -> memref<10000x64xf32, #tpu.memory_space<hbm>>
      tpu.enqueue_indirect_dma source(%dma_start3A_374 : memref<10000x64xf32, #tpu.memory_space<hbm>>) target(%dma_start3A_371 : memref<128x64xf32, #tpu.memory_space<vmem>>) offsets(%arg23 : memref<128xi32, #tpu.memory_space<vmem>>) semaphore(%arg9 : memref<!tpu.dma_semaphore, #tpu.memory_space<semaphore_mem>>)
      %dma_wait3A_375 = arith.constant 0 : i32
      %dma_wait3A_376 = arith.constant 0 : i32
      %dma_wait3A_377 = arith.constant 0 : i32
      %dma_wait3A_378 = tpu.memref_slice %arg6[%dma_wait3A_375, %dma_wait3A_376, %dma_wait3A_377] : memref<4x128x64xf32, #tpu.memory_space<vmem>> -> memref<1x128x64xf32, #tpu.memory_space<vmem>>
      %dma_wait3A_379 = tpu.memref_squeeze %dma_wait3A_378 : memref<1x128x64xf32, #tpu.memory_space<vmem>> -> memref<128x64xf32, #tpu.memory_space<vmem>>
      %dma_wait3A_380 = arith.constant 0 : i32
      %dma_wait3A_381 = arith.constant 0 : i32
      %dma_wait3A_382 = tpu.memref_slice %arg2[%dma_wait3A_380, %dma_wait3A_381] : memref<10000x64xf32, #tpu.memory_space<hbm>> -> memref<10000x64xf32, #tpu.memory_space<hbm>>
      tpu.wait_indirect_dma semaphore(%arg9 : memref<!tpu.dma_semaphore, #tpu.memory_space<semaphore_mem>>) src(%dma_wait3A_382 : memref<10000x64xf32, #tpu.memory_space<hbm>>) dst(%dma_wait3A_379 : memref<128x64xf32, #tpu.memory_space<vmem>>)
      %dma_wait3A_383 = arith.constant 1 : i32
      %dma_wait3A_384 = arith.constant 0 : i32
      %dma_wait3A_385 = arith.constant 0 : i32
      %dma_wait3A_386 = tpu.memref_slice %arg6[%dma_wait3A_383, %dma_wait3A_384, %dma_wait3A_385] : memref<4x128x64xf32, #tpu.memory_space<vmem>> -> memref<1x128x64xf32, #tpu.memory_space<vmem>>
      %dma_wait3A_387 = tpu.memref_squeeze %dma_wait3A_386 : memref<1x128x64xf32, #tpu.memory_space<vmem>> -> memref<128x64xf32, #tpu.memory_space<vmem>>
      %dma_wait3A_388 = arith.constant 0 : i32
      %dma_wait3A_389 = arith.constant 0 : i32
      %dma_wait3A_390 = tpu.memref_slice %arg2[%dma_wait3A_388, %dma_wait3A_389] : memref<10000x64xf32, #tpu.memory_space<hbm>> -> memref<10000x64xf32, #tpu.memory_space<hbm>>
      tpu.wait_indirect_dma semaphore(%arg9 : memref<!tpu.dma_semaphore, #tpu.memory_space<semaphore_mem>>) src(%dma_wait3A_390 : memref<10000x64xf32, #tpu.memory_space<hbm>>) dst(%dma_wait3A_387 : memref<128x64xf32, #tpu.memory_space<vmem>>)
      %dma_wait3A_391 = arith.constant 2 : i32
      %dma_wait3A_392 = arith.constant 0 : i32
      %dma_wait3A_393 = arith.constant 0 : i32
      %dma_wait3A_394 = tpu.memref_slice %arg6[%dma_wait3A_391, %dma_wait3A_392, %dma_wait3A_393] : memref<4x128x64xf32, #tpu.memory_space<vmem>> -> memref<1x128x64xf32, #tpu.memory_space<vmem>>
      %dma_wait3A_395 = tpu.memref_squeeze %dma_wait3A_394 : memref<1x128x64xf32, #tpu.memory_space<vmem>> -> memref<128x64xf32, #tpu.memory_space<vmem>>
      %dma_wait3A_396 = arith.constant 0 : i32
      %dma_wait3A_397 = arith.constant 0 : i32
      %dma_wait3A_398 = tpu.memref_slice %arg2[%dma_wait3A_396, %dma_wait3A_397] : memref<10000x64xf32, #tpu.memory_space<hbm>> -> memref<10000x64xf32, #tpu.memory_space<hbm>>
      tpu.wait_indirect_dma semaphore(%arg9 : memref<!tpu.dma_semaphore, #tpu.memory_space<semaphore_mem>>) src(%dma_wait3A_398 : memref<10000x64xf32, #tpu.memory_space<hbm>>) dst(%dma_wait3A_395 : memref<128x64xf32, #tpu.memory_space<vmem>>)
      %dma_wait3A_399 = arith.constant 3 : i32
      %dma_wait3A_400 = arith.constant 0 : i32
      %dma_wait3A_401 = arith.constant 0 : i32
      %dma_wait3A_402 = tpu.memref_slice %arg6[%dma_wait3A_399, %dma_wait3A_400, %dma_wait3A_401] : memref<4x128x64xf32, #tpu.memory_space<vmem>> -> memref<1x128x64xf32, #tpu.memory_space<vmem>>
      %dma_wait3A_403 = tpu.memref_squeeze %dma_wait3A_402 : memref<1x128x64xf32, #tpu.memory_space<vmem>> -> memref<128x64xf32, #tpu.memory_space<vmem>>
      %dma_wait3A_404 = arith.constant 0 : i32
      %dma_wait3A_405 = arith.constant 0 : i32
      %dma_wait3A_406 = tpu.memref_slice %arg2[%dma_wait3A_404, %dma_wait3A_405] : memref<10000x64xf32, #tpu.memory_space<hbm>> -> memref<10000x64xf32, #tpu.memory_space<hbm>>
      tpu.wait_indirect_dma semaphore(%arg9 : memref<!tpu.dma_semaphore, #tpu.memory_space<semaphore_mem>>) src(%dma_wait3A_406 : memref<10000x64xf32, #tpu.memory_space<hbm>>) dst(%dma_wait3A_403 : memref<128x64xf32, #tpu.memory_space<vmem>>)
      %dma_start3A_407 = arith.constant 0 : i32
      %dma_start3A_408 = arith.constant 0 : i32
      %dma_start3A_409 = arith.constant 0 : i32
      %dma_start3A_410 = tpu.memref_slice %arg6[%dma_start3A_407, %dma_start3A_408, %dma_start3A_409] : memref<4x128x64xf32, #tpu.memory_space<vmem>> -> memref<1x128x64xf32, #tpu.memory_space<vmem>>
      %dma_start3A_411 = tpu.memref_squeeze %dma_start3A_410 : memref<1x128x64xf32, #tpu.memory_space<vmem>> -> memref<128x64xf32, #tpu.memory_space<vmem>>
      %dma_start3A_412 = arith.constant 0 : i32
      %dma_start3A_413 = arith.constant 0 : i32
      %dma_start3A_414 = tpu.memref_slice %arg8[%dma_start3A_412, %dma_start3A_413] : memref<10240x64xf32, #tpu.memory_space<vmem_shared>> -> memref<10240x64xf32, #tpu.memory_space<vmem_shared>>
      tpu.enqueue_indirect_dma source(%dma_start3A_411 : memref<128x64xf32, #tpu.memory_space<vmem>>) target(%dma_start3A_414 : memref<10240x64xf32, #tpu.memory_space<vmem_shared>>) offsets(%arg12 : memref<128xi32, #tpu.memory_space<vmem>>) semaphore(%arg10 : memref<!tpu.dma_semaphore, #tpu.memory_space<semaphore_mem>>) {add = true}
      %dma_start3A_415 = arith.constant 1 : i32
      %dma_start3A_416 = arith.constant 0 : i32
      %dma_start3A_417 = arith.constant 0 : i32
      %dma_start3A_418 = tpu.memref_slice %arg6[%dma_start3A_415, %dma_start3A_416, %dma_start3A_417] : memref<4x128x64xf32, #tpu.memory_space<vmem>> -> memref<1x128x64xf32, #tpu.memory_space<vmem>>
      %dma_start3A_419 = tpu.memref_squeeze %dma_start3A_418 : memref<1x128x64xf32, #tpu.memory_space<vmem>> -> memref<128x64xf32, #tpu.memory_space<vmem>>
      %dma_start3A_420 = arith.constant 0 : i32
      %dma_start3A_421 = arith.constant 0 : i32
      %dma_start3A_422 = tpu.memref_slice %arg8[%dma_start3A_420, %dma_start3A_421] : memref<10240x64xf32, #tpu.memory_space<vmem_shared>> -> memref<10240x64xf32, #tpu.memory_space<vmem_shared>>
      tpu.enqueue_indirect_dma source(%dma_start3A_419 : memref<128x64xf32, #tpu.memory_space<vmem>>) target(%dma_start3A_422 : memref<10240x64xf32, #tpu.memory_space<vmem_shared>>) offsets(%arg13 : memref<128xi32, #tpu.memory_space<vmem>>) semaphore(%arg10 : memref<!tpu.dma_semaphore, #tpu.memory_space<semaphore_mem>>) {add = true}
      %dma_start3A_423 = arith.constant 2 : i32
      %dma_start3A_424 = arith.constant 0 : i32
      %dma_start3A_425 = arith.constant 0 : i32
      %dma_start3A_426 = tpu.memref_slice %arg6[%dma_start3A_423, %dma_start3A_424, %dma_start3A_425] : memref<4x128x64xf32, #tpu.memory_space<vmem>> -> memref<1x128x64xf32, #tpu.memory_space<vmem>>
      %dma_start3A_427 = tpu.memref_squeeze %dma_start3A_426 : memref<1x128x64xf32, #tpu.memory_space<vmem>> -> memref<128x64xf32, #tpu.memory_space<vmem>>
      %dma_start3A_428 = arith.constant 0 : i32
      %dma_start3A_429 = arith.constant 0 : i32
      %dma_start3A_430 = tpu.memref_slice %arg8[%dma_start3A_428, %dma_start3A_429] : memref<10240x64xf32, #tpu.memory_space<vmem_shared>> -> memref<10240x64xf32, #tpu.memory_space<vmem_shared>>
      tpu.enqueue_indirect_dma source(%dma_start3A_427 : memref<128x64xf32, #tpu.memory_space<vmem>>) target(%dma_start3A_430 : memref<10240x64xf32, #tpu.memory_space<vmem_shared>>) offsets(%arg14 : memref<128xi32, #tpu.memory_space<vmem>>) semaphore(%arg10 : memref<!tpu.dma_semaphore, #tpu.memory_space<semaphore_mem>>) {add = true}
      %dma_start3A_431 = arith.constant 3 : i32
      %dma_start3A_432 = arith.constant 0 : i32
      %dma_start3A_433 = arith.constant 0 : i32
      %dma_start3A_434 = tpu.memref_slice %arg6[%dma_start3A_431, %dma_start3A_432, %dma_start3A_433] : memref<4x128x64xf32, #tpu.memory_space<vmem>> -> memref<1x128x64xf32, #tpu.memory_space<vmem>>
      %dma_start3A_435 = tpu.memref_squeeze %dma_start3A_434 : memref<1x128x64xf32, #tpu.memory_space<vmem>> -> memref<128x64xf32, #tpu.memory_space<vmem>>
      %dma_start3A_436 = arith.constant 0 : i32
      %dma_start3A_437 = arith.constant 0 : i32
      %dma_start3A_438 = tpu.memref_slice %arg8[%dma_start3A_436, %dma_start3A_437] : memref<10240x64xf32, #tpu.memory_space<vmem_shared>> -> memref<10240x64xf32, #tpu.memory_space<vmem_shared>>
      tpu.enqueue_indirect_dma source(%dma_start3A_435 : memref<128x64xf32, #tpu.memory_space<vmem>>) target(%dma_start3A_438 : memref<10240x64xf32, #tpu.memory_space<vmem_shared>>) offsets(%arg15 : memref<128xi32, #tpu.memory_space<vmem>>) semaphore(%arg10 : memref<!tpu.dma_semaphore, #tpu.memory_space<semaphore_mem>>) {add = true}
      %dma_wait3A_439 = arith.constant 0 : i32
      %dma_wait3A_440 = arith.constant 0 : i32
      %dma_wait3A_441 = arith.constant 0 : i32
      %dma_wait3A_442 = tpu.memref_slice %arg6[%dma_wait3A_439, %dma_wait3A_440, %dma_wait3A_441] : memref<4x128x64xf32, #tpu.memory_space<vmem>> -> memref<1x128x64xf32, #tpu.memory_space<vmem>>
      %dma_wait3A_443 = tpu.memref_squeeze %dma_wait3A_442 : memref<1x128x64xf32, #tpu.memory_space<vmem>> -> memref<128x64xf32, #tpu.memory_space<vmem>>
      %dma_wait3A_444 = arith.constant 0 : i32
      %dma_wait3A_445 = arith.constant 0 : i32
      %dma_wait3A_446 = tpu.memref_slice %arg8[%dma_wait3A_444, %dma_wait3A_445] : memref<10240x64xf32, #tpu.memory_space<vmem_shared>> -> memref<10240x64xf32, #tpu.memory_space<vmem_shared>>
      tpu.wait_indirect_dma semaphore(%arg10 : memref<!tpu.dma_semaphore, #tpu.memory_space<semaphore_mem>>) src(%dma_wait3A_443 : memref<128x64xf32, #tpu.memory_space<vmem>>) dst(%dma_wait3A_446 : memref<10240x64xf32, #tpu.memory_space<vmem_shared>>)
      %dma_wait3A_447 = arith.constant 1 : i32
      %dma_wait3A_448 = arith.constant 0 : i32
      %dma_wait3A_449 = arith.constant 0 : i32
      %dma_wait3A_450 = tpu.memref_slice %arg6[%dma_wait3A_447, %dma_wait3A_448, %dma_wait3A_449] : memref<4x128x64xf32, #tpu.memory_space<vmem>> -> memref<1x128x64xf32, #tpu.memory_space<vmem>>
      %dma_wait3A_451 = tpu.memref_squeeze %dma_wait3A_450 : memref<1x128x64xf32, #tpu.memory_space<vmem>> -> memref<128x64xf32, #tpu.memory_space<vmem>>
      %dma_wait3A_452 = arith.constant 0 : i32
      %dma_wait3A_453 = arith.constant 0 : i32
      %dma_wait3A_454 = tpu.memref_slice %arg8[%dma_wait3A_452, %dma_wait3A_453] : memref<10240x64xf32, #tpu.memory_space<vmem_shared>> -> memref<10240x64xf32, #tpu.memory_space<vmem_shared>>
      tpu.wait_indirect_dma semaphore(%arg10 : memref<!tpu.dma_semaphore, #tpu.memory_space<semaphore_mem>>) src(%dma_wait3A_451 : memref<128x64xf32, #tpu.memory_space<vmem>>) dst(%dma_wait3A_454 : memref<10240x64xf32, #tpu.memory_space<vmem_shared>>)
      %dma_wait3A_455 = arith.constant 2 : i32
      %dma_wait3A_456 = arith.constant 0 : i32
      %dma_wait3A_457 = arith.constant 0 : i32
      %dma_wait3A_458 = tpu.memref_slice %arg6[%dma_wait3A_455, %dma_wait3A_456, %dma_wait3A_457] : memref<4x128x64xf32, #tpu.memory_space<vmem>> -> memref<1x128x64xf32, #tpu.memory_space<vmem>>
      %dma_wait3A_459 = tpu.memref_squeeze %dma_wait3A_458 : memref<1x128x64xf32, #tpu.memory_space<vmem>> -> memref<128x64xf32, #tpu.memory_space<vmem>>
      %dma_wait3A_460 = arith.constant 0 : i32
      %dma_wait3A_461 = arith.constant 0 : i32
      %dma_wait3A_462 = tpu.memref_slice %arg8[%dma_wait3A_460, %dma_wait3A_461] : memref<10240x64xf32, #tpu.memory_space<vmem_shared>> -> memref<10240x64xf32, #tpu.memory_space<vmem_shared>>
      tpu.wait_indirect_dma semaphore(%arg10 : memref<!tpu.dma_semaphore, #tpu.memory_space<semaphore_mem>>) src(%dma_wait3A_459 : memref<128x64xf32, #tpu.memory_space<vmem>>) dst(%dma_wait3A_462 : memref<10240x64xf32, #tpu.memory_space<vmem_shared>>)
      %dma_wait3A_463 = arith.constant 3 : i32
      %dma_wait3A_464 = arith.constant 0 : i32
      %dma_wait3A_465 = arith.constant 0 : i32
      %dma_wait3A_466 = tpu.memref_slice %arg6[%dma_wait3A_463, %dma_wait3A_464, %dma_wait3A_465] : memref<4x128x64xf32, #tpu.memory_space<vmem>> -> memref<1x128x64xf32, #tpu.memory_space<vmem>>
      %dma_wait3A_467 = tpu.memref_squeeze %dma_wait3A_466 : memref<1x128x64xf32, #tpu.memory_space<vmem>> -> memref<128x64xf32, #tpu.memory_space<vmem>>
      %dma_wait3A_468 = arith.constant 0 : i32
      %dma_wait3A_469 = arith.constant 0 : i32
      %dma_wait3A_470 = tpu.memref_slice %arg8[%dma_wait3A_468, %dma_wait3A_469] : memref<10240x64xf32, #tpu.memory_space<vmem_shared>> -> memref<10240x64xf32, #tpu.memory_space<vmem_shared>>
      tpu.wait_indirect_dma semaphore(%arg10 : memref<!tpu.dma_semaphore, #tpu.memory_space<semaphore_mem>>) src(%dma_wait3A_467 : memref<128x64xf32, #tpu.memory_space<vmem>>) dst(%dma_wait3A_470 : memref<10240x64xf32, #tpu.memory_space<vmem_shared>>)
      %dma_wait3A_471 = tpu.memref_slice %arg3[%mul3A_263] : memref<327680xi32, #tpu.memory_space<hbm>> -> memref<128xi32, #tpu.memory_space<hbm>>
      %dma_wait3A_472 = tpu.memref_slice %arg3[%mul3A_263] : memref<327680xi32, #tpu.memory_space<hbm>> -> memref<128xi32, #tpu.memory_space<hbm>>
      tpu.wait_dma2 semaphore(%arg11 : memref<!tpu.dma_semaphore, #tpu.memory_space<semaphore_mem>>) src(%dma_wait3A_472 : memref<128xi32, #tpu.memory_space<hbm>>) dst(%arg24 : memref<128xi32, #tpu.memory_space<vmem>>)
      %dma_wait3A_473 = tpu.memref_slice %arg4[%mul3A_274] : memref<327680xi32, #tpu.memory_space<hbm>> -> memref<128xi32, #tpu.memory_space<hbm>>
      %dma_wait3A_474 = tpu.memref_slice %arg4[%mul3A_274] : memref<327680xi32, #tpu.memory_space<hbm>> -> memref<128xi32, #tpu.memory_space<hbm>>
      tpu.wait_dma2 semaphore(%arg11 : memref<!tpu.dma_semaphore, #tpu.memory_space<semaphore_mem>>) src(%dma_wait3A_474 : memref<128xi32, #tpu.memory_space<hbm>>) dst(%arg16 : memref<128xi32, #tpu.memory_space<vmem>>)
      %dma_wait3A_475 = tpu.memref_slice %arg3[%mul3A_285] : memref<327680xi32, #tpu.memory_space<hbm>> -> memref<128xi32, #tpu.memory_space<hbm>>
      %dma_wait3A_476 = tpu.memref_slice %arg3[%mul3A_285] : memref<327680xi32, #tpu.memory_space<hbm>> -> memref<128xi32, #tpu.memory_space<hbm>>
      tpu.wait_dma2 semaphore(%arg11 : memref<!tpu.dma_semaphore, #tpu.memory_space<semaphore_mem>>) src(%dma_wait3A_476 : memref<128xi32, #tpu.memory_space<hbm>>) dst(%arg25 : memref<128xi32, #tpu.memory_space<vmem>>)
      %dma_wait3A_477 = tpu.memref_slice %arg4[%mul3A_296] : memref<327680xi32, #tpu.memory_space<hbm>> -> memref<128xi32, #tpu.memory_space<hbm>>
      %dma_wait3A_478 = tpu.memref_slice %arg4[%mul3A_296] : memref<327680xi32, #tpu.memory_space<hbm>> -> memref<128xi32, #tpu.memory_space<hbm>>
      tpu.wait_dma2 semaphore(%arg11 : memref<!tpu.dma_semaphore, #tpu.memory_space<semaphore_mem>>) src(%dma_wait3A_478 : memref<128xi32, #tpu.memory_space<hbm>>) dst(%arg17 : memref<128xi32, #tpu.memory_space<vmem>>)
      %dma_wait3A_479 = tpu.memref_slice %arg3[%mul3A_307] : memref<327680xi32, #tpu.memory_space<hbm>> -> memref<128xi32, #tpu.memory_space<hbm>>
      %dma_wait3A_480 = tpu.memref_slice %arg3[%mul3A_307] : memref<327680xi32, #tpu.memory_space<hbm>> -> memref<128xi32, #tpu.memory_space<hbm>>
      tpu.wait_dma2 semaphore(%arg11 : memref<!tpu.dma_semaphore, #tpu.memory_space<semaphore_mem>>) src(%dma_wait3A_480 : memref<128xi32, #tpu.memory_space<hbm>>) dst(%arg26 : memref<128xi32, #tpu.memory_space<vmem>>)
      %dma_wait3A_481 = tpu.memref_slice %arg4[%mul3A_318] : memref<327680xi32, #tpu.memory_space<hbm>> -> memref<128xi32, #tpu.memory_space<hbm>>
      %dma_wait3A_482 = tpu.memref_slice %arg4[%mul3A_318] : memref<327680xi32, #tpu.memory_space<hbm>> -> memref<128xi32, #tpu.memory_space<hbm>>
      tpu.wait_dma2 semaphore(%arg11 : memref<!tpu.dma_semaphore, #tpu.memory_space<semaphore_mem>>) src(%dma_wait3A_482 : memref<128xi32, #tpu.memory_space<hbm>>) dst(%arg18 : memref<128xi32, #tpu.memory_space<vmem>>)
      %dma_wait3A_483 = tpu.memref_slice %arg3[%mul3A_329] : memref<327680xi32, #tpu.memory_space<hbm>> -> memref<128xi32, #tpu.memory_space<hbm>>
      %dma_wait3A_484 = tpu.memref_slice %arg3[%mul3A_329] : memref<327680xi32, #tpu.memory_space<hbm>> -> memref<128xi32, #tpu.memory_space<hbm>>
      tpu.wait_dma2 semaphore(%arg11 : memref<!tpu.dma_semaphore, #tpu.memory_space<semaphore_mem>>) src(%dma_wait3A_484 : memref<128xi32, #tpu.memory_space<hbm>>) dst(%arg27 : memref<128xi32, #tpu.memory_space<vmem>>)
      %dma_wait3A_485 = tpu.memref_slice %arg4[%mul3A_340] : memref<327680xi32, #tpu.memory_space<hbm>> -> memref<128xi32, #tpu.memory_space<hbm>>
      %dma_wait3A_486 = tpu.memref_slice %arg4[%mul3A_340] : memref<327680xi32, #tpu.memory_space<hbm>> -> memref<128xi32, #tpu.memory_space<hbm>>
      tpu.wait_dma2 semaphore(%arg11 : memref<!tpu.dma_semaphore, #tpu.memory_space<semaphore_mem>>) src(%dma_wait3A_486 : memref<128xi32, #tpu.memory_space<hbm>>) dst(%arg19 : memref<128xi32, #tpu.memory_space<vmem>>)
      %add3A_487 = arith.constant 1 : i32
      %add3A_488 = arith.addi %add3A_253, %add3A_487 : i32
      %min3A_489 = arith.minsi %add3A_488, %sub3A_10 : i32
      %mul3A_490 = arith.constant 4 : i32
      %mul3A_491 = arith.muli %min3A_489, %mul3A_490 : i32
      %add3A_492 = arith.addi %select_n3A, %mul3A_491 : i32
      %add3A_493 = arith.constant 0 : i32
      %add3A_494 = arith.addi %add3A_492, %add3A_493 : i32
      %min3A_495 = arith.constant 2559 : i32
      %min3A_496 = arith.minsi %add3A_494, %min3A_495 : i32
      %mul3A_497 = arith.constant 128 : i32
      %mul3A_498 = arith.muli %min3A_496, %mul3A_497 : i32
      %dma_start3A_499 = tpu.memref_slice %arg3[%mul3A_498] : memref<327680xi32, #tpu.memory_space<hbm>> -> memref<128xi32, #tpu.memory_space<hbm>>
      %dma_start3A_500 = tpu.memref_slice %arg3[%mul3A_498] : memref<327680xi32, #tpu.memory_space<hbm>> -> memref<128xi32, #tpu.memory_space<hbm>>
      tpu.enqueue_dma source(%dma_start3A_500 : memref<128xi32, #tpu.memory_space<hbm>>) target(%arg20 : memref<128xi32, #tpu.memory_space<vmem>>) target_semaphore(%arg11 : memref<!tpu.dma_semaphore, #tpu.memory_space<semaphore_mem>>)
      %mul3A_501 = arith.constant 4 : i32
      %mul3A_502 = arith.muli %min3A_489, %mul3A_501 : i32
      %add3A_503 = arith.addi %select_n3A, %mul3A_502 : i32
      %add3A_504 = arith.constant 0 : i32
      %add3A_505 = arith.addi %add3A_503, %add3A_504 : i32
      %min3A_506 = arith.constant 2559 : i32
      %min3A_507 = arith.minsi %add3A_505, %min3A_506 : i32
      %mul3A_508 = arith.constant 128 : i32
      %mul3A_509 = arith.muli %min3A_507, %mul3A_508 : i32
      %dma_start3A_510 = tpu.memref_slice %arg4[%mul3A_509] : memref<327680xi32, #tpu.memory_space<hbm>> -> memref<128xi32, #tpu.memory_space<hbm>>
      %dma_start3A_511 = tpu.memref_slice %arg4[%mul3A_509] : memref<327680xi32, #tpu.memory_space<hbm>> -> memref<128xi32, #tpu.memory_space<hbm>>
      tpu.enqueue_dma source(%dma_start3A_511 : memref<128xi32, #tpu.memory_space<hbm>>) target(%arg12 : memref<128xi32, #tpu.memory_space<vmem>>) target_semaphore(%arg11 : memref<!tpu.dma_semaphore, #tpu.memory_space<semaphore_mem>>)
      %mul3A_512 = arith.constant 4 : i32
      %mul3A_513 = arith.muli %min3A_489, %mul3A_512 : i32
      %add3A_514 = arith.addi %select_n3A, %mul3A_513 : i32
      %add3A_515 = arith.constant 1 : i32
      %add3A_516 = arith.addi %add3A_514, %add3A_515 : i32
      %min3A_517 = arith.constant 2559 : i32
      %min3A_518 = arith.minsi %add3A_516, %min3A_517 : i32
      %mul3A_519 = arith.constant 128 : i32
      %mul3A_520 = arith.muli %min3A_518, %mul3A_519 : i32
      %dma_start3A_521 = tpu.memref_slice %arg3[%mul3A_520] : memref<327680xi32, #tpu.memory_space<hbm>> -> memref<128xi32, #tpu.memory_space<hbm>>
      %dma_start3A_522 = tpu.memref_slice %arg3[%mul3A_520] : memref<327680xi32, #tpu.memory_space<hbm>> -> memref<128xi32, #tpu.memory_space<hbm>>
      tpu.enqueue_dma source(%dma_start3A_522 : memref<128xi32, #tpu.memory_space<hbm>>) target(%arg21 : memref<128xi32, #tpu.memory_space<vmem>>) target_semaphore(%arg11 : memref<!tpu.dma_semaphore, #tpu.memory_space<semaphore_mem>>)
      %mul3A_523 = arith.constant 4 : i32
      %mul3A_524 = arith.muli %min3A_489, %mul3A_523 : i32
      %add3A_525 = arith.addi %select_n3A, %mul3A_524 : i32
      %add3A_526 = arith.constant 1 : i32
      %add3A_527 = arith.addi %add3A_525, %add3A_526 : i32
      %min3A_528 = arith.constant 2559 : i32
      %min3A_529 = arith.minsi %add3A_527, %min3A_528 : i32
      %mul3A_530 = arith.constant 128 : i32
      %mul3A_531 = arith.muli %min3A_529, %mul3A_530 : i32
      %dma_start3A_532 = tpu.memref_slice %arg4[%mul3A_531] : memref<327680xi32, #tpu.memory_space<hbm>> -> memref<128xi32, #tpu.memory_space<hbm>>
      %dma_start3A_533 = tpu.memref_slice %arg4[%mul3A_531] : memref<327680xi32, #tpu.memory_space<hbm>> -> memref<128xi32, #tpu.memory_space<hbm>>
      tpu.enqueue_dma source(%dma_start3A_533 : memref<128xi32, #tpu.memory_space<hbm>>) target(%arg13 : memref<128xi32, #tpu.memory_space<vmem>>) target_semaphore(%arg11 : memref<!tpu.dma_semaphore, #tpu.memory_space<semaphore_mem>>)
      %mul3A_534 = arith.constant 4 : i32
      %mul3A_535 = arith.muli %min3A_489, %mul3A_534 : i32
      %add3A_536 = arith.addi %select_n3A, %mul3A_535 : i32
      %add3A_537 = arith.constant 2 : i32
      %add3A_538 = arith.addi %add3A_536, %add3A_537 : i32
      %min3A_539 = arith.constant 2559 : i32
      %min3A_540 = arith.minsi %add3A_538, %min3A_539 : i32
      %mul3A_541 = arith.constant 128 : i32
      %mul3A_542 = arith.muli %min3A_540, %mul3A_541 : i32
      %dma_start3A_543 = tpu.memref_slice %arg3[%mul3A_542] : memref<327680xi32, #tpu.memory_space<hbm>> -> memref<128xi32, #tpu.memory_space<hbm>>
      %dma_start3A_544 = tpu.memref_slice %arg3[%mul3A_542] : memref<327680xi32, #tpu.memory_space<hbm>> -> memref<128xi32, #tpu.memory_space<hbm>>
      tpu.enqueue_dma source(%dma_start3A_544 : memref<128xi32, #tpu.memory_space<hbm>>) target(%arg22 : memref<128xi32, #tpu.memory_space<vmem>>) target_semaphore(%arg11 : memref<!tpu.dma_semaphore, #tpu.memory_space<semaphore_mem>>)
      %mul3A_545 = arith.constant 4 : i32
      %mul3A_546 = arith.muli %min3A_489, %mul3A_545 : i32
      %add3A_547 = arith.addi %select_n3A, %mul3A_546 : i32
      %add3A_548 = arith.constant 2 : i32
      %add3A_549 = arith.addi %add3A_547, %add3A_548 : i32
      %min3A_550 = arith.constant 2559 : i32
      %min3A_551 = arith.minsi %add3A_549, %min3A_550 : i32
      %mul3A_552 = arith.constant 128 : i32
      %mul3A_553 = arith.muli %min3A_551, %mul3A_552 : i32
      %dma_start3A_554 = tpu.memref_slice %arg4[%mul3A_553] : memref<327680xi32, #tpu.memory_space<hbm>> -> memref<128xi32, #tpu.memory_space<hbm>>
      %dma_start3A_555 = tpu.memref_slice %arg4[%mul3A_553] : memref<327680xi32, #tpu.memory_space<hbm>> -> memref<128xi32, #tpu.memory_space<hbm>>
      tpu.enqueue_dma source(%dma_start3A_555 : memref<128xi32, #tpu.memory_space<hbm>>) target(%arg14 : memref<128xi32, #tpu.memory_space<vmem>>) target_semaphore(%arg11 : memref<!tpu.dma_semaphore, #tpu.memory_space<semaphore_mem>>)
      %mul3A_556 = arith.constant 4 : i32
      %mul3A_557 = arith.muli %min3A_489, %mul3A_556 : i32
      %add3A_558 = arith.addi %select_n3A, %mul3A_557 : i32
      %add3A_559 = arith.constant 3 : i32
      %add3A_560 = arith.addi %add3A_558, %add3A_559 : i32
      %min3A_561 = arith.constant 2559 : i32
      %min3A_562 = arith.minsi %add3A_560, %min3A_561 : i32
      %mul3A_563 = arith.constant 128 : i32
      %mul3A_564 = arith.muli %min3A_562, %mul3A_563 : i32
      %dma_start3A_565 = tpu.memref_slice %arg3[%mul3A_564] : memref<327680xi32, #tpu.memory_space<hbm>> -> memref<128xi32, #tpu.memory_space<hbm>>
      %dma_start3A_566 = tpu.memref_slice %arg3[%mul3A_564] : memref<327680xi32, #tpu.memory_space<hbm>> -> memref<128xi32, #tpu.memory_space<hbm>>
      tpu.enqueue_dma source(%dma_start3A_566 : memref<128xi32, #tpu.memory_space<hbm>>) target(%arg23 : memref<128xi32, #tpu.memory_space<vmem>>) target_semaphore(%arg11 : memref<!tpu.dma_semaphore, #tpu.memory_space<semaphore_mem>>)
      %mul3A_567 = arith.constant 4 : i32
      %mul3A_568 = arith.muli %min3A_489, %mul3A_567 : i32
      %add3A_569 = arith.addi %select_n3A, %mul3A_568 : i32
      %add3A_570 = arith.constant 3 : i32
      %add3A_571 = arith.addi %add3A_569, %add3A_570 : i32
      %min3A_572 = arith.constant 2559 : i32
      %min3A_573 = arith.minsi %add3A_571, %min3A_572 : i32
      %mul3A_574 = arith.constant 128 : i32
      %mul3A_575 = arith.muli %min3A_573, %mul3A_574 : i32
      %dma_start3A_576 = tpu.memref_slice %arg4[%mul3A_575] : memref<327680xi32, #tpu.memory_space<hbm>> -> memref<128xi32, #tpu.memory_space<hbm>>
      %dma_start3A_577 = tpu.memref_slice %arg4[%mul3A_575] : memref<327680xi32, #tpu.memory_space<hbm>> -> memref<128xi32, #tpu.memory_space<hbm>>
      tpu.enqueue_dma source(%dma_start3A_577 : memref<128xi32, #tpu.memory_space<hbm>>) target(%arg15 : memref<128xi32, #tpu.memory_space<vmem>>) target_semaphore(%arg11 : memref<!tpu.dma_semaphore, #tpu.memory_space<semaphore_mem>>)
      %dma_start3A_578 = arith.constant 0 : i32
      %dma_start3A_579 = arith.constant 0 : i32
      %dma_start3A_580 = arith.constant 0 : i32
      %dma_start3A_581 = tpu.memref_slice %arg6[%dma_start3A_578, %dma_start3A_579, %dma_start3A_580] : memref<4x128x64xf32, #tpu.memory_space<vmem>> -> memref<1x128x64xf32, #tpu.memory_space<vmem>>
      %dma_start3A_582 = tpu.memref_squeeze %dma_start3A_581 : memref<1x128x64xf32, #tpu.memory_space<vmem>> -> memref<128x64xf32, #tpu.memory_space<vmem>>
      %dma_start3A_583 = arith.constant 0 : i32
      %dma_start3A_584 = arith.constant 0 : i32
      %dma_start3A_585 = tpu.memref_slice %arg2[%dma_start3A_583, %dma_start3A_584] : memref<10000x64xf32, #tpu.memory_space<hbm>> -> memref<10000x64xf32, #tpu.memory_space<hbm>>
      tpu.enqueue_indirect_dma source(%dma_start3A_585 : memref<10000x64xf32, #tpu.memory_space<hbm>>) target(%dma_start3A_582 : memref<128x64xf32, #tpu.memory_space<vmem>>) offsets(%arg24 : memref<128xi32, #tpu.memory_space<vmem>>) semaphore(%arg9 : memref<!tpu.dma_semaphore, #tpu.memory_space<semaphore_mem>>)
      %dma_start3A_586 = arith.constant 1 : i32
      %dma_start3A_587 = arith.constant 0 : i32
      %dma_start3A_588 = arith.constant 0 : i32
      %dma_start3A_589 = tpu.memref_slice %arg6[%dma_start3A_586, %dma_start3A_587, %dma_start3A_588] : memref<4x128x64xf32, #tpu.memory_space<vmem>> -> memref<1x128x64xf32, #tpu.memory_space<vmem>>
      %dma_start3A_590 = tpu.memref_squeeze %dma_start3A_589 : memref<1x128x64xf32, #tpu.memory_space<vmem>> -> memref<128x64xf32, #tpu.memory_space<vmem>>
      %dma_start3A_591 = arith.constant 0 : i32
      %dma_start3A_592 = arith.constant 0 : i32
      %dma_start3A_593 = tpu.memref_slice %arg2[%dma_start3A_591, %dma_start3A_592] : memref<10000x64xf32, #tpu.memory_space<hbm>> -> memref<10000x64xf32, #tpu.memory_space<hbm>>
      tpu.enqueue_indirect_dma source(%dma_start3A_593 : memref<10000x64xf32, #tpu.memory_space<hbm>>) target(%dma_start3A_590 : memref<128x64xf32, #tpu.memory_space<vmem>>) offsets(%arg25 : memref<128xi32, #tpu.memory_space<vmem>>) semaphore(%arg9 : memref<!tpu.dma_semaphore, #tpu.memory_space<semaphore_mem>>)
      %dma_start3A_594 = arith.constant 2 : i32
      %dma_start3A_595 = arith.constant 0 : i32
      %dma_start3A_596 = arith.constant 0 : i32
      %dma_start3A_597 = tpu.memref_slice %arg6[%dma_start3A_594, %dma_start3A_595, %dma_start3A_596] : memref<4x128x64xf32, #tpu.memory_space<vmem>> -> memref<1x128x64xf32, #tpu.memory_space<vmem>>
      %dma_start3A_598 = tpu.memref_squeeze %dma_start3A_597 : memref<1x128x64xf32, #tpu.memory_space<vmem>> -> memref<128x64xf32, #tpu.memory_space<vmem>>
      %dma_start3A_599 = arith.constant 0 : i32
      %dma_start3A_600 = arith.constant 0 : i32
      %dma_start3A_601 = tpu.memref_slice %arg2[%dma_start3A_599, %dma_start3A_600] : memref<10000x64xf32, #tpu.memory_space<hbm>> -> memref<10000x64xf32, #tpu.memory_space<hbm>>
      tpu.enqueue_indirect_dma source(%dma_start3A_601 : memref<10000x64xf32, #tpu.memory_space<hbm>>) target(%dma_start3A_598 : memref<128x64xf32, #tpu.memory_space<vmem>>) offsets(%arg26 : memref<128xi32, #tpu.memory_space<vmem>>) semaphore(%arg9 : memref<!tpu.dma_semaphore, #tpu.memory_space<semaphore_mem>>)
      %dma_start3A_602 = arith.constant 3 : i32
      %dma_start3A_603 = arith.constant 0 : i32
      %dma_start3A_604 = arith.constant 0 : i32
      %dma_start3A_605 = tpu.memref_slice %arg6[%dma_start3A_602, %dma_start3A_603, %dma_start3A_604] : memref<4x128x64xf32, #tpu.memory_space<vmem>> -> memref<1x128x64xf32, #tpu.memory_space<vmem>>
      %dma_start3A_606 = tpu.memref_squeeze %dma_start3A_605 : memref<1x128x64xf32, #tpu.memory_space<vmem>> -> memref<128x64xf32, #tpu.memory_space<vmem>>
      %dma_start3A_607 = arith.constant 0 : i32
      %dma_start3A_608 = arith.constant 0 : i32
      %dma_start3A_609 = tpu.memref_slice %arg2[%dma_start3A_607, %dma_start3A_608] : memref<10000x64xf32, #tpu.memory_space<hbm>> -> memref<10000x64xf32, #tpu.memory_space<hbm>>
      tpu.enqueue_indirect_dma source(%dma_start3A_609 : memref<10000x64xf32, #tpu.memory_space<hbm>>) target(%dma_start3A_606 : memref<128x64xf32, #tpu.memory_space<vmem>>) offsets(%arg27 : memref<128xi32, #tpu.memory_space<vmem>>) semaphore(%arg9 : memref<!tpu.dma_semaphore, #tpu.memory_space<semaphore_mem>>)
      %dma_wait3A_610 = arith.constant 0 : i32
      %dma_wait3A_611 = arith.constant 0 : i32
      %dma_wait3A_612 = arith.constant 0 : i32
      %dma_wait3A_613 = tpu.memref_slice %arg6[%dma_wait3A_610, %dma_wait3A_611, %dma_wait3A_612] : memref<4x128x64xf32, #tpu.memory_space<vmem>> -> memref<1x128x64xf32, #tpu.memory_space<vmem>>
      %dma_wait3A_614 = tpu.memref_squeeze %dma_wait3A_613 : memref<1x128x64xf32, #tpu.memory_space<vmem>> -> memref<128x64xf32, #tpu.memory_space<vmem>>
      %dma_wait3A_615 = arith.constant 0 : i32
      %dma_wait3A_616 = arith.constant 0 : i32
      %dma_wait3A_617 = tpu.memref_slice %arg2[%dma_wait3A_615, %dma_wait3A_616] : memref<10000x64xf32, #tpu.memory_space<hbm>> -> memref<10000x64xf32, #tpu.memory_space<hbm>>
      tpu.wait_indirect_dma semaphore(%arg9 : memref<!tpu.dma_semaphore, #tpu.memory_space<semaphore_mem>>) src(%dma_wait3A_617 : memref<10000x64xf32, #tpu.memory_space<hbm>>) dst(%dma_wait3A_614 : memref<128x64xf32, #tpu.memory_space<vmem>>)
      %dma_wait3A_618 = arith.constant 1 : i32
      %dma_wait3A_619 = arith.constant 0 : i32
      %dma_wait3A_620 = arith.constant 0 : i32
      %dma_wait3A_621 = tpu.memref_slice %arg6[%dma_wait3A_618, %dma_wait3A_619, %dma_wait3A_620] : memref<4x128x64xf32, #tpu.memory_space<vmem>> -> memref<1x128x64xf32, #tpu.memory_space<vmem>>
      %dma_wait3A_622 = tpu.memref_squeeze %dma_wait3A_621 : memref<1x128x64xf32, #tpu.memory_space<vmem>> -> memref<128x64xf32, #tpu.memory_space<vmem>>
      %dma_wait3A_623 = arith.constant 0 : i32
      %dma_wait3A_624 = arith.constant 0 : i32
      %dma_wait3A_625 = tpu.memref_slice %arg2[%dma_wait3A_623, %dma_wait3A_624] : memref<10000x64xf32, #tpu.memory_space<hbm>> -> memref<10000x64xf32, #tpu.memory_space<hbm>>
      tpu.wait_indirect_dma semaphore(%arg9 : memref<!tpu.dma_semaphore, #tpu.memory_space<semaphore_mem>>) src(%dma_wait3A_625 : memref<10000x64xf32, #tpu.memory_space<hbm>>) dst(%dma_wait3A_622 : memref<128x64xf32, #tpu.memory_space<vmem>>)
      %dma_wait3A_626 = arith.constant 2 : i32
      %dma_wait3A_627 = arith.constant 0 : i32
      %dma_wait3A_628 = arith.constant 0 : i32
      %dma_wait3A_629 = tpu.memref_slice %arg6[%dma_wait3A_626, %dma_wait3A_627, %dma_wait3A_628] : memref<4x128x64xf32, #tpu.memory_space<vmem>> -> memref<1x128x64xf32, #tpu.memory_space<vmem>>
      %dma_wait3A_630 = tpu.memref_squeeze %dma_wait3A_629 : memref<1x128x64xf32, #tpu.memory_space<vmem>> -> memref<128x64xf32, #tpu.memory_space<vmem>>
      %dma_wait3A_631 = arith.constant 0 : i32
      %dma_wait3A_632 = arith.constant 0 : i32
      %dma_wait3A_633 = tpu.memref_slice %arg2[%dma_wait3A_631, %dma_wait3A_632] : memref<10000x64xf32, #tpu.memory_space<hbm>> -> memref<10000x64xf32, #tpu.memory_space<hbm>>
      tpu.wait_indirect_dma semaphore(%arg9 : memref<!tpu.dma_semaphore, #tpu.memory_space<semaphore_mem>>) src(%dma_wait3A_633 : memref<10000x64xf32, #tpu.memory_space<hbm>>) dst(%dma_wait3A_630 : memref<128x64xf32, #tpu.memory_space<vmem>>)
      %dma_wait3A_634 = arith.constant 3 : i32
      %dma_wait3A_635 = arith.constant 0 : i32
      %dma_wait3A_636 = arith.constant 0 : i32
      %dma_wait3A_637 = tpu.memref_slice %arg6[%dma_wait3A_634, %dma_wait3A_635, %dma_wait3A_636] : memref<4x128x64xf32, #tpu.memory_space<vmem>> -> memref<1x128x64xf32, #tpu.memory_space<vmem>>
      %dma_wait3A_638 = tpu.memref_squeeze %dma_wait3A_637 : memref<1x128x64xf32, #tpu.memory_space<vmem>> -> memref<128x64xf32, #tpu.memory_space<vmem>>
      %dma_wait3A_639 = arith.constant 0 : i32
      %dma_wait3A_640 = arith.constant 0 : i32
      %dma_wait3A_641 = tpu.memref_slice %arg2[%dma_wait3A_639, %dma_wait3A_640] : memref<10000x64xf32, #tpu.memory_space<hbm>> -> memref<10000x64xf32, #tpu.memory_space<hbm>>
      tpu.wait_indirect_dma semaphore(%arg9 : memref<!tpu.dma_semaphore, #tpu.memory_space<semaphore_mem>>) src(%dma_wait3A_641 : memref<10000x64xf32, #tpu.memory_space<hbm>>) dst(%dma_wait3A_638 : memref<128x64xf32, #tpu.memory_space<vmem>>)
      %dma_start3A_642 = arith.constant 0 : i32
      %dma_start3A_643 = arith.constant 0 : i32
      %dma_start3A_644 = arith.constant 0 : i32
      %dma_start3A_645 = tpu.memref_slice %arg6[%dma_start3A_642, %dma_start3A_643, %dma_start3A_644] : memref<4x128x64xf32, #tpu.memory_space<vmem>> -> memref<1x128x64xf32, #tpu.memory_space<vmem>>
      %dma_start3A_646 = tpu.memref_squeeze %dma_start3A_645 : memref<1x128x64xf32, #tpu.memory_space<vmem>> -> memref<128x64xf32, #tpu.memory_space<vmem>>
      %dma_start3A_647 = arith.constant 0 : i32
      %dma_start3A_648 = arith.constant 0 : i32
      %dma_start3A_649 = tpu.memref_slice %arg8[%dma_start3A_647, %dma_start3A_648] : memref<10240x64xf32, #tpu.memory_space<vmem_shared>> -> memref<10240x64xf32, #tpu.memory_space<vmem_shared>>
      tpu.enqueue_indirect_dma source(%dma_start3A_646 : memref<128x64xf32, #tpu.memory_space<vmem>>) target(%dma_start3A_649 : memref<10240x64xf32, #tpu.memory_space<vmem_shared>>) offsets(%arg16 : memref<128xi32, #tpu.memory_space<vmem>>) semaphore(%arg10 : memref<!tpu.dma_semaphore, #tpu.memory_space<semaphore_mem>>) {add = true}
      %dma_start3A_650 = arith.constant 1 : i32
      %dma_start3A_651 = arith.constant 0 : i32
      %dma_start3A_652 = arith.constant 0 : i32
      %dma_start3A_653 = tpu.memref_slice %arg6[%dma_start3A_650, %dma_start3A_651, %dma_start3A_652] : memref<4x128x64xf32, #tpu.memory_space<vmem>> -> memref<1x128x64xf32, #tpu.memory_space<vmem>>
      %dma_start3A_654 = tpu.memref_squeeze %dma_start3A_653 : memref<1x128x64xf32, #tpu.memory_space<vmem>> -> memref<128x64xf32, #tpu.memory_space<vmem>>
      %dma_start3A_655 = arith.constant 0 : i32
      %dma_start3A_656 = arith.constant 0 : i32
      %dma_start3A_657 = tpu.memref_slice %arg8[%dma_start3A_655, %dma_start3A_656] : memref<10240x64xf32, #tpu.memory_space<vmem_shared>> -> memref<10240x64xf32, #tpu.memory_space<vmem_shared>>
      tpu.enqueue_indirect_dma source(%dma_start3A_654 : memref<128x64xf32, #tpu.memory_space<vmem>>) target(%dma_start3A_657 : memref<10240x64xf32, #tpu.memory_space<vmem_shared>>) offsets(%arg17 : memref<128xi32, #tpu.memory_space<vmem>>) semaphore(%arg10 : memref<!tpu.dma_semaphore, #tpu.memory_space<semaphore_mem>>) {add = true}
      %dma_start3A_658 = arith.constant 2 : i32
      %dma_start3A_659 = arith.constant 0 : i32
      %dma_start3A_660 = arith.constant 0 : i32
      %dma_start3A_661 = tpu.memref_slice %arg6[%dma_start3A_658, %dma_start3A_659, %dma_start3A_660] : memref<4x128x64xf32, #tpu.memory_space<vmem>> -> memref<1x128x64xf32, #tpu.memory_space<vmem>>
      %dma_start3A_662 = tpu.memref_squeeze %dma_start3A_661 : memref<1x128x64xf32, #tpu.memory_space<vmem>> -> memref<128x64xf32, #tpu.memory_space<vmem>>
      %dma_start3A_663 = arith.constant 0 : i32
      %dma_start3A_664 = arith.constant 0 : i32
      %dma_start3A_665 = tpu.memref_slice %arg8[%dma_start3A_663, %dma_start3A_664] : memref<10240x64xf32, #tpu.memory_space<vmem_shared>> -> memref<10240x64xf32, #tpu.memory_space<vmem_shared>>
      tpu.enqueue_indirect_dma source(%dma_start3A_662 : memref<128x64xf32, #tpu.memory_space<vmem>>) target(%dma_start3A_665 : memref<10240x64xf32, #tpu.memory_space<vmem_shared>>) offsets(%arg18 : memref<128xi32, #tpu.memory_space<vmem>>) semaphore(%arg10 : memref<!tpu.dma_semaphore, #tpu.memory_space<semaphore_mem>>) {add = true}
      %dma_start3A_666 = arith.constant 3 : i32
      %dma_start3A_667 = arith.constant 0 : i32
      %dma_start3A_668 = arith.constant 0 : i32
      %dma_start3A_669 = tpu.memref_slice %arg6[%dma_start3A_666, %dma_start3A_667, %dma_start3A_668] : memref<4x128x64xf32, #tpu.memory_space<vmem>> -> memref<1x128x64xf32, #tpu.memory_space<vmem>>
      %dma_start3A_670 = tpu.memref_squeeze %dma_start3A_669 : memref<1x128x64xf32, #tpu.memory_space<vmem>> -> memref<128x64xf32, #tpu.memory_space<vmem>>
      %dma_start3A_671 = arith.constant 0 : i32
      %dma_start3A_672 = arith.constant 0 : i32
      %dma_start3A_673 = tpu.memref_slice %arg8[%dma_start3A_671, %dma_start3A_672] : memref<10240x64xf32, #tpu.memory_space<vmem_shared>> -> memref<10240x64xf32, #tpu.memory_space<vmem_shared>>
      tpu.enqueue_indirect_dma source(%dma_start3A_670 : memref<128x64xf32, #tpu.memory_space<vmem>>) target(%dma_start3A_673 : memref<10240x64xf32, #tpu.memory_space<vmem_shared>>) offsets(%arg19 : memref<128xi32, #tpu.memory_space<vmem>>) semaphore(%arg10 : memref<!tpu.dma_semaphore, #tpu.memory_space<semaphore_mem>>) {add = true}
      %dma_wait3A_674 = arith.constant 0 : i32
      %dma_wait3A_675 = arith.constant 0 : i32
      %dma_wait3A_676 = arith.constant 0 : i32
      %dma_wait3A_677 = tpu.memref_slice %arg6[%dma_wait3A_674, %dma_wait3A_675, %dma_wait3A_676] : memref<4x128x64xf32, #tpu.memory_space<vmem>> -> memref<1x128x64xf32, #tpu.memory_space<vmem>>
      %dma_wait3A_678 = tpu.memref_squeeze %dma_wait3A_677 : memref<1x128x64xf32, #tpu.memory_space<vmem>> -> memref<128x64xf32, #tpu.memory_space<vmem>>
      %dma_wait3A_679 = arith.constant 0 : i32
      %dma_wait3A_680 = arith.constant 0 : i32
      %dma_wait3A_681 = tpu.memref_slice %arg8[%dma_wait3A_679, %dma_wait3A_680] : memref<10240x64xf32, #tpu.memory_space<vmem_shared>> -> memref<10240x64xf32, #tpu.memory_space<vmem_shared>>
      tpu.wait_indirect_dma semaphore(%arg10 : memref<!tpu.dma_semaphore, #tpu.memory_space<semaphore_mem>>) src(%dma_wait3A_678 : memref<128x64xf32, #tpu.memory_space<vmem>>) dst(%dma_wait3A_681 : memref<10240x64xf32, #tpu.memory_space<vmem_shared>>)
      %dma_wait3A_682 = arith.constant 1 : i32
      %dma_wait3A_683 = arith.constant 0 : i32
      %dma_wait3A_684 = arith.constant 0 : i32
      %dma_wait3A_685 = tpu.memref_slice %arg6[%dma_wait3A_682, %dma_wait3A_683, %dma_wait3A_684] : memref<4x128x64xf32, #tpu.memory_space<vmem>> -> memref<1x128x64xf32, #tpu.memory_space<vmem>>
      %dma_wait3A_686 = tpu.memref_squeeze %dma_wait3A_685 : memref<1x128x64xf32, #tpu.memory_space<vmem>> -> memref<128x64xf32, #tpu.memory_space<vmem>>
      %dma_wait3A_687 = arith.constant 0 : i32
      %dma_wait3A_688 = arith.constant 0 : i32
      %dma_wait3A_689 = tpu.memref_slice %arg8[%dma_wait3A_687, %dma_wait3A_688] : memref<10240x64xf32, #tpu.memory_space<vmem_shared>> -> memref<10240x64xf32, #tpu.memory_space<vmem_shared>>
      tpu.wait_indirect_dma semaphore(%arg10 : memref<!tpu.dma_semaphore, #tpu.memory_space<semaphore_mem>>) src(%dma_wait3A_686 : memref<128x64xf32, #tpu.memory_space<vmem>>) dst(%dma_wait3A_689 : memref<10240x64xf32, #tpu.memory_space<vmem_shared>>)
      %dma_wait3A_690 = arith.constant 2 : i32
      %dma_wait3A_691 = arith.constant 0 : i32
      %dma_wait3A_692 = arith.constant 0 : i32
      %dma_wait3A_693 = tpu.memref_slice %arg6[%dma_wait3A_690, %dma_wait3A_691, %dma_wait3A_692] : memref<4x128x64xf32, #tpu.memory_space<vmem>> -> memref<1x128x64xf32, #tpu.memory_space<vmem>>
      %dma_wait3A_694 = tpu.memref_squeeze %dma_wait3A_693 : memref<1x128x64xf32, #tpu.memory_space<vmem>> -> memref<128x64xf32, #tpu.memory_space<vmem>>
      %dma_wait3A_695 = arith.constant 0 : i32
      %dma_wait3A_696 = arith.constant 0 : i32
      %dma_wait3A_697 = tpu.memref_slice %arg8[%dma_wait3A_695, %dma_wait3A_696] : memref<10240x64xf32, #tpu.memory_space<vmem_shared>> -> memref<10240x64xf32, #tpu.memory_space<vmem_shared>>
      tpu.wait_indirect_dma semaphore(%arg10 : memref<!tpu.dma_semaphore, #tpu.memory_space<semaphore_mem>>) src(%dma_wait3A_694 : memref<128x64xf32, #tpu.memory_space<vmem>>) dst(%dma_wait3A_697 : memref<10240x64xf32, #tpu.memory_space<vmem_shared>>)
      %dma_wait3A_698 = arith.constant 3 : i32
      %dma_wait3A_699 = arith.constant 0 : i32
      %dma_wait3A_700 = arith.constant 0 : i32
      %dma_wait3A_701 = tpu.memref_slice %arg6[%dma_wait3A_698, %dma_wait3A_699, %dma_wait3A_700] : memref<4x128x64xf32, #tpu.memory_space<vmem>> -> memref<1x128x64xf32, #tpu.memory_space<vmem>>
      %dma_wait3A_702 = tpu.memref_squeeze %dma_wait3A_701 : memref<1x128x64xf32, #tpu.memory_space<vmem>> -> memref<128x64xf32, #tpu.memory_space<vmem>>
      %dma_wait3A_703 = arith.constant 0 : i32
      %dma_wait3A_704 = arith.constant 0 : i32
      %dma_wait3A_705 = tpu.memref_slice %arg8[%dma_wait3A_703, %dma_wait3A_704] : memref<10240x64xf32, #tpu.memory_space<vmem_shared>> -> memref<10240x64xf32, #tpu.memory_space<vmem_shared>>
      tpu.wait_indirect_dma semaphore(%arg10 : memref<!tpu.dma_semaphore, #tpu.memory_space<semaphore_mem>>) src(%dma_wait3A_702 : memref<128x64xf32, #tpu.memory_space<vmem>>) dst(%dma_wait3A_705 : memref<10240x64xf32, #tpu.memory_space<vmem_shared>>)
      %dma_wait3A_706 = tpu.memref_slice %arg3[%mul3A_498] : memref<327680xi32, #tpu.memory_space<hbm>> -> memref<128xi32, #tpu.memory_space<hbm>>
      %dma_wait3A_707 = tpu.memref_slice %arg3[%mul3A_498] : memref<327680xi32, #tpu.memory_space<hbm>> -> memref<128xi32, #tpu.memory_space<hbm>>
      tpu.wait_dma2 semaphore(%arg11 : memref<!tpu.dma_semaphore, #tpu.memory_space<semaphore_mem>>) src(%dma_wait3A_707 : memref<128xi32, #tpu.memory_space<hbm>>) dst(%arg20 : memref<128xi32, #tpu.memory_space<vmem>>)
      %dma_wait3A_708 = tpu.memref_slice %arg4[%mul3A_509] : memref<327680xi32, #tpu.memory_space<hbm>> -> memref<128xi32, #tpu.memory_space<hbm>>
      %dma_wait3A_709 = tpu.memref_slice %arg4[%mul3A_509] : memref<327680xi32, #tpu.memory_space<hbm>> -> memref<128xi32, #tpu.memory_space<hbm>>
      tpu.wait_dma2 semaphore(%arg11 : memref<!tpu.dma_semaphore, #tpu.memory_space<semaphore_mem>>) src(%dma_wait3A_709 : memref<128xi32, #tpu.memory_space<hbm>>) dst(%arg12 : memref<128xi32, #tpu.memory_space<vmem>>)
      %dma_wait3A_710 = tpu.memref_slice %arg3[%mul3A_520] : memref<327680xi32, #tpu.memory_space<hbm>> -> memref<128xi32, #tpu.memory_space<hbm>>
      %dma_wait3A_711 = tpu.memref_slice %arg3[%mul3A_520] : memref<327680xi32, #tpu.memory_space<hbm>> -> memref<128xi32, #tpu.memory_space<hbm>>
      tpu.wait_dma2 semaphore(%arg11 : memref<!tpu.dma_semaphore, #tpu.memory_space<semaphore_mem>>) src(%dma_wait3A_711 : memref<128xi32, #tpu.memory_space<hbm>>) dst(%arg21 : memref<128xi32, #tpu.memory_space<vmem>>)
      %dma_wait3A_712 = tpu.memref_slice %arg4[%mul3A_531] : memref<327680xi32, #tpu.memory_space<hbm>> -> memref<128xi32, #tpu.memory_space<hbm>>
      %dma_wait3A_713 = tpu.memref_slice %arg4[%mul3A_531] : memref<327680xi32, #tpu.memory_space<hbm>> -> memref<128xi32, #tpu.memory_space<hbm>>
      tpu.wait_dma2 semaphore(%arg11 : memref<!tpu.dma_semaphore, #tpu.memory_space<semaphore_mem>>) src(%dma_wait3A_713 : memref<128xi32, #tpu.memory_space<hbm>>) dst(%arg13 : memref<128xi32, #tpu.memory_space<vmem>>)
      %dma_wait3A_714 = tpu.memref_slice %arg3[%mul3A_542] : memref<327680xi32, #tpu.memory_space<hbm>> -> memref<128xi32, #tpu.memory_space<hbm>>
      %dma_wait3A_715 = tpu.memref_slice %arg3[%mul3A_542] : memref<327680xi32, #tpu.memory_space<hbm>> -> memref<128xi32, #tpu.memory_space<hbm>>
      tpu.wait_dma2 semaphore(%arg11 : memref<!tpu.dma_semaphore, #tpu.memory_space<semaphore_mem>>) src(%dma_wait3A_715 : memref<128xi32, #tpu.memory_space<hbm>>) dst(%arg22 : memref<128xi32, #tpu.memory_space<vmem>>)
      %dma_wait3A_716 = tpu.memref_slice %arg4[%mul3A_553] : memref<327680xi32, #tpu.memory_space<hbm>> -> memref<128xi32, #tpu.memory_space<hbm>>
      %dma_wait3A_717 = tpu.memref_slice %arg4[%mul3A_553] : memref<327680xi32, #tpu.memory_space<hbm>> -> memref<128xi32, #tpu.memory_space<hbm>>
      tpu.wait_dma2 semaphore(%arg11 : memref<!tpu.dma_semaphore, #tpu.memory_space<semaphore_mem>>) src(%dma_wait3A_717 : memref<128xi32, #tpu.memory_space<hbm>>) dst(%arg14 : memref<128xi32, #tpu.memory_space<vmem>>)
      %dma_wait3A_718 = tpu.memref_slice %arg3[%mul3A_564] : memref<327680xi32, #tpu.memory_space<hbm>> -> memref<128xi32, #tpu.memory_space<hbm>>
      %dma_wait3A_719 = tpu.memref_slice %arg3[%mul3A_564] : memref<327680xi32, #tpu.memory_space<hbm>> -> memref<128xi32, #tpu.memory_space<hbm>>
      tpu.wait_dma2 semaphore(%arg11 : memref<!tpu.dma_semaphore, #tpu.memory_space<semaphore_mem>>) src(%dma_wait3A_719 : memref<128xi32, #tpu.memory_space<hbm>>) dst(%arg23 : memref<128xi32, #tpu.memory_space<vmem>>)
      %dma_wait3A_720 = tpu.memref_slice %arg4[%mul3A_575] : memref<327680xi32, #tpu.memory_space<hbm>> -> memref<128xi32, #tpu.memory_space<hbm>>
      %dma_wait3A_721 = tpu.memref_slice %arg4[%mul3A_575] : memref<327680xi32, #tpu.memory_space<hbm>> -> memref<128xi32, #tpu.memory_space<hbm>>
      tpu.wait_dma2 semaphore(%arg11 : memref<!tpu.dma_semaphore, #tpu.memory_space<semaphore_mem>>) src(%dma_wait3A_721 : memref<128xi32, #tpu.memory_space<hbm>>) dst(%arg15 : memref<128xi32, #tpu.memory_space<vmem>>)
      %while3A_722 = arith.constant 0 : i32
      scf.yield %while3A_722 : i32
    }
    %barrier3A_242 = arith.constant 0 : index
    tpu.barrier barrier_id(%barrier3A_242)
    %mul3A_243 = arith.constant 640 : i32
    %mul3A_244 = arith.muli %arg1, %mul3A_243 : i32
    %mul3A_245 = arith.constant 10240 : i32
    %mul3A_246 = arith.muli %arg0, %mul3A_245 : i32
    %add3A_247 = arith.addi %mul3A_246, %mul3A_244 : i32
    "tpu.region"() ({
      %run_scoped3A = tpu.sem_alloc : memref<!tpu.dma_semaphore, #tpu.memory_space<semaphore_mem>>
      %dma_start3A_248 = arith.constant 0 : i32
      %dma_start3A_249 = tpu.memref_slice %arg5[%add3A_247, %dma_start3A_248] : memref<20480x64xf32, #tpu.memory_space<hbm>> -> memref<640x64xf32, #tpu.memory_space<hbm>>
      %dma_start3A_250 = arith.constant 0 : i32
      %dma_start3A_251 = tpu.memref_slice %arg8[%mul3A_244, %dma_start3A_250] : memref<10240x64xf32, #tpu.memory_space<vmem_shared>> -> memref<640x64xf32, #tpu.memory_space<vmem_shared>>
      tpu.enqueue_dma source(%dma_start3A_251 : memref<640x64xf32, #tpu.memory_space<vmem_shared>>) target(%dma_start3A_249 : memref<640x64xf32, #tpu.memory_space<hbm>>) target_semaphore(%run_scoped3A : memref<!tpu.dma_semaphore, #tpu.memory_space<semaphore_mem>>)
      %dma_wait3A_252 = arith.constant 0 : i32
      %dma_wait3A_253 = tpu.memref_slice %arg5[%add3A_247, %dma_wait3A_252] : memref<20480x64xf32, #tpu.memory_space<hbm>> -> memref<640x64xf32, #tpu.memory_space<hbm>>
      %dma_wait3A_254 = arith.constant 0 : i32
      %dma_wait3A_255 = tpu.memref_slice %arg8[%mul3A_244, %dma_wait3A_254] : memref<10240x64xf32, #tpu.memory_space<vmem_shared>> -> memref<640x64xf32, #tpu.memory_space<vmem_shared>>
      tpu.wait_dma2 semaphore(%run_scoped3A : memref<!tpu.dma_semaphore, #tpu.memory_space<semaphore_mem>>) src(%dma_wait3A_255 : memref<640x64xf32, #tpu.memory_space<vmem_shared>>) dst(%dma_wait3A_253 : memref<640x64xf32, #tpu.memory_space<hbm>>)
      tpu.yield
    }) : () -> ()
    return
  }
}

#map = affine_map<(d0, d1) -> (0, 0)>
#map1 = affine_map<(d0, d1) -> (0)>
module attributes {stable_mosaic.version = 14 : i64} {
  func.func @segsum(%arg0: i32, %arg1: i32, %arg2: memref<10000x64xf32, #tpu.memory_space<hbm>>, %arg3: memref<327680xi32, #tpu.memory_space<hbm>>, %arg4: memref<327680xi32, #tpu.memory_space<hbm>>, %arg5: memref<20480x64xf32, #tpu.memory_space<hbm>>, %arg6: memref<4x128x64xf32, #tpu.memory_space<vmem>>, %arg7: memref<64x64xf32, #tpu.memory_space<vmem>>, %arg8: memref<10240x64xf32, #tpu.memory_space<vmem_shared>>, %arg9: memref<!tpu.dma_semaphore, #tpu.memory_space<semaphore_mem>>, %arg10: memref<!tpu.dma_semaphore, #tpu.memory_space<semaphore_mem>>, %arg11: memref<!tpu.dma_semaphore, #tpu.memory_space<semaphore_mem>>, %arg12: memref<128xi32, #tpu.memory_space<vmem>>, %arg13: memref<128xi32, #tpu.memory_space<vmem>>, %arg14: memref<128xi32, #tpu.memory_space<vmem>>, %arg15: memref<128xi32, #tpu.memory_space<vmem>>, %arg16: memref<128xi32, #tpu.memory_space<vmem>>, %arg17: memref<128xi32, #tpu.memory_space<vmem>>, %arg18: memref<128xi32, #tpu.memory_space<vmem>>, %arg19: memref<128xi32, #tpu.memory_space<vmem>>, %arg20: memref<128xi32, #tpu.memory_space<vmem>>, %arg21: memref<128xi32, #tpu.memory_space<vmem>>, %arg22: memref<128xi32, #tpu.memory_space<vmem>>, %arg23: memref<128xi32, #tpu.memory_space<vmem>>, %arg24: memref<128xi32, #tpu.memory_space<vmem>>, %arg25: memref<128xi32, #tpu.memory_space<vmem>>, %arg26: memref<128xi32, #tpu.memory_space<vmem>>, %arg27: memref<128xi32, #tpu.memory_space<vmem>>) attributes {dimension_semantics = [#tpu.dimension_semantics<core_parallel>, #tpu.dimension_semantics<subcore_parallel>], iteration_bounds = array<i64: 2, 16>, scalar_prefetch = 0 : i64, scratch_operands = 22 : i64, tpu.core_type = #tpu.core_type<sc_vector_subcore>, window_params = [{transform_indices = #map}, {transform_indices = #map1}, {transform_indices = #map1}, {transform_indices = #map}]} {
    %eq3A = arith.constant 0 : i32
    %eq3A_0 = arith.cmpi eq, %arg0, %eq3A : i32
    %mul3A = arith.constant 144 : i32
    %mul3A_1 = arith.muli %arg1, %mul3A : i32
    %mul3A_2 = arith.constant 16 : i32
    %mul3A_3 = arith.muli %arg1, %mul3A_2 : i32
    %add3A = arith.constant 2304 : i32
    %add3A_4 = arith.addi %add3A, %mul3A_3 : i32
    %select_n3A = arith.select %eq3A_0, %mul3A_1, %add3A_4 : i32
    %jit3A = arith.constant 18 : i32
    %jit3A_5 = arith.constant 2 : i32
    %select_n3A_6 = arith.select %eq3A_0, %jit3A, %jit3A_5 : i32
    %jit3A_7 = arith.constant 36 : i32
    %jit3A_8 = arith.constant 4 : i32
    %select_n3A_9 = arith.select %eq3A_0, %jit3A_7, %jit3A_8 : i32
    %sub3A = arith.constant 1 : i32
    %sub3A_10 = arith.subi %select_n3A_9, %sub3A : i32
    %add3A_11 = arith.constant 0 : i32
    %add3A_12 = arith.addi %select_n3A, %add3A_11 : i32
    %add3A_13 = arith.constant 0 : i32
    %add3A_14 = arith.addi %add3A_12, %add3A_13 : i32
    %min3A = arith.constant 2559 : i32
    %min3A_15 = arith.minsi %add3A_14, %min3A : i32
    %mul3A_16 = arith.constant 128 : i32
    %mul3A_17 = arith.muli %min3A_15, %mul3A_16 : i32
    %dma_start3A = tpu.memref_slice %arg3[%mul3A_17] : memref<327680xi32, #tpu.memory_space<hbm>> -> memref<128xi32, #tpu.memory_space<hbm>>
    %dma_start3A_18 = tpu.memref_slice %arg3[%mul3A_17] : memref<327680xi32, #tpu.memory_space<hbm>> -> memref<128xi32, #tpu.memory_space<hbm>>
    tpu.enqueue_dma source(%dma_start3A_18 : memref<128xi32, #tpu.memory_space<hbm>>) target(%arg20 : memref<128xi32, #tpu.memory_space<vmem>>) target_semaphore(%arg11 : memref<!tpu.dma_semaphore, #tpu.memory_space<semaphore_mem>>)
    %add3A_19 = arith.constant 0 : i32
    %add3A_20 = arith.addi %select_n3A, %add3A_19 : i32
    %add3A_21 = arith.constant 0 : i32
    %add3A_22 = arith.addi %add3A_20, %add3A_21 : i32
    %min3A_23 = arith.constant 2559 : i32
    %min3A_24 = arith.minsi %add3A_22, %min3A_23 : i32
    %mul3A_25 = arith.constant 128 : i32
    %mul3A_26 = arith.muli %min3A_24, %mul3A_25 : i32
    %dma_start3A_27 = tpu.memref_slice %arg4[%mul3A_26] : memref<327680xi32, #tpu.memory_space<hbm>> -> memref<128xi32, #tpu.memory_space<hbm>>
    %dma_start3A_28 = tpu.memref_slice %arg4[%mul3A_26] : memref<327680xi32, #tpu.memory_space<hbm>> -> memref<128xi32, #tpu.memory_space<hbm>>
    tpu.enqueue_dma source(%dma_start3A_28 : memref<128xi32, #tpu.memory_space<hbm>>) target(%arg12 : memref<128xi32, #tpu.memory_space<vmem>>) target_semaphore(%arg11 : memref<!tpu.dma_semaphore, #tpu.memory_space<semaphore_mem>>)
    %add3A_29 = arith.constant 0 : i32
    %add3A_30 = arith.addi %select_n3A, %add3A_29 : i32
    %add3A_31 = arith.constant 1 : i32
    %add3A_32 = arith.addi %add3A_30, %add3A_31 : i32
    %min3A_33 = arith.constant 2559 : i32
    %min3A_34 = arith.minsi %add3A_32, %min3A_33 : i32
    %mul3A_35 = arith.constant 128 : i32
    %mul3A_36 = arith.muli %min3A_34, %mul3A_35 : i32
    %dma_start3A_37 = tpu.memref_slice %arg3[%mul3A_36] : memref<327680xi32, #tpu.memory_space<hbm>> -> memref<128xi32, #tpu.memory_space<hbm>>
    %dma_start3A_38 = tpu.memref_slice %arg3[%mul3A_36] : memref<327680xi32, #tpu.memory_space<hbm>> -> memref<128xi32, #tpu.memory_space<hbm>>
    tpu.enqueue_dma source(%dma_start3A_38 : memref<128xi32, #tpu.memory_space<hbm>>) target(%arg21 : memref<128xi32, #tpu.memory_space<vmem>>) target_semaphore(%arg11 : memref<!tpu.dma_semaphore, #tpu.memory_space<semaphore_mem>>)
    %add3A_39 = arith.constant 0 : i32
    %add3A_40 = arith.addi %select_n3A, %add3A_39 : i32
    %add3A_41 = arith.constant 1 : i32
    %add3A_42 = arith.addi %add3A_40, %add3A_41 : i32
    %min3A_43 = arith.constant 2559 : i32
    %min3A_44 = arith.minsi %add3A_42, %min3A_43 : i32
    %mul3A_45 = arith.constant 128 : i32
    %mul3A_46 = arith.muli %min3A_44, %mul3A_45 : i32
    %dma_start3A_47 = tpu.memref_slice %arg4[%mul3A_46] : memref<327680xi32, #tpu.memory_space<hbm>> -> memref<128xi32, #tpu.memory_space<hbm>>
    %dma_start3A_48 = tpu.memref_slice %arg4[%mul3A_46] : memref<327680xi32, #tpu.memory_space<hbm>> -> memref<128xi32, #tpu.memory_space<hbm>>
    tpu.enqueue_dma source(%dma_start3A_48 : memref<128xi32, #tpu.memory_space<hbm>>) target(%arg13 : memref<128xi32, #tpu.memory_space<vmem>>) target_semaphore(%arg11 : memref<!tpu.dma_semaphore, #tpu.memory_space<semaphore_mem>>)
    %add3A_49 = arith.constant 0 : i32
    %add3A_50 = arith.addi %select_n3A, %add3A_49 : i32
    %add3A_51 = arith.constant 2 : i32
    %add3A_52 = arith.addi %add3A_50, %add3A_51 : i32
    %min3A_53 = arith.constant 2559 : i32
    %min3A_54 = arith.minsi %add3A_52, %min3A_53 : i32
    %mul3A_55 = arith.constant 128 : i32
    %mul3A_56 = arith.muli %min3A_54, %mul3A_55 : i32
    %dma_start3A_57 = tpu.memref_slice %arg3[%mul3A_56] : memref<327680xi32, #tpu.memory_space<hbm>> -> memref<128xi32, #tpu.memory_space<hbm>>
    %dma_start3A_58 = tpu.memref_slice %arg3[%mul3A_56] : memref<327680xi32, #tpu.memory_space<hbm>> -> memref<128xi32, #tpu.memory_space<hbm>>
    tpu.enqueue_dma source(%dma_start3A_58 : memref<128xi32, #tpu.memory_space<hbm>>) target(%arg22 : memref<128xi32, #tpu.memory_space<vmem>>) target_semaphore(%arg11 : memref<!tpu.dma_semaphore, #tpu.memory_space<semaphore_mem>>)
    %add3A_59 = arith.constant 0 : i32
    %add3A_60 = arith.addi %select_n3A, %add3A_59 : i32
    %add3A_61 = arith.constant 2 : i32
    %add3A_62 = arith.addi %add3A_60, %add3A_61 : i32
    %min3A_63 = arith.constant 2559 : i32
    %min3A_64 = arith.minsi %add3A_62, %min3A_63 : i32
    %mul3A_65 = arith.constant 128 : i32
    %mul3A_66 = arith.muli %min3A_64, %mul3A_65 : i32
    %dma_start3A_67 = tpu.memref_slice %arg4[%mul3A_66] : memref<327680xi32, #tpu.memory_space<hbm>> -> memref<128xi32, #tpu.memory_space<hbm>>
    %dma_start3A_68 = tpu.memref_slice %arg4[%mul3A_66] : memref<327680xi32, #tpu.memory_space<hbm>> -> memref<128xi32, #tpu.memory_space<hbm>>
    tpu.enqueue_dma source(%dma_start3A_68 : memref<128xi32, #tpu.memory_space<hbm>>) target(%arg14 : memref<128xi32, #tpu.memory_space<vmem>>) target_semaphore(%arg11 : memref<!tpu.dma_semaphore, #tpu.memory_space<semaphore_mem>>)
    %add3A_69 = arith.constant 0 : i32
    %add3A_70 = arith.addi %select_n3A, %add3A_69 : i32
    %add3A_71 = arith.constant 3 : i32
    %add3A_72 = arith.addi %add3A_70, %add3A_71 : i32
    %min3A_73 = arith.constant 2559 : i32
    %min3A_74 = arith.minsi %add3A_72, %min3A_73 : i32
    %mul3A_75 = arith.constant 128 : i32
    %mul3A_76 = arith.muli %min3A_74, %mul3A_75 : i32
    %dma_start3A_77 = tpu.memref_slice %arg3[%mul3A_76] : memref<327680xi32, #tpu.memory_space<hbm>> -> memref<128xi32, #tpu.memory_space<hbm>>
    %dma_start3A_78 = tpu.memref_slice %arg3[%mul3A_76] : memref<327680xi32, #tpu.memory_space<hbm>> -> memref<128xi32, #tpu.memory_space<hbm>>
    tpu.enqueue_dma source(%dma_start3A_78 : memref<128xi32, #tpu.memory_space<hbm>>) target(%arg23 : memref<128xi32, #tpu.memory_space<vmem>>) target_semaphore(%arg11 : memref<!tpu.dma_semaphore, #tpu.memory_space<semaphore_mem>>)
    %add3A_79 = arith.constant 0 : i32
    %add3A_80 = arith.addi %select_n3A, %add3A_79 : i32
    %add3A_81 = arith.constant 3 : i32
    %add3A_82 = arith.addi %add3A_80, %add3A_81 : i32
    %min3A_83 = arith.constant 2559 : i32
    %min3A_84 = arith.minsi %add3A_82, %min3A_83 : i32
    %mul3A_85 = arith.constant 128 : i32
    %mul3A_86 = arith.muli %min3A_84, %mul3A_85 : i32
    %dma_start3A_87 = tpu.memref_slice %arg4[%mul3A_86] : memref<327680xi32, #tpu.memory_space<hbm>> -> memref<128xi32, #tpu.memory_space<hbm>>
    %dma_start3A_88 = tpu.memref_slice %arg4[%mul3A_86] : memref<327680xi32, #tpu.memory_space<hbm>> -> memref<128xi32, #tpu.memory_space<hbm>>
    tpu.enqueue_dma source(%dma_start3A_88 : memref<128xi32, #tpu.memory_space<hbm>>) target(%arg15 : memref<128xi32, #tpu.memory_space<vmem>>) target_semaphore(%arg11 : memref<!tpu.dma_semaphore, #tpu.memory_space<semaphore_mem>>)
    %broadcast_in_dim3A = arith.constant 0.000000e+00 : f32
    %broadcast_in_dim3A_89 = vector.broadcast %broadcast_in_dim3A : f32 to vector<16xf32>
    %scan3A = arith.constant 0 : i32
    %scan3A_90 = arith.constant 0 : i32
    %scan3A_91 = arith.constant 64 : i32
    %scan3A_92 = arith.addi %scan3A_90, %scan3A_91 : i32
    %scan3A_93 = arith.constant 1 : i32
    %scan3A_94 = scf.for %scan3A_248 = %scan3A_90 to %scan3A_92 step %scan3A_93 iter_args(%scan3A_249 = %scan3A) -> (i32)  : i32 {
      %swap3A = arith.index_cast %scan3A_248 : i32 to index
      %swap3A_250 = arith.constant 0 : index
      %swap3A_251 = tpu.vector_load %arg7[%swap3A, %swap3A_250] {strides = array<i32>} : memref<64x64xf32, #tpu.memory_space<vmem>>, vector<1x16xf32>,
      %swap3A_252 = vector.shape_cast %swap3A_251 : vector<1x16xf32> to vector<16xf32>
      %swap3A_253 = vector.shape_cast %broadcast_in_dim3A_89 : vector<16xf32> to vector<1x16xf32>
      tpu.vector_store %arg7[%swap3A, %swap3A_250], %swap3A_253 {strides = array<i32>} : memref<64x64xf32, #tpu.memory_space<vmem>>, vector<1x16xf32>,
      %swap3A_254 = arith.index_cast %scan3A_248 : i32 to index
      %swap3A_255 = arith.constant 16 : index
      %swap3A_256 = tpu.vector_load %arg7[%swap3A_254, %swap3A_255] {strides = array<i32>} : memref<64x64xf32, #tpu.memory_space<vmem>>, vector<1x16xf32>,
      %swap3A_257 = vector.shape_cast %swap3A_256 : vector<1x16xf32> to vector<16xf32>
      %swap3A_258 = vector.shape_cast %broadcast_in_dim3A_89 : vector<16xf32> to vector<1x16xf32>
      tpu.vector_store %arg7[%swap3A_254, %swap3A_255], %swap3A_258 {strides = array<i32>} : memref<64x64xf32, #tpu.memory_space<vmem>>, vector<1x16xf32>,
      %swap3A_259 = arith.index_cast %scan3A_248 : i32 to index
      %swap3A_260 = arith.constant 32 : index
      %swap3A_261 = tpu.vector_load %arg7[%swap3A_259, %swap3A_260] {strides = array<i32>} : memref<64x64xf32, #tpu.memory_space<vmem>>, vector<1x16xf32>,
      %swap3A_262 = vector.shape_cast %swap3A_261 : vector<1x16xf32> to vector<16xf32>
      %swap3A_263 = vector.shape_cast %broadcast_in_dim3A_89 : vector<16xf32> to vector<1x16xf32>
      tpu.vector_store %arg7[%swap3A_259, %swap3A_260], %swap3A_263 {strides = array<i32>} : memref<64x64xf32, #tpu.memory_space<vmem>>, vector<1x16xf32>,
      %swap3A_264 = arith.index_cast %scan3A_248 : i32 to index
      %swap3A_265 = arith.constant 48 : index
      %swap3A_266 = tpu.vector_load %arg7[%swap3A_264, %swap3A_265] {strides = array<i32>} : memref<64x64xf32, #tpu.memory_space<vmem>>, vector<1x16xf32>,
      %swap3A_267 = vector.shape_cast %swap3A_266 : vector<1x16xf32> to vector<16xf32>
      %swap3A_268 = vector.shape_cast %broadcast_in_dim3A_89 : vector<16xf32> to vector<1x16xf32>
      tpu.vector_store %arg7[%swap3A_264, %swap3A_265], %swap3A_268 {strides = array<i32>} : memref<64x64xf32, #tpu.memory_space<vmem>>, vector<1x16xf32>,
      %scan3A_269 = arith.constant 0 : i32
      scf.yield %scan3A_269 : i32
    }
    %scan3A_95 = arith.constant 64 : i32
    %mul3A_96 = arith.constant 640 : i32
    %mul3A_97 = arith.muli %arg1, %mul3A_96 : i32
    %add3A_98 = arith.constant 0 : i32
    %add3A_99 = arith.addi %mul3A_97, %add3A_98 : i32
    %dma_start3A_100 = arith.constant 0 : i32
    %dma_start3A_101 = tpu.memref_slice %arg8[%add3A_99, %dma_start3A_100] : memref<10240x64xf32, #tpu.memory_space<vmem_shared>> -> memref<64x64xf32, #tpu.memory_space<vmem_shared>>
    %dma_start3A_102 = arith.constant 0 : i32
    %dma_start3A_103 = tpu.memref_slice %arg8[%add3A_99, %dma_start3A_102] : memref<10240x64xf32, #tpu.memory_space<vmem_shared>> -> memref<64x64xf32, #tpu.memory_space<vmem_shared>>
    tpu.enqueue_dma source(%arg7 : memref<64x64xf32, #tpu.memory_space<vmem>>) target(%dma_start3A_103 : memref<64x64xf32, #tpu.memory_space<vmem_shared>>) target_semaphore(%arg10 : memref<!tpu.dma_semaphore, #tpu.memory_space<semaphore_mem>>)
    %mul3A_104 = arith.constant 640 : i32
    %mul3A_105 = arith.muli %arg1, %mul3A_104 : i32
    %add3A_106 = arith.constant 64 : i32
    %add3A_107 = arith.addi %mul3A_105, %add3A_106 : i32
    %dma_start3A_108 = arith.constant 0 : i32
    %dma_start3A_109 = tpu.memref_slice %arg8[%add3A_107, %dma_start3A_108] : memref<10240x64xf32, #tpu.memory_space<vmem_shared>> -> memref<64x64xf32, #tpu.memory_space<vmem_shared>>
    %dma_start3A_110 = arith.constant 0 : i32
    %dma_start3A_111 = tpu.memref_slice %arg8[%add3A_107, %dma_start3A_110] : memref<10240x64xf32, #tpu.memory_space<vmem_shared>> -> memref<64x64xf32, #tpu.memory_space<vmem_shared>>
    tpu.enqueue_dma source(%arg7 : memref<64x64xf32, #tpu.memory_space<vmem>>) target(%dma_start3A_111 : memref<64x64xf32, #tpu.memory_space<vmem_shared>>) target_semaphore(%arg10 : memref<!tpu.dma_semaphore, #tpu.memory_space<semaphore_mem>>)
    %mul3A_112 = arith.constant 640 : i32
    %mul3A_113 = arith.muli %arg1, %mul3A_112 : i32
    %add3A_114 = arith.constant 128 : i32
    %add3A_115 = arith.addi %mul3A_113, %add3A_114 : i32
    %dma_start3A_116 = arith.constant 0 : i32
    %dma_start3A_117 = tpu.memref_slice %arg8[%add3A_115, %dma_start3A_116] : memref<10240x64xf32, #tpu.memory_space<vmem_shared>> -> memref<64x64xf32, #tpu.memory_space<vmem_shared>>
    %dma_start3A_118 = arith.constant 0 : i32
    %dma_start3A_119 = tpu.memref_slice %arg8[%add3A_115, %dma_start3A_118] : memref<10240x64xf32, #tpu.memory_space<vmem_shared>> -> memref<64x64xf32, #tpu.memory_space<vmem_shared>>
    tpu.enqueue_dma source(%arg7 : memref<64x64xf32, #tpu.memory_space<vmem>>) target(%dma_start3A_119 : memref<64x64xf32, #tpu.memory_space<vmem_shared>>) target_semaphore(%arg10 : memref<!tpu.dma_semaphore, #tpu.memory_space<semaphore_mem>>)
    %mul3A_120 = arith.constant 640 : i32
    %mul3A_121 = arith.muli %arg1, %mul3A_120 : i32
    %add3A_122 = arith.constant 192 : i32
    %add3A_123 = arith.addi %mul3A_121, %add3A_122 : i32
    %dma_start3A_124 = arith.constant 0 : i32
    %dma_start3A_125 = tpu.memref_slice %arg8[%add3A_123, %dma_start3A_124] : memref<10240x64xf32, #tpu.memory_space<vmem_shared>> -> memref<64x64xf32, #tpu.memory_space<vmem_shared>>
    %dma_start3A_126 = arith.constant 0 : i32
    %dma_start3A_127 = tpu.memref_slice %arg8[%add3A_123, %dma_start3A_126] : memref<10240x64xf32, #tpu.memory_space<vmem_shared>> -> memref<64x64xf32, #tpu.memory_space<vmem_shared>>
    tpu.enqueue_dma source(%arg7 : memref<64x64xf32, #tpu.memory_space<vmem>>) target(%dma_start3A_127 : memref<64x64xf32, #tpu.memory_space<vmem_shared>>) target_semaphore(%arg10 : memref<!tpu.dma_semaphore, #tpu.memory_space<semaphore_mem>>)
    %mul3A_128 = arith.constant 640 : i32
    %mul3A_129 = arith.muli %arg1, %mul3A_128 : i32
    %add3A_130 = arith.constant 256 : i32
    %add3A_131 = arith.addi %mul3A_129, %add3A_130 : i32
    %dma_start3A_132 = arith.constant 0 : i32
    %dma_start3A_133 = tpu.memref_slice %arg8[%add3A_131, %dma_start3A_132] : memref<10240x64xf32, #tpu.memory_space<vmem_shared>> -> memref<64x64xf32, #tpu.memory_space<vmem_shared>>
    %dma_start3A_134 = arith.constant 0 : i32
    %dma_start3A_135 = tpu.memref_slice %arg8[%add3A_131, %dma_start3A_134] : memref<10240x64xf32, #tpu.memory_space<vmem_shared>> -> memref<64x64xf32, #tpu.memory_space<vmem_shared>>
    tpu.enqueue_dma source(%arg7 : memref<64x64xf32, #tpu.memory_space<vmem>>) target(%dma_start3A_135 : memref<64x64xf32, #tpu.memory_space<vmem_shared>>) target_semaphore(%arg10 : memref<!tpu.dma_semaphore, #tpu.memory_space<semaphore_mem>>)
    %mul3A_136 = arith.constant 640 : i32
    %mul3A_137 = arith.muli %arg1, %mul3A_136 : i32
    %add3A_138 = arith.constant 320 : i32
    %add3A_139 = arith.addi %mul3A_137, %add3A_138 : i32
    %dma_start3A_140 = arith.constant 0 : i32
    %dma_start3A_141 = tpu.memref_slice %arg8[%add3A_139, %dma_start3A_140] : memref<10240x64xf32, #tpu.memory_space<vmem_shared>> -> memref<64x64xf32, #tpu.memory_space<vmem_shared>>
    %dma_start3A_142 = arith.constant 0 : i32
    %dma_start3A_143 = tpu.memref_slice %arg8[%add3A_139, %dma_start3A_142] : memref<10240x64xf32, #tpu.memory_space<vmem_shared>> -> memref<64x64xf32, #tpu.memory_space<vmem_shared>>
    tpu.enqueue_dma source(%arg7 : memref<64x64xf32, #tpu.memory_space<vmem>>) target(%dma_start3A_143 : memref<64x64xf32, #tpu.memory_space<vmem_shared>>) target_semaphore(%arg10 : memref<!tpu.dma_semaphore, #tpu.memory_space<semaphore_mem>>)
    %mul3A_144 = arith.constant 640 : i32
    %mul3A_145 = arith.muli %arg1, %mul3A_144 : i32
    %add3A_146 = arith.constant 384 : i32
    %add3A_147 = arith.addi %mul3A_145, %add3A_146 : i32
    %dma_start3A_148 = arith.constant 0 : i32
    %dma_start3A_149 = tpu.memref_slice %arg8[%add3A_147, %dma_start3A_148] : memref<10240x64xf32, #tpu.memory_space<vmem_shared>> -> memref<64x64xf32, #tpu.memory_space<vmem_shared>>
    %dma_start3A_150 = arith.constant 0 : i32
    %dma_start3A_151 = tpu.memref_slice %arg8[%add3A_147, %dma_start3A_150] : memref<10240x64xf32, #tpu.memory_space<vmem_shared>> -> memref<64x64xf32, #tpu.memory_space<vmem_shared>>
    tpu.enqueue_dma source(%arg7 : memref<64x64xf32, #tpu.memory_space<vmem>>) target(%dma_start3A_151 : memref<64x64xf32, #tpu.memory_space<vmem_shared>>) target_semaphore(%arg10 : memref<!tpu.dma_semaphore, #tpu.memory_space<semaphore_mem>>)
    %mul3A_152 = arith.constant 640 : i32
    %mul3A_153 = arith.muli %arg1, %mul3A_152 : i32
    %add3A_154 = arith.constant 448 : i32
    %add3A_155 = arith.addi %mul3A_153, %add3A_154 : i32
    %dma_start3A_156 = arith.constant 0 : i32
    %dma_start3A_157 = tpu.memref_slice %arg8[%add3A_155, %dma_start3A_156] : memref<10240x64xf32, #tpu.memory_space<vmem_shared>> -> memref<64x64xf32, #tpu.memory_space<vmem_shared>>
    %dma_start3A_158 = arith.constant 0 : i32
    %dma_start3A_159 = tpu.memref_slice %arg8[%add3A_155, %dma_start3A_158] : memref<10240x64xf32, #tpu.memory_space<vmem_shared>> -> memref<64x64xf32, #tpu.memory_space<vmem_shared>>
    tpu.enqueue_dma source(%arg7 : memref<64x64xf32, #tpu.memory_space<vmem>>) target(%dma_start3A_159 : memref<64x64xf32, #tpu.memory_space<vmem_shared>>) target_semaphore(%arg10 : memref<!tpu.dma_semaphore, #tpu.memory_space<semaphore_mem>>)
    %mul3A_160 = arith.constant 640 : i32
    %mul3A_161 = arith.muli %arg1, %mul3A_160 : i32
    %add3A_162 = arith.constant 512 : i32
    %add3A_163 = arith.addi %mul3A_161, %add3A_162 : i32
    %dma_start3A_164 = arith.constant 0 : i32
    %dma_start3A_165 = tpu.memref_slice %arg8[%add3A_163, %dma_start3A_164] : memref<10240x64xf32, #tpu.memory_space<vmem_shared>> -> memref<64x64xf32, #tpu.memory_space<vmem_shared>>
    %dma_start3A_166 = arith.constant 0 : i32
    %dma_start3A_167 = tpu.memref_slice %arg8[%add3A_163, %dma_start3A_166] : memref<10240x64xf32, #tpu.memory_space<vmem_shared>> -> memref<64x64xf32, #tpu.memory_space<vmem_shared>>
    tpu.enqueue_dma source(%arg7 : memref<64x64xf32, #tpu.memory_space<vmem>>) target(%dma_start3A_167 : memref<64x64xf32, #tpu.memory_space<vmem_shared>>) target_semaphore(%arg10 : memref<!tpu.dma_semaphore, #tpu.memory_space<semaphore_mem>>)
    %mul3A_168 = arith.constant 640 : i32
    %mul3A_169 = arith.muli %arg1, %mul3A_168 : i32
    %add3A_170 = arith.constant 576 : i32
    %add3A_171 = arith.addi %mul3A_169, %add3A_170 : i32
    %dma_start3A_172 = arith.constant 0 : i32
    %dma_start3A_173 = tpu.memref_slice %arg8[%add3A_171, %dma_start3A_172] : memref<10240x64xf32, #tpu.memory_space<vmem_shared>> -> memref<64x64xf32, #tpu.memory_space<vmem_shared>>
    %dma_start3A_174 = arith.constant 0 : i32
    %dma_start3A_175 = tpu.memref_slice %arg8[%add3A_171, %dma_start3A_174] : memref<10240x64xf32, #tpu.memory_space<vmem_shared>> -> memref<64x64xf32, #tpu.memory_space<vmem_shared>>
    tpu.enqueue_dma source(%arg7 : memref<64x64xf32, #tpu.memory_space<vmem>>) target(%dma_start3A_175 : memref<64x64xf32, #tpu.memory_space<vmem_shared>>) target_semaphore(%arg10 : memref<!tpu.dma_semaphore, #tpu.memory_space<semaphore_mem>>)
    %dma_wait3A = arith.constant 0 : i32
    %dma_wait3A_176 = tpu.memref_slice %arg8[%add3A_99, %dma_wait3A] : memref<10240x64xf32, #tpu.memory_space<vmem_shared>> -> memref<64x64xf32, #tpu.memory_space<vmem_shared>>
    %dma_wait3A_177 = arith.constant 0 : i32
    %dma_wait3A_178 = tpu.memref_slice %arg8[%add3A_99, %dma_wait3A_177] : memref<10240x64xf32, #tpu.memory_space<vmem_shared>> -> memref<64x64xf32, #tpu.memory_space<vmem_shared>>
    tpu.wait_dma2 semaphore(%arg10 : memref<!tpu.dma_semaphore, #tpu.memory_space<semaphore_mem>>) src(%arg7 : memref<64x64xf32, #tpu.memory_space<vmem>>) dst(%dma_wait3A_178 : memref<64x64xf32, #tpu.memory_space<vmem_shared>>)
    %dma_wait3A_179 = arith.constant 0 : i32
    %dma_wait3A_180 = tpu.memref_slice %arg8[%add3A_107, %dma_wait3A_179] : memref<10240x64xf32, #tpu.memory_space<vmem_shared>> -> memref<64x64xf32, #tpu.memory_space<vmem_shared>>
    %dma_wait3A_181 = arith.constant 0 : i32
    %dma_wait3A_182 = tpu.memref_slice %arg8[%add3A_107, %dma_wait3A_181] : memref<10240x64xf32, #tpu.memory_space<vmem_shared>> -> memref<64x64xf32, #tpu.memory_space<vmem_shared>>
    tpu.wait_dma2 semaphore(%arg10 : memref<!tpu.dma_semaphore, #tpu.memory_space<semaphore_mem>>) src(%arg7 : memref<64x64xf32, #tpu.memory_space<vmem>>) dst(%dma_wait3A_182 : memref<64x64xf32, #tpu.memory_space<vmem_shared>>)
    %dma_wait3A_183 = arith.constant 0 : i32
    %dma_wait3A_184 = tpu.memref_slice %arg8[%add3A_115, %dma_wait3A_183] : memref<10240x64xf32, #tpu.memory_space<vmem_shared>> -> memref<64x64xf32, #tpu.memory_space<vmem_shared>>
    %dma_wait3A_185 = arith.constant 0 : i32
    %dma_wait3A_186 = tpu.memref_slice %arg8[%add3A_115, %dma_wait3A_185] : memref<10240x64xf32, #tpu.memory_space<vmem_shared>> -> memref<64x64xf32, #tpu.memory_space<vmem_shared>>
    tpu.wait_dma2 semaphore(%arg10 : memref<!tpu.dma_semaphore, #tpu.memory_space<semaphore_mem>>) src(%arg7 : memref<64x64xf32, #tpu.memory_space<vmem>>) dst(%dma_wait3A_186 : memref<64x64xf32, #tpu.memory_space<vmem_shared>>)
    %dma_wait3A_187 = arith.constant 0 : i32
    %dma_wait3A_188 = tpu.memref_slice %arg8[%add3A_123, %dma_wait3A_187] : memref<10240x64xf32, #tpu.memory_space<vmem_shared>> -> memref<64x64xf32, #tpu.memory_space<vmem_shared>>
    %dma_wait3A_189 = arith.constant 0 : i32
    %dma_wait3A_190 = tpu.memref_slice %arg8[%add3A_123, %dma_wait3A_189] : memref<10240x64xf32, #tpu.memory_space<vmem_shared>> -> memref<64x64xf32, #tpu.memory_space<vmem_shared>>
    tpu.wait_dma2 semaphore(%arg10 : memref<!tpu.dma_semaphore, #tpu.memory_space<semaphore_mem>>) src(%arg7 : memref<64x64xf32, #tpu.memory_space<vmem>>) dst(%dma_wait3A_190 : memref<64x64xf32, #tpu.memory_space<vmem_shared>>)
    %dma_wait3A_191 = arith.constant 0 : i32
    %dma_wait3A_192 = tpu.memref_slice %arg8[%add3A_131, %dma_wait3A_191] : memref<10240x64xf32, #tpu.memory_space<vmem_shared>> -> memref<64x64xf32, #tpu.memory_space<vmem_shared>>
    %dma_wait3A_193 = arith.constant 0 : i32
    %dma_wait3A_194 = tpu.memref_slice %arg8[%add3A_131, %dma_wait3A_193] : memref<10240x64xf32, #tpu.memory_space<vmem_shared>> -> memref<64x64xf32, #tpu.memory_space<vmem_shared>>
    tpu.wait_dma2 semaphore(%arg10 : memref<!tpu.dma_semaphore, #tpu.memory_space<semaphore_mem>>) src(%arg7 : memref<64x64xf32, #tpu.memory_space<vmem>>) dst(%dma_wait3A_194 : memref<64x64xf32, #tpu.memory_space<vmem_shared>>)
    %dma_wait3A_195 = arith.constant 0 : i32
    %dma_wait3A_196 = tpu.memref_slice %arg8[%add3A_139, %dma_wait3A_195] : memref<10240x64xf32, #tpu.memory_space<vmem_shared>> -> memref<64x64xf32, #tpu.memory_space<vmem_shared>>
    %dma_wait3A_197 = arith.constant 0 : i32
    %dma_wait3A_198 = tpu.memref_slice %arg8[%add3A_139, %dma_wait3A_197] : memref<10240x64xf32, #tpu.memory_space<vmem_shared>> -> memref<64x64xf32, #tpu.memory_space<vmem_shared>>
    tpu.wait_dma2 semaphore(%arg10 : memref<!tpu.dma_semaphore, #tpu.memory_space<semaphore_mem>>) src(%arg7 : memref<64x64xf32, #tpu.memory_space<vmem>>) dst(%dma_wait3A_198 : memref<64x64xf32, #tpu.memory_space<vmem_shared>>)
    %dma_wait3A_199 = arith.constant 0 : i32
    %dma_wait3A_200 = tpu.memref_slice %arg8[%add3A_147, %dma_wait3A_199] : memref<10240x64xf32, #tpu.memory_space<vmem_shared>> -> memref<64x64xf32, #tpu.memory_space<vmem_shared>>
    %dma_wait3A_201 = arith.constant 0 : i32
    %dma_wait3A_202 = tpu.memref_slice %arg8[%add3A_147, %dma_wait3A_201] : memref<10240x64xf32, #tpu.memory_space<vmem_shared>> -> memref<64x64xf32, #tpu.memory_space<vmem_shared>>
    tpu.wait_dma2 semaphore(%arg10 : memref<!tpu.dma_semaphore, #tpu.memory_space<semaphore_mem>>) src(%arg7 : memref<64x64xf32, #tpu.memory_space<vmem>>) dst(%dma_wait3A_202 : memref<64x64xf32, #tpu.memory_space<vmem_shared>>)
    %dma_wait3A_203 = arith.constant 0 : i32
    %dma_wait3A_204 = tpu.memref_slice %arg8[%add3A_155, %dma_wait3A_203] : memref<10240x64xf32, #tpu.memory_space<vmem_shared>> -> memref<64x64xf32, #tpu.memory_space<vmem_shared>>
    %dma_wait3A_205 = arith.constant 0 : i32
    %dma_wait3A_206 = tpu.memref_slice %arg8[%add3A_155, %dma_wait3A_205] : memref<10240x64xf32, #tpu.memory_space<vmem_shared>> -> memref<64x64xf32, #tpu.memory_space<vmem_shared>>
    tpu.wait_dma2 semaphore(%arg10 : memref<!tpu.dma_semaphore, #tpu.memory_space<semaphore_mem>>) src(%arg7 : memref<64x64xf32, #tpu.memory_space<vmem>>) dst(%dma_wait3A_206 : memref<64x64xf32, #tpu.memory_space<vmem_shared>>)
    %dma_wait3A_207 = arith.constant 0 : i32
    %dma_wait3A_208 = tpu.memref_slice %arg8[%add3A_163, %dma_wait3A_207] : memref<10240x64xf32, #tpu.memory_space<vmem_shared>> -> memref<64x64xf32, #tpu.memory_space<vmem_shared>>
    %dma_wait3A_209 = arith.constant 0 : i32
    %dma_wait3A_210 = tpu.memref_slice %arg8[%add3A_163, %dma_wait3A_209] : memref<10240x64xf32, #tpu.memory_space<vmem_shared>> -> memref<64x64xf32, #tpu.memory_space<vmem_shared>>
    tpu.wait_dma2 semaphore(%arg10 : memref<!tpu.dma_semaphore, #tpu.memory_space<semaphore_mem>>) src(%arg7 : memref<64x64xf32, #tpu.memory_space<vmem>>) dst(%dma_wait3A_210 : memref<64x64xf32, #tpu.memory_space<vmem_shared>>)
    %dma_wait3A_211 = arith.constant 0 : i32
    %dma_wait3A_212 = tpu.memref_slice %arg8[%add3A_171, %dma_wait3A_211] : memref<10240x64xf32, #tpu.memory_space<vmem_shared>> -> memref<64x64xf32, #tpu.memory_space<vmem_shared>>
    %dma_wait3A_213 = arith.constant 0 : i32
    %dma_wait3A_214 = tpu.memref_slice %arg8[%add3A_171, %dma_wait3A_213] : memref<10240x64xf32, #tpu.memory_space<vmem_shared>> -> memref<64x64xf32, #tpu.memory_space<vmem_shared>>
    tpu.wait_dma2 semaphore(%arg10 : memref<!tpu.dma_semaphore, #tpu.memory_space<semaphore_mem>>) src(%arg7 : memref<64x64xf32, #tpu.memory_space<vmem>>) dst(%dma_wait3A_214 : memref<64x64xf32, #tpu.memory_space<vmem_shared>>)
    %dma_wait3A_215 = tpu.memref_slice %arg3[%mul3A_17] : memref<327680xi32, #tpu.memory_space<hbm>> -> memref<128xi32, #tpu.memory_space<hbm>>
    %dma_wait3A_216 = tpu.memref_slice %arg3[%mul3A_17] : memref<327680xi32, #tpu.memory_space<hbm>> -> memref<128xi32, #tpu.memory_space<hbm>>
    tpu.wait_dma2 semaphore(%arg11 : memref<!tpu.dma_semaphore, #tpu.memory_space<semaphore_mem>>) src(%dma_wait3A_216 : memref<128xi32, #tpu.memory_space<hbm>>) dst(%arg20 : memref<128xi32, #tpu.memory_space<vmem>>)
    %dma_wait3A_217 = tpu.memref_slice %arg4[%mul3A_26] : memref<327680xi32, #tpu.memory_space<hbm>> -> memref<128xi32, #tpu.memory_space<hbm>>
    %dma_wait3A_218 = tpu.memref_slice %arg4[%mul3A_26] : memref<327680xi32, #tpu.memory_space<hbm>> -> memref<128xi32, #tpu.memory_space<hbm>>
    tpu.wait_dma2 semaphore(%arg11 : memref<!tpu.dma_semaphore, #tpu.memory_space<semaphore_mem>>) src(%dma_wait3A_218 : memref<128xi32, #tpu.memory_space<hbm>>) dst(%arg12 : memref<128xi32, #tpu.memory_space<vmem>>)
    %dma_wait3A_219 = tpu.memref_slice %arg3[%mul3A_36] : memref<327680xi32, #tpu.memory_space<hbm>> -> memref<128xi32, #tpu.memory_space<hbm>>
    %dma_wait3A_220 = tpu.memref_slice %arg3[%mul3A_36] : memref<327680xi32, #tpu.memory_space<hbm>> -> memref<128xi32, #tpu.memory_space<hbm>>
    tpu.wait_dma2 semaphore(%arg11 : memref<!tpu.dma_semaphore, #tpu.memory_space<semaphore_mem>>) src(%dma_wait3A_220 : memref<128xi32, #tpu.memory_space<hbm>>) dst(%arg21 : memref<128xi32, #tpu.memory_space<vmem>>)
    %dma_wait3A_221 = tpu.memref_slice %arg4[%mul3A_46] : memref<327680xi32, #tpu.memory_space<hbm>> -> memref<128xi32, #tpu.memory_space<hbm>>
    %dma_wait3A_222 = tpu.memref_slice %arg4[%mul3A_46] : memref<327680xi32, #tpu.memory_space<hbm>> -> memref<128xi32, #tpu.memory_space<hbm>>
    tpu.wait_dma2 semaphore(%arg11 : memref<!tpu.dma_semaphore, #tpu.memory_space<semaphore_mem>>) src(%dma_wait3A_222 : memref<128xi32, #tpu.memory_space<hbm>>) dst(%arg13 : memref<128xi32, #tpu.memory_space<vmem>>)
    %dma_wait3A_223 = tpu.memref_slice %arg3[%mul3A_56] : memref<327680xi32, #tpu.memory_space<hbm>> -> memref<128xi32, #tpu.memory_space<hbm>>
    %dma_wait3A_224 = tpu.memref_slice %arg3[%mul3A_56] : memref<327680xi32, #tpu.memory_space<hbm>> -> memref<128xi32, #tpu.memory_space<hbm>>
    tpu.wait_dma2 semaphore(%arg11 : memref<!tpu.dma_semaphore, #tpu.memory_space<semaphore_mem>>) src(%dma_wait3A_224 : memref<128xi32, #tpu.memory_space<hbm>>) dst(%arg22 : memref<128xi32, #tpu.memory_space<vmem>>)
    %dma_wait3A_225 = tpu.memref_slice %arg4[%mul3A_66] : memref<327680xi32, #tpu.memory_space<hbm>> -> memref<128xi32, #tpu.memory_space<hbm>>
    %dma_wait3A_226 = tpu.memref_slice %arg4[%mul3A_66] : memref<327680xi32, #tpu.memory_space<hbm>> -> memref<128xi32, #tpu.memory_space<hbm>>
    tpu.wait_dma2 semaphore(%arg11 : memref<!tpu.dma_semaphore, #tpu.memory_space<semaphore_mem>>) src(%dma_wait3A_226 : memref<128xi32, #tpu.memory_space<hbm>>) dst(%arg14 : memref<128xi32, #tpu.memory_space<vmem>>)
    %dma_wait3A_227 = tpu.memref_slice %arg3[%mul3A_76] : memref<327680xi32, #tpu.memory_space<hbm>> -> memref<128xi32, #tpu.memory_space<hbm>>
    %dma_wait3A_228 = tpu.memref_slice %arg3[%mul3A_76] : memref<327680xi32, #tpu.memory_space<hbm>> -> memref<128xi32, #tpu.memory_space<hbm>>
    tpu.wait_dma2 semaphore(%arg11 : memref<!tpu.dma_semaphore, #tpu.memory_space<semaphore_mem>>) src(%dma_wait3A_228 : memref<128xi32, #tpu.memory_space<hbm>>) dst(%arg23 : memref<128xi32, #tpu.memory_space<vmem>>)
    %dma_wait3A_229 = tpu.memref_slice %arg4[%mul3A_86] : memref<327680xi32, #tpu.memory_space<hbm>> -> memref<128xi32, #tpu.memory_space<hbm>>
    %dma_wait3A_230 = tpu.memref_slice %arg4[%mul3A_86] : memref<327680xi32, #tpu.memory_space<hbm>> -> memref<128xi32, #tpu.memory_space<hbm>>
    tpu.wait_dma2 semaphore(%arg11 : memref<!tpu.dma_semaphore, #tpu.memory_space<semaphore_mem>>) src(%dma_wait3A_230 : memref<128xi32, #tpu.memory_space<hbm>>) dst(%arg15 : memref<128xi32, #tpu.memory_space<vmem>>)
    %barrier3A = arith.constant 0 : index
    tpu.barrier barrier_id(%barrier3A)
    %while3A = arith.constant 0 : i32
    %while3A_231 = arith.constant 0 : i32
    %while3A_232 = arith.subi %select_n3A_6, %while3A : i32
    %while3A_233 = arith.addi %while3A, %while3A_232 : i32
    %while3A_234 = arith.constant 1 : i32
    %while3A_235 = arith.divsi %while3A_232, %while3A_234 : i32
    %while3A_236 = arith.muli %while3A_235, %while3A_234 : i32
    %while3A_237 = arith.addi %while3A, %while3A_236 : i32
    %while3A_238 = arith.constant 1 : i32
    %while3A_239 = scf.for %while3A_248 = %while3A to %while3A_237 step %while3A_238 iter_args(%while3A_249 = %while3A_231) -> (i32)  : i32 {
      %mul3A_250 = arith.constant 2 : i32
      %mul3A_251 = arith.muli %mul3A_250, %while3A_248 : i32
      %add3A_252 = arith.constant 1 : i32
      %add3A_253 = arith.addi %mul3A_251, %add3A_252 : i32
      %min3A_254 = arith.minsi %add3A_253, %sub3A_10 : i32
      %mul3A_255 = arith.constant 4 : i32
      %mul3A_256 = arith.muli %min3A_254, %mul3A_255 : i32
      %add3A_257 = arith.addi %select_n3A, %mul3A_256 : i32
      %add3A_258 = arith.constant 0 : i32
      %add3A_259 = arith.addi %add3A_257, %add3A_258 : i32
      %min3A_260 = arith.constant 2559 : i32
      %min3A_261 = arith.minsi %add3A_259, %min3A_260 : i32
      %mul3A_262 = arith.constant 128 : i32
      %mul3A_263 = arith.muli %min3A_261, %mul3A_262 : i32
      %dma_start3A_264 = tpu.memref_slice %arg3[%mul3A_263] : memref<327680xi32, #tpu.memory_space<hbm>> -> memref<128xi32, #tpu.memory_space<hbm>>
      %dma_start3A_265 = tpu.memref_slice %arg3[%mul3A_263] : memref<327680xi32, #tpu.memory_space<hbm>> -> memref<128xi32, #tpu.memory_space<hbm>>
      tpu.enqueue_dma source(%dma_start3A_265 : memref<128xi32, #tpu.memory_space<hbm>>) target(%arg24 : memref<128xi32, #tpu.memory_space<vmem>>) target_semaphore(%arg11 : memref<!tpu.dma_semaphore, #tpu.memory_space<semaphore_mem>>)
      %mul3A_266 = arith.constant 4 : i32
      %mul3A_267 = arith.muli %min3A_254, %mul3A_266 : i32
      %add3A_268 = arith.addi %select_n3A, %mul3A_267 : i32
      %add3A_269 = arith.constant 0 : i32
      %add3A_270 = arith.addi %add3A_268, %add3A_269 : i32
      %min3A_271 = arith.constant 2559 : i32
      %min3A_272 = arith.minsi %add3A_270, %min3A_271 : i32
      %mul3A_273 = arith.constant 128 : i32
      %mul3A_274 = arith.muli %min3A_272, %mul3A_273 : i32
      %dma_start3A_275 = tpu.memref_slice %arg4[%mul3A_274] : memref<327680xi32, #tpu.memory_space<hbm>> -> memref<128xi32, #tpu.memory_space<hbm>>
      %dma_start3A_276 = tpu.memref_slice %arg4[%mul3A_274] : memref<327680xi32, #tpu.memory_space<hbm>> -> memref<128xi32, #tpu.memory_space<hbm>>
      tpu.enqueue_dma source(%dma_start3A_276 : memref<128xi32, #tpu.memory_space<hbm>>) target(%arg16 : memref<128xi32, #tpu.memory_space<vmem>>) target_semaphore(%arg11 : memref<!tpu.dma_semaphore, #tpu.memory_space<semaphore_mem>>)
      %mul3A_277 = arith.constant 4 : i32
      %mul3A_278 = arith.muli %min3A_254, %mul3A_277 : i32
      %add3A_279 = arith.addi %select_n3A, %mul3A_278 : i32
      %add3A_280 = arith.constant 1 : i32
      %add3A_281 = arith.addi %add3A_279, %add3A_280 : i32
      %min3A_282 = arith.constant 2559 : i32
      %min3A_283 = arith.minsi %add3A_281, %min3A_282 : i32
      %mul3A_284 = arith.constant 128 : i32
      %mul3A_285 = arith.muli %min3A_283, %mul3A_284 : i32
      %dma_start3A_286 = tpu.memref_slice %arg3[%mul3A_285] : memref<327680xi32, #tpu.memory_space<hbm>> -> memref<128xi32, #tpu.memory_space<hbm>>
      %dma_start3A_287 = tpu.memref_slice %arg3[%mul3A_285] : memref<327680xi32, #tpu.memory_space<hbm>> -> memref<128xi32, #tpu.memory_space<hbm>>
      tpu.enqueue_dma source(%dma_start3A_287 : memref<128xi32, #tpu.memory_space<hbm>>) target(%arg25 : memref<128xi32, #tpu.memory_space<vmem>>) target_semaphore(%arg11 : memref<!tpu.dma_semaphore, #tpu.memory_space<semaphore_mem>>)
      %mul3A_288 = arith.constant 4 : i32
      %mul3A_289 = arith.muli %min3A_254, %mul3A_288 : i32
      %add3A_290 = arith.addi %select_n3A, %mul3A_289 : i32
      %add3A_291 = arith.constant 1 : i32
      %add3A_292 = arith.addi %add3A_290, %add3A_291 : i32
      %min3A_293 = arith.constant 2559 : i32
      %min3A_294 = arith.minsi %add3A_292, %min3A_293 : i32
      %mul3A_295 = arith.constant 128 : i32
      %mul3A_296 = arith.muli %min3A_294, %mul3A_295 : i32
      %dma_start3A_297 = tpu.memref_slice %arg4[%mul3A_296] : memref<327680xi32, #tpu.memory_space<hbm>> -> memref<128xi32, #tpu.memory_space<hbm>>
      %dma_start3A_298 = tpu.memref_slice %arg4[%mul3A_296] : memref<327680xi32, #tpu.memory_space<hbm>> -> memref<128xi32, #tpu.memory_space<hbm>>
      tpu.enqueue_dma source(%dma_start3A_298 : memref<128xi32, #tpu.memory_space<hbm>>) target(%arg17 : memref<128xi32, #tpu.memory_space<vmem>>) target_semaphore(%arg11 : memref<!tpu.dma_semaphore, #tpu.memory_space<semaphore_mem>>)
      %mul3A_299 = arith.constant 4 : i32
      %mul3A_300 = arith.muli %min3A_254, %mul3A_299 : i32
      %add3A_301 = arith.addi %select_n3A, %mul3A_300 : i32
      %add3A_302 = arith.constant 2 : i32
      %add3A_303 = arith.addi %add3A_301, %add3A_302 : i32
      %min3A_304 = arith.constant 2559 : i32
      %min3A_305 = arith.minsi %add3A_303, %min3A_304 : i32
      %mul3A_306 = arith.constant 128 : i32
      %mul3A_307 = arith.muli %min3A_305, %mul3A_306 : i32
      %dma_start3A_308 = tpu.memref_slice %arg3[%mul3A_307] : memref<327680xi32, #tpu.memory_space<hbm>> -> memref<128xi32, #tpu.memory_space<hbm>>
      %dma_start3A_309 = tpu.memref_slice %arg3[%mul3A_307] : memref<327680xi32, #tpu.memory_space<hbm>> -> memref<128xi32, #tpu.memory_space<hbm>>
      tpu.enqueue_dma source(%dma_start3A_309 : memref<128xi32, #tpu.memory_space<hbm>>) target(%arg26 : memref<128xi32, #tpu.memory_space<vmem>>) target_semaphore(%arg11 : memref<!tpu.dma_semaphore, #tpu.memory_space<semaphore_mem>>)
      %mul3A_310 = arith.constant 4 : i32
      %mul3A_311 = arith.muli %min3A_254, %mul3A_310 : i32
      %add3A_312 = arith.addi %select_n3A, %mul3A_311 : i32
      %add3A_313 = arith.constant 2 : i32
      %add3A_314 = arith.addi %add3A_312, %add3A_313 : i32
      %min3A_315 = arith.constant 2559 : i32
      %min3A_316 = arith.minsi %add3A_314, %min3A_315 : i32
      %mul3A_317 = arith.constant 128 : i32
      %mul3A_318 = arith.muli %min3A_316, %mul3A_317 : i32
      %dma_start3A_319 = tpu.memref_slice %arg4[%mul3A_318] : memref<327680xi32, #tpu.memory_space<hbm>> -> memref<128xi32, #tpu.memory_space<hbm>>
      %dma_start3A_320 = tpu.memref_slice %arg4[%mul3A_318] : memref<327680xi32, #tpu.memory_space<hbm>> -> memref<128xi32, #tpu.memory_space<hbm>>
      tpu.enqueue_dma source(%dma_start3A_320 : memref<128xi32, #tpu.memory_space<hbm>>) target(%arg18 : memref<128xi32, #tpu.memory_space<vmem>>) target_semaphore(%arg11 : memref<!tpu.dma_semaphore, #tpu.memory_space<semaphore_mem>>)
      %mul3A_321 = arith.constant 4 : i32
      %mul3A_322 = arith.muli %min3A_254, %mul3A_321 : i32
      %add3A_323 = arith.addi %select_n3A, %mul3A_322 : i32
      %add3A_324 = arith.constant 3 : i32
      %add3A_325 = arith.addi %add3A_323, %add3A_324 : i32
      %min3A_326 = arith.constant 2559 : i32
      %min3A_327 = arith.minsi %add3A_325, %min3A_326 : i32
      %mul3A_328 = arith.constant 128 : i32
      %mul3A_329 = arith.muli %min3A_327, %mul3A_328 : i32
      %dma_start3A_330 = tpu.memref_slice %arg3[%mul3A_329] : memref<327680xi32, #tpu.memory_space<hbm>> -> memref<128xi32, #tpu.memory_space<hbm>>
      %dma_start3A_331 = tpu.memref_slice %arg3[%mul3A_329] : memref<327680xi32, #tpu.memory_space<hbm>> -> memref<128xi32, #tpu.memory_space<hbm>>
      tpu.enqueue_dma source(%dma_start3A_331 : memref<128xi32, #tpu.memory_space<hbm>>) target(%arg27 : memref<128xi32, #tpu.memory_space<vmem>>) target_semaphore(%arg11 : memref<!tpu.dma_semaphore, #tpu.memory_space<semaphore_mem>>)
      %mul3A_332 = arith.constant 4 : i32
      %mul3A_333 = arith.muli %min3A_254, %mul3A_332 : i32
      %add3A_334 = arith.addi %select_n3A, %mul3A_333 : i32
      %add3A_335 = arith.constant 3 : i32
      %add3A_336 = arith.addi %add3A_334, %add3A_335 : i32
      %min3A_337 = arith.constant 2559 : i32
      %min3A_338 = arith.minsi %add3A_336, %min3A_337 : i32
      %mul3A_339 = arith.constant 128 : i32
      %mul3A_340 = arith.muli %min3A_338, %mul3A_339 : i32
      %dma_start3A_341 = tpu.memref_slice %arg4[%mul3A_340] : memref<327680xi32, #tpu.memory_space<hbm>> -> memref<128xi32, #tpu.memory_space<hbm>>
      %dma_start3A_342 = tpu.memref_slice %arg4[%mul3A_340] : memref<327680xi32, #tpu.memory_space<hbm>> -> memref<128xi32, #tpu.memory_space<hbm>>
      tpu.enqueue_dma source(%dma_start3A_342 : memref<128xi32, #tpu.memory_space<hbm>>) target(%arg19 : memref<128xi32, #tpu.memory_space<vmem>>) target_semaphore(%arg11 : memref<!tpu.dma_semaphore, #tpu.memory_space<semaphore_mem>>)
      %dma_start3A_343 = arith.constant 0 : i32
      %dma_start3A_344 = arith.constant 0 : i32
      %dma_start3A_345 = arith.constant 0 : i32
      %dma_start3A_346 = tpu.memref_slice %arg6[%dma_start3A_343, %dma_start3A_344, %dma_start3A_345] : memref<4x128x64xf32, #tpu.memory_space<vmem>> -> memref<1x128x64xf32, #tpu.memory_space<vmem>>
      %dma_start3A_347 = tpu.memref_squeeze %dma_start3A_346 : memref<1x128x64xf32, #tpu.memory_space<vmem>> -> memref<128x64xf32, #tpu.memory_space<vmem>>
      %dma_start3A_348 = arith.constant 0 : i32
      %dma_start3A_349 = arith.constant 0 : i32
      %dma_start3A_350 = tpu.memref_slice %arg2[%dma_start3A_348, %dma_start3A_349] : memref<10000x64xf32, #tpu.memory_space<hbm>> -> memref<10000x64xf32, #tpu.memory_space<hbm>>
      tpu.enqueue_indirect_dma source(%dma_start3A_350 : memref<10000x64xf32, #tpu.memory_space<hbm>>) target(%dma_start3A_347 : memref<128x64xf32, #tpu.memory_space<vmem>>) offsets(%arg20 : memref<128xi32, #tpu.memory_space<vmem>>) semaphore(%arg9 : memref<!tpu.dma_semaphore, #tpu.memory_space<semaphore_mem>>)
      %dma_start3A_351 = arith.constant 1 : i32
      %dma_start3A_352 = arith.constant 0 : i32
      %dma_start3A_353 = arith.constant 0 : i32
      %dma_start3A_354 = tpu.memref_slice %arg6[%dma_start3A_351, %dma_start3A_352, %dma_start3A_353] : memref<4x128x64xf32, #tpu.memory_space<vmem>> -> memref<1x128x64xf32, #tpu.memory_space<vmem>>
      %dma_start3A_355 = tpu.memref_squeeze %dma_start3A_354 : memref<1x128x64xf32, #tpu.memory_space<vmem>> -> memref<128x64xf32, #tpu.memory_space<vmem>>
      %dma_start3A_356 = arith.constant 0 : i32
      %dma_start3A_357 = arith.constant 0 : i32
      %dma_start3A_358 = tpu.memref_slice %arg2[%dma_start3A_356, %dma_start3A_357] : memref<10000x64xf32, #tpu.memory_space<hbm>> -> memref<10000x64xf32, #tpu.memory_space<hbm>>
      tpu.enqueue_indirect_dma source(%dma_start3A_358 : memref<10000x64xf32, #tpu.memory_space<hbm>>) target(%dma_start3A_355 : memref<128x64xf32, #tpu.memory_space<vmem>>) offsets(%arg21 : memref<128xi32, #tpu.memory_space<vmem>>) semaphore(%arg9 : memref<!tpu.dma_semaphore, #tpu.memory_space<semaphore_mem>>)
      %dma_start3A_359 = arith.constant 2 : i32
      %dma_start3A_360 = arith.constant 0 : i32
      %dma_start3A_361 = arith.constant 0 : i32
      %dma_start3A_362 = tpu.memref_slice %arg6[%dma_start3A_359, %dma_start3A_360, %dma_start3A_361] : memref<4x128x64xf32, #tpu.memory_space<vmem>> -> memref<1x128x64xf32, #tpu.memory_space<vmem>>
      %dma_start3A_363 = tpu.memref_squeeze %dma_start3A_362 : memref<1x128x64xf32, #tpu.memory_space<vmem>> -> memref<128x64xf32, #tpu.memory_space<vmem>>
      %dma_start3A_364 = arith.constant 0 : i32
      %dma_start3A_365 = arith.constant 0 : i32
      %dma_start3A_366 = tpu.memref_slice %arg2[%dma_start3A_364, %dma_start3A_365] : memref<10000x64xf32, #tpu.memory_space<hbm>> -> memref<10000x64xf32, #tpu.memory_space<hbm>>
      tpu.enqueue_indirect_dma source(%dma_start3A_366 : memref<10000x64xf32, #tpu.memory_space<hbm>>) target(%dma_start3A_363 : memref<128x64xf32, #tpu.memory_space<vmem>>) offsets(%arg22 : memref<128xi32, #tpu.memory_space<vmem>>) semaphore(%arg9 : memref<!tpu.dma_semaphore, #tpu.memory_space<semaphore_mem>>)
      %dma_start3A_367 = arith.constant 3 : i32
      %dma_start3A_368 = arith.constant 0 : i32
      %dma_start3A_369 = arith.constant 0 : i32
      %dma_start3A_370 = tpu.memref_slice %arg6[%dma_start3A_367, %dma_start3A_368, %dma_start3A_369] : memref<4x128x64xf32, #tpu.memory_space<vmem>> -> memref<1x128x64xf32, #tpu.memory_space<vmem>>
      %dma_start3A_371 = tpu.memref_squeeze %dma_start3A_370 : memref<1x128x64xf32, #tpu.memory_space<vmem>> -> memref<128x64xf32, #tpu.memory_space<vmem>>
      %dma_start3A_372 = arith.constant 0 : i32
      %dma_start3A_373 = arith.constant 0 : i32
      %dma_start3A_374 = tpu.memref_slice %arg2[%dma_start3A_372, %dma_start3A_373] : memref<10000x64xf32, #tpu.memory_space<hbm>> -> memref<10000x64xf32, #tpu.memory_space<hbm>>
      tpu.enqueue_indirect_dma source(%dma_start3A_374 : memref<10000x64xf32, #tpu.memory_space<hbm>>) target(%dma_start3A_371 : memref<128x64xf32, #tpu.memory_space<vmem>>) offsets(%arg23 : memref<128xi32, #tpu.memory_space<vmem>>) semaphore(%arg9 : memref<!tpu.dma_semaphore, #tpu.memory_space<semaphore_mem>>)
      %dma_wait3A_375 = arith.constant 0 : i32
      %dma_wait3A_376 = arith.constant 0 : i32
      %dma_wait3A_377 = arith.constant 0 : i32
      %dma_wait3A_378 = tpu.memref_slice %arg6[%dma_wait3A_375, %dma_wait3A_376, %dma_wait3A_377] : memref<4x128x64xf32, #tpu.memory_space<vmem>> -> memref<1x128x64xf32, #tpu.memory_space<vmem>>
      %dma_wait3A_379 = tpu.memref_squeeze %dma_wait3A_378 : memref<1x128x64xf32, #tpu.memory_space<vmem>> -> memref<128x64xf32, #tpu.memory_space<vmem>>
      %dma_wait3A_380 = arith.constant 0 : i32
      %dma_wait3A_381 = arith.constant 0 : i32
      %dma_wait3A_382 = tpu.memref_slice %arg2[%dma_wait3A_380, %dma_wait3A_381] : memref<10000x64xf32, #tpu.memory_space<hbm>> -> memref<10000x64xf32, #tpu.memory_space<hbm>>
      tpu.wait_indirect_dma semaphore(%arg9 : memref<!tpu.dma_semaphore, #tpu.memory_space<semaphore_mem>>) src(%dma_wait3A_382 : memref<10000x64xf32, #tpu.memory_space<hbm>>) dst(%dma_wait3A_379 : memref<128x64xf32, #tpu.memory_space<vmem>>)
      %dma_wait3A_383 = arith.constant 1 : i32
      %dma_wait3A_384 = arith.constant 0 : i32
      %dma_wait3A_385 = arith.constant 0 : i32
      %dma_wait3A_386 = tpu.memref_slice %arg6[%dma_wait3A_383, %dma_wait3A_384, %dma_wait3A_385] : memref<4x128x64xf32, #tpu.memory_space<vmem>> -> memref<1x128x64xf32, #tpu.memory_space<vmem>>
      %dma_wait3A_387 = tpu.memref_squeeze %dma_wait3A_386 : memref<1x128x64xf32, #tpu.memory_space<vmem>> -> memref<128x64xf32, #tpu.memory_space<vmem>>
      %dma_wait3A_388 = arith.constant 0 : i32
      %dma_wait3A_389 = arith.constant 0 : i32
      %dma_wait3A_390 = tpu.memref_slice %arg2[%dma_wait3A_388, %dma_wait3A_389] : memref<10000x64xf32, #tpu.memory_space<hbm>> -> memref<10000x64xf32, #tpu.memory_space<hbm>>
      tpu.wait_indirect_dma semaphore(%arg9 : memref<!tpu.dma_semaphore, #tpu.memory_space<semaphore_mem>>) src(%dma_wait3A_390 : memref<10000x64xf32, #tpu.memory_space<hbm>>) dst(%dma_wait3A_387 : memref<128x64xf32, #tpu.memory_space<vmem>>)
      %dma_wait3A_391 = arith.constant 2 : i32
      %dma_wait3A_392 = arith.constant 0 : i32
      %dma_wait3A_393 = arith.constant 0 : i32
      %dma_wait3A_394 = tpu.memref_slice %arg6[%dma_wait3A_391, %dma_wait3A_392, %dma_wait3A_393] : memref<4x128x64xf32, #tpu.memory_space<vmem>> -> memref<1x128x64xf32, #tpu.memory_space<vmem>>
      %dma_wait3A_395 = tpu.memref_squeeze %dma_wait3A_394 : memref<1x128x64xf32, #tpu.memory_space<vmem>> -> memref<128x64xf32, #tpu.memory_space<vmem>>
      %dma_wait3A_396 = arith.constant 0 : i32
      %dma_wait3A_397 = arith.constant 0 : i32
      %dma_wait3A_398 = tpu.memref_slice %arg2[%dma_wait3A_396, %dma_wait3A_397] : memref<10000x64xf32, #tpu.memory_space<hbm>> -> memref<10000x64xf32, #tpu.memory_space<hbm>>
      tpu.wait_indirect_dma semaphore(%arg9 : memref<!tpu.dma_semaphore, #tpu.memory_space<semaphore_mem>>) src(%dma_wait3A_398 : memref<10000x64xf32, #tpu.memory_space<hbm>>) dst(%dma_wait3A_395 : memref<128x64xf32, #tpu.memory_space<vmem>>)
      %dma_wait3A_399 = arith.constant 3 : i32
      %dma_wait3A_400 = arith.constant 0 : i32
      %dma_wait3A_401 = arith.constant 0 : i32
      %dma_wait3A_402 = tpu.memref_slice %arg6[%dma_wait3A_399, %dma_wait3A_400, %dma_wait3A_401] : memref<4x128x64xf32, #tpu.memory_space<vmem>> -> memref<1x128x64xf32, #tpu.memory_space<vmem>>
      %dma_wait3A_403 = tpu.memref_squeeze %dma_wait3A_402 : memref<1x128x64xf32, #tpu.memory_space<vmem>> -> memref<128x64xf32, #tpu.memory_space<vmem>>
      %dma_wait3A_404 = arith.constant 0 : i32
      %dma_wait3A_405 = arith.constant 0 : i32
      %dma_wait3A_406 = tpu.memref_slice %arg2[%dma_wait3A_404, %dma_wait3A_405] : memref<10000x64xf32, #tpu.memory_space<hbm>> -> memref<10000x64xf32, #tpu.memory_space<hbm>>
      tpu.wait_indirect_dma semaphore(%arg9 : memref<!tpu.dma_semaphore, #tpu.memory_space<semaphore_mem>>) src(%dma_wait3A_406 : memref<10000x64xf32, #tpu.memory_space<hbm>>) dst(%dma_wait3A_403 : memref<128x64xf32, #tpu.memory_space<vmem>>)
      %dma_start3A_407 = arith.constant 0 : i32
      %dma_start3A_408 = arith.constant 0 : i32
      %dma_start3A_409 = arith.constant 0 : i32
      %dma_start3A_410 = tpu.memref_slice %arg6[%dma_start3A_407, %dma_start3A_408, %dma_start3A_409] : memref<4x128x64xf32, #tpu.memory_space<vmem>> -> memref<1x128x64xf32, #tpu.memory_space<vmem>>
      %dma_start3A_411 = tpu.memref_squeeze %dma_start3A_410 : memref<1x128x64xf32, #tpu.memory_space<vmem>> -> memref<128x64xf32, #tpu.memory_space<vmem>>
      %dma_start3A_412 = arith.constant 0 : i32
      %dma_start3A_413 = arith.constant 0 : i32
      %dma_start3A_414 = tpu.memref_slice %arg8[%dma_start3A_412, %dma_start3A_413] : memref<10240x64xf32, #tpu.memory_space<vmem_shared>> -> memref<10240x64xf32, #tpu.memory_space<vmem_shared>>
      tpu.enqueue_indirect_dma source(%dma_start3A_411 : memref<128x64xf32, #tpu.memory_space<vmem>>) target(%dma_start3A_414 : memref<10240x64xf32, #tpu.memory_space<vmem_shared>>) offsets(%arg12 : memref<128xi32, #tpu.memory_space<vmem>>) semaphore(%arg10 : memref<!tpu.dma_semaphore, #tpu.memory_space<semaphore_mem>>) {add = true}
      %dma_start3A_415 = arith.constant 1 : i32
      %dma_start3A_416 = arith.constant 0 : i32
      %dma_start3A_417 = arith.constant 0 : i32
      %dma_start3A_418 = tpu.memref_slice %arg6[%dma_start3A_415, %dma_start3A_416, %dma_start3A_417] : memref<4x128x64xf32, #tpu.memory_space<vmem>> -> memref<1x128x64xf32, #tpu.memory_space<vmem>>
      %dma_start3A_419 = tpu.memref_squeeze %dma_start3A_418 : memref<1x128x64xf32, #tpu.memory_space<vmem>> -> memref<128x64xf32, #tpu.memory_space<vmem>>
      %dma_start3A_420 = arith.constant 0 : i32
      %dma_start3A_421 = arith.constant 0 : i32
      %dma_start3A_422 = tpu.memref_slice %arg8[%dma_start3A_420, %dma_start3A_421] : memref<10240x64xf32, #tpu.memory_space<vmem_shared>> -> memref<10240x64xf32, #tpu.memory_space<vmem_shared>>
      tpu.enqueue_indirect_dma source(%dma_start3A_419 : memref<128x64xf32, #tpu.memory_space<vmem>>) target(%dma_start3A_422 : memref<10240x64xf32, #tpu.memory_space<vmem_shared>>) offsets(%arg13 : memref<128xi32, #tpu.memory_space<vmem>>) semaphore(%arg10 : memref<!tpu.dma_semaphore, #tpu.memory_space<semaphore_mem>>) {add = true}
      %dma_start3A_423 = arith.constant 2 : i32
      %dma_start3A_424 = arith.constant 0 : i32
      %dma_start3A_425 = arith.constant 0 : i32
      %dma_start3A_426 = tpu.memref_slice %arg6[%dma_start3A_423, %dma_start3A_424, %dma_start3A_425] : memref<4x128x64xf32, #tpu.memory_space<vmem>> -> memref<1x128x64xf32, #tpu.memory_space<vmem>>
      %dma_start3A_427 = tpu.memref_squeeze %dma_start3A_426 : memref<1x128x64xf32, #tpu.memory_space<vmem>> -> memref<128x64xf32, #tpu.memory_space<vmem>>
      %dma_start3A_428 = arith.constant 0 : i32
      %dma_start3A_429 = arith.constant 0 : i32
      %dma_start3A_430 = tpu.memref_slice %arg8[%dma_start3A_428, %dma_start3A_429] : memref<10240x64xf32, #tpu.memory_space<vmem_shared>> -> memref<10240x64xf32, #tpu.memory_space<vmem_shared>>
      tpu.enqueue_indirect_dma source(%dma_start3A_427 : memref<128x64xf32, #tpu.memory_space<vmem>>) target(%dma_start3A_430 : memref<10240x64xf32, #tpu.memory_space<vmem_shared>>) offsets(%arg14 : memref<128xi32, #tpu.memory_space<vmem>>) semaphore(%arg10 : memref<!tpu.dma_semaphore, #tpu.memory_space<semaphore_mem>>) {add = true}
      %dma_start3A_431 = arith.constant 3 : i32
      %dma_start3A_432 = arith.constant 0 : i32
      %dma_start3A_433 = arith.constant 0 : i32
      %dma_start3A_434 = tpu.memref_slice %arg6[%dma_start3A_431, %dma_start3A_432, %dma_start3A_433] : memref<4x128x64xf32, #tpu.memory_space<vmem>> -> memref<1x128x64xf32, #tpu.memory_space<vmem>>
      %dma_start3A_435 = tpu.memref_squeeze %dma_start3A_434 : memref<1x128x64xf32, #tpu.memory_space<vmem>> -> memref<128x64xf32, #tpu.memory_space<vmem>>
      %dma_start3A_436 = arith.constant 0 : i32
      %dma_start3A_437 = arith.constant 0 : i32
      %dma_start3A_438 = tpu.memref_slice %arg8[%dma_start3A_436, %dma_start3A_437] : memref<10240x64xf32, #tpu.memory_space<vmem_shared>> -> memref<10240x64xf32, #tpu.memory_space<vmem_shared>>
      tpu.enqueue_indirect_dma source(%dma_start3A_435 : memref<128x64xf32, #tpu.memory_space<vmem>>) target(%dma_start3A_438 : memref<10240x64xf32, #tpu.memory_space<vmem_shared>>) offsets(%arg15 : memref<128xi32, #tpu.memory_space<vmem>>) semaphore(%arg10 : memref<!tpu.dma_semaphore, #tpu.memory_space<semaphore_mem>>) {add = true}
      %dma_wait3A_439 = arith.constant 0 : i32
      %dma_wait3A_440 = arith.constant 0 : i32
      %dma_wait3A_441 = arith.constant 0 : i32
      %dma_wait3A_442 = tpu.memref_slice %arg6[%dma_wait3A_439, %dma_wait3A_440, %dma_wait3A_441] : memref<4x128x64xf32, #tpu.memory_space<vmem>> -> memref<1x128x64xf32, #tpu.memory_space<vmem>>
      %dma_wait3A_443 = tpu.memref_squeeze %dma_wait3A_442 : memref<1x128x64xf32, #tpu.memory_space<vmem>> -> memref<128x64xf32, #tpu.memory_space<vmem>>
      %dma_wait3A_444 = arith.constant 0 : i32
      %dma_wait3A_445 = arith.constant 0 : i32
      %dma_wait3A_446 = tpu.memref_slice %arg8[%dma_wait3A_444, %dma_wait3A_445] : memref<10240x64xf32, #tpu.memory_space<vmem_shared>> -> memref<10240x64xf32, #tpu.memory_space<vmem_shared>>
      tpu.wait_indirect_dma semaphore(%arg10 : memref<!tpu.dma_semaphore, #tpu.memory_space<semaphore_mem>>) src(%dma_wait3A_443 : memref<128x64xf32, #tpu.memory_space<vmem>>) dst(%dma_wait3A_446 : memref<10240x64xf32, #tpu.memory_space<vmem_shared>>)
      %dma_wait3A_447 = arith.constant 1 : i32
      %dma_wait3A_448 = arith.constant 0 : i32
      %dma_wait3A_449 = arith.constant 0 : i32
      %dma_wait3A_450 = tpu.memref_slice %arg6[%dma_wait3A_447, %dma_wait3A_448, %dma_wait3A_449] : memref<4x128x64xf32, #tpu.memory_space<vmem>> -> memref<1x128x64xf32, #tpu.memory_space<vmem>>
      %dma_wait3A_451 = tpu.memref_squeeze %dma_wait3A_450 : memref<1x128x64xf32, #tpu.memory_space<vmem>> -> memref<128x64xf32, #tpu.memory_space<vmem>>
      %dma_wait3A_452 = arith.constant 0 : i32
      %dma_wait3A_453 = arith.constant 0 : i32
      %dma_wait3A_454 = tpu.memref_slice %arg8[%dma_wait3A_452, %dma_wait3A_453] : memref<10240x64xf32, #tpu.memory_space<vmem_shared>> -> memref<10240x64xf32, #tpu.memory_space<vmem_shared>>
      tpu.wait_indirect_dma semaphore(%arg10 : memref<!tpu.dma_semaphore, #tpu.memory_space<semaphore_mem>>) src(%dma_wait3A_451 : memref<128x64xf32, #tpu.memory_space<vmem>>) dst(%dma_wait3A_454 : memref<10240x64xf32, #tpu.memory_space<vmem_shared>>)
      %dma_wait3A_455 = arith.constant 2 : i32
      %dma_wait3A_456 = arith.constant 0 : i32
      %dma_wait3A_457 = arith.constant 0 : i32
      %dma_wait3A_458 = tpu.memref_slice %arg6[%dma_wait3A_455, %dma_wait3A_456, %dma_wait3A_457] : memref<4x128x64xf32, #tpu.memory_space<vmem>> -> memref<1x128x64xf32, #tpu.memory_space<vmem>>
      %dma_wait3A_459 = tpu.memref_squeeze %dma_wait3A_458 : memref<1x128x64xf32, #tpu.memory_space<vmem>> -> memref<128x64xf32, #tpu.memory_space<vmem>>
      %dma_wait3A_460 = arith.constant 0 : i32
      %dma_wait3A_461 = arith.constant 0 : i32
      %dma_wait3A_462 = tpu.memref_slice %arg8[%dma_wait3A_460, %dma_wait3A_461] : memref<10240x64xf32, #tpu.memory_space<vmem_shared>> -> memref<10240x64xf32, #tpu.memory_space<vmem_shared>>
      tpu.wait_indirect_dma semaphore(%arg10 : memref<!tpu.dma_semaphore, #tpu.memory_space<semaphore_mem>>) src(%dma_wait3A_459 : memref<128x64xf32, #tpu.memory_space<vmem>>) dst(%dma_wait3A_462 : memref<10240x64xf32, #tpu.memory_space<vmem_shared>>)
      %dma_wait3A_463 = arith.constant 3 : i32
      %dma_wait3A_464 = arith.constant 0 : i32
      %dma_wait3A_465 = arith.constant 0 : i32
      %dma_wait3A_466 = tpu.memref_slice %arg6[%dma_wait3A_463, %dma_wait3A_464, %dma_wait3A_465] : memref<4x128x64xf32, #tpu.memory_space<vmem>> -> memref<1x128x64xf32, #tpu.memory_space<vmem>>
      %dma_wait3A_467 = tpu.memref_squeeze %dma_wait3A_466 : memref<1x128x64xf32, #tpu.memory_space<vmem>> -> memref<128x64xf32, #tpu.memory_space<vmem>>
      %dma_wait3A_468 = arith.constant 0 : i32
      %dma_wait3A_469 = arith.constant 0 : i32
      %dma_wait3A_470 = tpu.memref_slice %arg8[%dma_wait3A_468, %dma_wait3A_469] : memref<10240x64xf32, #tpu.memory_space<vmem_shared>> -> memref<10240x64xf32, #tpu.memory_space<vmem_shared>>
      tpu.wait_indirect_dma semaphore(%arg10 : memref<!tpu.dma_semaphore, #tpu.memory_space<semaphore_mem>>) src(%dma_wait3A_467 : memref<128x64xf32, #tpu.memory_space<vmem>>) dst(%dma_wait3A_470 : memref<10240x64xf32, #tpu.memory_space<vmem_shared>>)
      %dma_wait3A_471 = tpu.memref_slice %arg3[%mul3A_263] : memref<327680xi32, #tpu.memory_space<hbm>> -> memref<128xi32, #tpu.memory_space<hbm>>
      %dma_wait3A_472 = tpu.memref_slice %arg3[%mul3A_263] : memref<327680xi32, #tpu.memory_space<hbm>> -> memref<128xi32, #tpu.memory_space<hbm>>
      tpu.wait_dma2 semaphore(%arg11 : memref<!tpu.dma_semaphore, #tpu.memory_space<semaphore_mem>>) src(%dma_wait3A_472 : memref<128xi32, #tpu.memory_space<hbm>>) dst(%arg24 : memref<128xi32, #tpu.memory_space<vmem>>)
      %dma_wait3A_473 = tpu.memref_slice %arg4[%mul3A_274] : memref<327680xi32, #tpu.memory_space<hbm>> -> memref<128xi32, #tpu.memory_space<hbm>>
      %dma_wait3A_474 = tpu.memref_slice %arg4[%mul3A_274] : memref<327680xi32, #tpu.memory_space<hbm>> -> memref<128xi32, #tpu.memory_space<hbm>>
      tpu.wait_dma2 semaphore(%arg11 : memref<!tpu.dma_semaphore, #tpu.memory_space<semaphore_mem>>) src(%dma_wait3A_474 : memref<128xi32, #tpu.memory_space<hbm>>) dst(%arg16 : memref<128xi32, #tpu.memory_space<vmem>>)
      %dma_wait3A_475 = tpu.memref_slice %arg3[%mul3A_285] : memref<327680xi32, #tpu.memory_space<hbm>> -> memref<128xi32, #tpu.memory_space<hbm>>
      %dma_wait3A_476 = tpu.memref_slice %arg3[%mul3A_285] : memref<327680xi32, #tpu.memory_space<hbm>> -> memref<128xi32, #tpu.memory_space<hbm>>
      tpu.wait_dma2 semaphore(%arg11 : memref<!tpu.dma_semaphore, #tpu.memory_space<semaphore_mem>>) src(%dma_wait3A_476 : memref<128xi32, #tpu.memory_space<hbm>>) dst(%arg25 : memref<128xi32, #tpu.memory_space<vmem>>)
      %dma_wait3A_477 = tpu.memref_slice %arg4[%mul3A_296] : memref<327680xi32, #tpu.memory_space<hbm>> -> memref<128xi32, #tpu.memory_space<hbm>>
      %dma_wait3A_478 = tpu.memref_slice %arg4[%mul3A_296] : memref<327680xi32, #tpu.memory_space<hbm>> -> memref<128xi32, #tpu.memory_space<hbm>>
      tpu.wait_dma2 semaphore(%arg11 : memref<!tpu.dma_semaphore, #tpu.memory_space<semaphore_mem>>) src(%dma_wait3A_478 : memref<128xi32, #tpu.memory_space<hbm>>) dst(%arg17 : memref<128xi32, #tpu.memory_space<vmem>>)
      %dma_wait3A_479 = tpu.memref_slice %arg3[%mul3A_307] : memref<327680xi32, #tpu.memory_space<hbm>> -> memref<128xi32, #tpu.memory_space<hbm>>
      %dma_wait3A_480 = tpu.memref_slice %arg3[%mul3A_307] : memref<327680xi32, #tpu.memory_space<hbm>> -> memref<128xi32, #tpu.memory_space<hbm>>
      tpu.wait_dma2 semaphore(%arg11 : memref<!tpu.dma_semaphore, #tpu.memory_space<semaphore_mem>>) src(%dma_wait3A_480 : memref<128xi32, #tpu.memory_space<hbm>>) dst(%arg26 : memref<128xi32, #tpu.memory_space<vmem>>)
      %dma_wait3A_481 = tpu.memref_slice %arg4[%mul3A_318] : memref<327680xi32, #tpu.memory_space<hbm>> -> memref<128xi32, #tpu.memory_space<hbm>>
      %dma_wait3A_482 = tpu.memref_slice %arg4[%mul3A_318] : memref<327680xi32, #tpu.memory_space<hbm>> -> memref<128xi32, #tpu.memory_space<hbm>>
      tpu.wait_dma2 semaphore(%arg11 : memref<!tpu.dma_semaphore, #tpu.memory_space<semaphore_mem>>) src(%dma_wait3A_482 : memref<128xi32, #tpu.memory_space<hbm>>) dst(%arg18 : memref<128xi32, #tpu.memory_space<vmem>>)
      %dma_wait3A_483 = tpu.memref_slice %arg3[%mul3A_329] : memref<327680xi32, #tpu.memory_space<hbm>> -> memref<128xi32, #tpu.memory_space<hbm>>
      %dma_wait3A_484 = tpu.memref_slice %arg3[%mul3A_329] : memref<327680xi32, #tpu.memory_space<hbm>> -> memref<128xi32, #tpu.memory_space<hbm>>
      tpu.wait_dma2 semaphore(%arg11 : memref<!tpu.dma_semaphore, #tpu.memory_space<semaphore_mem>>) src(%dma_wait3A_484 : memref<128xi32, #tpu.memory_space<hbm>>) dst(%arg27 : memref<128xi32, #tpu.memory_space<vmem>>)
      %dma_wait3A_485 = tpu.memref_slice %arg4[%mul3A_340] : memref<327680xi32, #tpu.memory_space<hbm>> -> memref<128xi32, #tpu.memory_space<hbm>>
      %dma_wait3A_486 = tpu.memref_slice %arg4[%mul3A_340] : memref<327680xi32, #tpu.memory_space<hbm>> -> memref<128xi32, #tpu.memory_space<hbm>>
      tpu.wait_dma2 semaphore(%arg11 : memref<!tpu.dma_semaphore, #tpu.memory_space<semaphore_mem>>) src(%dma_wait3A_486 : memref<128xi32, #tpu.memory_space<hbm>>) dst(%arg19 : memref<128xi32, #tpu.memory_space<vmem>>)
      %add3A_487 = arith.constant 1 : i32
      %add3A_488 = arith.addi %add3A_253, %add3A_487 : i32
      %min3A_489 = arith.minsi %add3A_488, %sub3A_10 : i32
      %mul3A_490 = arith.constant 4 : i32
      %mul3A_491 = arith.muli %min3A_489, %mul3A_490 : i32
      %add3A_492 = arith.addi %select_n3A, %mul3A_491 : i32
      %add3A_493 = arith.constant 0 : i32
      %add3A_494 = arith.addi %add3A_492, %add3A_493 : i32
      %min3A_495 = arith.constant 2559 : i32
      %min3A_496 = arith.minsi %add3A_494, %min3A_495 : i32
      %mul3A_497 = arith.constant 128 : i32
      %mul3A_498 = arith.muli %min3A_496, %mul3A_497 : i32
      %dma_start3A_499 = tpu.memref_slice %arg3[%mul3A_498] : memref<327680xi32, #tpu.memory_space<hbm>> -> memref<128xi32, #tpu.memory_space<hbm>>
      %dma_start3A_500 = tpu.memref_slice %arg3[%mul3A_498] : memref<327680xi32, #tpu.memory_space<hbm>> -> memref<128xi32, #tpu.memory_space<hbm>>
      tpu.enqueue_dma source(%dma_start3A_500 : memref<128xi32, #tpu.memory_space<hbm>>) target(%arg20 : memref<128xi32, #tpu.memory_space<vmem>>) target_semaphore(%arg11 : memref<!tpu.dma_semaphore, #tpu.memory_space<semaphore_mem>>)
      %mul3A_501 = arith.constant 4 : i32
      %mul3A_502 = arith.muli %min3A_489, %mul3A_501 : i32
      %add3A_503 = arith.addi %select_n3A, %mul3A_502 : i32
      %add3A_504 = arith.constant 0 : i32
      %add3A_505 = arith.addi %add3A_503, %add3A_504 : i32
      %min3A_506 = arith.constant 2559 : i32
      %min3A_507 = arith.minsi %add3A_505, %min3A_506 : i32
      %mul3A_508 = arith.constant 128 : i32
      %mul3A_509 = arith.muli %min3A_507, %mul3A_508 : i32
      %dma_start3A_510 = tpu.memref_slice %arg4[%mul3A_509] : memref<327680xi32, #tpu.memory_space<hbm>> -> memref<128xi32, #tpu.memory_space<hbm>>
      %dma_start3A_511 = tpu.memref_slice %arg4[%mul3A_509] : memref<327680xi32, #tpu.memory_space<hbm>> -> memref<128xi32, #tpu.memory_space<hbm>>
      tpu.enqueue_dma source(%dma_start3A_511 : memref<128xi32, #tpu.memory_space<hbm>>) target(%arg12 : memref<128xi32, #tpu.memory_space<vmem>>) target_semaphore(%arg11 : memref<!tpu.dma_semaphore, #tpu.memory_space<semaphore_mem>>)
      %mul3A_512 = arith.constant 4 : i32
      %mul3A_513 = arith.muli %min3A_489, %mul3A_512 : i32
      %add3A_514 = arith.addi %select_n3A, %mul3A_513 : i32
      %add3A_515 = arith.constant 1 : i32
      %add3A_516 = arith.addi %add3A_514, %add3A_515 : i32
      %min3A_517 = arith.constant 2559 : i32
      %min3A_518 = arith.minsi %add3A_516, %min3A_517 : i32
      %mul3A_519 = arith.constant 128 : i32
      %mul3A_520 = arith.muli %min3A_518, %mul3A_519 : i32
      %dma_start3A_521 = tpu.memref_slice %arg3[%mul3A_520] : memref<327680xi32, #tpu.memory_space<hbm>> -> memref<128xi32, #tpu.memory_space<hbm>>
      %dma_start3A_522 = tpu.memref_slice %arg3[%mul3A_520] : memref<327680xi32, #tpu.memory_space<hbm>> -> memref<128xi32, #tpu.memory_space<hbm>>
      tpu.enqueue_dma source(%dma_start3A_522 : memref<128xi32, #tpu.memory_space<hbm>>) target(%arg21 : memref<128xi32, #tpu.memory_space<vmem>>) target_semaphore(%arg11 : memref<!tpu.dma_semaphore, #tpu.memory_space<semaphore_mem>>)
      %mul3A_523 = arith.constant 4 : i32
      %mul3A_524 = arith.muli %min3A_489, %mul3A_523 : i32
      %add3A_525 = arith.addi %select_n3A, %mul3A_524 : i32
      %add3A_526 = arith.constant 1 : i32
      %add3A_527 = arith.addi %add3A_525, %add3A_526 : i32
      %min3A_528 = arith.constant 2559 : i32
      %min3A_529 = arith.minsi %add3A_527, %min3A_528 : i32
      %mul3A_530 = arith.constant 128 : i32
      %mul3A_531 = arith.muli %min3A_529, %mul3A_530 : i32
      %dma_start3A_532 = tpu.memref_slice %arg4[%mul3A_531] : memref<327680xi32, #tpu.memory_space<hbm>> -> memref<128xi32, #tpu.memory_space<hbm>>
      %dma_start3A_533 = tpu.memref_slice %arg4[%mul3A_531] : memref<327680xi32, #tpu.memory_space<hbm>> -> memref<128xi32, #tpu.memory_space<hbm>>
      tpu.enqueue_dma source(%dma_start3A_533 : memref<128xi32, #tpu.memory_space<hbm>>) target(%arg13 : memref<128xi32, #tpu.memory_space<vmem>>) target_semaphore(%arg11 : memref<!tpu.dma_semaphore, #tpu.memory_space<semaphore_mem>>)
      %mul3A_534 = arith.constant 4 : i32
      %mul3A_535 = arith.muli %min3A_489, %mul3A_534 : i32
      %add3A_536 = arith.addi %select_n3A, %mul3A_535 : i32
      %add3A_537 = arith.constant 2 : i32
      %add3A_538 = arith.addi %add3A_536, %add3A_537 : i32
      %min3A_539 = arith.constant 2559 : i32
      %min3A_540 = arith.minsi %add3A_538, %min3A_539 : i32
      %mul3A_541 = arith.constant 128 : i32
      %mul3A_542 = arith.muli %min3A_540, %mul3A_541 : i32
      %dma_start3A_543 = tpu.memref_slice %arg3[%mul3A_542] : memref<327680xi32, #tpu.memory_space<hbm>> -> memref<128xi32, #tpu.memory_space<hbm>>
      %dma_start3A_544 = tpu.memref_slice %arg3[%mul3A_542] : memref<327680xi32, #tpu.memory_space<hbm>> -> memref<128xi32, #tpu.memory_space<hbm>>
      tpu.enqueue_dma source(%dma_start3A_544 : memref<128xi32, #tpu.memory_space<hbm>>) target(%arg22 : memref<128xi32, #tpu.memory_space<vmem>>) target_semaphore(%arg11 : memref<!tpu.dma_semaphore, #tpu.memory_space<semaphore_mem>>)
      %mul3A_545 = arith.constant 4 : i32
      %mul3A_546 = arith.muli %min3A_489, %mul3A_545 : i32
      %add3A_547 = arith.addi %select_n3A, %mul3A_546 : i32
      %add3A_548 = arith.constant 2 : i32
      %add3A_549 = arith.addi %add3A_547, %add3A_548 : i32
      %min3A_550 = arith.constant 2559 : i32
      %min3A_551 = arith.minsi %add3A_549, %min3A_550 : i32
      %mul3A_552 = arith.constant 128 : i32
      %mul3A_553 = arith.muli %min3A_551, %mul3A_552 : i32
      %dma_start3A_554 = tpu.memref_slice %arg4[%mul3A_553] : memref<327680xi32, #tpu.memory_space<hbm>> -> memref<128xi32, #tpu.memory_space<hbm>>
      %dma_start3A_555 = tpu.memref_slice %arg4[%mul3A_553] : memref<327680xi32, #tpu.memory_space<hbm>> -> memref<128xi32, #tpu.memory_space<hbm>>
      tpu.enqueue_dma source(%dma_start3A_555 : memref<128xi32, #tpu.memory_space<hbm>>) target(%arg14 : memref<128xi32, #tpu.memory_space<vmem>>) target_semaphore(%arg11 : memref<!tpu.dma_semaphore, #tpu.memory_space<semaphore_mem>>)
      %mul3A_556 = arith.constant 4 : i32
      %mul3A_557 = arith.muli %min3A_489, %mul3A_556 : i32
      %add3A_558 = arith.addi %select_n3A, %mul3A_557 : i32
      %add3A_559 = arith.constant 3 : i32
      %add3A_560 = arith.addi %add3A_558, %add3A_559 : i32
      %min3A_561 = arith.constant 2559 : i32
      %min3A_562 = arith.minsi %add3A_560, %min3A_561 : i32
      %mul3A_563 = arith.constant 128 : i32
      %mul3A_564 = arith.muli %min3A_562, %mul3A_563 : i32
      %dma_start3A_565 = tpu.memref_slice %arg3[%mul3A_564] : memref<327680xi32, #tpu.memory_space<hbm>> -> memref<128xi32, #tpu.memory_space<hbm>>
      %dma_start3A_566 = tpu.memref_slice %arg3[%mul3A_564] : memref<327680xi32, #tpu.memory_space<hbm>> -> memref<128xi32, #tpu.memory_space<hbm>>
      tpu.enqueue_dma source(%dma_start3A_566 : memref<128xi32, #tpu.memory_space<hbm>>) target(%arg23 : memref<128xi32, #tpu.memory_space<vmem>>) target_semaphore(%arg11 : memref<!tpu.dma_semaphore, #tpu.memory_space<semaphore_mem>>)
      %mul3A_567 = arith.constant 4 : i32
      %mul3A_568 = arith.muli %min3A_489, %mul3A_567 : i32
      %add3A_569 = arith.addi %select_n3A, %mul3A_568 : i32
      %add3A_570 = arith.constant 3 : i32
      %add3A_571 = arith.addi %add3A_569, %add3A_570 : i32
      %min3A_572 = arith.constant 2559 : i32
      %min3A_573 = arith.minsi %add3A_571, %min3A_572 : i32
      %mul3A_574 = arith.constant 128 : i32
      %mul3A_575 = arith.muli %min3A_573, %mul3A_574 : i32
      %dma_start3A_576 = tpu.memref_slice %arg4[%mul3A_575] : memref<327680xi32, #tpu.memory_space<hbm>> -> memref<128xi32, #tpu.memory_space<hbm>>
      %dma_start3A_577 = tpu.memref_slice %arg4[%mul3A_575] : memref<327680xi32, #tpu.memory_space<hbm>> -> memref<128xi32, #tpu.memory_space<hbm>>
      tpu.enqueue_dma source(%dma_start3A_577 : memref<128xi32, #tpu.memory_space<hbm>>) target(%arg15 : memref<128xi32, #tpu.memory_space<vmem>>) target_semaphore(%arg11 : memref<!tpu.dma_semaphore, #tpu.memory_space<semaphore_mem>>)
      %dma_start3A_578 = arith.constant 0 : i32
      %dma_start3A_579 = arith.constant 0 : i32
      %dma_start3A_580 = arith.constant 0 : i32
      %dma_start3A_581 = tpu.memref_slice %arg6[%dma_start3A_578, %dma_start3A_579, %dma_start3A_580] : memref<4x128x64xf32, #tpu.memory_space<vmem>> -> memref<1x128x64xf32, #tpu.memory_space<vmem>>
      %dma_start3A_582 = tpu.memref_squeeze %dma_start3A_581 : memref<1x128x64xf32, #tpu.memory_space<vmem>> -> memref<128x64xf32, #tpu.memory_space<vmem>>
      %dma_start3A_583 = arith.constant 0 : i32
      %dma_start3A_584 = arith.constant 0 : i32
      %dma_start3A_585 = tpu.memref_slice %arg2[%dma_start3A_583, %dma_start3A_584] : memref<10000x64xf32, #tpu.memory_space<hbm>> -> memref<10000x64xf32, #tpu.memory_space<hbm>>
      tpu.enqueue_indirect_dma source(%dma_start3A_585 : memref<10000x64xf32, #tpu.memory_space<hbm>>) target(%dma_start3A_582 : memref<128x64xf32, #tpu.memory_space<vmem>>) offsets(%arg24 : memref<128xi32, #tpu.memory_space<vmem>>) semaphore(%arg9 : memref<!tpu.dma_semaphore, #tpu.memory_space<semaphore_mem>>)
      %dma_start3A_586 = arith.constant 1 : i32
      %dma_start3A_587 = arith.constant 0 : i32
      %dma_start3A_588 = arith.constant 0 : i32
      %dma_start3A_589 = tpu.memref_slice %arg6[%dma_start3A_586, %dma_start3A_587, %dma_start3A_588] : memref<4x128x64xf32, #tpu.memory_space<vmem>> -> memref<1x128x64xf32, #tpu.memory_space<vmem>>
      %dma_start3A_590 = tpu.memref_squeeze %dma_start3A_589 : memref<1x128x64xf32, #tpu.memory_space<vmem>> -> memref<128x64xf32, #tpu.memory_space<vmem>>
      %dma_start3A_591 = arith.constant 0 : i32
      %dma_start3A_592 = arith.constant 0 : i32
      %dma_start3A_593 = tpu.memref_slice %arg2[%dma_start3A_591, %dma_start3A_592] : memref<10000x64xf32, #tpu.memory_space<hbm>> -> memref<10000x64xf32, #tpu.memory_space<hbm>>
      tpu.enqueue_indirect_dma source(%dma_start3A_593 : memref<10000x64xf32, #tpu.memory_space<hbm>>) target(%dma_start3A_590 : memref<128x64xf32, #tpu.memory_space<vmem>>) offsets(%arg25 : memref<128xi32, #tpu.memory_space<vmem>>) semaphore(%arg9 : memref<!tpu.dma_semaphore, #tpu.memory_space<semaphore_mem>>)
      %dma_start3A_594 = arith.constant 2 : i32
      %dma_start3A_595 = arith.constant 0 : i32
      %dma_start3A_596 = arith.constant 0 : i32
      %dma_start3A_597 = tpu.memref_slice %arg6[%dma_start3A_594, %dma_start3A_595, %dma_start3A_596] : memref<4x128x64xf32, #tpu.memory_space<vmem>> -> memref<1x128x64xf32, #tpu.memory_space<vmem>>
      %dma_start3A_598 = tpu.memref_squeeze %dma_start3A_597 : memref<1x128x64xf32, #tpu.memory_space<vmem>> -> memref<128x64xf32, #tpu.memory_space<vmem>>
      %dma_start3A_599 = arith.constant 0 : i32
      %dma_start3A_600 = arith.constant 0 : i32
      %dma_start3A_601 = tpu.memref_slice %arg2[%dma_start3A_599, %dma_start3A_600] : memref<10000x64xf32, #tpu.memory_space<hbm>> -> memref<10000x64xf32, #tpu.memory_space<hbm>>
      tpu.enqueue_indirect_dma source(%dma_start3A_601 : memref<10000x64xf32, #tpu.memory_space<hbm>>) target(%dma_start3A_598 : memref<128x64xf32, #tpu.memory_space<vmem>>) offsets(%arg26 : memref<128xi32, #tpu.memory_space<vmem>>) semaphore(%arg9 : memref<!tpu.dma_semaphore, #tpu.memory_space<semaphore_mem>>)
      %dma_start3A_602 = arith.constant 3 : i32
      %dma_start3A_603 = arith.constant 0 : i32
      %dma_start3A_604 = arith.constant 0 : i32
      %dma_start3A_605 = tpu.memref_slice %arg6[%dma_start3A_602, %dma_start3A_603, %dma_start3A_604] : memref<4x128x64xf32, #tpu.memory_space<vmem>> -> memref<1x128x64xf32, #tpu.memory_space<vmem>>
      %dma_start3A_606 = tpu.memref_squeeze %dma_start3A_605 : memref<1x128x64xf32, #tpu.memory_space<vmem>> -> memref<128x64xf32, #tpu.memory_space<vmem>>
      %dma_start3A_607 = arith.constant 0 : i32
      %dma_start3A_608 = arith.constant 0 : i32
      %dma_start3A_609 = tpu.memref_slice %arg2[%dma_start3A_607, %dma_start3A_608] : memref<10000x64xf32, #tpu.memory_space<hbm>> -> memref<10000x64xf32, #tpu.memory_space<hbm>>
      tpu.enqueue_indirect_dma source(%dma_start3A_609 : memref<10000x64xf32, #tpu.memory_space<hbm>>) target(%dma_start3A_606 : memref<128x64xf32, #tpu.memory_space<vmem>>) offsets(%arg27 : memref<128xi32, #tpu.memory_space<vmem>>) semaphore(%arg9 : memref<!tpu.dma_semaphore, #tpu.memory_space<semaphore_mem>>)
      %dma_wait3A_610 = arith.constant 0 : i32
      %dma_wait3A_611 = arith.constant 0 : i32
      %dma_wait3A_612 = arith.constant 0 : i32
      %dma_wait3A_613 = tpu.memref_slice %arg6[%dma_wait3A_610, %dma_wait3A_611, %dma_wait3A_612] : memref<4x128x64xf32, #tpu.memory_space<vmem>> -> memref<1x128x64xf32, #tpu.memory_space<vmem>>
      %dma_wait3A_614 = tpu.memref_squeeze %dma_wait3A_613 : memref<1x128x64xf32, #tpu.memory_space<vmem>> -> memref<128x64xf32, #tpu.memory_space<vmem>>
      %dma_wait3A_615 = arith.constant 0 : i32
      %dma_wait3A_616 = arith.constant 0 : i32
      %dma_wait3A_617 = tpu.memref_slice %arg2[%dma_wait3A_615, %dma_wait3A_616] : memref<10000x64xf32, #tpu.memory_space<hbm>> -> memref<10000x64xf32, #tpu.memory_space<hbm>>
      tpu.wait_indirect_dma semaphore(%arg9 : memref<!tpu.dma_semaphore, #tpu.memory_space<semaphore_mem>>) src(%dma_wait3A_617 : memref<10000x64xf32, #tpu.memory_space<hbm>>) dst(%dma_wait3A_614 : memref<128x64xf32, #tpu.memory_space<vmem>>)
      %dma_wait3A_618 = arith.constant 1 : i32
      %dma_wait3A_619 = arith.constant 0 : i32
      %dma_wait3A_620 = arith.constant 0 : i32
      %dma_wait3A_621 = tpu.memref_slice %arg6[%dma_wait3A_618, %dma_wait3A_619, %dma_wait3A_620] : memref<4x128x64xf32, #tpu.memory_space<vmem>> -> memref<1x128x64xf32, #tpu.memory_space<vmem>>
      %dma_wait3A_622 = tpu.memref_squeeze %dma_wait3A_621 : memref<1x128x64xf32, #tpu.memory_space<vmem>> -> memref<128x64xf32, #tpu.memory_space<vmem>>
      %dma_wait3A_623 = arith.constant 0 : i32
      %dma_wait3A_624 = arith.constant 0 : i32
      %dma_wait3A_625 = tpu.memref_slice %arg2[%dma_wait3A_623, %dma_wait3A_624] : memref<10000x64xf32, #tpu.memory_space<hbm>> -> memref<10000x64xf32, #tpu.memory_space<hbm>>
      tpu.wait_indirect_dma semaphore(%arg9 : memref<!tpu.dma_semaphore, #tpu.memory_space<semaphore_mem>>) src(%dma_wait3A_625 : memref<10000x64xf32, #tpu.memory_space<hbm>>) dst(%dma_wait3A_622 : memref<128x64xf32, #tpu.memory_space<vmem>>)
      %dma_wait3A_626 = arith.constant 2 : i32
      %dma_wait3A_627 = arith.constant 0 : i32
      %dma_wait3A_628 = arith.constant 0 : i32
      %dma_wait3A_629 = tpu.memref_slice %arg6[%dma_wait3A_626, %dma_wait3A_627, %dma_wait3A_628] : memref<4x128x64xf32, #tpu.memory_space<vmem>> -> memref<1x128x64xf32, #tpu.memory_space<vmem>>
      %dma_wait3A_630 = tpu.memref_squeeze %dma_wait3A_629 : memref<1x128x64xf32, #tpu.memory_space<vmem>> -> memref<128x64xf32, #tpu.memory_space<vmem>>
      %dma_wait3A_631 = arith.constant 0 : i32
      %dma_wait3A_632 = arith.constant 0 : i32
      %dma_wait3A_633 = tpu.memref_slice %arg2[%dma_wait3A_631, %dma_wait3A_632] : memref<10000x64xf32, #tpu.memory_space<hbm>> -> memref<10000x64xf32, #tpu.memory_space<hbm>>
      tpu.wait_indirect_dma semaphore(%arg9 : memref<!tpu.dma_semaphore, #tpu.memory_space<semaphore_mem>>) src(%dma_wait3A_633 : memref<10000x64xf32, #tpu.memory_space<hbm>>) dst(%dma_wait3A_630 : memref<128x64xf32, #tpu.memory_space<vmem>>)
      %dma_wait3A_634 = arith.constant 3 : i32
      %dma_wait3A_635 = arith.constant 0 : i32
      %dma_wait3A_636 = arith.constant 0 : i32
      %dma_wait3A_637 = tpu.memref_slice %arg6[%dma_wait3A_634, %dma_wait3A_635, %dma_wait3A_636] : memref<4x128x64xf32, #tpu.memory_space<vmem>> -> memref<1x128x64xf32, #tpu.memory_space<vmem>>
      %dma_wait3A_638 = tpu.memref_squeeze %dma_wait3A_637 : memref<1x128x64xf32, #tpu.memory_space<vmem>> -> memref<128x64xf32, #tpu.memory_space<vmem>>
      %dma_wait3A_639 = arith.constant 0 : i32
      %dma_wait3A_640 = arith.constant 0 : i32
      %dma_wait3A_641 = tpu.memref_slice %arg2[%dma_wait3A_639, %dma_wait3A_640] : memref<10000x64xf32, #tpu.memory_space<hbm>> -> memref<10000x64xf32, #tpu.memory_space<hbm>>
      tpu.wait_indirect_dma semaphore(%arg9 : memref<!tpu.dma_semaphore, #tpu.memory_space<semaphore_mem>>) src(%dma_wait3A_641 : memref<10000x64xf32, #tpu.memory_space<hbm>>) dst(%dma_wait3A_638 : memref<128x64xf32, #tpu.memory_space<vmem>>)
      %dma_start3A_642 = arith.constant 0 : i32
      %dma_start3A_643 = arith.constant 0 : i32
      %dma_start3A_644 = arith.constant 0 : i32
      %dma_start3A_645 = tpu.memref_slice %arg6[%dma_start3A_642, %dma_start3A_643, %dma_start3A_644] : memref<4x128x64xf32, #tpu.memory_space<vmem>> -> memref<1x128x64xf32, #tpu.memory_space<vmem>>
      %dma_start3A_646 = tpu.memref_squeeze %dma_start3A_645 : memref<1x128x64xf32, #tpu.memory_space<vmem>> -> memref<128x64xf32, #tpu.memory_space<vmem>>
      %dma_start3A_647 = arith.constant 0 : i32
      %dma_start3A_648 = arith.constant 0 : i32
      %dma_start3A_649 = tpu.memref_slice %arg8[%dma_start3A_647, %dma_start3A_648] : memref<10240x64xf32, #tpu.memory_space<vmem_shared>> -> memref<10240x64xf32, #tpu.memory_space<vmem_shared>>
      tpu.enqueue_indirect_dma source(%dma_start3A_646 : memref<128x64xf32, #tpu.memory_space<vmem>>) target(%dma_start3A_649 : memref<10240x64xf32, #tpu.memory_space<vmem_shared>>) offsets(%arg16 : memref<128xi32, #tpu.memory_space<vmem>>) semaphore(%arg10 : memref<!tpu.dma_semaphore, #tpu.memory_space<semaphore_mem>>) {add = true}
      %dma_start3A_650 = arith.constant 1 : i32
      %dma_start3A_651 = arith.constant 0 : i32
      %dma_start3A_652 = arith.constant 0 : i32
      %dma_start3A_653 = tpu.memref_slice %arg6[%dma_start3A_650, %dma_start3A_651, %dma_start3A_652] : memref<4x128x64xf32, #tpu.memory_space<vmem>> -> memref<1x128x64xf32, #tpu.memory_space<vmem>>
      %dma_start3A_654 = tpu.memref_squeeze %dma_start3A_653 : memref<1x128x64xf32, #tpu.memory_space<vmem>> -> memref<128x64xf32, #tpu.memory_space<vmem>>
      %dma_start3A_655 = arith.constant 0 : i32
      %dma_start3A_656 = arith.constant 0 : i32
      %dma_start3A_657 = tpu.memref_slice %arg8[%dma_start3A_655, %dma_start3A_656] : memref<10240x64xf32, #tpu.memory_space<vmem_shared>> -> memref<10240x64xf32, #tpu.memory_space<vmem_shared>>
      tpu.enqueue_indirect_dma source(%dma_start3A_654 : memref<128x64xf32, #tpu.memory_space<vmem>>) target(%dma_start3A_657 : memref<10240x64xf32, #tpu.memory_space<vmem_shared>>) offsets(%arg17 : memref<128xi32, #tpu.memory_space<vmem>>) semaphore(%arg10 : memref<!tpu.dma_semaphore, #tpu.memory_space<semaphore_mem>>) {add = true}
      %dma_start3A_658 = arith.constant 2 : i32
      %dma_start3A_659 = arith.constant 0 : i32
      %dma_start3A_660 = arith.constant 0 : i32
      %dma_start3A_661 = tpu.memref_slice %arg6[%dma_start3A_658, %dma_start3A_659, %dma_start3A_660] : memref<4x128x64xf32, #tpu.memory_space<vmem>> -> memref<1x128x64xf32, #tpu.memory_space<vmem>>
      %dma_start3A_662 = tpu.memref_squeeze %dma_start3A_661 : memref<1x128x64xf32, #tpu.memory_space<vmem>> -> memref<128x64xf32, #tpu.memory_space<vmem>>
      %dma_start3A_663 = arith.constant 0 : i32
      %dma_start3A_664 = arith.constant 0 : i32
      %dma_start3A_665 = tpu.memref_slice %arg8[%dma_start3A_663, %dma_start3A_664] : memref<10240x64xf32, #tpu.memory_space<vmem_shared>> -> memref<10240x64xf32, #tpu.memory_space<vmem_shared>>
      tpu.enqueue_indirect_dma source(%dma_start3A_662 : memref<128x64xf32, #tpu.memory_space<vmem>>) target(%dma_start3A_665 : memref<10240x64xf32, #tpu.memory_space<vmem_shared>>) offsets(%arg18 : memref<128xi32, #tpu.memory_space<vmem>>) semaphore(%arg10 : memref<!tpu.dma_semaphore, #tpu.memory_space<semaphore_mem>>) {add = true}
      %dma_start3A_666 = arith.constant 3 : i32
      %dma_start3A_667 = arith.constant 0 : i32
      %dma_start3A_668 = arith.constant 0 : i32
      %dma_start3A_669 = tpu.memref_slice %arg6[%dma_start3A_666, %dma_start3A_667, %dma_start3A_668] : memref<4x128x64xf32, #tpu.memory_space<vmem>> -> memref<1x128x64xf32, #tpu.memory_space<vmem>>
      %dma_start3A_670 = tpu.memref_squeeze %dma_start3A_669 : memref<1x128x64xf32, #tpu.memory_space<vmem>> -> memref<128x64xf32, #tpu.memory_space<vmem>>
      %dma_start3A_671 = arith.constant 0 : i32
      %dma_start3A_672 = arith.constant 0 : i32
      %dma_start3A_673 = tpu.memref_slice %arg8[%dma_start3A_671, %dma_start3A_672] : memref<10240x64xf32, #tpu.memory_space<vmem_shared>> -> memref<10240x64xf32, #tpu.memory_space<vmem_shared>>
      tpu.enqueue_indirect_dma source(%dma_start3A_670 : memref<128x64xf32, #tpu.memory_space<vmem>>) target(%dma_start3A_673 : memref<10240x64xf32, #tpu.memory_space<vmem_shared>>) offsets(%arg19 : memref<128xi32, #tpu.memory_space<vmem>>) semaphore(%arg10 : memref<!tpu.dma_semaphore, #tpu.memory_space<semaphore_mem>>) {add = true}
      %dma_wait3A_674 = arith.constant 0 : i32
      %dma_wait3A_675 = arith.constant 0 : i32
      %dma_wait3A_676 = arith.constant 0 : i32
      %dma_wait3A_677 = tpu.memref_slice %arg6[%dma_wait3A_674, %dma_wait3A_675, %dma_wait3A_676] : memref<4x128x64xf32, #tpu.memory_space<vmem>> -> memref<1x128x64xf32, #tpu.memory_space<vmem>>
      %dma_wait3A_678 = tpu.memref_squeeze %dma_wait3A_677 : memref<1x128x64xf32, #tpu.memory_space<vmem>> -> memref<128x64xf32, #tpu.memory_space<vmem>>
      %dma_wait3A_679 = arith.constant 0 : i32
      %dma_wait3A_680 = arith.constant 0 : i32
      %dma_wait3A_681 = tpu.memref_slice %arg8[%dma_wait3A_679, %dma_wait3A_680] : memref<10240x64xf32, #tpu.memory_space<vmem_shared>> -> memref<10240x64xf32, #tpu.memory_space<vmem_shared>>
      tpu.wait_indirect_dma semaphore(%arg10 : memref<!tpu.dma_semaphore, #tpu.memory_space<semaphore_mem>>) src(%dma_wait3A_678 : memref<128x64xf32, #tpu.memory_space<vmem>>) dst(%dma_wait3A_681 : memref<10240x64xf32, #tpu.memory_space<vmem_shared>>)
      %dma_wait3A_682 = arith.constant 1 : i32
      %dma_wait3A_683 = arith.constant 0 : i32
      %dma_wait3A_684 = arith.constant 0 : i32
      %dma_wait3A_685 = tpu.memref_slice %arg6[%dma_wait3A_682, %dma_wait3A_683, %dma_wait3A_684] : memref<4x128x64xf32, #tpu.memory_space<vmem>> -> memref<1x128x64xf32, #tpu.memory_space<vmem>>
      %dma_wait3A_686 = tpu.memref_squeeze %dma_wait3A_685 : memref<1x128x64xf32, #tpu.memory_space<vmem>> -> memref<128x64xf32, #tpu.memory_space<vmem>>
      %dma_wait3A_687 = arith.constant 0 : i32
      %dma_wait3A_688 = arith.constant 0 : i32
      %dma_wait3A_689 = tpu.memref_slice %arg8[%dma_wait3A_687, %dma_wait3A_688] : memref<10240x64xf32, #tpu.memory_space<vmem_shared>> -> memref<10240x64xf32, #tpu.memory_space<vmem_shared>>
      tpu.wait_indirect_dma semaphore(%arg10 : memref<!tpu.dma_semaphore, #tpu.memory_space<semaphore_mem>>) src(%dma_wait3A_686 : memref<128x64xf32, #tpu.memory_space<vmem>>) dst(%dma_wait3A_689 : memref<10240x64xf32, #tpu.memory_space<vmem_shared>>)
      %dma_wait3A_690 = arith.constant 2 : i32
      %dma_wait3A_691 = arith.constant 0 : i32
      %dma_wait3A_692 = arith.constant 0 : i32
      %dma_wait3A_693 = tpu.memref_slice %arg6[%dma_wait3A_690, %dma_wait3A_691, %dma_wait3A_692] : memref<4x128x64xf32, #tpu.memory_space<vmem>> -> memref<1x128x64xf32, #tpu.memory_space<vmem>>
      %dma_wait3A_694 = tpu.memref_squeeze %dma_wait3A_693 : memref<1x128x64xf32, #tpu.memory_space<vmem>> -> memref<128x64xf32, #tpu.memory_space<vmem>>
      %dma_wait3A_695 = arith.constant 0 : i32
      %dma_wait3A_696 = arith.constant 0 : i32
      %dma_wait3A_697 = tpu.memref_slice %arg8[%dma_wait3A_695, %dma_wait3A_696] : memref<10240x64xf32, #tpu.memory_space<vmem_shared>> -> memref<10240x64xf32, #tpu.memory_space<vmem_shared>>
      tpu.wait_indirect_dma semaphore(%arg10 : memref<!tpu.dma_semaphore, #tpu.memory_space<semaphore_mem>>) src(%dma_wait3A_694 : memref<128x64xf32, #tpu.memory_space<vmem>>) dst(%dma_wait3A_697 : memref<10240x64xf32, #tpu.memory_space<vmem_shared>>)
      %dma_wait3A_698 = arith.constant 3 : i32
      %dma_wait3A_699 = arith.constant 0 : i32
      %dma_wait3A_700 = arith.constant 0 : i32
      %dma_wait3A_701 = tpu.memref_slice %arg6[%dma_wait3A_698, %dma_wait3A_699, %dma_wait3A_700] : memref<4x128x64xf32, #tpu.memory_space<vmem>> -> memref<1x128x64xf32, #tpu.memory_space<vmem>>
      %dma_wait3A_702 = tpu.memref_squeeze %dma_wait3A_701 : memref<1x128x64xf32, #tpu.memory_space<vmem>> -> memref<128x64xf32, #tpu.memory_space<vmem>>
      %dma_wait3A_703 = arith.constant 0 : i32
      %dma_wait3A_704 = arith.constant 0 : i32
      %dma_wait3A_705 = tpu.memref_slice %arg8[%dma_wait3A_703, %dma_wait3A_704] : memref<10240x64xf32, #tpu.memory_space<vmem_shared>> -> memref<10240x64xf32, #tpu.memory_space<vmem_shared>>
      tpu.wait_indirect_dma semaphore(%arg10 : memref<!tpu.dma_semaphore, #tpu.memory_space<semaphore_mem>>) src(%dma_wait3A_702 : memref<128x64xf32, #tpu.memory_space<vmem>>) dst(%dma_wait3A_705 : memref<10240x64xf32, #tpu.memory_space<vmem_shared>>)
      %dma_wait3A_706 = tpu.memref_slice %arg3[%mul3A_498] : memref<327680xi32, #tpu.memory_space<hbm>> -> memref<128xi32, #tpu.memory_space<hbm>>
      %dma_wait3A_707 = tpu.memref_slice %arg3[%mul3A_498] : memref<327680xi32, #tpu.memory_space<hbm>> -> memref<128xi32, #tpu.memory_space<hbm>>
      tpu.wait_dma2 semaphore(%arg11 : memref<!tpu.dma_semaphore, #tpu.memory_space<semaphore_mem>>) src(%dma_wait3A_707 : memref<128xi32, #tpu.memory_space<hbm>>) dst(%arg20 : memref<128xi32, #tpu.memory_space<vmem>>)
      %dma_wait3A_708 = tpu.memref_slice %arg4[%mul3A_509] : memref<327680xi32, #tpu.memory_space<hbm>> -> memref<128xi32, #tpu.memory_space<hbm>>
      %dma_wait3A_709 = tpu.memref_slice %arg4[%mul3A_509] : memref<327680xi32, #tpu.memory_space<hbm>> -> memref<128xi32, #tpu.memory_space<hbm>>
      tpu.wait_dma2 semaphore(%arg11 : memref<!tpu.dma_semaphore, #tpu.memory_space<semaphore_mem>>) src(%dma_wait3A_709 : memref<128xi32, #tpu.memory_space<hbm>>) dst(%arg12 : memref<128xi32, #tpu.memory_space<vmem>>)
      %dma_wait3A_710 = tpu.memref_slice %arg3[%mul3A_520] : memref<327680xi32, #tpu.memory_space<hbm>> -> memref<128xi32, #tpu.memory_space<hbm>>
      %dma_wait3A_711 = tpu.memref_slice %arg3[%mul3A_520] : memref<327680xi32, #tpu.memory_space<hbm>> -> memref<128xi32, #tpu.memory_space<hbm>>
      tpu.wait_dma2 semaphore(%arg11 : memref<!tpu.dma_semaphore, #tpu.memory_space<semaphore_mem>>) src(%dma_wait3A_711 : memref<128xi32, #tpu.memory_space<hbm>>) dst(%arg21 : memref<128xi32, #tpu.memory_space<vmem>>)
      %dma_wait3A_712 = tpu.memref_slice %arg4[%mul3A_531] : memref<327680xi32, #tpu.memory_space<hbm>> -> memref<128xi32, #tpu.memory_space<hbm>>
      %dma_wait3A_713 = tpu.memref_slice %arg4[%mul3A_531] : memref<327680xi32, #tpu.memory_space<hbm>> -> memref<128xi32, #tpu.memory_space<hbm>>
      tpu.wait_dma2 semaphore(%arg11 : memref<!tpu.dma_semaphore, #tpu.memory_space<semaphore_mem>>) src(%dma_wait3A_713 : memref<128xi32, #tpu.memory_space<hbm>>) dst(%arg13 : memref<128xi32, #tpu.memory_space<vmem>>)
      %dma_wait3A_714 = tpu.memref_slice %arg3[%mul3A_542] : memref<327680xi32, #tpu.memory_space<hbm>> -> memref<128xi32, #tpu.memory_space<hbm>>
      %dma_wait3A_715 = tpu.memref_slice %arg3[%mul3A_542] : memref<327680xi32, #tpu.memory_space<hbm>> -> memref<128xi32, #tpu.memory_space<hbm>>
      tpu.wait_dma2 semaphore(%arg11 : memref<!tpu.dma_semaphore, #tpu.memory_space<semaphore_mem>>) src(%dma_wait3A_715 : memref<128xi32, #tpu.memory_space<hbm>>) dst(%arg22 : memref<128xi32, #tpu.memory_space<vmem>>)
      %dma_wait3A_716 = tpu.memref_slice %arg4[%mul3A_553] : memref<327680xi32, #tpu.memory_space<hbm>> -> memref<128xi32, #tpu.memory_space<hbm>>
      %dma_wait3A_717 = tpu.memref_slice %arg4[%mul3A_553] : memref<327680xi32, #tpu.memory_space<hbm>> -> memref<128xi32, #tpu.memory_space<hbm>>
      tpu.wait_dma2 semaphore(%arg11 : memref<!tpu.dma_semaphore, #tpu.memory_space<semaphore_mem>>) src(%dma_wait3A_717 : memref<128xi32, #tpu.memory_space<hbm>>) dst(%arg14 : memref<128xi32, #tpu.memory_space<vmem>>)
      %dma_wait3A_718 = tpu.memref_slice %arg3[%mul3A_564] : memref<327680xi32, #tpu.memory_space<hbm>> -> memref<128xi32, #tpu.memory_space<hbm>>
      %dma_wait3A_719 = tpu.memref_slice %arg3[%mul3A_564] : memref<327680xi32, #tpu.memory_space<hbm>> -> memref<128xi32, #tpu.memory_space<hbm>>
      tpu.wait_dma2 semaphore(%arg11 : memref<!tpu.dma_semaphore, #tpu.memory_space<semaphore_mem>>) src(%dma_wait3A_719 : memref<128xi32, #tpu.memory_space<hbm>>) dst(%arg23 : memref<128xi32, #tpu.memory_space<vmem>>)
      %dma_wait3A_720 = tpu.memref_slice %arg4[%mul3A_575] : memref<327680xi32, #tpu.memory_space<hbm>> -> memref<128xi32, #tpu.memory_space<hbm>>
      %dma_wait3A_721 = tpu.memref_slice %arg4[%mul3A_575] : memref<327680xi32, #tpu.memory_space<hbm>> -> memref<128xi32, #tpu.memory_space<hbm>>
      tpu.wait_dma2 semaphore(%arg11 : memref<!tpu.dma_semaphore, #tpu.memory_space<semaphore_mem>>) src(%dma_wait3A_721 : memref<128xi32, #tpu.memory_space<hbm>>) dst(%arg15 : memref<128xi32, #tpu.memory_space<vmem>>)
      %while3A_722 = arith.constant 0 : i32
      scf.yield %while3A_722 : i32
    }
    %while3A_240 = arith.constant 1 : i32
    %while3A_241 = scf.for %while3A_248 = %while3A_237 to %while3A_233 step %while3A_240 iter_args(%while3A_249 = %while3A_239) -> (i32)  : i32 {
      %mul3A_250 = arith.constant 2 : i32
      %mul3A_251 = arith.muli %mul3A_250, %while3A_248 : i32
      %add3A_252 = arith.constant 1 : i32
      %add3A_253 = arith.addi %mul3A_251, %add3A_252 : i32
      %min3A_254 = arith.minsi %add3A_253, %sub3A_10 : i32
      %mul3A_255 = arith.constant 4 : i32
      %mul3A_256 = arith.muli %min3A_254, %mul3A_255 : i32
      %add3A_257 = arith.addi %select_n3A, %mul3A_256 : i32
      %add3A_258 = arith.constant 0 : i32
      %add3A_259 = arith.addi %add3A_257, %add3A_258 : i32
      %min3A_260 = arith.constant 2559 : i32
      %min3A_261 = arith.minsi %add3A_259, %min3A_260 : i32
      %mul3A_262 = arith.constant 128 : i32
      %mul3A_263 = arith.muli %min3A_261, %mul3A_262 : i32
      %dma_start3A_264 = tpu.memref_slice %arg3[%mul3A_263] : memref<327680xi32, #tpu.memory_space<hbm>> -> memref<128xi32, #tpu.memory_space<hbm>>
      %dma_start3A_265 = tpu.memref_slice %arg3[%mul3A_263] : memref<327680xi32, #tpu.memory_space<hbm>> -> memref<128xi32, #tpu.memory_space<hbm>>
      tpu.enqueue_dma source(%dma_start3A_265 : memref<128xi32, #tpu.memory_space<hbm>>) target(%arg24 : memref<128xi32, #tpu.memory_space<vmem>>) target_semaphore(%arg11 : memref<!tpu.dma_semaphore, #tpu.memory_space<semaphore_mem>>)
      %mul3A_266 = arith.constant 4 : i32
      %mul3A_267 = arith.muli %min3A_254, %mul3A_266 : i32
      %add3A_268 = arith.addi %select_n3A, %mul3A_267 : i32
      %add3A_269 = arith.constant 0 : i32
      %add3A_270 = arith.addi %add3A_268, %add3A_269 : i32
      %min3A_271 = arith.constant 2559 : i32
      %min3A_272 = arith.minsi %add3A_270, %min3A_271 : i32
      %mul3A_273 = arith.constant 128 : i32
      %mul3A_274 = arith.muli %min3A_272, %mul3A_273 : i32
      %dma_start3A_275 = tpu.memref_slice %arg4[%mul3A_274] : memref<327680xi32, #tpu.memory_space<hbm>> -> memref<128xi32, #tpu.memory_space<hbm>>
      %dma_start3A_276 = tpu.memref_slice %arg4[%mul3A_274] : memref<327680xi32, #tpu.memory_space<hbm>> -> memref<128xi32, #tpu.memory_space<hbm>>
      tpu.enqueue_dma source(%dma_start3A_276 : memref<128xi32, #tpu.memory_space<hbm>>) target(%arg16 : memref<128xi32, #tpu.memory_space<vmem>>) target_semaphore(%arg11 : memref<!tpu.dma_semaphore, #tpu.memory_space<semaphore_mem>>)
      %mul3A_277 = arith.constant 4 : i32
      %mul3A_278 = arith.muli %min3A_254, %mul3A_277 : i32
      %add3A_279 = arith.addi %select_n3A, %mul3A_278 : i32
      %add3A_280 = arith.constant 1 : i32
      %add3A_281 = arith.addi %add3A_279, %add3A_280 : i32
      %min3A_282 = arith.constant 2559 : i32
      %min3A_283 = arith.minsi %add3A_281, %min3A_282 : i32
      %mul3A_284 = arith.constant 128 : i32
      %mul3A_285 = arith.muli %min3A_283, %mul3A_284 : i32
      %dma_start3A_286 = tpu.memref_slice %arg3[%mul3A_285] : memref<327680xi32, #tpu.memory_space<hbm>> -> memref<128xi32, #tpu.memory_space<hbm>>
      %dma_start3A_287 = tpu.memref_slice %arg3[%mul3A_285] : memref<327680xi32, #tpu.memory_space<hbm>> -> memref<128xi32, #tpu.memory_space<hbm>>
      tpu.enqueue_dma source(%dma_start3A_287 : memref<128xi32, #tpu.memory_space<hbm>>) target(%arg25 : memref<128xi32, #tpu.memory_space<vmem>>) target_semaphore(%arg11 : memref<!tpu.dma_semaphore, #tpu.memory_space<semaphore_mem>>)
      %mul3A_288 = arith.constant 4 : i32
      %mul3A_289 = arith.muli %min3A_254, %mul3A_288 : i32
      %add3A_290 = arith.addi %select_n3A, %mul3A_289 : i32
      %add3A_291 = arith.constant 1 : i32
      %add3A_292 = arith.addi %add3A_290, %add3A_291 : i32
      %min3A_293 = arith.constant 2559 : i32
      %min3A_294 = arith.minsi %add3A_292, %min3A_293 : i32
      %mul3A_295 = arith.constant 128 : i32
      %mul3A_296 = arith.muli %min3A_294, %mul3A_295 : i32
      %dma_start3A_297 = tpu.memref_slice %arg4[%mul3A_296] : memref<327680xi32, #tpu.memory_space<hbm>> -> memref<128xi32, #tpu.memory_space<hbm>>
      %dma_start3A_298 = tpu.memref_slice %arg4[%mul3A_296] : memref<327680xi32, #tpu.memory_space<hbm>> -> memref<128xi32, #tpu.memory_space<hbm>>
      tpu.enqueue_dma source(%dma_start3A_298 : memref<128xi32, #tpu.memory_space<hbm>>) target(%arg17 : memref<128xi32, #tpu.memory_space<vmem>>) target_semaphore(%arg11 : memref<!tpu.dma_semaphore, #tpu.memory_space<semaphore_mem>>)
      %mul3A_299 = arith.constant 4 : i32
      %mul3A_300 = arith.muli %min3A_254, %mul3A_299 : i32
      %add3A_301 = arith.addi %select_n3A, %mul3A_300 : i32
      %add3A_302 = arith.constant 2 : i32
      %add3A_303 = arith.addi %add3A_301, %add3A_302 : i32
      %min3A_304 = arith.constant 2559 : i32
      %min3A_305 = arith.minsi %add3A_303, %min3A_304 : i32
      %mul3A_306 = arith.constant 128 : i32
      %mul3A_307 = arith.muli %min3A_305, %mul3A_306 : i32
      %dma_start3A_308 = tpu.memref_slice %arg3[%mul3A_307] : memref<327680xi32, #tpu.memory_space<hbm>> -> memref<128xi32, #tpu.memory_space<hbm>>
      %dma_start3A_309 = tpu.memref_slice %arg3[%mul3A_307] : memref<327680xi32, #tpu.memory_space<hbm>> -> memref<128xi32, #tpu.memory_space<hbm>>
      tpu.enqueue_dma source(%dma_start3A_309 : memref<128xi32, #tpu.memory_space<hbm>>) target(%arg26 : memref<128xi32, #tpu.memory_space<vmem>>) target_semaphore(%arg11 : memref<!tpu.dma_semaphore, #tpu.memory_space<semaphore_mem>>)
      %mul3A_310 = arith.constant 4 : i32
      %mul3A_311 = arith.muli %min3A_254, %mul3A_310 : i32
      %add3A_312 = arith.addi %select_n3A, %mul3A_311 : i32
      %add3A_313 = arith.constant 2 : i32
      %add3A_314 = arith.addi %add3A_312, %add3A_313 : i32
      %min3A_315 = arith.constant 2559 : i32
      %min3A_316 = arith.minsi %add3A_314, %min3A_315 : i32
      %mul3A_317 = arith.constant 128 : i32
      %mul3A_318 = arith.muli %min3A_316, %mul3A_317 : i32
      %dma_start3A_319 = tpu.memref_slice %arg4[%mul3A_318] : memref<327680xi32, #tpu.memory_space<hbm>> -> memref<128xi32, #tpu.memory_space<hbm>>
      %dma_start3A_320 = tpu.memref_slice %arg4[%mul3A_318] : memref<327680xi32, #tpu.memory_space<hbm>> -> memref<128xi32, #tpu.memory_space<hbm>>
      tpu.enqueue_dma source(%dma_start3A_320 : memref<128xi32, #tpu.memory_space<hbm>>) target(%arg18 : memref<128xi32, #tpu.memory_space<vmem>>) target_semaphore(%arg11 : memref<!tpu.dma_semaphore, #tpu.memory_space<semaphore_mem>>)
      %mul3A_321 = arith.constant 4 : i32
      %mul3A_322 = arith.muli %min3A_254, %mul3A_321 : i32
      %add3A_323 = arith.addi %select_n3A, %mul3A_322 : i32
      %add3A_324 = arith.constant 3 : i32
      %add3A_325 = arith.addi %add3A_323, %add3A_324 : i32
      %min3A_326 = arith.constant 2559 : i32
      %min3A_327 = arith.minsi %add3A_325, %min3A_326 : i32
      %mul3A_328 = arith.constant 128 : i32
      %mul3A_329 = arith.muli %min3A_327, %mul3A_328 : i32
      %dma_start3A_330 = tpu.memref_slice %arg3[%mul3A_329] : memref<327680xi32, #tpu.memory_space<hbm>> -> memref<128xi32, #tpu.memory_space<hbm>>
      %dma_start3A_331 = tpu.memref_slice %arg3[%mul3A_329] : memref<327680xi32, #tpu.memory_space<hbm>> -> memref<128xi32, #tpu.memory_space<hbm>>
      tpu.enqueue_dma source(%dma_start3A_331 : memref<128xi32, #tpu.memory_space<hbm>>) target(%arg27 : memref<128xi32, #tpu.memory_space<vmem>>) target_semaphore(%arg11 : memref<!tpu.dma_semaphore, #tpu.memory_space<semaphore_mem>>)
      %mul3A_332 = arith.constant 4 : i32
      %mul3A_333 = arith.muli %min3A_254, %mul3A_332 : i32
      %add3A_334 = arith.addi %select_n3A, %mul3A_333 : i32
      %add3A_335 = arith.constant 3 : i32
      %add3A_336 = arith.addi %add3A_334, %add3A_335 : i32
      %min3A_337 = arith.constant 2559 : i32
      %min3A_338 = arith.minsi %add3A_336, %min3A_337 : i32
      %mul3A_339 = arith.constant 128 : i32
      %mul3A_340 = arith.muli %min3A_338, %mul3A_339 : i32
      %dma_start3A_341 = tpu.memref_slice %arg4[%mul3A_340] : memref<327680xi32, #tpu.memory_space<hbm>> -> memref<128xi32, #tpu.memory_space<hbm>>
      %dma_start3A_342 = tpu.memref_slice %arg4[%mul3A_340] : memref<327680xi32, #tpu.memory_space<hbm>> -> memref<128xi32, #tpu.memory_space<hbm>>
      tpu.enqueue_dma source(%dma_start3A_342 : memref<128xi32, #tpu.memory_space<hbm>>) target(%arg19 : memref<128xi32, #tpu.memory_space<vmem>>) target_semaphore(%arg11 : memref<!tpu.dma_semaphore, #tpu.memory_space<semaphore_mem>>)
      %dma_start3A_343 = arith.constant 0 : i32
      %dma_start3A_344 = arith.constant 0 : i32
      %dma_start3A_345 = arith.constant 0 : i32
      %dma_start3A_346 = tpu.memref_slice %arg6[%dma_start3A_343, %dma_start3A_344, %dma_start3A_345] : memref<4x128x64xf32, #tpu.memory_space<vmem>> -> memref<1x128x64xf32, #tpu.memory_space<vmem>>
      %dma_start3A_347 = tpu.memref_squeeze %dma_start3A_346 : memref<1x128x64xf32, #tpu.memory_space<vmem>> -> memref<128x64xf32, #tpu.memory_space<vmem>>
      %dma_start3A_348 = arith.constant 0 : i32
      %dma_start3A_349 = arith.constant 0 : i32
      %dma_start3A_350 = tpu.memref_slice %arg2[%dma_start3A_348, %dma_start3A_349] : memref<10000x64xf32, #tpu.memory_space<hbm>> -> memref<10000x64xf32, #tpu.memory_space<hbm>>
      tpu.enqueue_indirect_dma source(%dma_start3A_350 : memref<10000x64xf32, #tpu.memory_space<hbm>>) target(%dma_start3A_347 : memref<128x64xf32, #tpu.memory_space<vmem>>) offsets(%arg20 : memref<128xi32, #tpu.memory_space<vmem>>) semaphore(%arg9 : memref<!tpu.dma_semaphore, #tpu.memory_space<semaphore_mem>>)
      %dma_start3A_351 = arith.constant 1 : i32
      %dma_start3A_352 = arith.constant 0 : i32
      %dma_start3A_353 = arith.constant 0 : i32
      %dma_start3A_354 = tpu.memref_slice %arg6[%dma_start3A_351, %dma_start3A_352, %dma_start3A_353] : memref<4x128x64xf32, #tpu.memory_space<vmem>> -> memref<1x128x64xf32, #tpu.memory_space<vmem>>
      %dma_start3A_355 = tpu.memref_squeeze %dma_start3A_354 : memref<1x128x64xf32, #tpu.memory_space<vmem>> -> memref<128x64xf32, #tpu.memory_space<vmem>>
      %dma_start3A_356 = arith.constant 0 : i32
      %dma_start3A_357 = arith.constant 0 : i32
      %dma_start3A_358 = tpu.memref_slice %arg2[%dma_start3A_356, %dma_start3A_357] : memref<10000x64xf32, #tpu.memory_space<hbm>> -> memref<10000x64xf32, #tpu.memory_space<hbm>>
      tpu.enqueue_indirect_dma source(%dma_start3A_358 : memref<10000x64xf32, #tpu.memory_space<hbm>>) target(%dma_start3A_355 : memref<128x64xf32, #tpu.memory_space<vmem>>) offsets(%arg21 : memref<128xi32, #tpu.memory_space<vmem>>) semaphore(%arg9 : memref<!tpu.dma_semaphore, #tpu.memory_space<semaphore_mem>>)
      %dma_start3A_359 = arith.constant 2 : i32
      %dma_start3A_360 = arith.constant 0 : i32
      %dma_start3A_361 = arith.constant 0 : i32
      %dma_start3A_362 = tpu.memref_slice %arg6[%dma_start3A_359, %dma_start3A_360, %dma_start3A_361] : memref<4x128x64xf32, #tpu.memory_space<vmem>> -> memref<1x128x64xf32, #tpu.memory_space<vmem>>
      %dma_start3A_363 = tpu.memref_squeeze %dma_start3A_362 : memref<1x128x64xf32, #tpu.memory_space<vmem>> -> memref<128x64xf32, #tpu.memory_space<vmem>>
      %dma_start3A_364 = arith.constant 0 : i32
      %dma_start3A_365 = arith.constant 0 : i32
      %dma_start3A_366 = tpu.memref_slice %arg2[%dma_start3A_364, %dma_start3A_365] : memref<10000x64xf32, #tpu.memory_space<hbm>> -> memref<10000x64xf32, #tpu.memory_space<hbm>>
      tpu.enqueue_indirect_dma source(%dma_start3A_366 : memref<10000x64xf32, #tpu.memory_space<hbm>>) target(%dma_start3A_363 : memref<128x64xf32, #tpu.memory_space<vmem>>) offsets(%arg22 : memref<128xi32, #tpu.memory_space<vmem>>) semaphore(%arg9 : memref<!tpu.dma_semaphore, #tpu.memory_space<semaphore_mem>>)
      %dma_start3A_367 = arith.constant 3 : i32
      %dma_start3A_368 = arith.constant 0 : i32
      %dma_start3A_369 = arith.constant 0 : i32
      %dma_start3A_370 = tpu.memref_slice %arg6[%dma_start3A_367, %dma_start3A_368, %dma_start3A_369] : memref<4x128x64xf32, #tpu.memory_space<vmem>> -> memref<1x128x64xf32, #tpu.memory_space<vmem>>
      %dma_start3A_371 = tpu.memref_squeeze %dma_start3A_370 : memref<1x128x64xf32, #tpu.memory_space<vmem>> -> memref<128x64xf32, #tpu.memory_space<vmem>>
      %dma_start3A_372 = arith.constant 0 : i32
      %dma_start3A_373 = arith.constant 0 : i32
      %dma_start3A_374 = tpu.memref_slice %arg2[%dma_start3A_372, %dma_start3A_373] : memref<10000x64xf32, #tpu.memory_space<hbm>> -> memref<10000x64xf32, #tpu.memory_space<hbm>>
      tpu.enqueue_indirect_dma source(%dma_start3A_374 : memref<10000x64xf32, #tpu.memory_space<hbm>>) target(%dma_start3A_371 : memref<128x64xf32, #tpu.memory_space<vmem>>) offsets(%arg23 : memref<128xi32, #tpu.memory_space<vmem>>) semaphore(%arg9 : memref<!tpu.dma_semaphore, #tpu.memory_space<semaphore_mem>>)
      %dma_wait3A_375 = arith.constant 0 : i32
      %dma_wait3A_376 = arith.constant 0 : i32
      %dma_wait3A_377 = arith.constant 0 : i32
      %dma_wait3A_378 = tpu.memref_slice %arg6[%dma_wait3A_375, %dma_wait3A_376, %dma_wait3A_377] : memref<4x128x64xf32, #tpu.memory_space<vmem>> -> memref<1x128x64xf32, #tpu.memory_space<vmem>>
      %dma_wait3A_379 = tpu.memref_squeeze %dma_wait3A_378 : memref<1x128x64xf32, #tpu.memory_space<vmem>> -> memref<128x64xf32, #tpu.memory_space<vmem>>
      %dma_wait3A_380 = arith.constant 0 : i32
      %dma_wait3A_381 = arith.constant 0 : i32
      %dma_wait3A_382 = tpu.memref_slice %arg2[%dma_wait3A_380, %dma_wait3A_381] : memref<10000x64xf32, #tpu.memory_space<hbm>> -> memref<10000x64xf32, #tpu.memory_space<hbm>>
      tpu.wait_indirect_dma semaphore(%arg9 : memref<!tpu.dma_semaphore, #tpu.memory_space<semaphore_mem>>) src(%dma_wait3A_382 : memref<10000x64xf32, #tpu.memory_space<hbm>>) dst(%dma_wait3A_379 : memref<128x64xf32, #tpu.memory_space<vmem>>)
      %dma_wait3A_383 = arith.constant 1 : i32
      %dma_wait3A_384 = arith.constant 0 : i32
      %dma_wait3A_385 = arith.constant 0 : i32
      %dma_wait3A_386 = tpu.memref_slice %arg6[%dma_wait3A_383, %dma_wait3A_384, %dma_wait3A_385] : memref<4x128x64xf32, #tpu.memory_space<vmem>> -> memref<1x128x64xf32, #tpu.memory_space<vmem>>
      %dma_wait3A_387 = tpu.memref_squeeze %dma_wait3A_386 : memref<1x128x64xf32, #tpu.memory_space<vmem>> -> memref<128x64xf32, #tpu.memory_space<vmem>>
      %dma_wait3A_388 = arith.constant 0 : i32
      %dma_wait3A_389 = arith.constant 0 : i32
      %dma_wait3A_390 = tpu.memref_slice %arg2[%dma_wait3A_388, %dma_wait3A_389] : memref<10000x64xf32, #tpu.memory_space<hbm>> -> memref<10000x64xf32, #tpu.memory_space<hbm>>
      tpu.wait_indirect_dma semaphore(%arg9 : memref<!tpu.dma_semaphore, #tpu.memory_space<semaphore_mem>>) src(%dma_wait3A_390 : memref<10000x64xf32, #tpu.memory_space<hbm>>) dst(%dma_wait3A_387 : memref<128x64xf32, #tpu.memory_space<vmem>>)
      %dma_wait3A_391 = arith.constant 2 : i32
      %dma_wait3A_392 = arith.constant 0 : i32
      %dma_wait3A_393 = arith.constant 0 : i32
      %dma_wait3A_394 = tpu.memref_slice %arg6[%dma_wait3A_391, %dma_wait3A_392, %dma_wait3A_393] : memref<4x128x64xf32, #tpu.memory_space<vmem>> -> memref<1x128x64xf32, #tpu.memory_space<vmem>>
      %dma_wait3A_395 = tpu.memref_squeeze %dma_wait3A_394 : memref<1x128x64xf32, #tpu.memory_space<vmem>> -> memref<128x64xf32, #tpu.memory_space<vmem>>
      %dma_wait3A_396 = arith.constant 0 : i32
      %dma_wait3A_397 = arith.constant 0 : i32
      %dma_wait3A_398 = tpu.memref_slice %arg2[%dma_wait3A_396, %dma_wait3A_397] : memref<10000x64xf32, #tpu.memory_space<hbm>> -> memref<10000x64xf32, #tpu.memory_space<hbm>>
      tpu.wait_indirect_dma semaphore(%arg9 : memref<!tpu.dma_semaphore, #tpu.memory_space<semaphore_mem>>) src(%dma_wait3A_398 : memref<10000x64xf32, #tpu.memory_space<hbm>>) dst(%dma_wait3A_395 : memref<128x64xf32, #tpu.memory_space<vmem>>)
      %dma_wait3A_399 = arith.constant 3 : i32
      %dma_wait3A_400 = arith.constant 0 : i32
      %dma_wait3A_401 = arith.constant 0 : i32
      %dma_wait3A_402 = tpu.memref_slice %arg6[%dma_wait3A_399, %dma_wait3A_400, %dma_wait3A_401] : memref<4x128x64xf32, #tpu.memory_space<vmem>> -> memref<1x128x64xf32, #tpu.memory_space<vmem>>
      %dma_wait3A_403 = tpu.memref_squeeze %dma_wait3A_402 : memref<1x128x64xf32, #tpu.memory_space<vmem>> -> memref<128x64xf32, #tpu.memory_space<vmem>>
      %dma_wait3A_404 = arith.constant 0 : i32
      %dma_wait3A_405 = arith.constant 0 : i32
      %dma_wait3A_406 = tpu.memref_slice %arg2[%dma_wait3A_404, %dma_wait3A_405] : memref<10000x64xf32, #tpu.memory_space<hbm>> -> memref<10000x64xf32, #tpu.memory_space<hbm>>
      tpu.wait_indirect_dma semaphore(%arg9 : memref<!tpu.dma_semaphore, #tpu.memory_space<semaphore_mem>>) src(%dma_wait3A_406 : memref<10000x64xf32, #tpu.memory_space<hbm>>) dst(%dma_wait3A_403 : memref<128x64xf32, #tpu.memory_space<vmem>>)
      %dma_start3A_407 = arith.constant 0 : i32
      %dma_start3A_408 = arith.constant 0 : i32
      %dma_start3A_409 = arith.constant 0 : i32
      %dma_start3A_410 = tpu.memref_slice %arg6[%dma_start3A_407, %dma_start3A_408, %dma_start3A_409] : memref<4x128x64xf32, #tpu.memory_space<vmem>> -> memref<1x128x64xf32, #tpu.memory_space<vmem>>
      %dma_start3A_411 = tpu.memref_squeeze %dma_start3A_410 : memref<1x128x64xf32, #tpu.memory_space<vmem>> -> memref<128x64xf32, #tpu.memory_space<vmem>>
      %dma_start3A_412 = arith.constant 0 : i32
      %dma_start3A_413 = arith.constant 0 : i32
      %dma_start3A_414 = tpu.memref_slice %arg8[%dma_start3A_412, %dma_start3A_413] : memref<10240x64xf32, #tpu.memory_space<vmem_shared>> -> memref<10240x64xf32, #tpu.memory_space<vmem_shared>>
      tpu.enqueue_indirect_dma source(%dma_start3A_411 : memref<128x64xf32, #tpu.memory_space<vmem>>) target(%dma_start3A_414 : memref<10240x64xf32, #tpu.memory_space<vmem_shared>>) offsets(%arg12 : memref<128xi32, #tpu.memory_space<vmem>>) semaphore(%arg10 : memref<!tpu.dma_semaphore, #tpu.memory_space<semaphore_mem>>) {add = true}
      %dma_start3A_415 = arith.constant 1 : i32
      %dma_start3A_416 = arith.constant 0 : i32
      %dma_start3A_417 = arith.constant 0 : i32
      %dma_start3A_418 = tpu.memref_slice %arg6[%dma_start3A_415, %dma_start3A_416, %dma_start3A_417] : memref<4x128x64xf32, #tpu.memory_space<vmem>> -> memref<1x128x64xf32, #tpu.memory_space<vmem>>
      %dma_start3A_419 = tpu.memref_squeeze %dma_start3A_418 : memref<1x128x64xf32, #tpu.memory_space<vmem>> -> memref<128x64xf32, #tpu.memory_space<vmem>>
      %dma_start3A_420 = arith.constant 0 : i32
      %dma_start3A_421 = arith.constant 0 : i32
      %dma_start3A_422 = tpu.memref_slice %arg8[%dma_start3A_420, %dma_start3A_421] : memref<10240x64xf32, #tpu.memory_space<vmem_shared>> -> memref<10240x64xf32, #tpu.memory_space<vmem_shared>>
      tpu.enqueue_indirect_dma source(%dma_start3A_419 : memref<128x64xf32, #tpu.memory_space<vmem>>) target(%dma_start3A_422 : memref<10240x64xf32, #tpu.memory_space<vmem_shared>>) offsets(%arg13 : memref<128xi32, #tpu.memory_space<vmem>>) semaphore(%arg10 : memref<!tpu.dma_semaphore, #tpu.memory_space<semaphore_mem>>) {add = true}
      %dma_start3A_423 = arith.constant 2 : i32
      %dma_start3A_424 = arith.constant 0 : i32
      %dma_start3A_425 = arith.constant 0 : i32
      %dma_start3A_426 = tpu.memref_slice %arg6[%dma_start3A_423, %dma_start3A_424, %dma_start3A_425] : memref<4x128x64xf32, #tpu.memory_space<vmem>> -> memref<1x128x64xf32, #tpu.memory_space<vmem>>
      %dma_start3A_427 = tpu.memref_squeeze %dma_start3A_426 : memref<1x128x64xf32, #tpu.memory_space<vmem>> -> memref<128x64xf32, #tpu.memory_space<vmem>>
      %dma_start3A_428 = arith.constant 0 : i32
      %dma_start3A_429 = arith.constant 0 : i32
      %dma_start3A_430 = tpu.memref_slice %arg8[%dma_start3A_428, %dma_start3A_429] : memref<10240x64xf32, #tpu.memory_space<vmem_shared>> -> memref<10240x64xf32, #tpu.memory_space<vmem_shared>>
      tpu.enqueue_indirect_dma source(%dma_start3A_427 : memref<128x64xf32, #tpu.memory_space<vmem>>) target(%dma_start3A_430 : memref<10240x64xf32, #tpu.memory_space<vmem_shared>>) offsets(%arg14 : memref<128xi32, #tpu.memory_space<vmem>>) semaphore(%arg10 : memref<!tpu.dma_semaphore, #tpu.memory_space<semaphore_mem>>) {add = true}
      %dma_start3A_431 = arith.constant 3 : i32
      %dma_start3A_432 = arith.constant 0 : i32
      %dma_start3A_433 = arith.constant 0 : i32
      %dma_start3A_434 = tpu.memref_slice %arg6[%dma_start3A_431, %dma_start3A_432, %dma_start3A_433] : memref<4x128x64xf32, #tpu.memory_space<vmem>> -> memref<1x128x64xf32, #tpu.memory_space<vmem>>
      %dma_start3A_435 = tpu.memref_squeeze %dma_start3A_434 : memref<1x128x64xf32, #tpu.memory_space<vmem>> -> memref<128x64xf32, #tpu.memory_space<vmem>>
      %dma_start3A_436 = arith.constant 0 : i32
      %dma_start3A_437 = arith.constant 0 : i32
      %dma_start3A_438 = tpu.memref_slice %arg8[%dma_start3A_436, %dma_start3A_437] : memref<10240x64xf32, #tpu.memory_space<vmem_shared>> -> memref<10240x64xf32, #tpu.memory_space<vmem_shared>>
      tpu.enqueue_indirect_dma source(%dma_start3A_435 : memref<128x64xf32, #tpu.memory_space<vmem>>) target(%dma_start3A_438 : memref<10240x64xf32, #tpu.memory_space<vmem_shared>>) offsets(%arg15 : memref<128xi32, #tpu.memory_space<vmem>>) semaphore(%arg10 : memref<!tpu.dma_semaphore, #tpu.memory_space<semaphore_mem>>) {add = true}
      %dma_wait3A_439 = arith.constant 0 : i32
      %dma_wait3A_440 = arith.constant 0 : i32
      %dma_wait3A_441 = arith.constant 0 : i32
      %dma_wait3A_442 = tpu.memref_slice %arg6[%dma_wait3A_439, %dma_wait3A_440, %dma_wait3A_441] : memref<4x128x64xf32, #tpu.memory_space<vmem>> -> memref<1x128x64xf32, #tpu.memory_space<vmem>>
      %dma_wait3A_443 = tpu.memref_squeeze %dma_wait3A_442 : memref<1x128x64xf32, #tpu.memory_space<vmem>> -> memref<128x64xf32, #tpu.memory_space<vmem>>
      %dma_wait3A_444 = arith.constant 0 : i32
      %dma_wait3A_445 = arith.constant 0 : i32
      %dma_wait3A_446 = tpu.memref_slice %arg8[%dma_wait3A_444, %dma_wait3A_445] : memref<10240x64xf32, #tpu.memory_space<vmem_shared>> -> memref<10240x64xf32, #tpu.memory_space<vmem_shared>>
      tpu.wait_indirect_dma semaphore(%arg10 : memref<!tpu.dma_semaphore, #tpu.memory_space<semaphore_mem>>) src(%dma_wait3A_443 : memref<128x64xf32, #tpu.memory_space<vmem>>) dst(%dma_wait3A_446 : memref<10240x64xf32, #tpu.memory_space<vmem_shared>>)
      %dma_wait3A_447 = arith.constant 1 : i32
      %dma_wait3A_448 = arith.constant 0 : i32
      %dma_wait3A_449 = arith.constant 0 : i32
      %dma_wait3A_450 = tpu.memref_slice %arg6[%dma_wait3A_447, %dma_wait3A_448, %dma_wait3A_449] : memref<4x128x64xf32, #tpu.memory_space<vmem>> -> memref<1x128x64xf32, #tpu.memory_space<vmem>>
      %dma_wait3A_451 = tpu.memref_squeeze %dma_wait3A_450 : memref<1x128x64xf32, #tpu.memory_space<vmem>> -> memref<128x64xf32, #tpu.memory_space<vmem>>
      %dma_wait3A_452 = arith.constant 0 : i32
      %dma_wait3A_453 = arith.constant 0 : i32
      %dma_wait3A_454 = tpu.memref_slice %arg8[%dma_wait3A_452, %dma_wait3A_453] : memref<10240x64xf32, #tpu.memory_space<vmem_shared>> -> memref<10240x64xf32, #tpu.memory_space<vmem_shared>>
      tpu.wait_indirect_dma semaphore(%arg10 : memref<!tpu.dma_semaphore, #tpu.memory_space<semaphore_mem>>) src(%dma_wait3A_451 : memref<128x64xf32, #tpu.memory_space<vmem>>) dst(%dma_wait3A_454 : memref<10240x64xf32, #tpu.memory_space<vmem_shared>>)
      %dma_wait3A_455 = arith.constant 2 : i32
      %dma_wait3A_456 = arith.constant 0 : i32
      %dma_wait3A_457 = arith.constant 0 : i32
      %dma_wait3A_458 = tpu.memref_slice %arg6[%dma_wait3A_455, %dma_wait3A_456, %dma_wait3A_457] : memref<4x128x64xf32, #tpu.memory_space<vmem>> -> memref<1x128x64xf32, #tpu.memory_space<vmem>>
      %dma_wait3A_459 = tpu.memref_squeeze %dma_wait3A_458 : memref<1x128x64xf32, #tpu.memory_space<vmem>> -> memref<128x64xf32, #tpu.memory_space<vmem>>
      %dma_wait3A_460 = arith.constant 0 : i32
      %dma_wait3A_461 = arith.constant 0 : i32
      %dma_wait3A_462 = tpu.memref_slice %arg8[%dma_wait3A_460, %dma_wait3A_461] : memref<10240x64xf32, #tpu.memory_space<vmem_shared>> -> memref<10240x64xf32, #tpu.memory_space<vmem_shared>>
      tpu.wait_indirect_dma semaphore(%arg10 : memref<!tpu.dma_semaphore, #tpu.memory_space<semaphore_mem>>) src(%dma_wait3A_459 : memref<128x64xf32, #tpu.memory_space<vmem>>) dst(%dma_wait3A_462 : memref<10240x64xf32, #tpu.memory_space<vmem_shared>>)
      %dma_wait3A_463 = arith.constant 3 : i32
      %dma_wait3A_464 = arith.constant 0 : i32
      %dma_wait3A_465 = arith.constant 0 : i32
      %dma_wait3A_466 = tpu.memref_slice %arg6[%dma_wait3A_463, %dma_wait3A_464, %dma_wait3A_465] : memref<4x128x64xf32, #tpu.memory_space<vmem>> -> memref<1x128x64xf32, #tpu.memory_space<vmem>>
      %dma_wait3A_467 = tpu.memref_squeeze %dma_wait3A_466 : memref<1x128x64xf32, #tpu.memory_space<vmem>> -> memref<128x64xf32, #tpu.memory_space<vmem>>
      %dma_wait3A_468 = arith.constant 0 : i32
      %dma_wait3A_469 = arith.constant 0 : i32
      %dma_wait3A_470 = tpu.memref_slice %arg8[%dma_wait3A_468, %dma_wait3A_469] : memref<10240x64xf32, #tpu.memory_space<vmem_shared>> -> memref<10240x64xf32, #tpu.memory_space<vmem_shared>>
      tpu.wait_indirect_dma semaphore(%arg10 : memref<!tpu.dma_semaphore, #tpu.memory_space<semaphore_mem>>) src(%dma_wait3A_467 : memref<128x64xf32, #tpu.memory_space<vmem>>) dst(%dma_wait3A_470 : memref<10240x64xf32, #tpu.memory_space<vmem_shared>>)
      %dma_wait3A_471 = tpu.memref_slice %arg3[%mul3A_263] : memref<327680xi32, #tpu.memory_space<hbm>> -> memref<128xi32, #tpu.memory_space<hbm>>
      %dma_wait3A_472 = tpu.memref_slice %arg3[%mul3A_263] : memref<327680xi32, #tpu.memory_space<hbm>> -> memref<128xi32, #tpu.memory_space<hbm>>
      tpu.wait_dma2 semaphore(%arg11 : memref<!tpu.dma_semaphore, #tpu.memory_space<semaphore_mem>>) src(%dma_wait3A_472 : memref<128xi32, #tpu.memory_space<hbm>>) dst(%arg24 : memref<128xi32, #tpu.memory_space<vmem>>)
      %dma_wait3A_473 = tpu.memref_slice %arg4[%mul3A_274] : memref<327680xi32, #tpu.memory_space<hbm>> -> memref<128xi32, #tpu.memory_space<hbm>>
      %dma_wait3A_474 = tpu.memref_slice %arg4[%mul3A_274] : memref<327680xi32, #tpu.memory_space<hbm>> -> memref<128xi32, #tpu.memory_space<hbm>>
      tpu.wait_dma2 semaphore(%arg11 : memref<!tpu.dma_semaphore, #tpu.memory_space<semaphore_mem>>) src(%dma_wait3A_474 : memref<128xi32, #tpu.memory_space<hbm>>) dst(%arg16 : memref<128xi32, #tpu.memory_space<vmem>>)
      %dma_wait3A_475 = tpu.memref_slice %arg3[%mul3A_285] : memref<327680xi32, #tpu.memory_space<hbm>> -> memref<128xi32, #tpu.memory_space<hbm>>
      %dma_wait3A_476 = tpu.memref_slice %arg3[%mul3A_285] : memref<327680xi32, #tpu.memory_space<hbm>> -> memref<128xi32, #tpu.memory_space<hbm>>
      tpu.wait_dma2 semaphore(%arg11 : memref<!tpu.dma_semaphore, #tpu.memory_space<semaphore_mem>>) src(%dma_wait3A_476 : memref<128xi32, #tpu.memory_space<hbm>>) dst(%arg25 : memref<128xi32, #tpu.memory_space<vmem>>)
      %dma_wait3A_477 = tpu.memref_slice %arg4[%mul3A_296] : memref<327680xi32, #tpu.memory_space<hbm>> -> memref<128xi32, #tpu.memory_space<hbm>>
      %dma_wait3A_478 = tpu.memref_slice %arg4[%mul3A_296] : memref<327680xi32, #tpu.memory_space<hbm>> -> memref<128xi32, #tpu.memory_space<hbm>>
      tpu.wait_dma2 semaphore(%arg11 : memref<!tpu.dma_semaphore, #tpu.memory_space<semaphore_mem>>) src(%dma_wait3A_478 : memref<128xi32, #tpu.memory_space<hbm>>) dst(%arg17 : memref<128xi32, #tpu.memory_space<vmem>>)
      %dma_wait3A_479 = tpu.memref_slice %arg3[%mul3A_307] : memref<327680xi32, #tpu.memory_space<hbm>> -> memref<128xi32, #tpu.memory_space<hbm>>
      %dma_wait3A_480 = tpu.memref_slice %arg3[%mul3A_307] : memref<327680xi32, #tpu.memory_space<hbm>> -> memref<128xi32, #tpu.memory_space<hbm>>
      tpu.wait_dma2 semaphore(%arg11 : memref<!tpu.dma_semaphore, #tpu.memory_space<semaphore_mem>>) src(%dma_wait3A_480 : memref<128xi32, #tpu.memory_space<hbm>>) dst(%arg26 : memref<128xi32, #tpu.memory_space<vmem>>)
      %dma_wait3A_481 = tpu.memref_slice %arg4[%mul3A_318] : memref<327680xi32, #tpu.memory_space<hbm>> -> memref<128xi32, #tpu.memory_space<hbm>>
      %dma_wait3A_482 = tpu.memref_slice %arg4[%mul3A_318] : memref<327680xi32, #tpu.memory_space<hbm>> -> memref<128xi32, #tpu.memory_space<hbm>>
      tpu.wait_dma2 semaphore(%arg11 : memref<!tpu.dma_semaphore, #tpu.memory_space<semaphore_mem>>) src(%dma_wait3A_482 : memref<128xi32, #tpu.memory_space<hbm>>) dst(%arg18 : memref<128xi32, #tpu.memory_space<vmem>>)
      %dma_wait3A_483 = tpu.memref_slice %arg3[%mul3A_329] : memref<327680xi32, #tpu.memory_space<hbm>> -> memref<128xi32, #tpu.memory_space<hbm>>
      %dma_wait3A_484 = tpu.memref_slice %arg3[%mul3A_329] : memref<327680xi32, #tpu.memory_space<hbm>> -> memref<128xi32, #tpu.memory_space<hbm>>
      tpu.wait_dma2 semaphore(%arg11 : memref<!tpu.dma_semaphore, #tpu.memory_space<semaphore_mem>>) src(%dma_wait3A_484 : memref<128xi32, #tpu.memory_space<hbm>>) dst(%arg27 : memref<128xi32, #tpu.memory_space<vmem>>)
      %dma_wait3A_485 = tpu.memref_slice %arg4[%mul3A_340] : memref<327680xi32, #tpu.memory_space<hbm>> -> memref<128xi32, #tpu.memory_space<hbm>>
      %dma_wait3A_486 = tpu.memref_slice %arg4[%mul3A_340] : memref<327680xi32, #tpu.memory_space<hbm>> -> memref<128xi32, #tpu.memory_space<hbm>>
      tpu.wait_dma2 semaphore(%arg11 : memref<!tpu.dma_semaphore, #tpu.memory_space<semaphore_mem>>) src(%dma_wait3A_486 : memref<128xi32, #tpu.memory_space<hbm>>) dst(%arg19 : memref<128xi32, #tpu.memory_space<vmem>>)
      %add3A_487 = arith.constant 1 : i32
      %add3A_488 = arith.addi %add3A_253, %add3A_487 : i32
      %min3A_489 = arith.minsi %add3A_488, %sub3A_10 : i32
      %mul3A_490 = arith.constant 4 : i32
      %mul3A_491 = arith.muli %min3A_489, %mul3A_490 : i32
      %add3A_492 = arith.addi %select_n3A, %mul3A_491 : i32
      %add3A_493 = arith.constant 0 : i32
      %add3A_494 = arith.addi %add3A_492, %add3A_493 : i32
      %min3A_495 = arith.constant 2559 : i32
      %min3A_496 = arith.minsi %add3A_494, %min3A_495 : i32
      %mul3A_497 = arith.constant 128 : i32
      %mul3A_498 = arith.muli %min3A_496, %mul3A_497 : i32
      %dma_start3A_499 = tpu.memref_slice %arg3[%mul3A_498] : memref<327680xi32, #tpu.memory_space<hbm>> -> memref<128xi32, #tpu.memory_space<hbm>>
      %dma_start3A_500 = tpu.memref_slice %arg3[%mul3A_498] : memref<327680xi32, #tpu.memory_space<hbm>> -> memref<128xi32, #tpu.memory_space<hbm>>
      tpu.enqueue_dma source(%dma_start3A_500 : memref<128xi32, #tpu.memory_space<hbm>>) target(%arg20 : memref<128xi32, #tpu.memory_space<vmem>>) target_semaphore(%arg11 : memref<!tpu.dma_semaphore, #tpu.memory_space<semaphore_mem>>)
      %mul3A_501 = arith.constant 4 : i32
      %mul3A_502 = arith.muli %min3A_489, %mul3A_501 : i32
      %add3A_503 = arith.addi %select_n3A, %mul3A_502 : i32
      %add3A_504 = arith.constant 0 : i32
      %add3A_505 = arith.addi %add3A_503, %add3A_504 : i32
      %min3A_506 = arith.constant 2559 : i32
      %min3A_507 = arith.minsi %add3A_505, %min3A_506 : i32
      %mul3A_508 = arith.constant 128 : i32
      %mul3A_509 = arith.muli %min3A_507, %mul3A_508 : i32
      %dma_start3A_510 = tpu.memref_slice %arg4[%mul3A_509] : memref<327680xi32, #tpu.memory_space<hbm>> -> memref<128xi32, #tpu.memory_space<hbm>>
      %dma_start3A_511 = tpu.memref_slice %arg4[%mul3A_509] : memref<327680xi32, #tpu.memory_space<hbm>> -> memref<128xi32, #tpu.memory_space<hbm>>
      tpu.enqueue_dma source(%dma_start3A_511 : memref<128xi32, #tpu.memory_space<hbm>>) target(%arg12 : memref<128xi32, #tpu.memory_space<vmem>>) target_semaphore(%arg11 : memref<!tpu.dma_semaphore, #tpu.memory_space<semaphore_mem>>)
      %mul3A_512 = arith.constant 4 : i32
      %mul3A_513 = arith.muli %min3A_489, %mul3A_512 : i32
      %add3A_514 = arith.addi %select_n3A, %mul3A_513 : i32
      %add3A_515 = arith.constant 1 : i32
      %add3A_516 = arith.addi %add3A_514, %add3A_515 : i32
      %min3A_517 = arith.constant 2559 : i32
      %min3A_518 = arith.minsi %add3A_516, %min3A_517 : i32
      %mul3A_519 = arith.constant 128 : i32
      %mul3A_520 = arith.muli %min3A_518, %mul3A_519 : i32
      %dma_start3A_521 = tpu.memref_slice %arg3[%mul3A_520] : memref<327680xi32, #tpu.memory_space<hbm>> -> memref<128xi32, #tpu.memory_space<hbm>>
      %dma_start3A_522 = tpu.memref_slice %arg3[%mul3A_520] : memref<327680xi32, #tpu.memory_space<hbm>> -> memref<128xi32, #tpu.memory_space<hbm>>
      tpu.enqueue_dma source(%dma_start3A_522 : memref<128xi32, #tpu.memory_space<hbm>>) target(%arg21 : memref<128xi32, #tpu.memory_space<vmem>>) target_semaphore(%arg11 : memref<!tpu.dma_semaphore, #tpu.memory_space<semaphore_mem>>)
      %mul3A_523 = arith.constant 4 : i32
      %mul3A_524 = arith.muli %min3A_489, %mul3A_523 : i32
      %add3A_525 = arith.addi %select_n3A, %mul3A_524 : i32
      %add3A_526 = arith.constant 1 : i32
      %add3A_527 = arith.addi %add3A_525, %add3A_526 : i32
      %min3A_528 = arith.constant 2559 : i32
      %min3A_529 = arith.minsi %add3A_527, %min3A_528 : i32
      %mul3A_530 = arith.constant 128 : i32
      %mul3A_531 = arith.muli %min3A_529, %mul3A_530 : i32
      %dma_start3A_532 = tpu.memref_slice %arg4[%mul3A_531] : memref<327680xi32, #tpu.memory_space<hbm>> -> memref<128xi32, #tpu.memory_space<hbm>>
      %dma_start3A_533 = tpu.memref_slice %arg4[%mul3A_531] : memref<327680xi32, #tpu.memory_space<hbm>> -> memref<128xi32, #tpu.memory_space<hbm>>
      tpu.enqueue_dma source(%dma_start3A_533 : memref<128xi32, #tpu.memory_space<hbm>>) target(%arg13 : memref<128xi32, #tpu.memory_space<vmem>>) target_semaphore(%arg11 : memref<!tpu.dma_semaphore, #tpu.memory_space<semaphore_mem>>)
      %mul3A_534 = arith.constant 4 : i32
      %mul3A_535 = arith.muli %min3A_489, %mul3A_534 : i32
      %add3A_536 = arith.addi %select_n3A, %mul3A_535 : i32
      %add3A_537 = arith.constant 2 : i32
      %add3A_538 = arith.addi %add3A_536, %add3A_537 : i32
      %min3A_539 = arith.constant 2559 : i32
      %min3A_540 = arith.minsi %add3A_538, %min3A_539 : i32
      %mul3A_541 = arith.constant 128 : i32
      %mul3A_542 = arith.muli %min3A_540, %mul3A_541 : i32
      %dma_start3A_543 = tpu.memref_slice %arg3[%mul3A_542] : memref<327680xi32, #tpu.memory_space<hbm>> -> memref<128xi32, #tpu.memory_space<hbm>>
      %dma_start3A_544 = tpu.memref_slice %arg3[%mul3A_542] : memref<327680xi32, #tpu.memory_space<hbm>> -> memref<128xi32, #tpu.memory_space<hbm>>
      tpu.enqueue_dma source(%dma_start3A_544 : memref<128xi32, #tpu.memory_space<hbm>>) target(%arg22 : memref<128xi32, #tpu.memory_space<vmem>>) target_semaphore(%arg11 : memref<!tpu.dma_semaphore, #tpu.memory_space<semaphore_mem>>)
      %mul3A_545 = arith.constant 4 : i32
      %mul3A_546 = arith.muli %min3A_489, %mul3A_545 : i32
      %add3A_547 = arith.addi %select_n3A, %mul3A_546 : i32
      %add3A_548 = arith.constant 2 : i32
      %add3A_549 = arith.addi %add3A_547, %add3A_548 : i32
      %min3A_550 = arith.constant 2559 : i32
      %min3A_551 = arith.minsi %add3A_549, %min3A_550 : i32
      %mul3A_552 = arith.constant 128 : i32
      %mul3A_553 = arith.muli %min3A_551, %mul3A_552 : i32
      %dma_start3A_554 = tpu.memref_slice %arg4[%mul3A_553] : memref<327680xi32, #tpu.memory_space<hbm>> -> memref<128xi32, #tpu.memory_space<hbm>>
      %dma_start3A_555 = tpu.memref_slice %arg4[%mul3A_553] : memref<327680xi32, #tpu.memory_space<hbm>> -> memref<128xi32, #tpu.memory_space<hbm>>
      tpu.enqueue_dma source(%dma_start3A_555 : memref<128xi32, #tpu.memory_space<hbm>>) target(%arg14 : memref<128xi32, #tpu.memory_space<vmem>>) target_semaphore(%arg11 : memref<!tpu.dma_semaphore, #tpu.memory_space<semaphore_mem>>)
      %mul3A_556 = arith.constant 4 : i32
      %mul3A_557 = arith.muli %min3A_489, %mul3A_556 : i32
      %add3A_558 = arith.addi %select_n3A, %mul3A_557 : i32
      %add3A_559 = arith.constant 3 : i32
      %add3A_560 = arith.addi %add3A_558, %add3A_559 : i32
      %min3A_561 = arith.constant 2559 : i32
      %min3A_562 = arith.minsi %add3A_560, %min3A_561 : i32
      %mul3A_563 = arith.constant 128 : i32
      %mul3A_564 = arith.muli %min3A_562, %mul3A_563 : i32
      %dma_start3A_565 = tpu.memref_slice %arg3[%mul3A_564] : memref<327680xi32, #tpu.memory_space<hbm>> -> memref<128xi32, #tpu.memory_space<hbm>>
      %dma_start3A_566 = tpu.memref_slice %arg3[%mul3A_564] : memref<327680xi32, #tpu.memory_space<hbm>> -> memref<128xi32, #tpu.memory_space<hbm>>
      tpu.enqueue_dma source(%dma_start3A_566 : memref<128xi32, #tpu.memory_space<hbm>>) target(%arg23 : memref<128xi32, #tpu.memory_space<vmem>>) target_semaphore(%arg11 : memref<!tpu.dma_semaphore, #tpu.memory_space<semaphore_mem>>)
      %mul3A_567 = arith.constant 4 : i32
      %mul3A_568 = arith.muli %min3A_489, %mul3A_567 : i32
      %add3A_569 = arith.addi %select_n3A, %mul3A_568 : i32
      %add3A_570 = arith.constant 3 : i32
      %add3A_571 = arith.addi %add3A_569, %add3A_570 : i32
      %min3A_572 = arith.constant 2559 : i32
      %min3A_573 = arith.minsi %add3A_571, %min3A_572 : i32
      %mul3A_574 = arith.constant 128 : i32
      %mul3A_575 = arith.muli %min3A_573, %mul3A_574 : i32
      %dma_start3A_576 = tpu.memref_slice %arg4[%mul3A_575] : memref<327680xi32, #tpu.memory_space<hbm>> -> memref<128xi32, #tpu.memory_space<hbm>>
      %dma_start3A_577 = tpu.memref_slice %arg4[%mul3A_575] : memref<327680xi32, #tpu.memory_space<hbm>> -> memref<128xi32, #tpu.memory_space<hbm>>
      tpu.enqueue_dma source(%dma_start3A_577 : memref<128xi32, #tpu.memory_space<hbm>>) target(%arg15 : memref<128xi32, #tpu.memory_space<vmem>>) target_semaphore(%arg11 : memref<!tpu.dma_semaphore, #tpu.memory_space<semaphore_mem>>)
      %dma_start3A_578 = arith.constant 0 : i32
      %dma_start3A_579 = arith.constant 0 : i32
      %dma_start3A_580 = arith.constant 0 : i32
      %dma_start3A_581 = tpu.memref_slice %arg6[%dma_start3A_578, %dma_start3A_579, %dma_start3A_580] : memref<4x128x64xf32, #tpu.memory_space<vmem>> -> memref<1x128x64xf32, #tpu.memory_space<vmem>>
      %dma_start3A_582 = tpu.memref_squeeze %dma_start3A_581 : memref<1x128x64xf32, #tpu.memory_space<vmem>> -> memref<128x64xf32, #tpu.memory_space<vmem>>
      %dma_start3A_583 = arith.constant 0 : i32
      %dma_start3A_584 = arith.constant 0 : i32
      %dma_start3A_585 = tpu.memref_slice %arg2[%dma_start3A_583, %dma_start3A_584] : memref<10000x64xf32, #tpu.memory_space<hbm>> -> memref<10000x64xf32, #tpu.memory_space<hbm>>
      tpu.enqueue_indirect_dma source(%dma_start3A_585 : memref<10000x64xf32, #tpu.memory_space<hbm>>) target(%dma_start3A_582 : memref<128x64xf32, #tpu.memory_space<vmem>>) offsets(%arg24 : memref<128xi32, #tpu.memory_space<vmem>>) semaphore(%arg9 : memref<!tpu.dma_semaphore, #tpu.memory_space<semaphore_mem>>)
      %dma_start3A_586 = arith.constant 1 : i32
      %dma_start3A_587 = arith.constant 0 : i32
      %dma_start3A_588 = arith.constant 0 : i32
      %dma_start3A_589 = tpu.memref_slice %arg6[%dma_start3A_586, %dma_start3A_587, %dma_start3A_588] : memref<4x128x64xf32, #tpu.memory_space<vmem>> -> memref<1x128x64xf32, #tpu.memory_space<vmem>>
      %dma_start3A_590 = tpu.memref_squeeze %dma_start3A_589 : memref<1x128x64xf32, #tpu.memory_space<vmem>> -> memref<128x64xf32, #tpu.memory_space<vmem>>
      %dma_start3A_591 = arith.constant 0 : i32
      %dma_start3A_592 = arith.constant 0 : i32
      %dma_start3A_593 = tpu.memref_slice %arg2[%dma_start3A_591, %dma_start3A_592] : memref<10000x64xf32, #tpu.memory_space<hbm>> -> memref<10000x64xf32, #tpu.memory_space<hbm>>
      tpu.enqueue_indirect_dma source(%dma_start3A_593 : memref<10000x64xf32, #tpu.memory_space<hbm>>) target(%dma_start3A_590 : memref<128x64xf32, #tpu.memory_space<vmem>>) offsets(%arg25 : memref<128xi32, #tpu.memory_space<vmem>>) semaphore(%arg9 : memref<!tpu.dma_semaphore, #tpu.memory_space<semaphore_mem>>)
      %dma_start3A_594 = arith.constant 2 : i32
      %dma_start3A_595 = arith.constant 0 : i32
      %dma_start3A_596 = arith.constant 0 : i32
      %dma_start3A_597 = tpu.memref_slice %arg6[%dma_start3A_594, %dma_start3A_595, %dma_start3A_596] : memref<4x128x64xf32, #tpu.memory_space<vmem>> -> memref<1x128x64xf32, #tpu.memory_space<vmem>>
      %dma_start3A_598 = tpu.memref_squeeze %dma_start3A_597 : memref<1x128x64xf32, #tpu.memory_space<vmem>> -> memref<128x64xf32, #tpu.memory_space<vmem>>
      %dma_start3A_599 = arith.constant 0 : i32
      %dma_start3A_600 = arith.constant 0 : i32
      %dma_start3A_601 = tpu.memref_slice %arg2[%dma_start3A_599, %dma_start3A_600] : memref<10000x64xf32, #tpu.memory_space<hbm>> -> memref<10000x64xf32, #tpu.memory_space<hbm>>
      tpu.enqueue_indirect_dma source(%dma_start3A_601 : memref<10000x64xf32, #tpu.memory_space<hbm>>) target(%dma_start3A_598 : memref<128x64xf32, #tpu.memory_space<vmem>>) offsets(%arg26 : memref<128xi32, #tpu.memory_space<vmem>>) semaphore(%arg9 : memref<!tpu.dma_semaphore, #tpu.memory_space<semaphore_mem>>)
      %dma_start3A_602 = arith.constant 3 : i32
      %dma_start3A_603 = arith.constant 0 : i32
      %dma_start3A_604 = arith.constant 0 : i32
      %dma_start3A_605 = tpu.memref_slice %arg6[%dma_start3A_602, %dma_start3A_603, %dma_start3A_604] : memref<4x128x64xf32, #tpu.memory_space<vmem>> -> memref<1x128x64xf32, #tpu.memory_space<vmem>>
      %dma_start3A_606 = tpu.memref_squeeze %dma_start3A_605 : memref<1x128x64xf32, #tpu.memory_space<vmem>> -> memref<128x64xf32, #tpu.memory_space<vmem>>
      %dma_start3A_607 = arith.constant 0 : i32
      %dma_start3A_608 = arith.constant 0 : i32
      %dma_start3A_609 = tpu.memref_slice %arg2[%dma_start3A_607, %dma_start3A_608] : memref<10000x64xf32, #tpu.memory_space<hbm>> -> memref<10000x64xf32, #tpu.memory_space<hbm>>
      tpu.enqueue_indirect_dma source(%dma_start3A_609 : memref<10000x64xf32, #tpu.memory_space<hbm>>) target(%dma_start3A_606 : memref<128x64xf32, #tpu.memory_space<vmem>>) offsets(%arg27 : memref<128xi32, #tpu.memory_space<vmem>>) semaphore(%arg9 : memref<!tpu.dma_semaphore, #tpu.memory_space<semaphore_mem>>)
      %dma_wait3A_610 = arith.constant 0 : i32
      %dma_wait3A_611 = arith.constant 0 : i32
      %dma_wait3A_612 = arith.constant 0 : i32
      %dma_wait3A_613 = tpu.memref_slice %arg6[%dma_wait3A_610, %dma_wait3A_611, %dma_wait3A_612] : memref<4x128x64xf32, #tpu.memory_space<vmem>> -> memref<1x128x64xf32, #tpu.memory_space<vmem>>
      %dma_wait3A_614 = tpu.memref_squeeze %dma_wait3A_613 : memref<1x128x64xf32, #tpu.memory_space<vmem>> -> memref<128x64xf32, #tpu.memory_space<vmem>>
      %dma_wait3A_615 = arith.constant 0 : i32
      %dma_wait3A_616 = arith.constant 0 : i32
      %dma_wait3A_617 = tpu.memref_slice %arg2[%dma_wait3A_615, %dma_wait3A_616] : memref<10000x64xf32, #tpu.memory_space<hbm>> -> memref<10000x64xf32, #tpu.memory_space<hbm>>
      tpu.wait_indirect_dma semaphore(%arg9 : memref<!tpu.dma_semaphore, #tpu.memory_space<semaphore_mem>>) src(%dma_wait3A_617 : memref<10000x64xf32, #tpu.memory_space<hbm>>) dst(%dma_wait3A_614 : memref<128x64xf32, #tpu.memory_space<vmem>>)
      %dma_wait3A_618 = arith.constant 1 : i32
      %dma_wait3A_619 = arith.constant 0 : i32
      %dma_wait3A_620 = arith.constant 0 : i32
      %dma_wait3A_621 = tpu.memref_slice %arg6[%dma_wait3A_618, %dma_wait3A_619, %dma_wait3A_620] : memref<4x128x64xf32, #tpu.memory_space<vmem>> -> memref<1x128x64xf32, #tpu.memory_space<vmem>>
      %dma_wait3A_622 = tpu.memref_squeeze %dma_wait3A_621 : memref<1x128x64xf32, #tpu.memory_space<vmem>> -> memref<128x64xf32, #tpu.memory_space<vmem>>
      %dma_wait3A_623 = arith.constant 0 : i32
      %dma_wait3A_624 = arith.constant 0 : i32
      %dma_wait3A_625 = tpu.memref_slice %arg2[%dma_wait3A_623, %dma_wait3A_624] : memref<10000x64xf32, #tpu.memory_space<hbm>> -> memref<10000x64xf32, #tpu.memory_space<hbm>>
      tpu.wait_indirect_dma semaphore(%arg9 : memref<!tpu.dma_semaphore, #tpu.memory_space<semaphore_mem>>) src(%dma_wait3A_625 : memref<10000x64xf32, #tpu.memory_space<hbm>>) dst(%dma_wait3A_622 : memref<128x64xf32, #tpu.memory_space<vmem>>)
      %dma_wait3A_626 = arith.constant 2 : i32
      %dma_wait3A_627 = arith.constant 0 : i32
      %dma_wait3A_628 = arith.constant 0 : i32
      %dma_wait3A_629 = tpu.memref_slice %arg6[%dma_wait3A_626, %dma_wait3A_627, %dma_wait3A_628] : memref<4x128x64xf32, #tpu.memory_space<vmem>> -> memref<1x128x64xf32, #tpu.memory_space<vmem>>
      %dma_wait3A_630 = tpu.memref_squeeze %dma_wait3A_629 : memref<1x128x64xf32, #tpu.memory_space<vmem>> -> memref<128x64xf32, #tpu.memory_space<vmem>>
      %dma_wait3A_631 = arith.constant 0 : i32
      %dma_wait3A_632 = arith.constant 0 : i32
      %dma_wait3A_633 = tpu.memref_slice %arg2[%dma_wait3A_631, %dma_wait3A_632] : memref<10000x64xf32, #tpu.memory_space<hbm>> -> memref<10000x64xf32, #tpu.memory_space<hbm>>
      tpu.wait_indirect_dma semaphore(%arg9 : memref<!tpu.dma_semaphore, #tpu.memory_space<semaphore_mem>>) src(%dma_wait3A_633 : memref<10000x64xf32, #tpu.memory_space<hbm>>) dst(%dma_wait3A_630 : memref<128x64xf32, #tpu.memory_space<vmem>>)
      %dma_wait3A_634 = arith.constant 3 : i32
      %dma_wait3A_635 = arith.constant 0 : i32
      %dma_wait3A_636 = arith.constant 0 : i32
      %dma_wait3A_637 = tpu.memref_slice %arg6[%dma_wait3A_634, %dma_wait3A_635, %dma_wait3A_636] : memref<4x128x64xf32, #tpu.memory_space<vmem>> -> memref<1x128x64xf32, #tpu.memory_space<vmem>>
      %dma_wait3A_638 = tpu.memref_squeeze %dma_wait3A_637 : memref<1x128x64xf32, #tpu.memory_space<vmem>> -> memref<128x64xf32, #tpu.memory_space<vmem>>
      %dma_wait3A_639 = arith.constant 0 : i32
      %dma_wait3A_640 = arith.constant 0 : i32
      %dma_wait3A_641 = tpu.memref_slice %arg2[%dma_wait3A_639, %dma_wait3A_640] : memref<10000x64xf32, #tpu.memory_space<hbm>> -> memref<10000x64xf32, #tpu.memory_space<hbm>>
      tpu.wait_indirect_dma semaphore(%arg9 : memref<!tpu.dma_semaphore, #tpu.memory_space<semaphore_mem>>) src(%dma_wait3A_641 : memref<10000x64xf32, #tpu.memory_space<hbm>>) dst(%dma_wait3A_638 : memref<128x64xf32, #tpu.memory_space<vmem>>)
      %dma_start3A_642 = arith.constant 0 : i32
      %dma_start3A_643 = arith.constant 0 : i32
      %dma_start3A_644 = arith.constant 0 : i32
      %dma_start3A_645 = tpu.memref_slice %arg6[%dma_start3A_642, %dma_start3A_643, %dma_start3A_644] : memref<4x128x64xf32, #tpu.memory_space<vmem>> -> memref<1x128x64xf32, #tpu.memory_space<vmem>>
      %dma_start3A_646 = tpu.memref_squeeze %dma_start3A_645 : memref<1x128x64xf32, #tpu.memory_space<vmem>> -> memref<128x64xf32, #tpu.memory_space<vmem>>
      %dma_start3A_647 = arith.constant 0 : i32
      %dma_start3A_648 = arith.constant 0 : i32
      %dma_start3A_649 = tpu.memref_slice %arg8[%dma_start3A_647, %dma_start3A_648] : memref<10240x64xf32, #tpu.memory_space<vmem_shared>> -> memref<10240x64xf32, #tpu.memory_space<vmem_shared>>
      tpu.enqueue_indirect_dma source(%dma_start3A_646 : memref<128x64xf32, #tpu.memory_space<vmem>>) target(%dma_start3A_649 : memref<10240x64xf32, #tpu.memory_space<vmem_shared>>) offsets(%arg16 : memref<128xi32, #tpu.memory_space<vmem>>) semaphore(%arg10 : memref<!tpu.dma_semaphore, #tpu.memory_space<semaphore_mem>>) {add = true}
      %dma_start3A_650 = arith.constant 1 : i32
      %dma_start3A_651 = arith.constant 0 : i32
      %dma_start3A_652 = arith.constant 0 : i32
      %dma_start3A_653 = tpu.memref_slice %arg6[%dma_start3A_650, %dma_start3A_651, %dma_start3A_652] : memref<4x128x64xf32, #tpu.memory_space<vmem>> -> memref<1x128x64xf32, #tpu.memory_space<vmem>>
      %dma_start3A_654 = tpu.memref_squeeze %dma_start3A_653 : memref<1x128x64xf32, #tpu.memory_space<vmem>> -> memref<128x64xf32, #tpu.memory_space<vmem>>
      %dma_start3A_655 = arith.constant 0 : i32
      %dma_start3A_656 = arith.constant 0 : i32
      %dma_start3A_657 = tpu.memref_slice %arg8[%dma_start3A_655, %dma_start3A_656] : memref<10240x64xf32, #tpu.memory_space<vmem_shared>> -> memref<10240x64xf32, #tpu.memory_space<vmem_shared>>
      tpu.enqueue_indirect_dma source(%dma_start3A_654 : memref<128x64xf32, #tpu.memory_space<vmem>>) target(%dma_start3A_657 : memref<10240x64xf32, #tpu.memory_space<vmem_shared>>) offsets(%arg17 : memref<128xi32, #tpu.memory_space<vmem>>) semaphore(%arg10 : memref<!tpu.dma_semaphore, #tpu.memory_space<semaphore_mem>>) {add = true}
      %dma_start3A_658 = arith.constant 2 : i32
      %dma_start3A_659 = arith.constant 0 : i32
      %dma_start3A_660 = arith.constant 0 : i32
      %dma_start3A_661 = tpu.memref_slice %arg6[%dma_start3A_658, %dma_start3A_659, %dma_start3A_660] : memref<4x128x64xf32, #tpu.memory_space<vmem>> -> memref<1x128x64xf32, #tpu.memory_space<vmem>>
      %dma_start3A_662 = tpu.memref_squeeze %dma_start3A_661 : memref<1x128x64xf32, #tpu.memory_space<vmem>> -> memref<128x64xf32, #tpu.memory_space<vmem>>
      %dma_start3A_663 = arith.constant 0 : i32
      %dma_start3A_664 = arith.constant 0 : i32
      %dma_start3A_665 = tpu.memref_slice %arg8[%dma_start3A_663, %dma_start3A_664] : memref<10240x64xf32, #tpu.memory_space<vmem_shared>> -> memref<10240x64xf32, #tpu.memory_space<vmem_shared>>
      tpu.enqueue_indirect_dma source(%dma_start3A_662 : memref<128x64xf32, #tpu.memory_space<vmem>>) target(%dma_start3A_665 : memref<10240x64xf32, #tpu.memory_space<vmem_shared>>) offsets(%arg18 : memref<128xi32, #tpu.memory_space<vmem>>) semaphore(%arg10 : memref<!tpu.dma_semaphore, #tpu.memory_space<semaphore_mem>>) {add = true}
      %dma_start3A_666 = arith.constant 3 : i32
      %dma_start3A_667 = arith.constant 0 : i32
      %dma_start3A_668 = arith.constant 0 : i32
      %dma_start3A_669 = tpu.memref_slice %arg6[%dma_start3A_666, %dma_start3A_667, %dma_start3A_668] : memref<4x128x64xf32, #tpu.memory_space<vmem>> -> memref<1x128x64xf32, #tpu.memory_space<vmem>>
      %dma_start3A_670 = tpu.memref_squeeze %dma_start3A_669 : memref<1x128x64xf32, #tpu.memory_space<vmem>> -> memref<128x64xf32, #tpu.memory_space<vmem>>
      %dma_start3A_671 = arith.constant 0 : i32
      %dma_start3A_672 = arith.constant 0 : i32
      %dma_start3A_673 = tpu.memref_slice %arg8[%dma_start3A_671, %dma_start3A_672] : memref<10240x64xf32, #tpu.memory_space<vmem_shared>> -> memref<10240x64xf32, #tpu.memory_space<vmem_shared>>
      tpu.enqueue_indirect_dma source(%dma_start3A_670 : memref<128x64xf32, #tpu.memory_space<vmem>>) target(%dma_start3A_673 : memref<10240x64xf32, #tpu.memory_space<vmem_shared>>) offsets(%arg19 : memref<128xi32, #tpu.memory_space<vmem>>) semaphore(%arg10 : memref<!tpu.dma_semaphore, #tpu.memory_space<semaphore_mem>>) {add = true}
      %dma_wait3A_674 = arith.constant 0 : i32
      %dma_wait3A_675 = arith.constant 0 : i32
      %dma_wait3A_676 = arith.constant 0 : i32
      %dma_wait3A_677 = tpu.memref_slice %arg6[%dma_wait3A_674, %dma_wait3A_675, %dma_wait3A_676] : memref<4x128x64xf32, #tpu.memory_space<vmem>> -> memref<1x128x64xf32, #tpu.memory_space<vmem>>
      %dma_wait3A_678 = tpu.memref_squeeze %dma_wait3A_677 : memref<1x128x64xf32, #tpu.memory_space<vmem>> -> memref<128x64xf32, #tpu.memory_space<vmem>>
      %dma_wait3A_679 = arith.constant 0 : i32
      %dma_wait3A_680 = arith.constant 0 : i32
      %dma_wait3A_681 = tpu.memref_slice %arg8[%dma_wait3A_679, %dma_wait3A_680] : memref<10240x64xf32, #tpu.memory_space<vmem_shared>> -> memref<10240x64xf32, #tpu.memory_space<vmem_shared>>
      tpu.wait_indirect_dma semaphore(%arg10 : memref<!tpu.dma_semaphore, #tpu.memory_space<semaphore_mem>>) src(%dma_wait3A_678 : memref<128x64xf32, #tpu.memory_space<vmem>>) dst(%dma_wait3A_681 : memref<10240x64xf32, #tpu.memory_space<vmem_shared>>)
      %dma_wait3A_682 = arith.constant 1 : i32
      %dma_wait3A_683 = arith.constant 0 : i32
      %dma_wait3A_684 = arith.constant 0 : i32
      %dma_wait3A_685 = tpu.memref_slice %arg6[%dma_wait3A_682, %dma_wait3A_683, %dma_wait3A_684] : memref<4x128x64xf32, #tpu.memory_space<vmem>> -> memref<1x128x64xf32, #tpu.memory_space<vmem>>
      %dma_wait3A_686 = tpu.memref_squeeze %dma_wait3A_685 : memref<1x128x64xf32, #tpu.memory_space<vmem>> -> memref<128x64xf32, #tpu.memory_space<vmem>>
      %dma_wait3A_687 = arith.constant 0 : i32
      %dma_wait3A_688 = arith.constant 0 : i32
      %dma_wait3A_689 = tpu.memref_slice %arg8[%dma_wait3A_687, %dma_wait3A_688] : memref<10240x64xf32, #tpu.memory_space<vmem_shared>> -> memref<10240x64xf32, #tpu.memory_space<vmem_shared>>
      tpu.wait_indirect_dma semaphore(%arg10 : memref<!tpu.dma_semaphore, #tpu.memory_space<semaphore_mem>>) src(%dma_wait3A_686 : memref<128x64xf32, #tpu.memory_space<vmem>>) dst(%dma_wait3A_689 : memref<10240x64xf32, #tpu.memory_space<vmem_shared>>)
      %dma_wait3A_690 = arith.constant 2 : i32
      %dma_wait3A_691 = arith.constant 0 : i32
      %dma_wait3A_692 = arith.constant 0 : i32
      %dma_wait3A_693 = tpu.memref_slice %arg6[%dma_wait3A_690, %dma_wait3A_691, %dma_wait3A_692] : memref<4x128x64xf32, #tpu.memory_space<vmem>> -> memref<1x128x64xf32, #tpu.memory_space<vmem>>
      %dma_wait3A_694 = tpu.memref_squeeze %dma_wait3A_693 : memref<1x128x64xf32, #tpu.memory_space<vmem>> -> memref<128x64xf32, #tpu.memory_space<vmem>>
      %dma_wait3A_695 = arith.constant 0 : i32
      %dma_wait3A_696 = arith.constant 0 : i32
      %dma_wait3A_697 = tpu.memref_slice %arg8[%dma_wait3A_695, %dma_wait3A_696] : memref<10240x64xf32, #tpu.memory_space<vmem_shared>> -> memref<10240x64xf32, #tpu.memory_space<vmem_shared>>
      tpu.wait_indirect_dma semaphore(%arg10 : memref<!tpu.dma_semaphore, #tpu.memory_space<semaphore_mem>>) src(%dma_wait3A_694 : memref<128x64xf32, #tpu.memory_space<vmem>>) dst(%dma_wait3A_697 : memref<10240x64xf32, #tpu.memory_space<vmem_shared>>)
      %dma_wait3A_698 = arith.constant 3 : i32
      %dma_wait3A_699 = arith.constant 0 : i32
      %dma_wait3A_700 = arith.constant 0 : i32
      %dma_wait3A_701 = tpu.memref_slice %arg6[%dma_wait3A_698, %dma_wait3A_699, %dma_wait3A_700] : memref<4x128x64xf32, #tpu.memory_space<vmem>> -> memref<1x128x64xf32, #tpu.memory_space<vmem>>
      %dma_wait3A_702 = tpu.memref_squeeze %dma_wait3A_701 : memref<1x128x64xf32, #tpu.memory_space<vmem>> -> memref<128x64xf32, #tpu.memory_space<vmem>>
      %dma_wait3A_703 = arith.constant 0 : i32
      %dma_wait3A_704 = arith.constant 0 : i32
      %dma_wait3A_705 = tpu.memref_slice %arg8[%dma_wait3A_703, %dma_wait3A_704] : memref<10240x64xf32, #tpu.memory_space<vmem_shared>> -> memref<10240x64xf32, #tpu.memory_space<vmem_shared>>
      tpu.wait_indirect_dma semaphore(%arg10 : memref<!tpu.dma_semaphore, #tpu.memory_space<semaphore_mem>>) src(%dma_wait3A_702 : memref<128x64xf32, #tpu.memory_space<vmem>>) dst(%dma_wait3A_705 : memref<10240x64xf32, #tpu.memory_space<vmem_shared>>)
      %dma_wait3A_706 = tpu.memref_slice %arg3[%mul3A_498] : memref<327680xi32, #tpu.memory_space<hbm>> -> memref<128xi32, #tpu.memory_space<hbm>>
      %dma_wait3A_707 = tpu.memref_slice %arg3[%mul3A_498] : memref<327680xi32, #tpu.memory_space<hbm>> -> memref<128xi32, #tpu.memory_space<hbm>>
      tpu.wait_dma2 semaphore(%arg11 : memref<!tpu.dma_semaphore, #tpu.memory_space<semaphore_mem>>) src(%dma_wait3A_707 : memref<128xi32, #tpu.memory_space<hbm>>) dst(%arg20 : memref<128xi32, #tpu.memory_space<vmem>>)
      %dma_wait3A_708 = tpu.memref_slice %arg4[%mul3A_509] : memref<327680xi32, #tpu.memory_space<hbm>> -> memref<128xi32, #tpu.memory_space<hbm>>
      %dma_wait3A_709 = tpu.memref_slice %arg4[%mul3A_509] : memref<327680xi32, #tpu.memory_space<hbm>> -> memref<128xi32, #tpu.memory_space<hbm>>
      tpu.wait_dma2 semaphore(%arg11 : memref<!tpu.dma_semaphore, #tpu.memory_space<semaphore_mem>>) src(%dma_wait3A_709 : memref<128xi32, #tpu.memory_space<hbm>>) dst(%arg12 : memref<128xi32, #tpu.memory_space<vmem>>)
      %dma_wait3A_710 = tpu.memref_slice %arg3[%mul3A_520] : memref<327680xi32, #tpu.memory_space<hbm>> -> memref<128xi32, #tpu.memory_space<hbm>>
      %dma_wait3A_711 = tpu.memref_slice %arg3[%mul3A_520] : memref<327680xi32, #tpu.memory_space<hbm>> -> memref<128xi32, #tpu.memory_space<hbm>>
      tpu.wait_dma2 semaphore(%arg11 : memref<!tpu.dma_semaphore, #tpu.memory_space<semaphore_mem>>) src(%dma_wait3A_711 : memref<128xi32, #tpu.memory_space<hbm>>) dst(%arg21 : memref<128xi32, #tpu.memory_space<vmem>>)
      %dma_wait3A_712 = tpu.memref_slice %arg4[%mul3A_531] : memref<327680xi32, #tpu.memory_space<hbm>> -> memref<128xi32, #tpu.memory_space<hbm>>
      %dma_wait3A_713 = tpu.memref_slice %arg4[%mul3A_531] : memref<327680xi32, #tpu.memory_space<hbm>> -> memref<128xi32, #tpu.memory_space<hbm>>
      tpu.wait_dma2 semaphore(%arg11 : memref<!tpu.dma_semaphore, #tpu.memory_space<semaphore_mem>>) src(%dma_wait3A_713 : memref<128xi32, #tpu.memory_space<hbm>>) dst(%arg13 : memref<128xi32, #tpu.memory_space<vmem>>)
      %dma_wait3A_714 = tpu.memref_slice %arg3[%mul3A_542] : memref<327680xi32, #tpu.memory_space<hbm>> -> memref<128xi32, #tpu.memory_space<hbm>>
      %dma_wait3A_715 = tpu.memref_slice %arg3[%mul3A_542] : memref<327680xi32, #tpu.memory_space<hbm>> -> memref<128xi32, #tpu.memory_space<hbm>>
      tpu.wait_dma2 semaphore(%arg11 : memref<!tpu.dma_semaphore, #tpu.memory_space<semaphore_mem>>) src(%dma_wait3A_715 : memref<128xi32, #tpu.memory_space<hbm>>) dst(%arg22 : memref<128xi32, #tpu.memory_space<vmem>>)
      %dma_wait3A_716 = tpu.memref_slice %arg4[%mul3A_553] : memref<327680xi32, #tpu.memory_space<hbm>> -> memref<128xi32, #tpu.memory_space<hbm>>
      %dma_wait3A_717 = tpu.memref_slice %arg4[%mul3A_553] : memref<327680xi32, #tpu.memory_space<hbm>> -> memref<128xi32, #tpu.memory_space<hbm>>
      tpu.wait_dma2 semaphore(%arg11 : memref<!tpu.dma_semaphore, #tpu.memory_space<semaphore_mem>>) src(%dma_wait3A_717 : memref<128xi32, #tpu.memory_space<hbm>>) dst(%arg14 : memref<128xi32, #tpu.memory_space<vmem>>)
      %dma_wait3A_718 = tpu.memref_slice %arg3[%mul3A_564] : memref<327680xi32, #tpu.memory_space<hbm>> -> memref<128xi32, #tpu.memory_space<hbm>>
      %dma_wait3A_719 = tpu.memref_slice %arg3[%mul3A_564] : memref<327680xi32, #tpu.memory_space<hbm>> -> memref<128xi32, #tpu.memory_space<hbm>>
      tpu.wait_dma2 semaphore(%arg11 : memref<!tpu.dma_semaphore, #tpu.memory_space<semaphore_mem>>) src(%dma_wait3A_719 : memref<128xi32, #tpu.memory_space<hbm>>) dst(%arg23 : memref<128xi32, #tpu.memory_space<vmem>>)
      %dma_wait3A_720 = tpu.memref_slice %arg4[%mul3A_575] : memref<327680xi32, #tpu.memory_space<hbm>> -> memref<128xi32, #tpu.memory_space<hbm>>
      %dma_wait3A_721 = tpu.memref_slice %arg4[%mul3A_575] : memref<327680xi32, #tpu.memory_space<hbm>> -> memref<128xi32, #tpu.memory_space<hbm>>
      tpu.wait_dma2 semaphore(%arg11 : memref<!tpu.dma_semaphore, #tpu.memory_space<semaphore_mem>>) src(%dma_wait3A_721 : memref<128xi32, #tpu.memory_space<hbm>>) dst(%arg15 : memref<128xi32, #tpu.memory_space<vmem>>)
      %while3A_722 = arith.constant 0 : i32
      scf.yield %while3A_722 : i32
    }
    %barrier3A_242 = arith.constant 0 : index
    tpu.barrier barrier_id(%barrier3A_242)
    %mul3A_243 = arith.constant 640 : i32
    %mul3A_244 = arith.muli %arg1, %mul3A_243 : i32
    %mul3A_245 = arith.constant 10240 : i32
    %mul3A_246 = arith.muli %arg0, %mul3A_245 : i32
    %add3A_247 = arith.addi %mul3A_246, %mul3A_244 : i32
    "tpu.region"() ({
      %run_scoped3A = tpu.sem_alloc : memref<!tpu.dma_semaphore, #tpu.memory_space<semaphore_mem>>
      %dma_start3A_248 = arith.constant 0 : i32
      %dma_start3A_249 = tpu.memref_slice %arg5[%add3A_247, %dma_start3A_248] : memref<20480x64xf32, #tpu.memory_space<hbm>> -> memref<640x64xf32, #tpu.memory_space<hbm>>
      %dma_start3A_250 = arith.constant 0 : i32
      %dma_start3A_251 = tpu.memref_slice %arg8[%mul3A_244, %dma_start3A_250] : memref<10240x64xf32, #tpu.memory_space<vmem_shared>> -> memref<640x64xf32, #tpu.memory_space<vmem_shared>>
      tpu.enqueue_dma source(%dma_start3A_251 : memref<640x64xf32, #tpu.memory_space<vmem_shared>>) target(%dma_start3A_249 : memref<640x64xf32, #tpu.memory_space<hbm>>) target_semaphore(%run_scoped3A : memref<!tpu.dma_semaphore, #tpu.memory_space<semaphore_mem>>)
      %dma_wait3A_252 = arith.constant 0 : i32
      %dma_wait3A_253 = tpu.memref_slice %arg5[%add3A_247, %dma_wait3A_252] : memref<20480x64xf32, #tpu.memory_space<hbm>> -> memref<640x64xf32, #tpu.memory_space<hbm>>
      %dma_wait3A_254 = arith.constant 0 : i32
      %dma_wait3A_255 = tpu.memref_slice %arg8[%mul3A_244, %dma_wait3A_254] : memref<10240x64xf32, #tpu.memory_space<vmem_shared>> -> memref<640x64xf32, #tpu.memory_space<vmem_shared>>
      tpu.wait_dma2 semaphore(%run_scoped3A : memref<!tpu.dma_semaphore, #tpu.memory_space<semaphore_mem>>) src(%dma_wait3A_255 : memref<640x64xf32, #tpu.memory_space<vmem_shared>>) dst(%dma_wait3A_253 : memref<640x64xf32, #tpu.memory_space<hbm>>)
      tpu.yield
    }) : () -> ()
    return
  }
}

module attributes {stable_mosaic.version = 14 : i64} {
  func.func @body(%arg0: i32, %arg1: memref<1000x128xf32, #tpu.memory_space<vmem>>, %arg2: memref<128x64xf32, #tpu.memory_space<vmem>>, %arg3: memref<1000x64xf32, #tpu.memory_space<vmem>>) attributes {dimension_semantics = [#tpu.dimension_semantics<arbitrary>], iteration_bounds = array<i64: 10>, scalar_prefetch = 0 : i64, scratch_operands = 0 : i64, tpu.core_type = #tpu.core_type<tc>, window_params = [{transform_indices = @transform_0, window_bounds = array<i64: 1000, 128>}, {pipeline_mode = #tpu.pipeline_mode<synchronous>, transform_indices = @transform_1, window_bounds = array<i64: 128, 64>}, {transform_indices = @transform_2, window_bounds = array<i64: 1000, 64>}]} {
    %get3A = arith.constant 0 : index
    %get3A_0 = arith.constant 0 : index
    %get3A_1 = vector.load %arg1[%get3A, %get3A_0] : memref<1000x128xf32, #tpu.memory_space<vmem>>, vector<1000x128xf32>
    %get3A_2 = arith.constant 0 : index
    %get3A_3 = arith.constant 0 : index
    %get3A_4 = vector.load %arg2[%get3A_2, %get3A_3] : memref<128x64xf32, #tpu.memory_space<vmem>>, vector<128x64xf32>
    %dot_general3A = arith.constant dense<0.000000e+00> : vector<1000x64xf32>
    %dot_general3A_5 = tpu.matmul %get3A_1, %get3A_4, %dot_general3A {dimension_numbers = #tpu.dot_dimension_numbers<[1], [0], [0], [1], [0, 0, 1, 1], [], []>, transpose_lhs_hint = false} : vector<1000x128xf32>, vector<128x64xf32>, vector<1000x64xf32> -> vector<1000x64xf32>
    %swap3A = arith.constant 0 : index
    %swap3A_6 = arith.constant 0 : index
    %swap3A_7 = vector.load %arg3[%swap3A, %swap3A_6] : memref<1000x64xf32, #tpu.memory_space<vmem>>, vector<1000x64xf32>
    tpu.vector_store %arg3[%swap3A, %swap3A_6], %dot_general3A_5 {strides = array<i32>} : memref<1000x64xf32, #tpu.memory_space<vmem>>, vector<1000x64xf32>,
    return
  }
  func.func @transform_0(%arg0: i32) -> (i32, i32) {
    %c0_i32 = arith.constant 0 : i32
    %c0_i32_0 = arith.constant 0 : i32
    return %arg0, %c0_i32 : i32, i32
  }
  func.func @transform_1(%arg0: i32) -> (i32, i32) {
    %c0_i32 = arith.constant 0 : i32
    %c0_i32_0 = arith.constant 0 : i32
    %c0_i32_1 = arith.constant 0 : i32
    return %c0_i32, %c0_i32_0 : i32, i32
  }
  func.func @transform_2(%arg0: i32) -> (i32, i32) {
    %c0_i32 = arith.constant 0 : i32
    %c0_i32_0 = arith.constant 0 : i32
    return %arg0, %c0_i32 : i32, i32
  }
}

module attributes {stable_mosaic.version = 14 : i64} {
  func.func @body(%arg0: i32, %arg1: memref<1000x64xf32, #tpu.memory_space<vmem>>, %arg2: memref<1000x64xf32, #tpu.memory_space<vmem>>, %arg3: memref<1000x64xf32, #tpu.memory_space<vmem>>, %arg4: memref<1x64xf32, #tpu.memory_space<vmem>>, %arg5: memref<64x64xf32, #tpu.memory_space<vmem>>, %arg6: memref<1x64xf32, #tpu.memory_space<vmem>>, %arg7: memref<64x64xf32, #tpu.memory_space<vmem>>, %arg8: memref<1000x64xf32, #tpu.memory_space<vmem>>) attributes {dimension_semantics = [#tpu.dimension_semantics<arbitrary>], iteration_bounds = array<i64: 10>, scalar_prefetch = 0 : i64, scratch_operands = 0 : i64, tpu.core_type = #tpu.core_type<tc>, window_params = [{transform_indices = @transform_0, window_bounds = array<i64: 1000, 64>}, {transform_indices = @transform_1, window_bounds = array<i64: 1000, 64>}, {transform_indices = @transform_2, window_bounds = array<i64: 1000, 64>}, {pipeline_mode = #tpu.pipeline_mode<synchronous>, transform_indices = @transform_3, window_bounds = array<i64: 1, 64>}, {pipeline_mode = #tpu.pipeline_mode<synchronous>, transform_indices = @transform_4, window_bounds = array<i64: 64, 64>}, {pipeline_mode = #tpu.pipeline_mode<synchronous>, transform_indices = @transform_5, window_bounds = array<i64: 1, 64>}, {pipeline_mode = #tpu.pipeline_mode<synchronous>, transform_indices = @transform_6, window_bounds = array<i64: 64, 64>}, {transform_indices = @transform_7, window_bounds = array<i64: 1000, 64>}]} {
    %get3A = arith.constant 0 : index
    %get3A_0 = arith.constant 0 : index
    %get3A_1 = vector.load %arg1[%get3A, %get3A_0] : memref<1000x64xf32, #tpu.memory_space<vmem>>, vector<1000x64xf32>
    %get3A_2 = arith.constant 0 : index
    %get3A_3 = arith.constant 0 : index
    %get3A_4 = vector.load %arg2[%get3A_2, %get3A_3] : memref<1000x64xf32, #tpu.memory_space<vmem>>, vector<1000x64xf32>
    %add3A = arith.addf %get3A_1, %get3A_4 : vector<1000x64xf32>
    %get3A_5 = arith.constant 0 : index
    %get3A_6 = arith.constant 0 : index
    %get3A_7 = vector.load %arg3[%get3A_5, %get3A_6] : memref<1000x64xf32, #tpu.memory_space<vmem>>, vector<1000x64xf32>
    %add3A_8 = arith.addf %add3A, %get3A_7 : vector<1000x64xf32>
    %get3A_9 = arith.constant 0 : index
    %get3A_10 = arith.constant 0 : index
    %get3A_11 = vector.load %arg4[%get3A_9, %get3A_10] : memref<1x64xf32, #tpu.memory_space<vmem>>, vector<1x64xf32>
    %add3A_12 = vector.broadcast %get3A_11 : vector<1x64xf32> to vector<1000x64xf32>
    %add3A_13 = arith.addf %add3A_8, %add3A_12 : vector<1000x64xf32>
    %max3A = arith.constant 0.000000e+00 : f32
    %max3A_14 = vector.broadcast %max3A : f32 to vector<1000x64xf32>
    %max3A_15 = arith.maximumf %add3A_13, %max3A_14 : vector<1000x64xf32>
    %get3A_16 = arith.constant 0 : index
    %get3A_17 = arith.constant 0 : index
    %get3A_18 = vector.load %arg5[%get3A_16, %get3A_17] : memref<64x64xf32, #tpu.memory_space<vmem>>, vector<64x64xf32>
    %dot_general3A = arith.constant dense<0.000000e+00> : vector<1000x64xf32>
    %dot_general3A_19 = tpu.matmul %max3A_15, %get3A_18, %dot_general3A {dimension_numbers = #tpu.dot_dimension_numbers<[1], [0], [0], [1], [0, 0, 1, 1], [], []>, transpose_lhs_hint = false} : vector<1000x64xf32>, vector<64x64xf32>, vector<1000x64xf32> -> vector<1000x64xf32>
    %get3A_20 = arith.constant 0 : index
    %get3A_21 = arith.constant 0 : index
    %get3A_22 = vector.load %arg6[%get3A_20, %get3A_21] : memref<1x64xf32, #tpu.memory_space<vmem>>, vector<1x64xf32>
    %add3A_23 = vector.broadcast %get3A_22 : vector<1x64xf32> to vector<1000x64xf32>
    %add3A_24 = arith.addf %dot_general3A_19, %add3A_23 : vector<1000x64xf32>
    %gt3A = arith.constant 0.000000e+00 : f32
    %gt3A_25 = vector.broadcast %gt3A : f32 to vector<1000x64xf32>
    %gt3A_26 = arith.cmpf ogt, %add3A_24, %gt3A_25 : vector<1000x64xf32>
    %mul3A = arith.constant 0.00999999977 : f32
    %mul3A_27 = vector.broadcast %mul3A : f32 to vector<1000x64xf32>
    %mul3A_28 = arith.mulf %mul3A_27, %add3A_24 : vector<1000x64xf32>
    %select_n3A = arith.select %gt3A_26, %add3A_24, %mul3A_28 : vector<1000x64xi1>, vector<1000x64xf32>
    %get3A_29 = arith.constant 0 : index
    %get3A_30 = arith.constant 0 : index
    %get3A_31 = vector.load %arg7[%get3A_29, %get3A_30] : memref<64x64xf32, #tpu.memory_space<vmem>>, vector<64x64xf32>
    %dot_general3A_32 = arith.constant dense<0.000000e+00> : vector<1000x64xf32>
    %dot_general3A_33 = tpu.matmul %select_n3A, %get3A_31, %dot_general3A_32 {dimension_numbers = #tpu.dot_dimension_numbers<[1], [0], [0], [1], [0, 0, 1, 1], [], []>, transpose_lhs_hint = false} : vector<1000x64xf32>, vector<64x64xf32>, vector<1000x64xf32> -> vector<1000x64xf32>
    %swap3A = arith.constant 0 : index
    %swap3A_34 = arith.constant 0 : index
    %swap3A_35 = vector.load %arg8[%swap3A, %swap3A_34] : memref<1000x64xf32, #tpu.memory_space<vmem>>, vector<1000x64xf32>
    tpu.vector_store %arg8[%swap3A, %swap3A_34], %dot_general3A_33 {strides = array<i32>} : memref<1000x64xf32, #tpu.memory_space<vmem>>, vector<1000x64xf32>,
    return
  }
  func.func @transform_0(%arg0: i32) -> (i32, i32) {
    %c0_i32 = arith.constant 0 : i32
    %c0_i32_0 = arith.constant 0 : i32
    return %arg0, %c0_i32 : i32, i32
  }
  func.func @transform_1(%arg0: i32) -> (i32, i32) {
    %c0_i32 = arith.constant 0 : i32
    %c0_i32_0 = arith.constant 0 : i32
    return %arg0, %c0_i32 : i32, i32
  }
  func.func @transform_2(%arg0: i32) -> (i32, i32) {
    %c0_i32 = arith.constant 0 : i32
    %c0_i32_0 = arith.constant 0 : i32
    return %arg0, %c0_i32 : i32, i32
  }
  func.func @transform_3(%arg0: i32) -> (i32, i32) {
    %c0_i32 = arith.constant 0 : i32
    %c0_i32_0 = arith.constant 0 : i32
    %c0_i32_1 = arith.constant 0 : i32
    return %c0_i32, %c0_i32_0 : i32, i32
  }
  func.func @transform_4(%arg0: i32) -> (i32, i32) {
    %c0_i32 = arith.constant 0 : i32
    %c0_i32_0 = arith.constant 0 : i32
    %c0_i32_1 = arith.constant 0 : i32
    return %c0_i32, %c0_i32_0 : i32, i32
  }
  func.func @transform_5(%arg0: i32) -> (i32, i32) {
    %c0_i32 = arith.constant 0 : i32
    %c0_i32_0 = arith.constant 0 : i32
    %c0_i32_1 = arith.constant 0 : i32
    return %c0_i32, %c0_i32_0 : i32, i32
  }
  func.func @transform_6(%arg0: i32) -> (i32, i32) {
    %c0_i32 = arith.constant 0 : i32
    %c0_i32_0 = arith.constant 0 : i32
    %c0_i32_1 = arith.constant 0 : i32
    return %c0_i32, %c0_i32_0 : i32, i32
  }
  func.func @transform_7(%arg0: i32) -> (i32, i32) {
    %c0_i32 = arith.constant 0 : i32
    %c0_i32_0 = arith.constant 0 : i32
    return %arg0, %c0_i32 : i32, i32
  }
}

module attributes {stable_mosaic.version = 14 : i64} {
  func.func @body(%arg0: i32, %arg1: memref<1000x64xf32, #tpu.memory_space<vmem>>, %arg2: memref<1000x64xf32, #tpu.memory_space<vmem>>, %arg3: memref<1000x64xf32, #tpu.memory_space<vmem>>, %arg4: memref<1x64xf32, #tpu.memory_space<vmem>>, %arg5: memref<64x64xf32, #tpu.memory_space<vmem>>, %arg6: memref<1x64xf32, #tpu.memory_space<vmem>>, %arg7: memref<1000x64xf32, #tpu.memory_space<vmem>>) attributes {dimension_semantics = [#tpu.dimension_semantics<arbitrary>], iteration_bounds = array<i64: 10>, scalar_prefetch = 0 : i64, scratch_operands = 0 : i64, tpu.core_type = #tpu.core_type<tc>, window_params = [{transform_indices = @transform_0, window_bounds = array<i64: 1000, 64>}, {transform_indices = @transform_1, window_bounds = array<i64: 1000, 64>}, {transform_indices = @transform_2, window_bounds = array<i64: 1000, 64>}, {pipeline_mode = #tpu.pipeline_mode<synchronous>, transform_indices = @transform_3, window_bounds = array<i64: 1, 64>}, {pipeline_mode = #tpu.pipeline_mode<synchronous>, transform_indices = @transform_4, window_bounds = array<i64: 64, 64>}, {pipeline_mode = #tpu.pipeline_mode<synchronous>, transform_indices = @transform_5, window_bounds = array<i64: 1, 64>}, {transform_indices = @transform_6, window_bounds = array<i64: 1000, 64>}]} {
    %get3A = arith.constant 0 : index
    %get3A_0 = arith.constant 0 : index
    %get3A_1 = vector.load %arg1[%get3A, %get3A_0] : memref<1000x64xf32, #tpu.memory_space<vmem>>, vector<1000x64xf32>
    %get3A_2 = arith.constant 0 : index
    %get3A_3 = arith.constant 0 : index
    %get3A_4 = vector.load %arg2[%get3A_2, %get3A_3] : memref<1000x64xf32, #tpu.memory_space<vmem>>, vector<1000x64xf32>
    %add3A = arith.addf %get3A_1, %get3A_4 : vector<1000x64xf32>
    %get3A_5 = arith.constant 0 : index
    %get3A_6 = arith.constant 0 : index
    %get3A_7 = vector.load %arg3[%get3A_5, %get3A_6] : memref<1000x64xf32, #tpu.memory_space<vmem>>, vector<1000x64xf32>
    %add3A_8 = arith.addf %add3A, %get3A_7 : vector<1000x64xf32>
    %get3A_9 = arith.constant 0 : index
    %get3A_10 = arith.constant 0 : index
    %get3A_11 = vector.load %arg4[%get3A_9, %get3A_10] : memref<1x64xf32, #tpu.memory_space<vmem>>, vector<1x64xf32>
    %add3A_12 = vector.broadcast %get3A_11 : vector<1x64xf32> to vector<1000x64xf32>
    %add3A_13 = arith.addf %add3A_8, %add3A_12 : vector<1000x64xf32>
    %max3A = arith.constant 0.000000e+00 : f32
    %max3A_14 = vector.broadcast %max3A : f32 to vector<1000x64xf32>
    %max3A_15 = arith.maximumf %add3A_13, %max3A_14 : vector<1000x64xf32>
    %get3A_16 = arith.constant 0 : index
    %get3A_17 = arith.constant 0 : index
    %get3A_18 = vector.load %arg5[%get3A_16, %get3A_17] : memref<64x64xf32, #tpu.memory_space<vmem>>, vector<64x64xf32>
    %dot_general3A = arith.constant dense<0.000000e+00> : vector<1000x64xf32>
    %dot_general3A_19 = tpu.matmul %max3A_15, %get3A_18, %dot_general3A {dimension_numbers = #tpu.dot_dimension_numbers<[1], [0], [0], [1], [0, 0, 1, 1], [], []>, transpose_lhs_hint = false} : vector<1000x64xf32>, vector<64x64xf32>, vector<1000x64xf32> -> vector<1000x64xf32>
    %get3A_20 = arith.constant 0 : index
    %get3A_21 = arith.constant 0 : index
    %get3A_22 = vector.load %arg6[%get3A_20, %get3A_21] : memref<1x64xf32, #tpu.memory_space<vmem>>, vector<1x64xf32>
    %add3A_23 = vector.broadcast %get3A_22 : vector<1x64xf32> to vector<1000x64xf32>
    %add3A_24 = arith.addf %dot_general3A_19, %add3A_23 : vector<1000x64xf32>
    %gt3A = arith.constant 0.000000e+00 : f32
    %gt3A_25 = vector.broadcast %gt3A : f32 to vector<1000x64xf32>
    %gt3A_26 = arith.cmpf ogt, %add3A_24, %gt3A_25 : vector<1000x64xf32>
    %mul3A = arith.constant 0.00999999977 : f32
    %mul3A_27 = vector.broadcast %mul3A : f32 to vector<1000x64xf32>
    %mul3A_28 = arith.mulf %mul3A_27, %add3A_24 : vector<1000x64xf32>
    %select_n3A = arith.select %gt3A_26, %add3A_24, %mul3A_28 : vector<1000x64xi1>, vector<1000x64xf32>
    %swap3A = arith.constant 0 : index
    %swap3A_29 = arith.constant 0 : index
    %swap3A_30 = vector.load %arg7[%swap3A, %swap3A_29] : memref<1000x64xf32, #tpu.memory_space<vmem>>, vector<1000x64xf32>
    tpu.vector_store %arg7[%swap3A, %swap3A_29], %select_n3A {strides = array<i32>} : memref<1000x64xf32, #tpu.memory_space<vmem>>, vector<1000x64xf32>,
    return
  }
  func.func @transform_0(%arg0: i32) -> (i32, i32) {
    %c0_i32 = arith.constant 0 : i32
    %c0_i32_0 = arith.constant 0 : i32
    return %arg0, %c0_i32 : i32, i32
  }
  func.func @transform_1(%arg0: i32) -> (i32, i32) {
    %c0_i32 = arith.constant 0 : i32
    %c0_i32_0 = arith.constant 0 : i32
    return %arg0, %c0_i32 : i32, i32
  }
  func.func @transform_2(%arg0: i32) -> (i32, i32) {
    %c0_i32 = arith.constant 0 : i32
    %c0_i32_0 = arith.constant 0 : i32
    return %arg0, %c0_i32 : i32, i32
  }
  func.func @transform_3(%arg0: i32) -> (i32, i32) {
    %c0_i32 = arith.constant 0 : i32
    %c0_i32_0 = arith.constant 0 : i32
    %c0_i32_1 = arith.constant 0 : i32
    return %c0_i32, %c0_i32_0 : i32, i32
  }
  func.func @transform_4(%arg0: i32) -> (i32, i32) {
    %c0_i32 = arith.constant 0 : i32
    %c0_i32_0 = arith.constant 0 : i32
    %c0_i32_1 = arith.constant 0 : i32
    return %c0_i32, %c0_i32_0 : i32, i32
  }
  func.func @transform_5(%arg0: i32) -> (i32, i32) {
    %c0_i32 = arith.constant 0 : i32
    %c0_i32_0 = arith.constant 0 : i32
    %c0_i32_1 = arith.constant 0 : i32
    return %c0_i32, %c0_i32_0 : i32, i32
  }
  func.func @transform_6(%arg0: i32) -> (i32, i32) {
    %c0_i32 = arith.constant 0 : i32
    %c0_i32_0 = arith.constant 0 : i32
    return %arg0, %c0_i32 : i32, i32
  }
}

</mosaic_0001>

<sc_bundles>
// kernel: kernel.10.cloned.1.call-start
scs
__scs_entry_jumppad:
0x0: {  	(pc) =	sbr.rel $0x88, $3  }
0x1: {  	(tag) =	ssettag $0x0;
	lr =	simm.s32 $0x1  }
0x2: {  	[smem:$0x3F97] =	sst lr;
	_ =	strace $0xD0000000  }
0x3: {  	_ = 	snop  }
0x4: {  	_ = 	snop  }
0x5: {  	_ = 	snop  }
0x6: {  	_ = 	snop  }
0x7: {  	_ = 	snop  }
__scs_overlays_trampoline_lowered:
0x8: {  	[smem:$0x3FA6] =	sst s0  }
0x9: {  	[smem:$0x3FA7] =	sst s1  }
0xa: {  	[smem:$0x3FA8] =	sst s2  }
0xb: {  	[smem:$0x3FA9] =	sst s3  }
0xc: {  	[smem:$0x3FAA] =	sst s4  }
0xd: {  	[smem:$0x3FAB] =	sst s5  }
0xe: {  	[smem:$0x3FAC] =	sst s6  }
0xf: {  	[smem:$0x3FAD] =	sst s7  }
0x10: {  	[smem:$0x3FAE] =	sst s8  }
0x11: {  	[smem:$0x3FAF] =	sst s9;
	s0 =	simm.s32 @!p0 $0x0  }
0x12: {  	s1 =	sld [smem:$0x3F95];
	s0 =	simm.s32 @p0 $0x1  }
0x13: {  	[smem:$0x3FB0] =	sst s0;
	s0 =	simm.s32 @!p1 $0x0  }
0x14: {  	s2 =	sld [smem:$0x3F94];
	s0 =	simm.s32 @p1 $0x1  }
0x15: {  	[smem:$0x3FB1] =	sst s0;
	s0 =	simm.s32 @!p2 $0x0  }
0x16: {  	s3 =	sld [smem:$0x3FDB];
	s0 =	simm.s32 @p2 $0x1  }
0x17: {  	s4 =	simm.s32 $0x1BF5;
	[smem:$0x3FB3] =	sst s0  }
0x18: {  	s0 =	sld [smem:$0x3F96];
	_ =	swait.ge [sflag:s4], $0x0  }
0x19: {  	s7 =	sld [smem:$0x3F97]  }
0x1a: {  	s8 =	sadd.s32 $0xFFFFE003, lr  }
0x1b: {  	s9 =	sadd.s32 $0xFFFFFEF7, lr;
	s5 =	simm.s32 $0xFFFFFFFF;
	p2 =	slt.u32 s8, $0xFFFFF086  }
0x1c: {  	p1 =	slt.u32 s9, $0xF7A;
	s5 =	simm.s32 @!p2 $0x0  }
0x1d: {  	s5 =	simm.s32 @p1 $0x1;
	p0 =	seq.s32 s7, s2  }
0x1e: {  	s7 =	smul.u32 @!p0 $0xF7A, s2;
	p2 =	seq.s32 @!p0 s5, $0x0  }
0x1f: {  	s9 =	smul.u32 $0xF7A, s1;
	s8 =	simm.s32 @!p0 $0x1BF5;
	p2 =	por !p2, p0  }
0x20: {  	[sflag:s8] =	ssyncset.s32 @!p0 $0xFFFFF086;
	s6 =	sadd.s32 @!p0 s3, s7;
	s7 =	simm.s32 @!p0 $0x108  }
0x21: {  	s3 =	sadd.s32 s3, s9;
	s6 =	sadd.s32 @!p0 $0x88, s6;
	s7 =	simm.s32 @p2 $0x1082  }
0x22: {  	[simem:s7], [sflag:s8] =	dma.local @!p0 [hbm:s6], $0xF7A  }
0x23: {  	s9 =	sor.u32 $0xD0000000, s2;
	s6 =	simm.s32 $0x108;
	_ =	swait.ge @!p0 [sflag:s8], $0x0  }
0x24: {  	s3 =	sadd.s32 $0x88, s3;
	s6 =	simm.s32 @!p1 $0x1082;
	[sflag:s4] =	ssyncset.s32 $0xFFFFF086  }
0x25: {  	[simem:s6], [sflag:s4] =	dma.local [hbm:s3], $0xF7A  }
0x26: {  	[smem:$0x3F97] =	sst s1;
	(tag) =	ssettag s2;
	_ =	strace s9  }
0x27: {  	s1 =	sld [smem:$0x3FA7]  }
0x28: {  	s2 =	sld [smem:$0x3FA8]  }
0x29: {  	s4 =	sld [smem:$0x3FAA]  }
0x2a: {  	p0 =	seq.s32 s5, $0x0;
	s5 =	sld [smem:$0x3FAB]  }
0x2b: {  	s6 =	sld [smem:$0x3FAC]  }
0x2c: {  	s7 =	sld [smem:$0x3FAD]  }
0x2d: {  	s3 =	simm.s32 $0x108;
	s8 =	sld [smem:$0x3FAE]  }
0x2e: {  	s3 =	simm.s32 @!p0 $0x1082;
	s9 =	sld [smem:$0x3FAF]  }
0x2f: {  	lr =	sadd.s32 s0, s3;
	s0 =	sld [smem:$0x3FA6]  }
0x30: {  	s3 =	sld [smem:$0x3FA9]  }
0x31: {  	[smem:$0x3FB2] =	sst s10  }
0x32: {  	s10 =	sld [smem:$0x3FB0];
	_ =	sdelay $0x3  }
0x33: {  	p0 =	seq.s32 s10, $0x1;
	s10 =	sld [smem:$0x3FB2];
	_ =	sdelay $0x3  }
0x34: {  	[smem:$0x3FB2] =	sst s10  }
0x35: {  	s10 =	sld [smem:$0x3FB1];
	_ =	sdelay $0x3  }
0x36: {  	p1 =	seq.s32 s10, $0x1;
	s10 =	sld [smem:$0x3FB2];
	_ =	sdelay $0x3  }
0x37: {  	[smem:$0x3FB2] =	sst s10  }
0x38: {  	s10 =	sld [smem:$0x3FB3]  }
0x39: {  	_ = 	snop;
	(pc) =	sbr.ind lr, $3  }
0x3a: {  	_ = 	snop  }
0x3b: {  	_ = 	snop  }
0x3c: {  	p2 =	seq.s32 s10, $0x1;
	s10 =	sld [smem:$0x3FB2]  }
0x3d: {  	_ =	shalt  }
0x3e: {  	_ =	shalt  }
0x3f: {  	_ =	shalt  }
0x40: {  	_ =	shalt  }
0x41: {  	_ =	shalt  }
0x42: {  	_ =	shalt  }
0x43: {  	_ =	shalt  }
0x44: {  	_ =	shalt  }
0x45: {  	_ =	shalt  }
0x46: {  	_ =	shalt  }
0x47: {  	_ =	shalt  }
0x48: {  	_ =	shalt  }
0x49: {  	_ =	shalt  }
0x4a: {  	_ =	shalt  }
0x4b: {  	_ =	shalt  }
0x4c: {  	_ =	shalt  }
0x4d: {  	_ =	shalt  }
0x4e: {  	_ =	shalt  }
0x4f: {  	_ =	shalt  }
0x50: {  	_ =	shalt  }
0x51: {  	_ =	shalt  }
0x52: {  	_ =	shalt  }
0x53: {  	_ =	shalt  }
0x54: {  	_ =	shalt  }
0x55: {  	_ =	shalt  }
0x56: {  	_ =	shalt  }
0x57: {  	_ =	shalt  }
0x58: {  	_ =	shalt  }
0x59: {  	_ =	shalt  }
0x5a: {  	_ =	shalt  }
0x5b: {  	_ =	shalt  }
0x5c: {  	_ =	shalt  }
0x5d: {  	_ =	shalt  }
0x5e: {  	_ =	shalt  }
0x5f: {  	_ =	shalt  }
0x60: {  	_ =	shalt  }
0x61: {  	_ =	shalt  }
0x62: {  	_ =	shalt  }
0x63: {  	_ =	shalt  }
0x64: {  	_ =	shalt  }
0x65: {  	_ =	shalt  }
0x66: {  	_ =	shalt  }
0x67: {  	_ =	shalt  }
0x68: {  	_ =	shalt  }
0x69: {  	_ =	shalt  }
0x6a: {  	_ =	shalt  }
0x6b: {  	_ =	shalt  }
0x6c: {  	_ =	shalt  }
0x6d: {  	_ =	shalt  }
0x6e: {  	_ =	shalt  }
0x6f: {  	_ =	shalt  }
0x70: {  	_ =	shalt  }
0x71: {  	_ =	shalt  }
0x72: {  	_ =	shalt  }
0x73: {  	_ =	shalt  }
0x74: {  	_ =	shalt  }
0x75: {  	_ =	shalt  }
0x76: {  	_ =	shalt  }
0x77: {  	_ =	shalt  }
0x78: {  	_ =	shalt  }
0x79: {  	_ =	shalt  }
0x7a: {  	_ =	shalt  }
0x7b: {  	_ =	shalt  }
0x7c: {  	_ =	shalt  }
0x7d: {  	_ =	shalt  }
0x7e: {  	_ =	shalt  }
0x7f: {  	_ =	shalt  }
0x80: {  	_ =	shalt  }
0x81: {  	_ =	shalt  }
0x82: {  	_ =	shalt  }
0x83: {  	_ =	shalt  }
0x84: {  	_ =	shalt  }
0x85: {  	_ =	shalt  }
0x86: {  	_ =	shalt  }
0x87: {  	_ =	shalt  }
.Lfunc_end0:
.L_simem_size_0:
called_computation.1_lowered:
.L_overlay_start_0:
0x88: {  	s2 =	sld [smem:$0x3FD9]  }
0x89: {  	s3 =	sld [smem:$0x3FFE];
	_ =	sdelay $0x1  }
0x8a: {  	s1 =	srdreg.scid  }
0x8b: {  	s0 =	sand.u32 $0x1, s1  }
0x8c: {  	s17 =	sshll.u32 s0, $0xA;
	s2 =	sadd.s32 s3, s2  }
0x8d: {  	s2 =	sadd.s32 s2, s17  }
0x8e: {  	[smem:$0x3FBE] =	sst s2  }
0x8f: {  	_ = 	snop  }
0x90: {  	s2 =	sld [smem:$0x3FD0];
	(tm) =	ssettm $0x1  }
0x91: {  	s18 =	sld [smem:$0x3FFB];
	_ =	sdelay $0x3  }
0x92: {  	_ =	strace s18  }
0x93: {  	s3 =	sld [smem:$0x3FFC];
	_ =	sdelay $0x3  }
0x94: {  	_ =	strace s3  }
0x95: {  	s3 =	sld [smem:$0x3FFD];
	_ =	sdelay $0x3  }
0x96: {  	_ =	strace s3  }
0x97: {  	_ =	strace $0x8FFFFFFF  }
0x98: {  	s19 =	sld [smem:$0x3FDB];
	_ =	sdelay $0x1  }
0x99: {  	s4 =	simm.s32 $_scs_section_size  }
0x9a: {  	s5 =	simm.s32 $_size__tile_overlayer_lowered;
	s6 =	simm.s32 $_tile_overlayer_lowered  }
0x9b: {  	s22 =	simm.s32 $0x1BFF;
	s21 =	sshll.u32 s6, $0x1;
	s3 =	sadd.s32 s4, s19  }
0x9c: {  	s7 =	simm.s32 $0x0;
	s20 =	sshll.u32 s5, $0x1;
	s5 =	sadd.s32 s21, s3  }
0x9d: {  	[timem:s7], [sflag:s22] =	dma.local [hbm:s5], s20  }
0x9e: {  	_ =	swait.ge [sflag:s22], s20  }
0x9f: {  	s4 =	ssub.s32 $0x0, s20;
	[sflag:s22] =	ssyncset.done $0x0  }
0xa0: {  	[sflag:s22] =	ssyncadd.s32 s4;
	_ =	sdelay $0x1  }
0xa1: {  	s23 =	simm.s32 $0x1B8B  }
0xa2: {  	_ =	swait.ge [sflag:s23], $0x1  }
0xa3: {  	[sflag:s23] =	ssyncset.done $0x0  }
0xa4: {  	s25 =	simm.s32 $0x1B8E;
	s24 =	sld [smem:$0x3FFE];
	[sflag:s23] =	ssyncadd.s32 $0xFFFFFFFF  }
0xa5: {  	s26 =	simm.s32 $execute0_lowered;
	[smem:$0x3FD2] =	sst s25  }
0xa6: {  	s5 =	sshll.u32 s26, $0x1;
	_ =	strace $0x80000049;
	[dreg:$0x1] =	wrdreg $0xFFFFFFFF  }
0xa7: {  	s28 =	simm.s32 $_size_execute0_lowered;
	s3 =	sadd.s32 s3, s5;
	[dreg:$0x0] =	wrdreg $0x0  }
0xa8: {  	s5 =	sshll.u32 s28, $0x1;
	[dreg:$0x2] =	wrdreg s3  }
0xa9: {  	[dreg:$0x3] =	wrdreg s5  }
0xaa: {  	[dreg:$0x4] =	wrdreg $0xC0  }
0xab: {  	_ =	task [dreg:s7], $0x5FFFF  }
0xac: {  	[dreg:$0x1] =	wrdreg $0xFFFFFFFF  }
0xad: {  	[dreg:$0x0] =	wrdreg $0x60  }
0xae: {  	[dreg:$0x2] =	wrdreg s2  }
0xaf: {  	[dreg:$0x3] =	wrdreg s24  }
0xb0: {  	[dreg:$0x4] =	wrdreg $0x90000  }
0xb1: {  	[dreg:$0x5] =	wrdreg $0x9  }
0xb2: {  	_ =	task.clear_ibuf [dreg:s7], $0x6FFFF;
	_ =	strace $0x90000049  }
0xb3: {  	s29 =	simm.s32 $0x9;
	_ =	strace $0x8000004B  }
0xb4: {  	_ =	swait.ge [sflag:s29], $0x1  }
0xb5: {  	[sflag:s29] =	ssyncadd.s32 $0xFFFFFFFF  }
0xb6: {  	_ =	strace $0x9000004B  }
0xb7: {  	_ =	sfence  }
0xb8: {  	s30 =	sld [smem:$0x0];
	_ =	sdelay $0x2  }
0xb9: {  	s31 =	sshll.u32 s1, $0xD;
	s1 =	sshrl.u32 s1, $0x2  }
0xba: {  	s3 =	sand.u32 $0x4000, s31;
	s1 =	sadd.s32 s1, s30  }
0xbb: {  	s0 =	sor.u32 s3, s0;
	s1 =	sshll.u32 s1, $0x11  }
0xbc: {  	s0 =	sor.u32 s1, s0  }
0xbd: {  	s0 =	sadd.s32 $0x8F2B, s0  }
0xbe: {  	[sflag:s0] =	ssyncadd.remote.s32 $0x1  }
0xbf: {  	_ =	sfence.sel $0xFFFF  }
0xc0: {  	[dreg:$0x0] =	wrdreg $0xFFFFFFFF;
	(pc) =	sbr.abs _section_cstart, $3  }
0xc1: {  	[dreg:$0x1] =	wrdreg $0xFFFFFFFF  }
0xc2: {  	_ =	task.clear_ibuf [dreg:s7], $0x2FFFF;
	_ =	strace $0x9FFFFFFF  }
0xc3: {  	(tm) =	ssettm $0x7FFFFFFF  }
tec
execute0_lowered:
.L_overlay_start_1:
0x0: {  	(tag) =	ssettag $0x1  }
0x1: {  	s1 =	rddreg [dreg:$0x0]  }
0x2: {  	s0 =	rddreg [dreg:$0x1]  }
0x3: {  	s3 =	rddreg [dreg:$0x2]  }
0x4: {  	s2 =	srdreg.scid;
	s11 =	stileid.u32  }
0x5: {  	s4 =	simm.s32 $0x0;
	s28 =	simm.s32 $0x13780;
	s29 =	simm.s32 $0x13380  }
0x6: {  	s2 =	sand.u32 $0x1, s2;
	s6 =	smul.u32 $0x1400, s11;
	[smem:$0x7FF] =	sst s4  }
0x7: {  	s5 =	sadd.s32 $0xB400, s0;
	s26 =	sshll.u32 s11, $0x4;
	s7 =	smul.u32 $0x14000, s2  }
0x8: {  	s8 =	ssub.s32 $0x2, s2;
	p0 =	seq.s32 s2, $0x0;
	s2 =	simm.s32 $0x24  }
0x9: {  	_ =	strace $0x8000004A;
	s25 =	sshrl.u32 s8, $0x1;
	s2 =	simm.s32 @!p0 $0x4  }
0xa: {  	s7 =	sadd.s32 s6, s7;
	s9 =	ssub.s32 s8, s25;
	s8 =	smul.u32 $0x90, s11  }
0xb: {  	s6 =	sadd.s32 $0x1400, s0;
	s0 =	sadd.s32 s7, s0;
	s7 =	sor.u32 $0x900, s26  }
0xc: {  	[dreg:$0x4] =	wrdreg s2;
	s25 =	smax.u32 s9, $0x1;
	s7 =	smov.u32 @p0 s8  }
0xd: {  	s0 =	sadd.s32 $0x15400, s0;
	[dreg:$0x15] =	wrdreg s25;
	s30 =	sshll.u32 s7, $0x4  }
0xe: {  	s11 =	smul.u32 $0x28000, s11;
	[dreg:$0x14] =	wrdreg s0;
	s10 =	sadd.s32 s5, s30  }
0xf: {  	s31 =	sor.u32 $0x10, s30;
	s12 =	sadd.s32 s6, s30;
	[dreg:$0x5] =	wrdreg s10  }
0x10: {  	s9 =	simm.s32 $0x13000;
	[dreg:$0x6] =	wrdreg s12;
	s13 =	sadd.s32 s5, s31  }
0x11: {  	s14 =	sor.u32 $0x20, s30;
	s10 =	sadd.s32 s6, s31;
	[dreg:$0x7] =	wrdreg s13  }
0x12: {  	s8 =	simm.s32 $0x23;
	s15 =	sadd.s32 s5, s14;
	[dreg:$0x8] =	wrdreg s10  }
0x13: {  	s2 =	sor.u32 $0x30, s30;
	s17 =	sadd.s32 s6, s14;
	[dreg:$0x9] =	wrdreg s15  }
0x14: {  	s16 =	sshrl.u32 s11, $0x2;
	s18 =	sadd.s32 s5, s2;
	[dreg:$0xa] =	wrdreg s17  }
0x15: {  	s11 =	simm.s32 $0x13500;
	s2 =	sadd.s32 s6, s2;
	[dreg:$0xc] =	wrdreg s18  }
0x16: {  	s25 =	simm.s32 $0x80;
	s10 =	sadd.s32 s16, s3;
	[dreg:$0xd] =	wrdreg s2  }
0x17: {  	s8 =	simm.s32 @!p0 $0x3;
	s19 =	sadd.s32 $0x1000, s10;
	[dreg:$0xb] =	wrdreg s10  }
0x18: {  	s12 =	simm.s32 $0x13580;
	s20 =	sadd.s32 $0x2000, s10;
	[dreg:$0xe] =	wrdreg s19  }
0x19: {  	s14 =	simm.s32 $0x2;
	s21 =	sadd.s32 $0x3000, s10;
	[dreg:$0xf] =	wrdreg s20  }
0x1a: {  	s2 =	simm.s32 $0x13400;
	s22 =	sadd.s32 $0x4000, s10;
	[dreg:$0x10] =	wrdreg s21  }
0x1b: {  	s13 =	simm.s32 $0x13080;
	s23 =	sadd.s32 $0x5000, s10;
	[dreg:$0x11] =	wrdreg s22  }
0x1c: {  	s17 =	simm.s32 $0x13100;
	s24 =	sadd.s32 $0x6000, s10;
	[dreg:$0x12] =	wrdreg s23  }
0x1d: {  	s18 =	simm.s32 $0x13180;
	s26 =	sadd.s32 $0x7000, s10;
	[dreg:$0x13] =	wrdreg s24  }
0x1e: {  	s16 =	simm.s32 $0x3;
	s30 =	sadd.s32 $0x8000, s10;
	[dreg:$0x16] =	wrdreg s26  }
0x1f: {  	s15 =	simm.s32 $0x1;
	s31 =	sadd.s32 $0x9000, s10;
	[dreg:$0x17] =	wrdreg s30  }
0x20: {  	s10 =	simm.s32 $0x13480;
	[dreg:$0x18] =	wrdreg s31;
	s20 =	simm.s32 $0x2000  }
0x21: {  	s21 =	simm.s32 $0x4000;
	s22 =	simm.s32 $0x6000;
	s19 =	simm.s32 $0x0  }
0x22: {  	v0 =	vimm.f32 $0.0e+00;
	s23 =	simm.s32 $0x13600;
	s24 =	simm.s32 $0x13200;
	s26 =	simm.s32 $0x13300  }
.LBB2_1:
0x23: {  	[dreg:$0x19] =	wrdreg s19  }
0x24: {  	s0 =	rddreg [dreg:$0x5]  }
0x25: {  	[tilespmem:s2], [sflag:$0x3] =	stream.linear.gather [hbm4b:s0+s4], $0x80, $0x38;
	[tilespmem:$0x13800] =	vst v63  }
0x26: {  	s31 =	rddreg [dreg:$0x6]  }
0x27: {  	[tilespmem:s9], [sflag:$0x3] =	stream.linear.gather [hbm4b:s31+s4], $0x80, $0x38;
	[tilespmem:$0x13800] =	vst v63  }
0x28: {  	s2 =	rddreg [dreg:$0x7]  }
0x29: {  	[tilespmem:s10], [sflag:$0x3] =	stream.linear.gather [hbm4b:s2+s4], $0x80, $0x38;
	[tilespmem:$0x13800] =	vst v63  }
0x2a: {  	s9 =	rddreg [dreg:$0x8]  }
0x2b: {  	[tilespmem:s13], [sflag:$0x3] =	stream.linear.gather [hbm4b:s9+s4], $0x80, $0x38;
	[tilespmem:$0x13800] =	vst v63  }
0x2c: {  	s10 =	rddreg [dreg:$0x9]  }
0x2d: {  	[tilespmem:s11], [sflag:$0x3] =	stream.linear.gather [hbm4b:s10+s4], $0x80, $0x38;
	[tilespmem:$0x13800] =	vst v63  }
0x2e: {  	s13 =	rddreg [dreg:$0xa]  }
0x2f: {  	[tilespmem:s17], [sflag:$0x3] =	stream.linear.gather [hbm4b:s13+s4], $0x80, $0x38;
	[tilespmem:$0x13800] =	vst v63  }
0x30: {  	s19 =	rddreg [dreg:$0xc]  }
0x31: {  	[tilespmem:s12], [sflag:$0x3] =	stream.linear.gather [hbm4b:s19+s4], $0x80, $0x38;
	[tilespmem:$0x13800] =	vst v63  }
0x32: {  	s30 =	simm.s32 $0x100;
	s31 =	rddreg [dreg:$0xd];
	s13 =	simm.s32 $0x0  }
0x33: {  	[tilespmem:s18], [sflag:$0x3] =	stream.linear.gather [hbm4b:s31+s4], $0x80, $0x38;
	[tilespmem:$0x13800] =	vst v63  }
.LBB2_2:
0x34: {  	p0 =	sne.s32 s30, $0x3F00;
	[tilespmem:s13+$0x8030] =	vst v0;
	s31 =	smov.u32 s30;
	s30 =	sadd.s32 $0x100, s30  }
.Ltmp0:
0x35: {  	[tilespmem:s13+$0x8020] =	vst v0;
	(pc) =	sbr.rel @p0 .LBB2_2-.Ltmp0, $3  }
0x36: {  	[tilespmem:s13+$0x8000] =	vst v0  }
0x37: {  	[tilespmem:s13+$0x8010] =	vst v0;
	_ =	sdelay $0x1  }
0x38: {  	s13 =	sshra.s32 s31, $0x2  }
0x39: {  	[tilespmem:s13+$0x8030] =	vst v0  }
0x3a: {  	[tilespmem:s13+$0x8020] =	vst v0  }
0x3b: {  	[tilespmem:s13+$0x8000] =	vst v0  }
0x3c: {  	[tilespmem:s13+$0x8010] =	vst v0;
	s0 =	rddreg [dreg:$0xb];
	s2 =	simm.s32 $0x8000  }
0x3d: {  	[spmem:s0] =	stream.linear.scatter [tilespmem:s2], [sflag:$0x2], $0x1000, $0x38;
	[tilespmem:$0x13800] =	vst v63  }
0x3e: {  	s10 =	rddreg [dreg:$0xe]  }
0x3f: {  	[spmem:s10] =	stream.linear.scatter [tilespmem:s2], [sflag:$0x2], $0x1000, $0x38;
	[tilespmem:$0x13800] =	vst v63  }
0x40: {  	s11 =	rddreg [dreg:$0xf]  }
0x41: {  	[spmem:s11] =	stream.linear.scatter [tilespmem:s2], [sflag:$0x2], $0x1000, $0x38;
	[tilespmem:$0x13800] =	vst v63  }
0x42: {  	s12 =	rddreg [dreg:$0x10]  }
0x43: {  	[spmem:s12] =	stream.linear.scatter [tilespmem:s2], [sflag:$0x2], $0x1000, $0x38;
	[tilespmem:$0x13800] =	vst v63  }
0x44: {  	s13 =	rddreg [dreg:$0x11]  }
0x45: {  	[spmem:s13] =	stream.linear.scatter [tilespmem:s2], [sflag:$0x2], $0x1000, $0x38;
	[tilespmem:$0x13800] =	vst v63  }
0x46: {  	s17 =	rddreg [dreg:$0x12]  }
0x47: {  	[spmem:s17] =	stream.linear.scatter [tilespmem:s2], [sflag:$0x2], $0x1000, $0x38;
	[tilespmem:$0x13800] =	vst v63  }
0x48: {  	s18 =	rddreg [dreg:$0x13]  }
0x49: {  	[spmem:s18] =	stream.linear.scatter [tilespmem:s2], [sflag:$0x2], $0x1000, $0x38;
	[tilespmem:$0x13800] =	vst v63  }
0x4a: {  	s19 =	rddreg [dreg:$0x16]  }
0x4b: {  	[spmem:s19] =	stream.linear.scatter [tilespmem:s2], [sflag:$0x2], $0x1000, $0x38;
	[tilespmem:$0x13800] =	vst v63  }
0x4c: {  	s30 =	rddreg [dreg:$0x17]  }
0x4d: {  	[spmem:s30] =	stream.linear.scatter [tilespmem:s2], [sflag:$0x2], $0x1000, $0x38;
	[tilespmem:$0x13800] =	vst v63  }
0x4e: {  	s31 =	rddreg [dreg:$0x18]  }
0x4f: {  	[spmem:s31] =	stream.linear.scatter [tilespmem:s2], [sflag:$0x2], $0x1000, $0x38;
	[tilespmem:$0x13800] =	vst v63  }
0x50: {  	_ =	swait.ge [sflag:s14], $0x1000  }
0x51: {  	[sflag:s14] =	ssyncset.done $0x0  }
0x52: {  	[sflag:s14] =	ssyncadd.s32 $0xFFFFF000  }
0x53: {  	_ =	swait.ge [sflag:s14], $0x1000  }
0x54: {  	[sflag:s14] =	ssyncset.done $0x0  }
0x55: {  	[sflag:s14] =	ssyncadd.s32 $0xFFFFF000  }
0x56: {  	_ =	swait.ge [sflag:s14], $0x1000  }
0x57: {  	[sflag:s14] =	ssyncset.done $0x0  }
0x58: {  	[sflag:s14] =	ssyncadd.s32 $0xFFFFF000  }
0x59: {  	_ =	swait.ge [sflag:s14], $0x1000  }
0x5a: {  	[sflag:s14] =	ssyncset.done $0x0  }
0x5b: {  	[sflag:s14] =	ssyncadd.s32 $0xFFFFF000  }
0x5c: {  	_ =	swait.ge [sflag:s14], $0x1000  }
0x5d: {  	[sflag:s14] =	ssyncset.done $0x0  }
0x5e: {  	[sflag:s14] =	ssyncadd.s32 $0xFFFFF000  }
0x5f: {  	_ =	swait.ge [sflag:s14], $0x1000  }
0x60: {  	[sflag:s14] =	ssyncset.done $0x0  }
0x61: {  	[sflag:s14] =	ssyncadd.s32 $0xFFFFF000  }
0x62: {  	_ =	swait.ge [sflag:s14], $0x1000  }
0x63: {  	[sflag:s14] =	ssyncset.done $0x0  }
0x64: {  	[sflag:s14] =	ssyncadd.s32 $0xFFFFF000  }
0x65: {  	_ =	swait.ge [sflag:s14], $0x1000  }
0x66: {  	[sflag:s14] =	ssyncset.done $0x0  }
0x67: {  	[sflag:s14] =	ssyncadd.s32 $0xFFFFF000  }
0x68: {  	_ =	swait.ge [sflag:s14], $0x1000  }
0x69: {  	[sflag:s14] =	ssyncset.done $0x0  }
0x6a: {  	[sflag:s14] =	ssyncadd.s32 $0xFFFFF000  }
0x6b: {  	_ =	swait.ge [sflag:s14], $0x1000  }
0x6c: {  	[sflag:s14] =	ssyncset.done $0x0  }
0x6d: {  	[sflag:s14] =	ssyncadd.s32 $0xFFFFF000  }
0x6e: {  	_ =	swait.ge [sflag:s16], $0x80  }
0x6f: {  	[sflag:s16] =	ssyncset.done $0x0  }
0x70: {  	[sflag:s16] =	ssyncadd.s32 $0xFFFFFF80  }
0x71: {  	_ =	swait.ge [sflag:s16], $0x80  }
0x72: {  	[sflag:s16] =	ssyncset.done $0x0  }
0x73: {  	[sflag:s16] =	ssyncadd.s32 $0xFFFFFF80  }
0x74: {  	_ =	swait.ge [sflag:s16], $0x80  }
0x75: {  	[sflag:s16] =	ssyncset.done $0x0  }
0x76: {  	[sflag:s16] =	ssyncadd.s32 $0xFFFFFF80  }
0x77: {  	_ =	swait.ge [sflag:s16], $0x80  }
0x78: {  	[sflag:s16] =	ssyncset.done $0x0  }
0x79: {  	[sflag:s16] =	ssyncadd.s32 $0xFFFFFF80  }
0x7a: {  	_ =	swait.ge [sflag:s16], $0x80  }
0x7b: {  	[sflag:s16] =	ssyncset.done $0x0  }
0x7c: {  	[sflag:s16] =	ssyncadd.s32 $0xFFFFFF80  }
0x7d: {  	_ =	swait.ge [sflag:s16], $0x80  }
0x7e: {  	[sflag:s16] =	ssyncset.done $0x0  }
0x7f: {  	[sflag:s16] =	ssyncadd.s32 $0xFFFFFF80  }
0x80: {  	_ =	swait.ge [sflag:s16], $0x80  }
0x81: {  	[sflag:s16] =	ssyncset.done $0x0  }
0x82: {  	[sflag:s16] =	ssyncadd.s32 $0xFFFFFF80  }
0x83: {  	_ =	swait.ge [sflag:s16], $0x80  }
0x84: {  	[sflag:s16] =	ssyncset.done $0x0  }
0x85: {  	[sflag:s16] =	ssyncadd.s32 $0xFFFFFF80  }
0x86: {  	s13 =	simm.s32 $0x0;
	[bflag:$0x0] =	sbarrier.arrive $0xFFFF  }
.LBB2_4:
0x87: {  	s30 =	sadd.s32 $0x1, s13  }
0x88: {  	s31 =	smov.u32 s8;
	p0 =	slt.s32 s30, s8  }
0x89: {  	s31 =	smov.u32 @p0 s30  }
0x8a: {  	s30 =	sshll.u32 s31, $0x2  }
0x8b: {  	s30 =	sadd.s32 s7, s30  }
0x8c: {  	p0 =	slt.s32 s30, $0x9FF;
	s31 =	smov.u32 s30  }
0x8d: {  	s31 =	simm.s32 @!p0 $0x9FF  }
0x8e: {  	s31 =	sshll.u32 s31, $0x4  }
0x8f: {  	s31 =	sand.u32 $0x1FFFFFF0, s31  }
0x90: {  	s0 =	sadd.s32 s5, s31  }
0x91: {  	[tilespmem:s23], [sflag:$0x3] =	stream.linear.gather [hbm4b:s0+s4], $0x80, $0x38;
	[tilespmem:$0x13800] =	vst v63  }
0x92: {  	s0 =	sor.u32 $0x1, s30  }
0x93: {  	s12 =	sadd.s32 s6, s31;
	p0 =	slt.s32 s0, $0x9FF  }
0x94: {  	[tilespmem:s24], [sflag:$0x3] =	stream.linear.gather [hbm4b:s12+s4], $0x80, $0x38;
	[tilespmem:$0x13800] =	vst v63  }
0x95: {  	s0 =	simm.s32 @!p0 $0x9FF  }
0x96: {  	s0 =	sshll.u32 s0, $0x4  }
0x97: {  	s0 =	sand.u32 $0x1FFFFFF0, s0  }
0x98: {  	s2 =	simm.s32 $0x13680;
	s17 =	sadd.s32 s5, s0  }
0x99: {  	[tilespmem:s2], [sflag:$0x3] =	stream.linear.gather [hbm4b:s17+s4], $0x80, $0x38;
	[tilespmem:$0x13800] =	vst v63  }
0x9a: {  	s9 =	simm.s32 $0x13280;
	s0 =	sadd.s32 s6, s0  }
0x9b: {  	[tilespmem:s9], [sflag:$0x3] =	stream.linear.gather [hbm4b:s0+s4], $0x80, $0x38;
	[tilespmem:$0x13800] =	vst v63  }
0x9c: {  	s0 =	sor.u32 $0x2, s30  }
0x9d: {  	p0 =	slt.s32 s0, $0x9FF  }
0x9e: {  	s0 =	simm.s32 @!p0 $0x9FF  }
0x9f: {  	s0 =	sshll.u32 s0, $0x4  }
0xa0: {  	s0 =	sand.u32 $0x1FFFFFF0, s0  }
0xa1: {  	s10 =	simm.s32 $0x13700;
	s18 =	sadd.s32 s5, s0  }
0xa2: {  	[tilespmem:s10], [sflag:$0x3] =	stream.linear.gather [hbm4b:s18+s4], $0x80, $0x38;
	[tilespmem:$0x13800] =	vst v63  }
0xa3: {  	s0 =	sadd.s32 s6, s0  }
0xa4: {  	[tilespmem:s26], [sflag:$0x3] =	stream.linear.gather [hbm4b:s0+s4], $0x80, $0x38;
	[tilespmem:$0x13800] =	vst v63  }
0xa5: {  	s0 =	sor.u32 $0x3, s30  }
0xa6: {  	p0 =	slt.s32 s0, $0x9FF  }
0xa7: {  	s0 =	simm.s32 @!p0 $0x9FF  }
0xa8: {  	s0 =	sshll.u32 s0, $0x4  }
0xa9: {  	s0 =	sand.u32 $0x1FFFFFF0, s0  }
0xaa: {  	s19 =	sadd.s32 s5, s0  }
0xab: {  	[tilespmem:s28], [sflag:$0x3] =	stream.linear.gather [hbm4b:s19+s4], $0x80, $0x38;
	[tilespmem:$0x13800] =	vst v63  }
0xac: {  	s0 =	sadd.s32 s6, s0  }
0xad: {  	[tilespmem:s29], [sflag:$0x3] =	stream.linear.gather [hbm4b:s0+s4], $0x80, $0x38;
	[tilespmem:$0x13800] =	vst v63  }
0xae: {  	s17 =	simm.s32 $0x13400  }
0xaf: {  	[tilespmem:s4], [sflag:$0x1] =	stream.indirect.gather [hbm4b:s1+s25], $0x40, s17, s25, $0xb8;
	[tilespmem:$0x13800] =	vst v63  }
0xb0: {  	s18 =	simm.s32 $0x13480  }
0xb1: {  	[tilespmem:s20], [sflag:$0x1] =	stream.indirect.gather [hbm4b:s1+s25], $0x40, s18, s25, $0xb8;
	[tilespmem:$0x13800] =	vst v63  }
0xb2: {  	s19 =	simm.s32 $0x13500  }
0xb3: {  	[tilespmem:s21], [sflag:$0x1] =	stream.indirect.gather [hbm4b:s1+s25], $0x40, s19, s25, $0xb8;
	[tilespmem:$0x13800] =	vst v63  }
0xb4: {  	s21 =	simm.s32 $0x13580  }
0xb5: {  	[tilespmem:s22], [sflag:$0x1] =	stream.indirect.gather [hbm4b:s1+s25], $0x40, s21, s25, $0xb8;
	[tilespmem:$0x13800] =	vst v63  }
0xb6: {  	_ =	swait.ge [sflag:s15], $0x2000  }
0xb7: {  	[sflag:s15] =	ssyncset.done $0x0  }
0xb8: {  	[sflag:s15] =	ssyncadd.s32 $0xFFFFE000  }
0xb9: {  	_ =	swait.ge [sflag:s15], $0x2000  }
0xba: {  	[sflag:s15] =	ssyncset.done $0x0  }
0xbb: {  	[sflag:s15] =	ssyncadd.s32 $0xFFFFE000  }
0xbc: {  	_ =	swait.ge [sflag:s15], $0x2000  }
0xbd: {  	[sflag:s15] =	ssyncset.done $0x0  }
0xbe: {  	[sflag:s15] =	ssyncadd.s32 $0xFFFFE000  }
0xbf: {  	_ =	swait.ge [sflag:s15], $0x2000  }
0xc0: {  	[sflag:s15] =	ssyncset.done $0x0  }
0xc1: {  	s11 =	simm.s32 $0x13000;
	[sflag:s15] =	ssyncadd.s32 $0xFFFFE000  }
0xc2: {  	[spmem:s3] =	stream.indirect.scatter.add.f32 [tilespmem:s4], [sflag:$0x2], $0x40, s11, s25, $0xb8;
	[tilespmem:$0x13800] =	vst v63  }
0xc3: {  	s12 =	simm.s32 $0x13080  }
0xc4: {  	[spmem:s3] =	stream.indirect.scatter.add.f32 [tilespmem:s20], [sflag:$0x2], $0x40, s12, s25, $0xb8;
	[tilespmem:$0x13800] =	vst v63  }
0xc5: {  	s30 =	simm.s32 $0x4000;
	s20 =	simm.s32 $0x13100  }
0xc6: {  	[spmem:s3] =	stream.indirect.scatter.add.f32 [tilespmem:s30], [sflag:$0x2], $0x40, s20, s25, $0xb8;
	[tilespmem:$0x13800] =	vst v63  }
0xc7: {  	s31 =	simm.s32 $0x6000;
	s22 =	simm.s32 $0x13180  }
0xc8: {  	[spmem:s3] =	stream.indirect.scatter.add.f32 [tilespmem:s31], [sflag:$0x2], $0x40, s22, s25, $0xb8;
	[tilespmem:$0x13800] =	vst v63  }
0xc9: {  	_ =	swait.ge [sflag:s14], $0x2000  }
0xca: {  	[sflag:s14] =	ssyncset.done $0x0  }
0xcb: {  	[sflag:s14] =	ssyncadd.s32 $0xFFFFE000  }
0xcc: {  	_ =	swait.ge [sflag:s14], $0x2000  }
0xcd: {  	[sflag:s14] =	ssyncset.done $0x0  }
0xce: {  	[sflag:s14] =	ssyncadd.s32 $0xFFFFE000  }
0xcf: {  	_ =	swait.ge [sflag:s14], $0x2000  }
0xd0: {  	[sflag:s14] =	ssyncset.done $0x0  }
0xd1: {  	[sflag:s14] =	ssyncadd.s32 $0xFFFFE000  }
0xd2: {  	_ =	swait.ge [sflag:s14], $0x2000  }
0xd3: {  	[sflag:s14] =	ssyncset.done $0x0  }
0xd4: {  	[sflag:s14] =	ssyncadd.s32 $0xFFFFE000  }
0xd5: {  	_ =	swait.ge [sflag:s16], $0x80  }
0xd6: {  	[sflag:s16] =	ssyncset.done $0x0  }
0xd7: {  	[sflag:s16] =	ssyncadd.s32 $0xFFFFFF80  }
0xd8: {  	_ =	swait.ge [sflag:s16], $0x80  }
0xd9: {  	[sflag:s16] =	ssyncset.done $0x0  }
0xda: {  	[sflag:s16] =	ssyncadd.s32 $0xFFFFFF80  }
0xdb: {  	_ =	swait.ge [sflag:s16], $0x80  }
0xdc: {  	[sflag:s16] =	ssyncset.done $0x0  }
0xdd: {  	[sflag:s16] =	ssyncadd.s32 $0xFFFFFF80  }
0xde: {  	_ =	swait.ge [sflag:s16], $0x80  }
0xdf: {  	[sflag:s16] =	ssyncset.done $0x0  }
0xe0: {  	[sflag:s16] =	ssyncadd.s32 $0xFFFFFF80  }
0xe1: {  	_ =	swait.ge [sflag:s16], $0x80  }
0xe2: {  	[sflag:s16] =	ssyncset.done $0x0  }
0xe3: {  	s13 =	sadd.s32 $0x2, s13;
	[sflag:s16] =	ssyncadd.s32 $0xFFFFFF80  }
0xe4: {  	p0 =	slt.s32 s13, s8;
	s0 =	smov.u32 s8;
	_ =	swait.ge [sflag:s16], $0x80  }
0xe5: {  	s0 =	smov.u32 @p0 s13;
	[sflag:s16] =	ssyncset.done $0x0  }
0xe6: {  	s0 =	sshll.u32 s0, $0x2;
	[sflag:s16] =	ssyncadd.s32 $0xFFFFFF80  }
0xe7: {  	s0 =	sadd.s32 s7, s0;
	_ =	swait.ge [sflag:s16], $0x80  }
0xe8: {  	p0 =	slt.s32 s0, $0x9FF;
	s30 =	smov.u32 s0;
	[sflag:s16] =	ssyncset.done $0x0  }
0xe9: {  	s30 =	simm.s32 @!p0 $0x9FF;
	[sflag:s16] =	ssyncadd.s32 $0xFFFFFF80  }
0xea: {  	s30 =	sshll.u32 s30, $0x4;
	_ =	swait.ge [sflag:s16], $0x80  }
0xeb: {  	s30 =	sand.u32 $0x1FFFFFF0, s30;
	[sflag:s16] =	ssyncset.done $0x0  }
0xec: {  	s31 =	sadd.s32 s5, s30;
	[sflag:s16] =	ssyncadd.s32 $0xFFFFFF80  }
0xed: {  	[tilespmem:s17], [sflag:$0x3] =	stream.linear.gather [hbm4b:s31+s4], $0x80, $0x38;
	[tilespmem:$0x13800] =	vst v63  }
0xee: {  	s30 =	sadd.s32 s6, s30  }
0xef: {  	[tilespmem:s11], [sflag:$0x3] =	stream.linear.gather [hbm4b:s30+s4], $0x80, $0x38;
	[tilespmem:$0x13800] =	vst v63  }
0xf0: {  	s30 =	sor.u32 $0x1, s0  }
0xf1: {  	p0 =	slt.s32 s30, $0x9FF  }
0xf2: {  	s30 =	simm.s32 @!p0 $0x9FF  }
0xf3: {  	s30 =	sshll.u32 s30, $0x4  }
0xf4: {  	s30 =	sand.u32 $0x1FFFFFF0, s30  }
0xf5: {  	s17 =	sadd.s32 s5, s30  }
0xf6: {  	[tilespmem:s18], [sflag:$0x3] =	stream.linear.gather [hbm4b:s17+s4], $0x80, $0x38;
	[tilespmem:$0x13800] =	vst v63  }
0xf7: {  	s30 =	sadd.s32 s6, s30  }
0xf8: {  	[tilespmem:s12], [sflag:$0x3] =	stream.linear.gather [hbm4b:s30+s4], $0x80, $0x38;
	[tilespmem:$0x13800] =	vst v63  }
0xf9: {  	s30 =	sor.u32 $0x2, s0  }
0xfa: {  	p0 =	slt.s32 s30, $0x9FF  }
0xfb: {  	s0 =	sor.u32 $0x3, s0;
	s30 =	simm.s32 @!p0 $0x9FF  }
0xfc: {  	p0 =	slt.s32 s0, $0x9FF;
	s30 =	sshll.u32 s30, $0x4  }
0xfd: {  	s0 =	simm.s32 @!p0 $0x9FF;
	s30 =	sand.u32 $0x1FFFFFF0, s30  }
0xfe: {  	s0 =	sshll.u32 s0, $0x4;
	s18 =	sadd.s32 s5, s30  }
0xff: {  	[tilespmem:s19], [sflag:$0x3] =	stream.linear.gather [hbm4b:s18+s4], $0x80, $0x38;
	[tilespmem:$0x13800] =	vst v63  }
0x100: {  	s30 =	sadd.s32 s6, s30;
	s0 =	sand.u32 $0x1FFFFFF0, s0  }
0x101: {  	[tilespmem:s20], [sflag:$0x3] =	stream.linear.gather [hbm4b:s30+s4], $0x80, $0x38;
	[tilespmem:$0x13800] =	vst v63  }
0x102: {  	s19 =	sadd.s32 s5, s0  }
0x103: {  	[tilespmem:s21], [sflag:$0x3] =	stream.linear.gather [hbm4b:s19+s4], $0x80, $0x38;
	[tilespmem:$0x13800] =	vst v63  }
0x104: {  	s0 =	sadd.s32 s6, s0  }
0x105: {  	[tilespmem:s22], [sflag:$0x3] =	stream.linear.gather [hbm4b:s0+s4], $0x80, $0x38;
	[tilespmem:$0x13800] =	vst v63  }
0x106: {  	_ = 	snop  }
0x107: {  	[tilespmem:s4], [sflag:$0x1] =	stream.indirect.gather [hbm4b:s1+s25], $0x40, s23, s25, $0xb8;
	[tilespmem:$0x13800] =	vst v63  }
0x108: {  	s20 =	simm.s32 $0x2000  }
0x109: {  	[tilespmem:s20], [sflag:$0x1] =	stream.indirect.gather [hbm4b:s1+s25], $0x40, s2, s25, $0xb8;
	[tilespmem:$0x13800] =	vst v63  }
0x10a: {  	s21 =	simm.s32 $0x4000  }
0x10b: {  	[tilespmem:s21], [sflag:$0x1] =	stream.indirect.gather [hbm4b:s1+s25], $0x40, s10, s25, $0xb8;
	[tilespmem:$0x13800] =	vst v63  }
0x10c: {  	s22 =	simm.s32 $0x6000  }
0x10d: {  	[tilespmem:s22], [sflag:$0x1] =	stream.indirect.gather [hbm4b:s1+s25], $0x40, s28, s25, $0xb8;
	[tilespmem:$0x13800] =	vst v63  }
0x10e: {  	_ =	swait.ge [sflag:s15], $0x2000  }
0x10f: {  	[sflag:s15] =	ssyncset.done $0x0  }
0x110: {  	[sflag:s15] =	ssyncadd.s32 $0xFFFFE000  }
0x111: {  	_ =	swait.ge [sflag:s15], $0x2000  }
0x112: {  	[sflag:s15] =	ssyncset.done $0x0  }
0x113: {  	[sflag:s15] =	ssyncadd.s32 $0xFFFFE000  }
0x114: {  	_ =	swait.ge [sflag:s15], $0x2000  }
0x115: {  	[sflag:s15] =	ssyncset.done $0x0  }
0x116: {  	[sflag:s15] =	ssyncadd.s32 $0xFFFFE000  }
0x117: {  	_ =	swait.ge [sflag:s15], $0x2000  }
0x118: {  	[sflag:s15] =	ssyncset.done $0x0  }
0x119: {  	[sflag:s15] =	ssyncadd.s32 $0xFFFFE000  }
0x11a: {  	[spmem:s3] =	stream.indirect.scatter.add.f32 [tilespmem:s4], [sflag:$0x2], $0x40, s24, s25, $0xb8;
	[tilespmem:$0x13800] =	vst v63  }
0x11b: {  	_ = 	snop  }
0x11c: {  	[spmem:s3] =	stream.indirect.scatter.add.f32 [tilespmem:s20], [sflag:$0x2], $0x40, s9, s25, $0xb8;
	[tilespmem:$0x13800] =	vst v63  }
0x11d: {  	_ = 	snop  }
0x11e: {  	[spmem:s3] =	stream.indirect.scatter.add.f32 [tilespmem:s21], [sflag:$0x2], $0x40, s26, s25, $0xb8;
	[tilespmem:$0x13800] =	vst v63  }
0x11f: {  	_ = 	snop  }
0x120: {  	[spmem:s3] =	stream.indirect.scatter.add.f32 [tilespmem:s22], [sflag:$0x2], $0x40, s29, s25, $0xb8;
	[tilespmem:$0x13800] =	vst v63  }
0x121: {  	_ =	swait.ge [sflag:s14], $0x2000  }
0x122: {  	[sflag:s14] =	ssyncset.done $0x0  }
0x123: {  	[sflag:s14] =	ssyncadd.s32 $0xFFFFE000  }
0x124: {  	_ =	swait.ge [sflag:s14], $0x2000  }
0x125: {  	[sflag:s14] =	ssyncset.done $0x0  }
0x126: {  	[sflag:s14] =	ssyncadd.s32 $0xFFFFE000  }
0x127: {  	_ =	swait.ge [sflag:s14], $0x2000  }
0x128: {  	[sflag:s14] =	ssyncset.done $0x0  }
0x129: {  	[sflag:s14] =	ssyncadd.s32 $0xFFFFE000  }
0x12a: {  	_ =	swait.ge [sflag:s14], $0x2000  }
0x12b: {  	[sflag:s14] =	ssyncset.done $0x0  }
0x12c: {  	[sflag:s14] =	ssyncadd.s32 $0xFFFFE000  }
0x12d: {  	_ =	swait.ge [sflag:s16], $0x80  }
0x12e: {  	[sflag:s16] =	ssyncset.done $0x0  }
0x12f: {  	[sflag:s16] =	ssyncadd.s32 $0xFFFFFF80  }
0x130: {  	_ =	swait.ge [sflag:s16], $0x80  }
0x131: {  	[sflag:s16] =	ssyncset.done $0x0  }
0x132: {  	[sflag:s16] =	ssyncadd.s32 $0xFFFFFF80  }
0x133: {  	_ =	swait.ge [sflag:s16], $0x80  }
0x134: {  	[sflag:s16] =	ssyncset.done $0x0  }
0x135: {  	[sflag:s16] =	ssyncadd.s32 $0xFFFFFF80  }
0x136: {  	_ =	swait.ge [sflag:s16], $0x80  }
0x137: {  	[sflag:s16] =	ssyncset.done $0x0  }
0x138: {  	[sflag:s16] =	ssyncadd.s32 $0xFFFFFF80  }
0x139: {  	_ =	swait.ge [sflag:s16], $0x80  }
0x13a: {  	[sflag:s16] =	ssyncset.done $0x0  }
0x13b: {  	[sflag:s16] =	ssyncadd.s32 $0xFFFFFF80  }
0x13c: {  	_ =	swait.ge [sflag:s16], $0x80  }
0x13d: {  	[sflag:s16] =	ssyncset.done $0x0  }
0x13e: {  	[sflag:s16] =	ssyncadd.s32 $0xFFFFFF80  }
0x13f: {  	_ =	swait.ge [sflag:s16], $0x80  }
0x140: {  	[sflag:s16] =	ssyncset.done $0x0  }
0x141: {  	[sflag:s16] =	ssyncadd.s32 $0xFFFFFF80  }
0x142: {  	_ =	swait.ge [sflag:s16], $0x80  }
0x143: {  	s31 =	rddreg [dreg:$0x4]  }
0x144: {  	p0 =	sne.s32 s31, s13  }
.Ltmp1:
0x145: {  	_ = 	snop;
	(pc) =	sbr.rel @p0 .LBB2_4-.Ltmp1, $3  }
0x146: {  	_ =	sdelay $0x1  }
0x147: {  	[sflag:s16] =	ssyncset.done $0x0  }
0x148: {  	[sflag:s16] =	ssyncadd.s32 $0xFFFFFF80  }
0x149: {  	s0 =	stileid.u32;
	[bflag:$0x0] =	sbarrier.arrive $0xFFFF  }
0x14a: {  	s2 =	simm.s32 $0x4;
	s0 =	sshll.u32 s0, $0x6;
	s13 =	rddreg [dreg:$0xb]  }
0x14b: {  	s30 =	rddreg [dreg:$0x14];
	s0 =	sor.u32 $0x1C04, s0;
	s13 =	sshrl.u32 s13, $0x3  }
0x14c: {  	[hbm:s30], [sflag:s0] =	dma.local [spmem:s13], $0x1400  }
0x14d: {  	_ =	swait.ge [sflag:s2], $0x1400  }
0x14e: {  	s19 =	rddreg [dreg:$0x19]  }
0x14f: {  	s31 =	rddreg [dreg:$0x15];
	s19 =	sadd.s32 $0x1, s19  }
0x150: {  	p0 =	sne.s32 s19, s31  }
.Ltmp2:
0x151: {  	_ = 	snop;
	(pc) =	sbr.rel @p0 .LBB2_1-.Ltmp2, $4  }
0x152: {  	s9 =	simm.s32 $0x13000  }
0x153: {  	s10 =	simm.s32 $0x13480;
	s11 =	simm.s32 $0x13500;
	s17 =	simm.s32 $0x13100  }
0x154: {  	s12 =	simm.s32 $0x13580;
	s18 =	simm.s32 $0x13180;
	[sflag:s2] =	ssyncset.done $0x0  }
0x155: {  	s13 =	simm.s32 $0x13080;
	[sflag:s2] =	ssyncadd.s32 $0xFFFFEC00;
	s2 =	simm.s32 $0x13400  }
0x156: {  	_ =	sfence.sel $0x180000  }
0x157: {  	[bflag:$0x0] =	sbarrier.arrive $0xFFFF  }
0x158: {  	_ =	strace $0x9000004A  }
0x159: {  	s0 =	stileid.u32;
	[bflag:$0x2] =	sbarrier.arrive $0xFFFF  }
0x15a: {  	p0 =	sne.s32 s0, $0x0;
	s0 =	rddreg [dreg:$0x3]  }
0x15b: {  	s0 =	sadd.s32 @!p0 $0x100000, s0  }
0x15c: {  	[sflag:s0] =	ssyncadd.tile.s32 @!p0 $0x1;
	_ =	shalt  }
.Lfunc_end2:
_tile_overlayer_lowered:
.L_overlay_start_2:
0x15d: {  	(tag) =	ssettag $0x2  }
0x15e: {  	s0 =	rddreg [dreg:$0x0];
	s2 =	stileid.u32  }
0x15f: {  	s1 =	rddreg [dreg:$0x1];
	p0 =	sne.s32 s2, $0x0  }
0x160: {  	s3 =	rddreg [dreg:$0x2];
	[bflag:$0x3] =	sbarrier.arrive $0xFFFF;
	s2 =	simm.s32 @!p0 $0x1C04  }
0x161: {  	[timem:s3], [sflag:s2] =	dma.local @!p0 [hbm:s0], s1  }
0x162: {  	s0 =	simm.s32 @!p0 $0x4  }
0x163: {  	_ =	swait.ge @!p0 [sflag:s0], s1  }
0x164: {  	s1 =	ssub.s32 @!p0 $0x0, s1;
	[sflag:s0] =	ssyncset.done @!p0 $0x0  }
0x165: {  	[sflag:s0] =	ssyncadd.s32 @!p0 s1  }
0x166: {  	[bflag:$0x3] =	sbarrier.arrive $0xFFFF  }
0x167: {  	_ =	shalt  }

// kernel: kernel.7.cloned.1.call-start
scs
__scs_entry_jumppad:
0x0: {  	(pc) =	sbr.rel $0x88, $3  }
0x1: {  	(tag) =	ssettag $0x0;
	lr =	simm.s32 $0x1  }
0x2: {  	[smem:$0x3F97] =	sst lr;
	_ =	strace $0xD0000000  }
0x3: {  	_ = 	snop  }
0x4: {  	_ = 	snop  }
0x5: {  	_ = 	snop  }
0x6: {  	_ = 	snop  }
0x7: {  	_ = 	snop  }
__scs_overlays_trampoline_lowered:
0x8: {  	[smem:$0x3FA6] =	sst s0  }
0x9: {  	[smem:$0x3FA7] =	sst s1  }
0xa: {  	[smem:$0x3FA8] =	sst s2  }
0xb: {  	[smem:$0x3FA9] =	sst s3  }
0xc: {  	[smem:$0x3FAA] =	sst s4  }
0xd: {  	[smem:$0x3FAB] =	sst s5  }
0xe: {  	[smem:$0x3FAC] =	sst s6  }
0xf: {  	[smem:$0x3FAD] =	sst s7  }
0x10: {  	[smem:$0x3FAE] =	sst s8  }
0x11: {  	[smem:$0x3FAF] =	sst s9;
	s0 =	simm.s32 @!p0 $0x0  }
0x12: {  	s1 =	sld [smem:$0x3F95];
	s0 =	simm.s32 @p0 $0x1  }
0x13: {  	[smem:$0x3FB0] =	sst s0;
	s0 =	simm.s32 @!p1 $0x0  }
0x14: {  	s2 =	sld [smem:$0x3F94];
	s0 =	simm.s32 @p1 $0x1  }
0x15: {  	[smem:$0x3FB1] =	sst s0;
	s0 =	simm.s32 @!p2 $0x0  }
0x16: {  	s3 =	sld [smem:$0x3FDB];
	s0 =	simm.s32 @p2 $0x1  }
0x17: {  	s4 =	simm.s32 $0x1BF5;
	[smem:$0x3FB3] =	sst s0  }
0x18: {  	s0 =	sld [smem:$0x3F96];
	_ =	swait.ge [sflag:s4], $0x0  }
0x19: {  	s7 =	sld [smem:$0x3F97]  }
0x1a: {  	s8 =	sadd.s32 $0xFFFFE003, lr  }
0x1b: {  	s9 =	sadd.s32 $0xFFFFFEF7, lr;
	s5 =	simm.s32 $0xFFFFFFFF;
	p2 =	slt.u32 s8, $0xFFFFF086  }
0x1c: {  	p1 =	slt.u32 s9, $0xF7A;
	s5 =	simm.s32 @!p2 $0x0  }
0x1d: {  	s5 =	simm.s32 @p1 $0x1;
	p0 =	seq.s32 s7, s2  }
0x1e: {  	s7 =	smul.u32 @!p0 $0xF7A, s2;
	p2 =	seq.s32 @!p0 s5, $0x0  }
0x1f: {  	s9 =	smul.u32 $0xF7A, s1;
	s8 =	simm.s32 @!p0 $0x1BF5;
	p2 =	por !p2, p0  }
0x20: {  	[sflag:s8] =	ssyncset.s32 @!p0 $0xFFFFF086;
	s6 =	sadd.s32 @!p0 s3, s7;
	s7 =	simm.s32 @!p0 $0x108  }
0x21: {  	s3 =	sadd.s32 s3, s9;
	s6 =	sadd.s32 @!p0 $0x88, s6;
	s7 =	simm.s32 @p2 $0x1082  }
0x22: {  	[simem:s7], [sflag:s8] =	dma.local @!p0 [hbm:s6], $0xF7A  }
0x23: {  	s9 =	sor.u32 $0xD0000000, s2;
	s6 =	simm.s32 $0x108;
	_ =	swait.ge @!p0 [sflag:s8], $0x0  }
0x24: {  	s3 =	sadd.s32 $0x88, s3;
	s6 =	simm.s32 @!p1 $0x1082;
	[sflag:s4] =	ssyncset.s32 $0xFFFFF086  }
0x25: {  	[simem:s6], [sflag:s4] =	dma.local [hbm:s3], $0xF7A  }
0x26: {  	[smem:$0x3F97] =	sst s1;
	(tag) =	ssettag s2;
	_ =	strace s9  }
0x27: {  	s1 =	sld [smem:$0x3FA7]  }
0x28: {  	s2 =	sld [smem:$0x3FA8]  }
0x29: {  	s4 =	sld [smem:$0x3FAA]  }
0x2a: {  	p0 =	seq.s32 s5, $0x0;
	s5 =	sld [smem:$0x3FAB]  }
0x2b: {  	s6 =	sld [smem:$0x3FAC]  }
0x2c: {  	s7 =	sld [smem:$0x3FAD]  }
0x2d: {  	s3 =	simm.s32 $0x108;
	s8 =	sld [smem:$0x3FAE]  }
0x2e: {  	s3 =	simm.s32 @!p0 $0x1082;
	s9 =	sld [smem:$0x3FAF]  }
0x2f: {  	lr =	sadd.s32 s0, s3;
	s0 =	sld [smem:$0x3FA6]  }
0x30: {  	s3 =	sld [smem:$0x3FA9]  }
0x31: {  	[smem:$0x3FB2] =	sst s10  }
0x32: {  	s10 =	sld [smem:$0x3FB0];
	_ =	sdelay $0x3  }
0x33: {  	p0 =	seq.s32 s10, $0x1;
	s10 =	sld [smem:$0x3FB2];
	_ =	sdelay $0x3  }
0x34: {  	[smem:$0x3FB2] =	sst s10  }
0x35: {  	s10 =	sld [smem:$0x3FB1];
	_ =	sdelay $0x3  }
0x36: {  	p1 =	seq.s32 s10, $0x1;
	s10 =	sld [smem:$0x3FB2];
	_ =	sdelay $0x3  }
0x37: {  	[smem:$0x3FB2] =	sst s10  }
0x38: {  	s10 =	sld [smem:$0x3FB3]  }
0x39: {  	_ = 	snop;
	(pc) =	sbr.ind lr, $3  }
0x3a: {  	_ = 	snop  }
0x3b: {  	_ = 	snop  }
0x3c: {  	p2 =	seq.s32 s10, $0x1;
	s10 =	sld [smem:$0x3FB2]  }
0x3d: {  	_ =	shalt  }
0x3e: {  	_ =	shalt  }
0x3f: {  	_ =	shalt  }
0x40: {  	_ =	shalt  }
0x41: {  	_ =	shalt  }
0x42: {  	_ =	shalt  }
0x43: {  	_ =	shalt  }
0x44: {  	_ =	shalt  }
0x45: {  	_ =	shalt  }
0x46: {  	_ =	shalt  }
0x47: {  	_ =	shalt  }
0x48: {  	_ =	shalt  }
0x49: {  	_ =	shalt  }
0x4a: {  	_ =	shalt  }
0x4b: {  	_ =	shalt  }
0x4c: {  	_ =	shalt  }
0x4d: {  	_ =	shalt  }
0x4e: {  	_ =	shalt  }
0x4f: {  	_ =	shalt  }
0x50: {  	_ =	shalt  }
0x51: {  	_ =	shalt  }
0x52: {  	_ =	shalt  }
0x53: {  	_ =	shalt  }
0x54: {  	_ =	shalt  }
0x55: {  	_ =	shalt  }
0x56: {  	_ =	shalt  }
0x57: {  	_ =	shalt  }
0x58: {  	_ =	shalt  }
0x59: {  	_ =	shalt  }
0x5a: {  	_ =	shalt  }
0x5b: {  	_ =	shalt  }
0x5c: {  	_ =	shalt  }
0x5d: {  	_ =	shalt  }
0x5e: {  	_ =	shalt  }
0x5f: {  	_ =	shalt  }
0x60: {  	_ =	shalt  }
0x61: {  	_ =	shalt  }
0x62: {  	_ =	shalt  }
0x63: {  	_ =	shalt  }
0x64: {  	_ =	shalt  }
0x65: {  	_ =	shalt  }
0x66: {  	_ =	shalt  }
0x67: {  	_ =	shalt  }
0x68: {  	_ =	shalt  }
0x69: {  	_ =	shalt  }
0x6a: {  	_ =	shalt  }
0x6b: {  	_ =	shalt  }
0x6c: {  	_ =	shalt  }
0x6d: {  	_ =	shalt  }
0x6e: {  	_ =	shalt  }
0x6f: {  	_ =	shalt  }
0x70: {  	_ =	shalt  }
0x71: {  	_ =	shalt  }
0x72: {  	_ =	shalt  }
0x73: {  	_ =	shalt  }
0x74: {  	_ =	shalt  }
0x75: {  	_ =	shalt  }
0x76: {  	_ =	shalt  }
0x77: {  	_ =	shalt  }
0x78: {  	_ =	shalt  }
0x79: {  	_ =	shalt  }
0x7a: {  	_ =	shalt  }
0x7b: {  	_ =	shalt  }
0x7c: {  	_ =	shalt  }
0x7d: {  	_ =	shalt  }
0x7e: {  	_ =	shalt  }
0x7f: {  	_ =	shalt  }
0x80: {  	_ =	shalt  }
0x81: {  	_ =	shalt  }
0x82: {  	_ =	shalt  }
0x83: {  	_ =	shalt  }
0x84: {  	_ =	shalt  }
0x85: {  	_ =	shalt  }
0x86: {  	_ =	shalt  }
0x87: {  	_ =	shalt  }
.Lfunc_end0:
.L_simem_size_0:
called_computation_lowered:
.L_overlay_start_0:
0x88: {  	s2 =	sld [smem:$0x3FD9]  }
0x89: {  	s3 =	sld [smem:$0x3FFE];
	_ =	sdelay $0x1  }
0x8a: {  	s1 =	srdreg.scid  }
0x8b: {  	s0 =	sand.u32 $0x1, s1  }
0x8c: {  	s17 =	sshll.u32 s0, $0xA;
	s2 =	sadd.s32 s3, s2  }
0x8d: {  	s2 =	sadd.s32 s2, s17  }
0x8e: {  	[smem:$0x3FBE] =	sst s2  }
0x8f: {  	_ = 	snop  }
0x90: {  	s2 =	sld [smem:$0x3FD0];
	(tm) =	ssettm $0x1  }
0x91: {  	s18 =	sld [smem:$0x3FFB];
	_ =	sdelay $0x3  }
0x92: {  	_ =	strace s18  }
0x93: {  	s3 =	sld [smem:$0x3FFC];
	_ =	sdelay $0x3  }
0x94: {  	_ =	strace s3  }
0x95: {  	s3 =	sld [smem:$0x3FFD];
	_ =	sdelay $0x3  }
0x96: {  	_ =	strace s3  }
0x97: {  	_ =	strace $0x8FFFFFFF  }
0x98: {  	s19 =	sld [smem:$0x3FDB];
	_ =	sdelay $0x1  }
0x99: {  	s4 =	simm.s32 $_scs_section_size  }
0x9a: {  	s5 =	simm.s32 $_size__tile_overlayer_lowered;
	s6 =	simm.s32 $_tile_overlayer_lowered  }
0x9b: {  	s22 =	simm.s32 $0x1BFF;
	s21 =	sshll.u32 s6, $0x1;
	s3 =	sadd.s32 s4, s19  }
0x9c: {  	s7 =	simm.s32 $0x0;
	s20 =	sshll.u32 s5, $0x1;
	s5 =	sadd.s32 s21, s3  }
0x9d: {  	[timem:s7], [sflag:s22] =	dma.local [hbm:s5], s20  }
0x9e: {  	_ =	swait.ge [sflag:s22], s20  }
0x9f: {  	s4 =	ssub.s32 $0x0, s20;
	[sflag:s22] =	ssyncset.done $0x0  }
0xa0: {  	[sflag:s22] =	ssyncadd.s32 s4;
	_ =	sdelay $0x1  }
0xa1: {  	s23 =	simm.s32 $0x1B8B  }
0xa2: {  	_ =	swait.ge [sflag:s23], $0x1  }
0xa3: {  	[sflag:s23] =	ssyncset.done $0x0  }
0xa4: {  	s25 =	simm.s32 $0x1B8E;
	s24 =	sld [smem:$0x3FFE];
	[sflag:s23] =	ssyncadd.s32 $0xFFFFFFFF  }
0xa5: {  	s26 =	simm.s32 $execute0_lowered;
	[smem:$0x3FD2] =	sst s25  }
0xa6: {  	s5 =	sshll.u32 s26, $0x1;
	_ =	strace $0x80000046;
	[dreg:$0x1] =	wrdreg $0xFFFFFFFF  }
0xa7: {  	s28 =	simm.s32 $_size_execute0_lowered;
	s3 =	sadd.s32 s3, s5;
	[dreg:$0x0] =	wrdreg $0x0  }
0xa8: {  	s5 =	sshll.u32 s28, $0x1;
	[dreg:$0x2] =	wrdreg s3  }
0xa9: {  	[dreg:$0x3] =	wrdreg s5  }
0xaa: {  	[dreg:$0x4] =	wrdreg $0xC0  }
0xab: {  	_ =	task [dreg:s7], $0x5FFFF  }
0xac: {  	[dreg:$0x1] =	wrdreg $0xFFFFFFFF  }
0xad: {  	[dreg:$0x0] =	wrdreg $0x60  }
0xae: {  	[dreg:$0x2] =	wrdreg s2  }
0xaf: {  	[dreg:$0x3] =	wrdreg s24  }
0xb0: {  	[dreg:$0x4] =	wrdreg $0x90000  }
0xb1: {  	[dreg:$0x5] =	wrdreg $0x9  }
0xb2: {  	_ =	task.clear_ibuf [dreg:s7], $0x6FFFF;
	_ =	strace $0x90000046  }
0xb3: {  	s29 =	simm.s32 $0x9;
	_ =	strace $0x80000048  }
0xb4: {  	_ =	swait.ge [sflag:s29], $0x1  }
0xb5: {  	[sflag:s29] =	ssyncadd.s32 $0xFFFFFFFF  }
0xb6: {  	_ =	strace $0x90000048  }
0xb7: {  	_ =	sfence  }
0xb8: {  	s30 =	sld [smem:$0x0];
	_ =	sdelay $0x2  }
0xb9: {  	s31 =	sshll.u32 s1, $0xD;
	s1 =	sshrl.u32 s1, $0x2  }
0xba: {  	s3 =	sand.u32 $0x4000, s31;
	s1 =	sadd.s32 s1, s30  }
0xbb: {  	s0 =	sor.u32 s3, s0;
	s1 =	sshll.u32 s1, $0x11  }
0xbc: {  	s0 =	sor.u32 s1, s0  }
0xbd: {  	s0 =	sadd.s32 $0x8F2B, s0  }
0xbe: {  	[sflag:s0] =	ssyncadd.remote.s32 $0x1  }
0xbf: {  	_ =	sfence.sel $0xFFFF  }
0xc0: {  	[dreg:$0x0] =	wrdreg $0xFFFFFFFF;
	(pc) =	sbr.abs _section_cstart, $3  }
0xc1: {  	[dreg:$0x1] =	wrdreg $0xFFFFFFFF  }
0xc2: {  	_ =	task.clear_ibuf [dreg:s7], $0x2FFFF;
	_ =	strace $0x9FFFFFFF  }
0xc3: {  	(tm) =	ssettm $0x7FFFFFFF  }
tec
execute0_lowered:
.L_overlay_start_1:
0x0: {  	(tag) =	ssettag $0x1  }
0x1: {  	s1 =	rddreg [dreg:$0x0]  }
0x2: {  	s0 =	rddreg [dreg:$0x1]  }
0x3: {  	s3 =	rddreg [dreg:$0x2]  }
0x4: {  	s2 =	srdreg.scid;
	s11 =	stileid.u32  }
0x5: {  	s4 =	simm.s32 $0x0;
	s28 =	simm.s32 $0x13780;
	s29 =	simm.s32 $0x13380  }
0x6: {  	s2 =	sand.u32 $0x1, s2;
	s6 =	smul.u32 $0x1400, s11;
	[smem:$0x7FF] =	sst s4  }
0x7: {  	s5 =	sadd.s32 $0xB400, s0;
	s26 =	sshll.u32 s11, $0x4;
	s7 =	smul.u32 $0x14000, s2  }
0x8: {  	s8 =	ssub.s32 $0x2, s2;
	p0 =	seq.s32 s2, $0x0;
	s2 =	simm.s32 $0x24  }
0x9: {  	_ =	strace $0x80000047;
	s25 =	sshrl.u32 s8, $0x1;
	s2 =	simm.s32 @!p0 $0x4  }
0xa: {  	s7 =	sadd.s32 s6, s7;
	s9 =	ssub.s32 s8, s25;
	s8 =	smul.u32 $0x90, s11  }
0xb: {  	s6 =	sadd.s32 $0x1400, s0;
	s0 =	sadd.s32 s7, s0;
	s7 =	sor.u32 $0x900, s26  }
0xc: {  	[dreg:$0x4] =	wrdreg s2;
	s25 =	smax.u32 s9, $0x1;
	s7 =	smov.u32 @p0 s8  }
0xd: {  	s0 =	sadd.s32 $0x15400, s0;
	[dreg:$0x15] =	wrdreg s25;
	s30 =	sshll.u32 s7, $0x4  }
0xe: {  	s11 =	smul.u32 $0x28000, s11;
	[dreg:$0x14] =	wrdreg s0;
	s10 =	sadd.s32 s5, s30  }
0xf: {  	s31 =	sor.u32 $0x10, s30;
	s12 =	sadd.s32 s6, s30;
	[dreg:$0x5] =	wrdreg s10  }
0x10: {  	s9 =	simm.s32 $0x13000;
	[dreg:$0x6] =	wrdreg s12;
	s13 =	sadd.s32 s5, s31  }
0x11: {  	s14 =	sor.u32 $0x20, s30;
	s10 =	sadd.s32 s6, s31;
	[dreg:$0x7] =	wrdreg s13  }
0x12: {  	s8 =	simm.s32 $0x23;
	s15 =	sadd.s32 s5, s14;
	[dreg:$0x8] =	wrdreg s10  }
0x13: {  	s2 =	sor.u32 $0x30, s30;
	s17 =	sadd.s32 s6, s14;
	[dreg:$0x9] =	wrdreg s15  }
0x14: {  	s16 =	sshrl.u32 s11, $0x2;
	s18 =	sadd.s32 s5, s2;
	[dreg:$0xa] =	wrdreg s17  }
0x15: {  	s11 =	simm.s32 $0x13500;
	s2 =	sadd.s32 s6, s2;
	[dreg:$0xc] =	wrdreg s18  }
0x16: {  	s25 =	simm.s32 $0x80;
	s10 =	sadd.s32 s16, s3;
	[dreg:$0xd] =	wrdreg s2  }
0x17: {  	s8 =	simm.s32 @!p0 $0x3;
	s19 =	sadd.s32 $0x1000, s10;
	[dreg:$0xb] =	wrdreg s10  }
0x18: {  	s12 =	simm.s32 $0x13580;
	s20 =	sadd.s32 $0x2000, s10;
	[dreg:$0xe] =	wrdreg s19  }
0x19: {  	s14 =	simm.s32 $0x2;
	s21 =	sadd.s32 $0x3000, s10;
	[dreg:$0xf] =	wrdreg s20  }
0x1a: {  	s2 =	simm.s32 $0x13400;
	s22 =	sadd.s32 $0x4000, s10;
	[dreg:$0x10] =	wrdreg s21  }
0x1b: {  	s13 =	simm.s32 $0x13080;
	s23 =	sadd.s32 $0x5000, s10;
	[dreg:$0x11] =	wrdreg s22  }
0x1c: {  	s17 =	simm.s32 $0x13100;
	s24 =	sadd.s32 $0x6000, s10;
	[dreg:$0x12] =	wrdreg s23  }
0x1d: {  	s18 =	simm.s32 $0x13180;
	s26 =	sadd.s32 $0x7000, s10;
	[dreg:$0x13] =	wrdreg s24  }
0x1e: {  	s16 =	simm.s32 $0x3;
	s30 =	sadd.s32 $0x8000, s10;
	[dreg:$0x16] =	wrdreg s26  }
0x1f: {  	s15 =	simm.s32 $0x1;
	s31 =	sadd.s32 $0x9000, s10;
	[dreg:$0x17] =	wrdreg s30  }
0x20: {  	s10 =	simm.s32 $0x13480;
	[dreg:$0x18] =	wrdreg s31;
	s20 =	simm.s32 $0x2000  }
0x21: {  	s21 =	simm.s32 $0x4000;
	s22 =	simm.s32 $0x6000;
	s19 =	simm.s32 $0x0  }
0x22: {  	v0 =	vimm.f32 $0.0e+00;
	s23 =	simm.s32 $0x13600;
	s24 =	simm.s32 $0x13200;
	s26 =	simm.s32 $0x13300  }
.LBB2_1:
0x23: {  	[dreg:$0x19] =	wrdreg s19  }
0x24: {  	s0 =	rddreg [dreg:$0x5]  }
0x25: {  	[tilespmem:s2], [sflag:$0x3] =	stream.linear.gather [hbm4b:s0+s4], $0x80, $0x38;
	[tilespmem:$0x13800] =	vst v63  }
0x26: {  	s31 =	rddreg [dreg:$0x6]  }
0x27: {  	[tilespmem:s9], [sflag:$0x3] =	stream.linear.gather [hbm4b:s31+s4], $0x80, $0x38;
	[tilespmem:$0x13800] =	vst v63  }
0x28: {  	s2 =	rddreg [dreg:$0x7]  }
0x29: {  	[tilespmem:s10], [sflag:$0x3] =	stream.linear.gather [hbm4b:s2+s4], $0x80, $0x38;
	[tilespmem:$0x13800] =	vst v63  }
0x2a: {  	s9 =	rddreg [dreg:$0x8]  }
0x2b: {  	[tilespmem:s13], [sflag:$0x3] =	stream.linear.gather [hbm4b:s9+s4], $0x80, $0x38;
	[tilespmem:$0x13800] =	vst v63  }
0x2c: {  	s10 =	rddreg [dreg:$0x9]  }
0x2d: {  	[tilespmem:s11], [sflag:$0x3] =	stream.linear.gather [hbm4b:s10+s4], $0x80, $0x38;
	[tilespmem:$0x13800] =	vst v63  }
0x2e: {  	s13 =	rddreg [dreg:$0xa]  }
0x2f: {  	[tilespmem:s17], [sflag:$0x3] =	stream.linear.gather [hbm4b:s13+s4], $0x80, $0x38;
	[tilespmem:$0x13800] =	vst v63  }
0x30: {  	s19 =	rddreg [dreg:$0xc]  }
0x31: {  	[tilespmem:s12], [sflag:$0x3] =	stream.linear.gather [hbm4b:s19+s4], $0x80, $0x38;
	[tilespmem:$0x13800] =	vst v63  }
0x32: {  	s30 =	simm.s32 $0x100;
	s31 =	rddreg [dreg:$0xd];
	s13 =	simm.s32 $0x0  }
0x33: {  	[tilespmem:s18], [sflag:$0x3] =	stream.linear.gather [hbm4b:s31+s4], $0x80, $0x38;
	[tilespmem:$0x13800] =	vst v63  }
.LBB2_2:
0x34: {  	p0 =	sne.s32 s30, $0x3F00;
	[tilespmem:s13+$0x8030] =	vst v0;
	s31 =	smov.u32 s30;
	s30 =	sadd.s32 $0x100, s30  }
.Ltmp0:
0x35: {  	[tilespmem:s13+$0x8020] =	vst v0;
	(pc) =	sbr.rel @p0 .LBB2_2-.Ltmp0, $3  }
0x36: {  	[tilespmem:s13+$0x8000] =	vst v0  }
0x37: {  	[tilespmem:s13+$0x8010] =	vst v0;
	_ =	sdelay $0x1  }
0x38: {  	s13 =	sshra.s32 s31, $0x2  }
0x39: {  	[tilespmem:s13+$0x8030] =	vst v0  }
0x3a: {  	[tilespmem:s13+$0x8020] =	vst v0  }
0x3b: {  	[tilespmem:s13+$0x8000] =	vst v0  }
0x3c: {  	[tilespmem:s13+$0x8010] =	vst v0;
	s0 =	rddreg [dreg:$0xb];
	s2 =	simm.s32 $0x8000  }
0x3d: {  	[spmem:s0] =	stream.linear.scatter [tilespmem:s2], [sflag:$0x2], $0x1000, $0x38;
	[tilespmem:$0x13800] =	vst v63  }
0x3e: {  	s10 =	rddreg [dreg:$0xe]  }
0x3f: {  	[spmem:s10] =	stream.linear.scatter [tilespmem:s2], [sflag:$0x2], $0x1000, $0x38;
	[tilespmem:$0x13800] =	vst v63  }
0x40: {  	s11 =	rddreg [dreg:$0xf]  }
0x41: {  	[spmem:s11] =	stream.linear.scatter [tilespmem:s2], [sflag:$0x2], $0x1000, $0x38;
	[tilespmem:$0x13800] =	vst v63  }
0x42: {  	s12 =	rddreg [dreg:$0x10]  }
0x43: {  	[spmem:s12] =	stream.linear.scatter [tilespmem:s2], [sflag:$0x2], $0x1000, $0x38;
	[tilespmem:$0x13800] =	vst v63  }
0x44: {  	s13 =	rddreg [dreg:$0x11]  }
0x45: {  	[spmem:s13] =	stream.linear.scatter [tilespmem:s2], [sflag:$0x2], $0x1000, $0x38;
	[tilespmem:$0x13800] =	vst v63  }
0x46: {  	s17 =	rddreg [dreg:$0x12]  }
0x47: {  	[spmem:s17] =	stream.linear.scatter [tilespmem:s2], [sflag:$0x2], $0x1000, $0x38;
	[tilespmem:$0x13800] =	vst v63  }
0x48: {  	s18 =	rddreg [dreg:$0x13]  }
0x49: {  	[spmem:s18] =	stream.linear.scatter [tilespmem:s2], [sflag:$0x2], $0x1000, $0x38;
	[tilespmem:$0x13800] =	vst v63  }
0x4a: {  	s19 =	rddreg [dreg:$0x16]  }
0x4b: {  	[spmem:s19] =	stream.linear.scatter [tilespmem:s2], [sflag:$0x2], $0x1000, $0x38;
	[tilespmem:$0x13800] =	vst v63  }
0x4c: {  	s30 =	rddreg [dreg:$0x17]  }
0x4d: {  	[spmem:s30] =	stream.linear.scatter [tilespmem:s2], [sflag:$0x2], $0x1000, $0x38;
	[tilespmem:$0x13800] =	vst v63  }
0x4e: {  	s31 =	rddreg [dreg:$0x18]  }
0x4f: {  	[spmem:s31] =	stream.linear.scatter [tilespmem:s2], [sflag:$0x2], $0x1000, $0x38;
	[tilespmem:$0x13800] =	vst v63  }
0x50: {  	_ =	swait.ge [sflag:s14], $0x1000  }
0x51: {  	[sflag:s14] =	ssyncset.done $0x0  }
0x52: {  	[sflag:s14] =	ssyncadd.s32 $0xFFFFF000  }
0x53: {  	_ =	swait.ge [sflag:s14], $0x1000  }
0x54: {  	[sflag:s14] =	ssyncset.done $0x0  }
0x55: {  	[sflag:s14] =	ssyncadd.s32 $0xFFFFF000  }
0x56: {  	_ =	swait.ge [sflag:s14], $0x1000  }
0x57: {  	[sflag:s14] =	ssyncset.done $0x0  }
0x58: {  	[sflag:s14] =	ssyncadd.s32 $0xFFFFF000  }
0x59: {  	_ =	swait.ge [sflag:s14], $0x1000  }
0x5a: {  	[sflag:s14] =	ssyncset.done $0x0  }
0x5b: {  	[sflag:s14] =	ssyncadd.s32 $0xFFFFF000  }
0x5c: {  	_ =	swait.ge [sflag:s14], $0x1000  }
0x5d: {  	[sflag:s14] =	ssyncset.done $0x0  }
0x5e: {  	[sflag:s14] =	ssyncadd.s32 $0xFFFFF000  }
0x5f: {  	_ =	swait.ge [sflag:s14], $0x1000  }
0x60: {  	[sflag:s14] =	ssyncset.done $0x0  }
0x61: {  	[sflag:s14] =	ssyncadd.s32 $0xFFFFF000  }
0x62: {  	_ =	swait.ge [sflag:s14], $0x1000  }
0x63: {  	[sflag:s14] =	ssyncset.done $0x0  }
0x64: {  	[sflag:s14] =	ssyncadd.s32 $0xFFFFF000  }
0x65: {  	_ =	swait.ge [sflag:s14], $0x1000  }
0x66: {  	[sflag:s14] =	ssyncset.done $0x0  }
0x67: {  	[sflag:s14] =	ssyncadd.s32 $0xFFFFF000  }
0x68: {  	_ =	swait.ge [sflag:s14], $0x1000  }
0x69: {  	[sflag:s14] =	ssyncset.done $0x0  }
0x6a: {  	[sflag:s14] =	ssyncadd.s32 $0xFFFFF000  }
0x6b: {  	_ =	swait.ge [sflag:s14], $0x1000  }
0x6c: {  	[sflag:s14] =	ssyncset.done $0x0  }
0x6d: {  	[sflag:s14] =	ssyncadd.s32 $0xFFFFF000  }
0x6e: {  	_ =	swait.ge [sflag:s16], $0x80  }
0x6f: {  	[sflag:s16] =	ssyncset.done $0x0  }
0x70: {  	[sflag:s16] =	ssyncadd.s32 $0xFFFFFF80  }
0x71: {  	_ =	swait.ge [sflag:s16], $0x80  }
0x72: {  	[sflag:s16] =	ssyncset.done $0x0  }
0x73: {  	[sflag:s16] =	ssyncadd.s32 $0xFFFFFF80  }
0x74: {  	_ =	swait.ge [sflag:s16], $0x80  }
0x75: {  	[sflag:s16] =	ssyncset.done $0x0  }
0x76: {  	[sflag:s16] =	ssyncadd.s32 $0xFFFFFF80  }
0x77: {  	_ =	swait.ge [sflag:s16], $0x80  }
0x78: {  	[sflag:s16] =	ssyncset.done $0x0  }
0x79: {  	[sflag:s16] =	ssyncadd.s32 $0xFFFFFF80  }
0x7a: {  	_ =	swait.ge [sflag:s16], $0x80  }
0x7b: {  	[sflag:s16] =	ssyncset.done $0x0  }
0x7c: {  	[sflag:s16] =	ssyncadd.s32 $0xFFFFFF80  }
0x7d: {  	_ =	swait.ge [sflag:s16], $0x80  }
0x7e: {  	[sflag:s16] =	ssyncset.done $0x0  }
0x7f: {  	[sflag:s16] =	ssyncadd.s32 $0xFFFFFF80  }
0x80: {  	_ =	swait.ge [sflag:s16], $0x80  }
0x81: {  	[sflag:s16] =	ssyncset.done $0x0  }
0x82: {  	[sflag:s16] =	ssyncadd.s32 $0xFFFFFF80  }
0x83: {  	_ =	swait.ge [sflag:s16], $0x80  }
0x84: {  	[sflag:s16] =	ssyncset.done $0x0  }
0x85: {  	[sflag:s16] =	ssyncadd.s32 $0xFFFFFF80  }
0x86: {  	s13 =	simm.s32 $0x0;
	[bflag:$0x0] =	sbarrier.arrive $0xFFFF  }
.LBB2_4:
0x87: {  	s30 =	sadd.s32 $0x1, s13  }
0x88: {  	s31 =	smov.u32 s8;
	p0 =	slt.s32 s30, s8  }
0x89: {  	s31 =	smov.u32 @p0 s30  }
0x8a: {  	s30 =	sshll.u32 s31, $0x2  }
0x8b: {  	s30 =	sadd.s32 s7, s30  }
0x8c: {  	p0 =	slt.s32 s30, $0x9FF;
	s31 =	smov.u32 s30  }
0x8d: {  	s31 =	simm.s32 @!p0 $0x9FF  }
0x8e: {  	s31 =	sshll.u32 s31, $0x4  }
0x8f: {  	s31 =	sand.u32 $0x1FFFFFF0, s31  }
0x90: {  	s0 =	sadd.s32 s5, s31  }
0x91: {  	[tilespmem:s23], [sflag:$0x3] =	stream.linear.gather [hbm4b:s0+s4], $0x80, $0x38;
	[tilespmem:$0x13800] =	vst v63  }
0x92: {  	s0 =	sor.u32 $0x1, s30  }
0x93: {  	s12 =	sadd.s32 s6, s31;
	p0 =	slt.s32 s0, $0x9FF  }
0x94: {  	[tilespmem:s24], [sflag:$0x3] =	stream.linear.gather [hbm4b:s12+s4], $0x80, $0x38;
	[tilespmem:$0x13800] =	vst v63  }
0x95: {  	s0 =	simm.s32 @!p0 $0x9FF  }
0x96: {  	s0 =	sshll.u32 s0, $0x4  }
0x97: {  	s0 =	sand.u32 $0x1FFFFFF0, s0  }
0x98: {  	s2 =	simm.s32 $0x13680;
	s17 =	sadd.s32 s5, s0  }
0x99: {  	[tilespmem:s2], [sflag:$0x3] =	stream.linear.gather [hbm4b:s17+s4], $0x80, $0x38;
	[tilespmem:$0x13800] =	vst v63  }
0x9a: {  	s9 =	simm.s32 $0x13280;
	s0 =	sadd.s32 s6, s0  }
0x9b: {  	[tilespmem:s9], [sflag:$0x3] =	stream.linear.gather [hbm4b:s0+s4], $0x80, $0x38;
	[tilespmem:$0x13800] =	vst v63  }
0x9c: {  	s0 =	sor.u32 $0x2, s30  }
0x9d: {  	p0 =	slt.s32 s0, $0x9FF  }
0x9e: {  	s0 =	simm.s32 @!p0 $0x9FF  }
0x9f: {  	s0 =	sshll.u32 s0, $0x4  }
0xa0: {  	s0 =	sand.u32 $0x1FFFFFF0, s0  }
0xa1: {  	s10 =	simm.s32 $0x13700;
	s18 =	sadd.s32 s5, s0  }
0xa2: {  	[tilespmem:s10], [sflag:$0x3] =	stream.linear.gather [hbm4b:s18+s4], $0x80, $0x38;
	[tilespmem:$0x13800] =	vst v63  }
0xa3: {  	s0 =	sadd.s32 s6, s0  }
0xa4: {  	[tilespmem:s26], [sflag:$0x3] =	stream.linear.gather [hbm4b:s0+s4], $0x80, $0x38;
	[tilespmem:$0x13800] =	vst v63  }
0xa5: {  	s0 =	sor.u32 $0x3, s30  }
0xa6: {  	p0 =	slt.s32 s0, $0x9FF  }
0xa7: {  	s0 =	simm.s32 @!p0 $0x9FF  }
0xa8: {  	s0 =	sshll.u32 s0, $0x4  }
0xa9: {  	s0 =	sand.u32 $0x1FFFFFF0, s0  }
0xaa: {  	s19 =	sadd.s32 s5, s0  }
0xab: {  	[tilespmem:s28], [sflag:$0x3] =	stream.linear.gather [hbm4b:s19+s4], $0x80, $0x38;
	[tilespmem:$0x13800] =	vst v63  }
0xac: {  	s0 =	sadd.s32 s6, s0  }
0xad: {  	[tilespmem:s29], [sflag:$0x3] =	stream.linear.gather [hbm4b:s0+s4], $0x80, $0x38;
	[tilespmem:$0x13800] =	vst v63  }
0xae: {  	s17 =	simm.s32 $0x13400  }
0xaf: {  	[tilespmem:s4], [sflag:$0x1] =	stream.indirect.gather [hbm4b:s1+s25], $0x40, s17, s25, $0xb8;
	[tilespmem:$0x13800] =	vst v63  }
0xb0: {  	s18 =	simm.s32 $0x13480  }
0xb1: {  	[tilespmem:s20], [sflag:$0x1] =	stream.indirect.gather [hbm4b:s1+s25], $0x40, s18, s25, $0xb8;
	[tilespmem:$0x13800] =	vst v63  }
0xb2: {  	s19 =	simm.s32 $0x13500  }
0xb3: {  	[tilespmem:s21], [sflag:$0x1] =	stream.indirect.gather [hbm4b:s1+s25], $0x40, s19, s25, $0xb8;
	[tilespmem:$0x13800] =	vst v63  }
0xb4: {  	s21 =	simm.s32 $0x13580  }
0xb5: {  	[tilespmem:s22], [sflag:$0x1] =	stream.indirect.gather [hbm4b:s1+s25], $0x40, s21, s25, $0xb8;
	[tilespmem:$0x13800] =	vst v63  }
0xb6: {  	_ =	swait.ge [sflag:s15], $0x2000  }
0xb7: {  	[sflag:s15] =	ssyncset.done $0x0  }
0xb8: {  	[sflag:s15] =	ssyncadd.s32 $0xFFFFE000  }
0xb9: {  	_ =	swait.ge [sflag:s15], $0x2000  }
0xba: {  	[sflag:s15] =	ssyncset.done $0x0  }
0xbb: {  	[sflag:s15] =	ssyncadd.s32 $0xFFFFE000  }
0xbc: {  	_ =	swait.ge [sflag:s15], $0x2000  }
0xbd: {  	[sflag:s15] =	ssyncset.done $0x0  }
0xbe: {  	[sflag:s15] =	ssyncadd.s32 $0xFFFFE000  }
0xbf: {  	_ =	swait.ge [sflag:s15], $0x2000  }
0xc0: {  	[sflag:s15] =	ssyncset.done $0x0  }
0xc1: {  	s11 =	simm.s32 $0x13000;
	[sflag:s15] =	ssyncadd.s32 $0xFFFFE000  }
0xc2: {  	[spmem:s3] =	stream.indirect.scatter.add.f32 [tilespmem:s4], [sflag:$0x2], $0x40, s11, s25, $0xb8;
	[tilespmem:$0x13800] =	vst v63  }
0xc3: {  	s12 =	simm.s32 $0x13080  }
0xc4: {  	[spmem:s3] =	stream.indirect.scatter.add.f32 [tilespmem:s20], [sflag:$0x2], $0x40, s12, s25, $0xb8;
	[tilespmem:$0x13800] =	vst v63  }
0xc5: {  	s30 =	simm.s32 $0x4000;
	s20 =	simm.s32 $0x13100  }
0xc6: {  	[spmem:s3] =	stream.indirect.scatter.add.f32 [tilespmem:s30], [sflag:$0x2], $0x40, s20, s25, $0xb8;
	[tilespmem:$0x13800] =	vst v63  }
0xc7: {  	s31 =	simm.s32 $0x6000;
	s22 =	simm.s32 $0x13180  }
0xc8: {  	[spmem:s3] =	stream.indirect.scatter.add.f32 [tilespmem:s31], [sflag:$0x2], $0x40, s22, s25, $0xb8;
	[tilespmem:$0x13800] =	vst v63  }
0xc9: {  	_ =	swait.ge [sflag:s14], $0x2000  }
0xca: {  	[sflag:s14] =	ssyncset.done $0x0  }
0xcb: {  	[sflag:s14] =	ssyncadd.s32 $0xFFFFE000  }
0xcc: {  	_ =	swait.ge [sflag:s14], $0x2000  }
0xcd: {  	[sflag:s14] =	ssyncset.done $0x0  }
0xce: {  	[sflag:s14] =	ssyncadd.s32 $0xFFFFE000  }
0xcf: {  	_ =	swait.ge [sflag:s14], $0x2000  }
0xd0: {  	[sflag:s14] =	ssyncset.done $0x0  }
0xd1: {  	[sflag:s14] =	ssyncadd.s32 $0xFFFFE000  }
0xd2: {  	_ =	swait.ge [sflag:s14], $0x2000  }
0xd3: {  	[sflag:s14] =	ssyncset.done $0x0  }
0xd4: {  	[sflag:s14] =	ssyncadd.s32 $0xFFFFE000  }
0xd5: {  	_ =	swait.ge [sflag:s16], $0x80  }
0xd6: {  	[sflag:s16] =	ssyncset.done $0x0  }
0xd7: {  	[sflag:s16] =	ssyncadd.s32 $0xFFFFFF80  }
0xd8: {  	_ =	swait.ge [sflag:s16], $0x80  }
0xd9: {  	[sflag:s16] =	ssyncset.done $0x0  }
0xda: {  	[sflag:s16] =	ssyncadd.s32 $0xFFFFFF80  }
0xdb: {  	_ =	swait.ge [sflag:s16], $0x80  }
0xdc: {  	[sflag:s16] =	ssyncset.done $0x0  }
0xdd: {  	[sflag:s16] =	ssyncadd.s32 $0xFFFFFF80  }
0xde: {  	_ =	swait.ge [sflag:s16], $0x80  }
0xdf: {  	[sflag:s16] =	ssyncset.done $0x0  }
0xe0: {  	[sflag:s16] =	ssyncadd.s32 $0xFFFFFF80  }
0xe1: {  	_ =	swait.ge [sflag:s16], $0x80  }
0xe2: {  	[sflag:s16] =	ssyncset.done $0x0  }
0xe3: {  	s13 =	sadd.s32 $0x2, s13;
	[sflag:s16] =	ssyncadd.s32 $0xFFFFFF80  }
0xe4: {  	p0 =	slt.s32 s13, s8;
	s0 =	smov.u32 s8;
	_ =	swait.ge [sflag:s16], $0x80  }
0xe5: {  	s0 =	smov.u32 @p0 s13;
	[sflag:s16] =	ssyncset.done $0x0  }
0xe6: {  	s0 =	sshll.u32 s0, $0x2;
	[sflag:s16] =	ssyncadd.s32 $0xFFFFFF80  }
0xe7: {  	s0 =	sadd.s32 s7, s0;
	_ =	swait.ge [sflag:s16], $0x80  }
0xe8: {  	p0 =	slt.s32 s0, $0x9FF;
	s30 =	smov.u32 s0;
	[sflag:s16] =	ssyncset.done $0x0  }
0xe9: {  	s30 =	simm.s32 @!p0 $0x9FF;
	[sflag:s16] =	ssyncadd.s32 $0xFFFFFF80  }
0xea: {  	s30 =	sshll.u32 s30, $0x4;
	_ =	swait.ge [sflag:s16], $0x80  }
0xeb: {  	s30 =	sand.u32 $0x1FFFFFF0, s30;
	[sflag:s16] =	ssyncset.done $0x0  }
0xec: {  	s31 =	sadd.s32 s5, s30;
	[sflag:s16] =	ssyncadd.s32 $0xFFFFFF80  }
0xed: {  	[tilespmem:s17], [sflag:$0x3] =	stream.linear.gather [hbm4b:s31+s4], $0x80, $0x38;
	[tilespmem:$0x13800] =	vst v63  }
0xee: {  	s30 =	sadd.s32 s6, s30  }
0xef: {  	[tilespmem:s11], [sflag:$0x3] =	stream.linear.gather [hbm4b:s30+s4], $0x80, $0x38;
	[tilespmem:$0x13800] =	vst v63  }
0xf0: {  	s30 =	sor.u32 $0x1, s0  }
0xf1: {  	p0 =	slt.s32 s30, $0x9FF  }
0xf2: {  	s30 =	simm.s32 @!p0 $0x9FF  }
0xf3: {  	s30 =	sshll.u32 s30, $0x4  }
0xf4: {  	s30 =	sand.u32 $0x1FFFFFF0, s30  }
0xf5: {  	s17 =	sadd.s32 s5, s30  }
0xf6: {  	[tilespmem:s18], [sflag:$0x3] =	stream.linear.gather [hbm4b:s17+s4], $0x80, $0x38;
	[tilespmem:$0x13800] =	vst v63  }
0xf7: {  	s30 =	sadd.s32 s6, s30  }
0xf8: {  	[tilespmem:s12], [sflag:$0x3] =	stream.linear.gather [hbm4b:s30+s4], $0x80, $0x38;
	[tilespmem:$0x13800] =	vst v63  }
0xf9: {  	s30 =	sor.u32 $0x2, s0  }
0xfa: {  	p0 =	slt.s32 s30, $0x9FF  }
0xfb: {  	s0 =	sor.u32 $0x3, s0;
	s30 =	simm.s32 @!p0 $0x9FF  }
0xfc: {  	p0 =	slt.s32 s0, $0x9FF;
	s30 =	sshll.u32 s30, $0x4  }
0xfd: {  	s0 =	simm.s32 @!p0 $0x9FF;
	s30 =	sand.u32 $0x1FFFFFF0, s30  }
0xfe: {  	s0 =	sshll.u32 s0, $0x4;
	s18 =	sadd.s32 s5, s30  }
0xff: {  	[tilespmem:s19], [sflag:$0x3] =	stream.linear.gather [hbm4b:s18+s4], $0x80, $0x38;
	[tilespmem:$0x13800] =	vst v63  }
0x100: {  	s30 =	sadd.s32 s6, s30;
	s0 =	sand.u32 $0x1FFFFFF0, s0  }
0x101: {  	[tilespmem:s20], [sflag:$0x3] =	stream.linear.gather [hbm4b:s30+s4], $0x80, $0x38;
	[tilespmem:$0x13800] =	vst v63  }
0x102: {  	s19 =	sadd.s32 s5, s0  }
0x103: {  	[tilespmem:s21], [sflag:$0x3] =	stream.linear.gather [hbm4b:s19+s4], $0x80, $0x38;
	[tilespmem:$0x13800] =	vst v63  }
0x104: {  	s0 =	sadd.s32 s6, s0  }
0x105: {  	[tilespmem:s22], [sflag:$0x3] =	stream.linear.gather [hbm4b:s0+s4], $0x80, $0x38;
	[tilespmem:$0x13800] =	vst v63  }
0x106: {  	_ = 	snop  }
0x107: {  	[tilespmem:s4], [sflag:$0x1] =	stream.indirect.gather [hbm4b:s1+s25], $0x40, s23, s25, $0xb8;
	[tilespmem:$0x13800] =	vst v63  }
0x108: {  	s20 =	simm.s32 $0x2000  }
0x109: {  	[tilespmem:s20], [sflag:$0x1] =	stream.indirect.gather [hbm4b:s1+s25], $0x40, s2, s25, $0xb8;
	[tilespmem:$0x13800] =	vst v63  }
0x10a: {  	s21 =	simm.s32 $0x4000  }
0x10b: {  	[tilespmem:s21], [sflag:$0x1] =	stream.indirect.gather [hbm4b:s1+s25], $0x40, s10, s25, $0xb8;
	[tilespmem:$0x13800] =	vst v63  }
0x10c: {  	s22 =	simm.s32 $0x6000  }
0x10d: {  	[tilespmem:s22], [sflag:$0x1] =	stream.indirect.gather [hbm4b:s1+s25], $0x40, s28, s25, $0xb8;
	[tilespmem:$0x13800] =	vst v63  }
0x10e: {  	_ =	swait.ge [sflag:s15], $0x2000  }
0x10f: {  	[sflag:s15] =	ssyncset.done $0x0  }
0x110: {  	[sflag:s15] =	ssyncadd.s32 $0xFFFFE000  }
0x111: {  	_ =	swait.ge [sflag:s15], $0x2000  }
0x112: {  	[sflag:s15] =	ssyncset.done $0x0  }
0x113: {  	[sflag:s15] =	ssyncadd.s32 $0xFFFFE000  }
0x114: {  	_ =	swait.ge [sflag:s15], $0x2000  }
0x115: {  	[sflag:s15] =	ssyncset.done $0x0  }
0x116: {  	[sflag:s15] =	ssyncadd.s32 $0xFFFFE000  }
0x117: {  	_ =	swait.ge [sflag:s15], $0x2000  }
0x118: {  	[sflag:s15] =	ssyncset.done $0x0  }
0x119: {  	[sflag:s15] =	ssyncadd.s32 $0xFFFFE000  }
0x11a: {  	[spmem:s3] =	stream.indirect.scatter.add.f32 [tilespmem:s4], [sflag:$0x2], $0x40, s24, s25, $0xb8;
	[tilespmem:$0x13800] =	vst v63  }
0x11b: {  	_ = 	snop  }
0x11c: {  	[spmem:s3] =	stream.indirect.scatter.add.f32 [tilespmem:s20], [sflag:$0x2], $0x40, s9, s25, $0xb8;
	[tilespmem:$0x13800] =	vst v63  }
0x11d: {  	_ = 	snop  }
0x11e: {  	[spmem:s3] =	stream.indirect.scatter.add.f32 [tilespmem:s21], [sflag:$0x2], $0x40, s26, s25, $0xb8;
	[tilespmem:$0x13800] =	vst v63  }
0x11f: {  	_ = 	snop  }
0x120: {  	[spmem:s3] =	stream.indirect.scatter.add.f32 [tilespmem:s22], [sflag:$0x2], $0x40, s29, s25, $0xb8;
	[tilespmem:$0x13800] =	vst v63  }
0x121: {  	_ =	swait.ge [sflag:s14], $0x2000  }
0x122: {  	[sflag:s14] =	ssyncset.done $0x0  }
0x123: {  	[sflag:s14] =	ssyncadd.s32 $0xFFFFE000  }
0x124: {  	_ =	swait.ge [sflag:s14], $0x2000  }
0x125: {  	[sflag:s14] =	ssyncset.done $0x0  }
0x126: {  	[sflag:s14] =	ssyncadd.s32 $0xFFFFE000  }
0x127: {  	_ =	swait.ge [sflag:s14], $0x2000  }
0x128: {  	[sflag:s14] =	ssyncset.done $0x0  }
0x129: {  	[sflag:s14] =	ssyncadd.s32 $0xFFFFE000  }
0x12a: {  	_ =	swait.ge [sflag:s14], $0x2000  }
0x12b: {  	[sflag:s14] =	ssyncset.done $0x0  }
0x12c: {  	[sflag:s14] =	ssyncadd.s32 $0xFFFFE000  }
0x12d: {  	_ =	swait.ge [sflag:s16], $0x80  }
0x12e: {  	[sflag:s16] =	ssyncset.done $0x0  }
0x12f: {  	[sflag:s16] =	ssyncadd.s32 $0xFFFFFF80  }
0x130: {  	_ =	swait.ge [sflag:s16], $0x80  }
0x131: {  	[sflag:s16] =	ssyncset.done $0x0  }
0x132: {  	[sflag:s16] =	ssyncadd.s32 $0xFFFFFF80  }
0x133: {  	_ =	swait.ge [sflag:s16], $0x80  }
0x134: {  	[sflag:s16] =	ssyncset.done $0x0  }
0x135: {  	[sflag:s16] =	ssyncadd.s32 $0xFFFFFF80  }
0x136: {  	_ =	swait.ge [sflag:s16], $0x80  }
0x137: {  	[sflag:s16] =	ssyncset.done $0x0  }
0x138: {  	[sflag:s16] =	ssyncadd.s32 $0xFFFFFF80  }
0x139: {  	_ =	swait.ge [sflag:s16], $0x80  }
0x13a: {  	[sflag:s16] =	ssyncset.done $0x0  }
0x13b: {  	[sflag:s16] =	ssyncadd.s32 $0xFFFFFF80  }
0x13c: {  	_ =	swait.ge [sflag:s16], $0x80  }
0x13d: {  	[sflag:s16] =	ssyncset.done $0x0  }
0x13e: {  	[sflag:s16] =	ssyncadd.s32 $0xFFFFFF80  }
0x13f: {  	_ =	swait.ge [sflag:s16], $0x80  }
0x140: {  	[sflag:s16] =	ssyncset.done $0x0  }
0x141: {  	[sflag:s16] =	ssyncadd.s32 $0xFFFFFF80  }
0x142: {  	_ =	swait.ge [sflag:s16], $0x80  }
0x143: {  	s31 =	rddreg [dreg:$0x4]  }
0x144: {  	p0 =	sne.s32 s31, s13  }
.Ltmp1:
0x145: {  	_ = 	snop;
	(pc) =	sbr.rel @p0 .LBB2_4-.Ltmp1, $3  }
0x146: {  	_ =	sdelay $0x1  }
0x147: {  	[sflag:s16] =	ssyncset.done $0x0  }
0x148: {  	[sflag:s16] =	ssyncadd.s32 $0xFFFFFF80  }
0x149: {  	s0 =	stileid.u32;
	[bflag:$0x0] =	sbarrier.arrive $0xFFFF  }
0x14a: {  	s2 =	simm.s32 $0x4;
	s0 =	sshll.u32 s0, $0x6;
	s13 =	rddreg [dreg:$0xb]  }
0x14b: {  	s30 =	rddreg [dreg:$0x14];
	s0 =	sor.u32 $0x1C04, s0;
	s13 =	sshrl.u32 s13, $0x3  }
0x14c: {  	[hbm:s30], [sflag:s0] =	dma.local [spmem:s13], $0x1400  }
0x14d: {  	_ =	swait.ge [sflag:s2], $0x1400  }
0x14e: {  	s19 =	rddreg [dreg:$0x19]  }
0x14f: {  	s31 =	rddreg [dreg:$0x15];
	s19 =	sadd.s32 $0x1, s19  }
0x150: {  	p0 =	sne.s32 s19, s31  }
.Ltmp2:
0x151: {  	_ = 	snop;
	(pc) =	sbr.rel @p0 .LBB2_1-.Ltmp2, $4  }
0x152: {  	s9 =	simm.s32 $0x13000  }
0x153: {  	s10 =	simm.s32 $0x13480;
	s11 =	simm.s32 $0x13500;
	s17 =	simm.s32 $0x13100  }
0x154: {  	s12 =	simm.s32 $0x13580;
	s18 =	simm.s32 $0x13180;
	[sflag:s2] =	ssyncset.done $0x0  }
0x155: {  	s13 =	simm.s32 $0x13080;
	[sflag:s2] =	ssyncadd.s32 $0xFFFFEC00;
	s2 =	simm.s32 $0x13400  }
0x156: {  	_ =	sfence.sel $0x180000  }
0x157: {  	[bflag:$0x0] =	sbarrier.arrive $0xFFFF  }
0x158: {  	_ =	strace $0x90000047  }
0x159: {  	s0 =	stileid.u32;
	[bflag:$0x2] =	sbarrier.arrive $0xFFFF  }
0x15a: {  	p0 =	sne.s32 s0, $0x0;
	s0 =	rddreg [dreg:$0x3]  }
0x15b: {  	s0 =	sadd.s32 @!p0 $0x100000, s0  }
0x15c: {  	[sflag:s0] =	ssyncadd.tile.s32 @!p0 $0x1;
	_ =	shalt  }
.Lfunc_end2:
_tile_overlayer_lowered:
.L_overlay_start_2:
0x15d: {  	(tag) =	ssettag $0x2  }
0x15e: {  	s0 =	rddreg [dreg:$0x0];
	s2 =	stileid.u32  }
0x15f: {  	s1 =	rddreg [dreg:$0x1];
	p0 =	sne.s32 s2, $0x0  }
0x160: {  	s3 =	rddreg [dreg:$0x2];
	[bflag:$0x3] =	sbarrier.arrive $0xFFFF;
	s2 =	simm.s32 @!p0 $0x1C04  }
0x161: {  	[timem:s3], [sflag:s2] =	dma.local @!p0 [hbm:s0], s1  }
0x162: {  	s0 =	simm.s32 @!p0 $0x4  }
0x163: {  	_ =	swait.ge @!p0 [sflag:s0], s1  }
0x164: {  	s1 =	ssub.s32 @!p0 $0x0, s1;
	[sflag:s0] =	ssyncset.done @!p0 $0x0  }
0x165: {  	[sflag:s0] =	ssyncadd.s32 @!p0 s1  }
0x166: {  	[bflag:$0x3] =	sbarrier.arrive $0xFFFF  }
0x167: {  	_ =	shalt  }

</sc_bundles>
